<compile_context>
chip_gen: v7x
topology: tpu7x:2x2x1
jax: 0.10.2.dev20260603
libtpu: 0.0.44.dev20260713+nightly
codegen_flags: <defaults>
</compile_context>

<pallas_src>
import functools

import jax
import jax.numpy as jnp
from jax import lax
from jax.experimental import pallas as pl
from jax.experimental.pallas import tpu as pltpu
from jax.experimental.pallas import tpu_sc as plsc

_NC = 2
_NS = 16
_NW = _NC * _NS
_K = 80

_DN = (((1,), (1,)), ((), ()))


@functools.lru_cache(maxsize=None)
def _proj_kernel(N, D, R, BN):
    grid = N // BN

    def body(fid, ftx, wid, wtx, wrel, h0_ref, g_ref):
        i = pl.program_id(0)
        h0 = (lax.dot_general(fid[...], wid[...], _DN,
                              preferred_element_type=jnp.float32)
              + lax.dot_general(ftx[...], wtx[...], _DN,
                                preferred_element_type=jnp.float32)) * 0.5
        glob = lax.broadcasted_iota(jnp.int32, (BN, D), 0) + i * BN
        h0 = jnp.where(glob == 0, 0.0, h0)
        h0_ref[...] = h0
        for r in range(R):
            g_ref[r] = lax.dot_general(h0, wrel[r], _DN,
                                       preferred_element_type=jnp.float32)

    return pl.pallas_call(
        body,
        grid=(grid,),
        in_specs=[pl.BlockSpec((BN, D), lambda i: (i, 0)),
                  pl.BlockSpec((BN, D), lambda i: (i, 0)),
                  pl.BlockSpec((D, D), lambda i: (0, 0)),
                  pl.BlockSpec((D, D), lambda i: (0, 0)),
                  pl.BlockSpec((R, D, D), lambda i: (0, 0, 0))],
        out_specs=[pl.BlockSpec((BN, D), lambda i: (i, 0)),
                   pl.BlockSpec((R, BN, D), lambda i: (0, i, 0))],
        out_shape=[jax.ShapeDtypeStruct((N, D), jnp.float32),
                   jax.ShapeDtypeStruct((R, N, D), jnp.float32)],
    )


@functools.lru_cache(maxsize=None)
def _denom_kernel(N, E, RNpad):
    EPW = E // _NW
    CH = EPW // _K
    ZD = RNpad // _NS
    mesh = plsc.VectorSubcoreMesh(core_axis_name="c", subcore_axis_name="s")

    @functools.partial(
        pl.kernel,
        out_type=jax.ShapeDtypeStruct((_NC * RNpad,), jnp.float32),
        mesh=mesh,
        scratch_types=[
            pltpu.VMEM_SHARED((RNpad,), jnp.float32),
            pltpu.VMEM((ZD,), jnp.float32),
            pltpu.VMEM((EPW,), jnp.int32),
            pltpu.VMEM((EPW,), jnp.int32),
            pltpu.VMEM((EPW,), jnp.float32),
            pltpu.VMEM((_K,), jnp.int32),
        ],
    )
    def k(dst_h, typ_h, w_h, out_h, den_sh, zb, dstb, typb, wb, idxb):
        c = lax.axis_index("c")
        s = lax.axis_index("s")
        wid = c * _NS + s

        def zset(i, carry):
            zb[pl.ds(i * 16, 16)] = jnp.zeros((16,), jnp.float32)
            return carry

        lax.fori_loop(0, ZD // 16, zset, None)
        pltpu.sync_copy(zb, den_sh.at[pl.ds(s * ZD, ZD)])
        plsc.subcore_barrier()

        base_e = wid * EPW
        pltpu.sync_copy(dst_h.at[pl.ds(base_e, EPW)], dstb)
        pltpu.sync_copy(typ_h.at[pl.ds(base_e, EPW)], typb)
        pltpu.sync_copy(w_h.at[pl.ds(base_e, EPW)], wb)

        def chunk(g, carry):
            b = g * _K
            for j in range(_K // 16):
                t = typb[pl.ds(b + j * 16, 16)]
                d = dstb[pl.ds(b + j * 16, 16)]
                idxb[pl.ds(j * 16, 16)] = t * N + d
            pltpu.sync_copy(wb.at[pl.ds(b, _K)], den_sh.at[idxb], add=True)
            return carry

        lax.fori_loop(0, CH, chunk, None)
        plsc.subcore_barrier()
        pltpu.sync_copy(den_sh.at[pl.ds(s * ZD, ZD)], zb)
        pltpu.sync_copy(zb, out_h.at[pl.ds(c * RNpad + s * ZD, ZD)])

    return k


@functools.lru_cache(maxsize=None)
def _inv_kernel(RNpad):
    rows = RNpad // 128

    def body(p_ref, o_ref):
        tot = p_ref[0] + p_ref[1]
        o_ref[...] = 1.0 / jnp.maximum(tot, 1e-8)

    return pl.pallas_call(
        body,
        out_shape=jax.ShapeDtypeStruct((rows, 128), jnp.float32),
    )


@functools.lru_cache(maxsize=None)
def _message_kernel(N, E, D, RNpad, Npad):
    EPW = E // _NW
    SCH = 2000
    NSC = EPW // SCH
    CH = SCH // _K
    RPW = Npad // _NS
    NZC = RPW // _K
    mesh = plsc.VectorSubcoreMesh(core_axis_name="c", subcore_axis_name="s")

    @functools.partial(
        pl.kernel,
        out_type=jax.ShapeDtypeStruct((_NC * Npad, D), jnp.float32),
        mesh=mesh,
        compiler_params=pltpu.CompilerParams(needs_layout_passes=False),
        scratch_types=[
            pltpu.VMEM_SHARED((Npad, D), jnp.float32),
            pltpu.VMEM((SCH,), jnp.int32),
            pltpu.VMEM((SCH,), jnp.int32),
            pltpu.VMEM((SCH,), jnp.int32),
            pltpu.VMEM((SCH,), jnp.float32),
            [pltpu.VMEM((_K,), jnp.int32)] * 3,
            [pltpu.VMEM((_K,), jnp.int32)] * 3,
            [pltpu.VMEM((_K,), jnp.int32)] * 3,
            [pltpu.VMEM((_K,), jnp.float32)] * 3,
            pltpu.VMEM((_K,), jnp.float32),
            [pltpu.VMEM((_K, D), jnp.float32)] * 3,
            [pltpu.SemaphoreType.DMA] * 3,
            [pltpu.SemaphoreType.DMA] * 3,
            [pltpu.SemaphoreType.DMA] * 3,
        ],
    )
    def k(g_h, src_h, dst_h, typ_h, w_h, inv_h, out_h,
          acc_sh, srcb, dstb, typb, wb, gidx, didx, iidx, ivb, wkb,
          rows_v, sem_r, sem_i, sem_s):
        c = lax.axis_index("c")
        s = lax.axis_index("s")
        wid = c * _NS + s

        nv = D // 16

        def zrow(i, carry):
            r = i // nv
            q = i % nv
            rows_v[0][r, pl.ds(q * 16, 16)] = jnp.zeros((16,), jnp.float32)
            return carry

        lax.fori_loop(0, _K * nv, zrow, None)
        for kk in range(NZC):
            pltpu.sync_copy(rows_v[0],
                            acc_sh.at[pl.ds(s * RPW + kk * _K, _K), :])
        plsc.subcore_barrier()

        for b in (0, 1, 2):
            for j in range(_K // 16):
                didx[b][pl.ds(j * 16, 16)] = jnp.full((16,), N, jnp.int32)
            pltpu.async_copy(rows_v[b], acc_sh.at[didx[b]], sem_s[b],
                             add=True)

        def build_fire(g, b):
            pltpu.make_async_copy(rows_v[b], acc_sh.at[didx[b]],
                                  sem_s[b]).wait()
            bofs = g * _K
            for j in range(_K // 16):
                t = typb[pl.ds(bofs + j * 16, 16)]
                sr = srcb[pl.ds(bofs + j * 16, 16)]
                dd = dstb[pl.ds(bofs + j * 16, 16)]
                gidx[b][pl.ds(j * 16, 16)] = t * N + sr
                didx[b][pl.ds(j * 16, 16)] = dd
                iidx[b][pl.ds(j * 16, 16)] = t * N + dd
            pltpu.async_copy(g_h.at[gidx[b]], rows_v[b], sem_r[b])
            pltpu.async_copy(inv_h.at[iidx[b]], ivb[b], sem_i[b])

        def drain(g, b):
            bofs = g * _K
            pltpu.make_async_copy(g_h.at[gidx[b]], rows_v[b],
                                  sem_r[b]).wait()
            pltpu.make_async_copy(inv_h.at[iidx[b]], ivb[b],
                                  sem_i[b]).wait()
            for j in range(_K // 16):
                wkb[pl.ds(j * 16, 16)] = (
                    wb[pl.ds(bofs + j * 16, 16)] * ivb[b][pl.ds(j * 16, 16)])

            def scale(i, carry2):
                for u in range(4):
                    e = i * 4 + u
                    wv = plsc.load_gather(
                        wkb, [jnp.full((16,), e, jnp.int32)])
                    for j in range(nv):
                        rows_v[b][e, pl.ds(j * 16, 16)] = (
                            rows_v[b][e, pl.ds(j * 16, 16)] * wv)
                return carry2

            lax.fori_loop(0, _K // 4, scale, None)
            pltpu.async_copy(rows_v[b], acc_sh.at[didx[b]], sem_s[b],
                             add=True)

        def super_chunk(sc, carry):
            base_e = wid * EPW + sc * SCH
            pltpu.sync_copy(src_h.at[pl.ds(base_e, SCH)], srcb)
            pltpu.sync_copy(dst_h.at[pl.ds(base_e, SCH)], dstb)
            pltpu.sync_copy(typ_h.at[pl.ds(base_e, SCH)], typb)
            pltpu.sync_copy(w_h.at[pl.ds(base_e, SCH)], wb)

            build_fire(0, 0)
            build_fire(1, 1)

            def triple(i, carry1):
                g0 = i * 3
                for u in range(3):
                    g = g0 + u
                    drain(g, u)
                    nxt = g + 2
                    if u == 2:
                        @pl.when(nxt < CH)
                        def _():
                            build_fire(nxt, (u + 2) % 3)
                    else:
                        build_fire(nxt, (u + 2) % 3)
                return carry1

            lax.fori_loop(0, CH // 3, triple, None)
            for g in range(CH - CH % 3, CH):
                drain(g, g % 3)
            return carry

        lax.fori_loop(0, NSC, super_chunk, None)
        for b in (0, 1, 2):
            pltpu.make_async_copy(rows_v[b], acc_sh.at[didx[b]],
                                  sem_s[b]).wait()
        plsc.subcore_barrier()
        for kk in range(NZC):
            r0 = s * RPW + kk * _K
            pltpu.sync_copy(acc_sh.at[pl.ds(r0, _K), :], rows_v[0])
            pltpu.sync_copy(rows_v[0], out_h.at[pl.ds(c * Npad + r0, _K), :])

    return k


@functools.lru_cache(maxsize=None)
def _final_kernel(N, D, BN):
    grid = N // BN

    def body(h0, a0, a1, gm, bt, o_ref):
        i = pl.program_id(0)
        x = h0[...] + a0[...] + a1[...]
        mu = jnp.mean(x, axis=1, keepdims=True)
        xc = x - mu
        var = jnp.mean(xc * xc, axis=1, keepdims=True)
        y = xc * lax.rsqrt(var + 1e-5) * gm[...] + bt[...]
        glob = lax.broadcasted_iota(jnp.int32, (BN, D), 0) + i * BN
        o_ref[...] = jnp.where(glob == 0, 0.0, y)

    return pl.pallas_call(
        body,
        grid=(grid,),
        in_specs=[pl.BlockSpec((BN, D), lambda i: (i, 0)),
                  pl.BlockSpec((BN, D), lambda i: (i, 0)),
                  pl.BlockSpec((BN, D), lambda i: (i, 0)),
                  pl.BlockSpec((1, D), lambda i: (0, 0)),
                  pl.BlockSpec((1, D), lambda i: (0, 0))],
        out_specs=pl.BlockSpec((BN, D), lambda i: (i, 0)),
        out_shape=jax.ShapeDtypeStruct((N, D), jnp.float32),
    )


def kernel(feat_id, feat_text, edge_weight, W_id, W_text, W_rel,
           ln_gamma, ln_beta, edge_index, edge_type):
    N, D = feat_id.shape
    R = W_rel.shape[0]
    E = edge_type.shape[0]
    RNpad = ((R * N + 255) // 256) * 256

    src = edge_index[0].astype(jnp.int32)
    dst = edge_index[1].astype(jnp.int32)
    typ = edge_type.astype(jnp.int32)
    w = edge_weight.astype(jnp.float32)

    h0, G = _proj_kernel(N, D, R, 1000)(
        feat_id, feat_text, W_id, W_text, W_rel)
    Gf = G.reshape(R * N, D)

    den = _denom_kernel(N, E, RNpad)(dst, typ, w)
    inv = _inv_kernel(RNpad)(
        den.reshape(_NC, RNpad // 128, 128)).reshape(RNpad)

    Npad = ((N + 2047) // 2048) * 2048
    acc = _message_kernel(N, E, D, RNpad, Npad)(Gf, src, dst, typ, w, inv)

    out = _final_kernel(N, D, 1000)(
        h0, acc[:N], acc[Npad:Npad + N],
        ln_gamma.reshape(1, D), ln_beta.reshape(1, D))
    return out

# --- scband reference (transcript-rebuilt; emitter-appended) ---
"""Pipeline reference for scband-combine-graph-88330297409791 (READ-ONLY COPY).

The authoritative reference and input builder live on the scoring server;
editing this copy changes nothing except your own understanding.
"""

import jax, jax.numpy as jnp
import numpy as np

N = 10000
E = 320000
D = 128
R = 3


def setup_inputs(seed: int = 0) -> dict:
    key = jax.random.key(seed)
    ks = jax.random.split(key, 10)
    feat_id = jax.random.normal(ks[0], (N, D), dtype=jnp.float32)
    feat_text = jax.random.normal(ks[1], (N, D), dtype=jnp.float32)
    edge_index = jax.random.randint(ks[2], (2, E), 0, N)
    edge_type = jax.random.randint(ks[3], (E,), 0, R)
    edge_weight = jax.random.uniform(ks[4], (E,), dtype=jnp.float32)
    # learned parameters
    W_id = jax.random.normal(ks[5], (D, D), dtype=jnp.float32) * 0.05
    W_text = jax.random.normal(ks[6], (D, D), dtype=jnp.float32) * 0.05
    W_rel = jax.random.normal(ks[7], (R, D, D), dtype=jnp.float32) * 0.05
    ln_gamma = jnp.ones((D,), dtype=jnp.float32)
    ln_beta = jnp.zeros((D,), dtype=jnp.float32)
    return {
        'feat_id': feat_id,
        'feat_text': feat_text,
        'edge_weight': edge_weight,
        'W_id': W_id,
        'W_text': W_text,
        'W_rel': W_rel,
        'ln_gamma': ln_gamma,
        'ln_beta': ln_beta,
        'edge_index': edge_index,
        'edge_type': edge_type,
    }


def reference(feat_id, feat_text, edge_weight, W_id, W_text, W_rel, ln_gamma, ln_beta, edge_index, edge_type):
    # UnifiedGlobalEncoder.forward (fuse_mode='avg', dropout eval-mode identity)
    # _base_embedding: per-modality linear projection (no bias), mean fuse, zero row 0
    proj_id = feat_id @ W_id.T
    proj_text = feat_text @ W_text.T
    h0 = (proj_id + proj_text) / 2.0
    h0 = h0.at[0].set(0.0)

    src = edge_index[0]
    dst = edge_index[1]
    h_src = jnp.take(h0, src, axis=0)  # gather [E, D]

    aggregated = jnp.zeros_like(h0)
    for r in range(R):
        # edges not of relation r get weight 0 -> contribute 0 to numerator and denominator,
        # mathematically identical to selecting edge_ids_rel_r
        w_r = edge_weight * (edge_type == r).astype(edge_weight.dtype)
        neighbor_embed = h_src @ W_rel[r].T  # relation-specific linear (no bias)
        weighted_msgs = neighbor_embed * w_r[:, None]
        agg_rel = jax.ops.segment_sum(weighted_msgs, dst, num_segments=N)  # index_add_
        denom = jax.ops.segment_sum(w_r, dst, num_segments=N)
        denom = jnp.maximum(denom, 1e-8)[:, None]
        aggregated = aggregated + agg_rel / denom

    # layer_norm(h0 + dropout(aggregated)); dropout is identity in eval
    x = h0 + aggregated
    mu = jnp.mean(x, axis=-1, keepdims=True)
    var = jnp.var(x, axis=-1, keepdims=True)
    h1 = (x - mu) / jnp.sqrt(var + 1e-5) * ln_gamma + ln_beta
    h1 = h1.at[0].set(0.0)
    return h1

if __name__ == "__main__":
    import jax
    _d = setup_inputs()
    print(jax.jit(kernel)(*tuple(_d.values())))

</pallas_src>

<mosaic_0001>
#map = affine_map<(d0, d1) -> (0)>
module attributes {stable_mosaic.version = 14 : i64} {
  func.func @k(%arg0: i32, %arg1: i32, %arg2: memref<320000xi32, #tpu.memory_space<hbm>>, %arg3: memref<320000xi32, #tpu.memory_space<hbm>>, %arg4: memref<320000xf32, #tpu.memory_space<hbm>>, %arg5: memref<60416xf32, #tpu.memory_space<hbm>>, %arg6: memref<30208xf32, #tpu.memory_space<vmem_shared>>, %arg7: memref<1888xf32, #tpu.memory_space<vmem>>, %arg8: memref<10000xi32, #tpu.memory_space<vmem>>, %arg9: memref<10000xi32, #tpu.memory_space<vmem>>, %arg10: memref<10000xf32, #tpu.memory_space<vmem>>, %arg11: memref<80xi32, #tpu.memory_space<vmem>>) attributes {dimension_semantics = [#tpu.dimension_semantics<core_parallel>, #tpu.dimension_semantics<subcore_parallel>], iteration_bounds = array<i64: 2, 16>, scalar_prefetch = 0 : i64, scratch_operands = 6 : i64, tpu.core_type = #tpu.core_type<sc_vector_subcore>, window_params = [{transform_indices = #map}, {transform_indices = #map}, {transform_indices = #map}, {transform_indices = #map}]} {
    %mul3A = arith.constant 16 : i32
    %mul3A_0 = arith.muli %arg0, %mul3A : i32
    %add3A = arith.addi %mul3A_0, %arg1 : i32
    %scan3A = arith.constant 0 : i32
    %scan3A_1 = arith.constant 118 : i32
    %scan3A_2 = arith.addi %scan3A, %scan3A_1 : i32
    %scan3A_3 = arith.constant 1 : i32
    scf.for %scan3A_22 = %scan3A to %scan3A_2 step %scan3A_3  : i32 {
      %broadcast_in_dim3A = arith.constant 0.000000e+00 : f32
      %broadcast_in_dim3A_23 = vector.broadcast %broadcast_in_dim3A : f32 to vector<16xf32>
      %mul3A_24 = arith.constant 16 : i32
      %mul3A_25 = arith.muli %scan3A_22, %mul3A_24 : i32
      %swap3A = arith.index_cast %mul3A_25 : i32 to index
      %swap3A_26 = tpu.vector_load %arg7[%swap3A] {strides = array<i32>} : memref<1888xf32, #tpu.memory_space<vmem>>, vector<16xf32>,
      %swap3A_27 = vector.shape_cast %swap3A_26 : vector<16xf32> to vector<16xf32>
      %swap3A_28 = vector.shape_cast %broadcast_in_dim3A_23 : vector<16xf32> to vector<16xf32>
      tpu.vector_store %arg7[%swap3A], %swap3A_28 {strides = array<i32>} : memref<1888xf32, #tpu.memory_space<vmem>>, vector<16xf32>,
    }
    %scan3A_4 = arith.constant 118 : i32
    %mul3A_5 = arith.constant 1888 : i32
    %mul3A_6 = arith.muli %arg1, %mul3A_5 : i32
    "tpu.region"() ({
      %run_scoped3A = tpu.sem_alloc : memref<!tpu.dma_semaphore, #tpu.memory_space<semaphore_mem>>
      %dma_start3A = tpu.memref_slice %arg6[%mul3A_6] : memref<30208xf32, #tpu.memory_space<vmem_shared>> -> memref<1888xf32, #tpu.memory_space<vmem_shared>>
      %dma_start3A_22 = tpu.memref_slice %arg6[%mul3A_6] : memref<30208xf32, #tpu.memory_space<vmem_shared>> -> memref<1888xf32, #tpu.memory_space<vmem_shared>>
      tpu.enqueue_dma source(%arg7 : memref<1888xf32, #tpu.memory_space<vmem>>) target(%dma_start3A_22 : memref<1888xf32, #tpu.memory_space<vmem_shared>>) target_semaphore(%run_scoped3A : memref<!tpu.dma_semaphore, #tpu.memory_space<semaphore_mem>>)
      %dma_wait3A = tpu.memref_slice %arg6[%mul3A_6] : memref<30208xf32, #tpu.memory_space<vmem_shared>> -> memref<1888xf32, #tpu.memory_space<vmem_shared>>
      %dma_wait3A_23 = tpu.memref_slice %arg6[%mul3A_6] : memref<30208xf32, #tpu.memory_space<vmem_shared>> -> memref<1888xf32, #tpu.memory_space<vmem_shared>>
      tpu.wait_dma2 semaphore(%run_scoped3A : memref<!tpu.dma_semaphore, #tpu.memory_space<semaphore_mem>>) src(%arg7 : memref<1888xf32, #tpu.memory_space<vmem>>) dst(%dma_wait3A_23 : memref<1888xf32, #tpu.memory_space<vmem_shared>>)
      tpu.yield
    }) : () -> ()
    %barrier3A = arith.constant 0 : index
    tpu.barrier barrier_id(%barrier3A)
    %mul3A_7 = arith.constant 10000 : i32
    %mul3A_8 = arith.muli %add3A, %mul3A_7 : i32
    "tpu.region"() ({
      %run_scoped3A = tpu.sem_alloc : memref<!tpu.dma_semaphore, #tpu.memory_space<semaphore_mem>>
      %dma_start3A = tpu.memref_slice %arg2[%mul3A_8] : memref<320000xi32, #tpu.memory_space<hbm>> -> memref<10000xi32, #tpu.memory_space<hbm>>
      %dma_start3A_22 = tpu.memref_slice %arg2[%mul3A_8] : memref<320000xi32, #tpu.memory_space<hbm>> -> memref<10000xi32, #tpu.memory_space<hbm>>
      tpu.enqueue_dma source(%dma_start3A_22 : memref<10000xi32, #tpu.memory_space<hbm>>) target(%arg8 : memref<10000xi32, #tpu.memory_space<vmem>>) target_semaphore(%run_scoped3A : memref<!tpu.dma_semaphore, #tpu.memory_space<semaphore_mem>>)
      %dma_wait3A = tpu.memref_slice %arg2[%mul3A_8] : memref<320000xi32, #tpu.memory_space<hbm>> -> memref<10000xi32, #tpu.memory_space<hbm>>
      %dma_wait3A_23 = tpu.memref_slice %arg2[%mul3A_8] : memref<320000xi32, #tpu.memory_space<hbm>> -> memref<10000xi32, #tpu.memory_space<hbm>>
      tpu.wait_dma2 semaphore(%run_scoped3A : memref<!tpu.dma_semaphore, #tpu.memory_space<semaphore_mem>>) src(%dma_wait3A_23 : memref<10000xi32, #tpu.memory_space<hbm>>) dst(%arg8 : memref<10000xi32, #tpu.memory_space<vmem>>)
      tpu.yield
    }) : () -> ()
    "tpu.region"() ({
      %run_scoped3A = tpu.sem_alloc : memref<!tpu.dma_semaphore, #tpu.memory_space<semaphore_mem>>
      %dma_start3A = tpu.memref_slice %arg3[%mul3A_8] : memref<320000xi32, #tpu.memory_space<hbm>> -> memref<10000xi32, #tpu.memory_space<hbm>>
      %dma_start3A_22 = tpu.memref_slice %arg3[%mul3A_8] : memref<320000xi32, #tpu.memory_space<hbm>> -> memref<10000xi32, #tpu.memory_space<hbm>>
      tpu.enqueue_dma source(%dma_start3A_22 : memref<10000xi32, #tpu.memory_space<hbm>>) target(%arg9 : memref<10000xi32, #tpu.memory_space<vmem>>) target_semaphore(%run_scoped3A : memref<!tpu.dma_semaphore, #tpu.memory_space<semaphore_mem>>)
      %dma_wait3A = tpu.memref_slice %arg3[%mul3A_8] : memref<320000xi32, #tpu.memory_space<hbm>> -> memref<10000xi32, #tpu.memory_space<hbm>>
      %dma_wait3A_23 = tpu.memref_slice %arg3[%mul3A_8] : memref<320000xi32, #tpu.memory_space<hbm>> -> memref<10000xi32, #tpu.memory_space<hbm>>
      tpu.wait_dma2 semaphore(%run_scoped3A : memref<!tpu.dma_semaphore, #tpu.memory_space<semaphore_mem>>) src(%dma_wait3A_23 : memref<10000xi32, #tpu.memory_space<hbm>>) dst(%arg9 : memref<10000xi32, #tpu.memory_space<vmem>>)
      tpu.yield
    }) : () -> ()
    "tpu.region"() ({
      %run_scoped3A = tpu.sem_alloc : memref<!tpu.dma_semaphore, #tpu.memory_space<semaphore_mem>>
      %dma_start3A = tpu.memref_slice %arg4[%mul3A_8] : memref<320000xf32, #tpu.memory_space<hbm>> -> memref<10000xf32, #tpu.memory_space<hbm>>
      %dma_start3A_22 = tpu.memref_slice %arg4[%mul3A_8] : memref<320000xf32, #tpu.memory_space<hbm>> -> memref<10000xf32, #tpu.memory_space<hbm>>
      tpu.enqueue_dma source(%dma_start3A_22 : memref<10000xf32, #tpu.memory_space<hbm>>) target(%arg10 : memref<10000xf32, #tpu.memory_space<vmem>>) target_semaphore(%run_scoped3A : memref<!tpu.dma_semaphore, #tpu.memory_space<semaphore_mem>>)
      %dma_wait3A = tpu.memref_slice %arg4[%mul3A_8] : memref<320000xf32, #tpu.memory_space<hbm>> -> memref<10000xf32, #tpu.memory_space<hbm>>
      %dma_wait3A_23 = tpu.memref_slice %arg4[%mul3A_8] : memref<320000xf32, #tpu.memory_space<hbm>> -> memref<10000xf32, #tpu.memory_space<hbm>>
      tpu.wait_dma2 semaphore(%run_scoped3A : memref<!tpu.dma_semaphore, #tpu.memory_space<semaphore_mem>>) src(%dma_wait3A_23 : memref<10000xf32, #tpu.memory_space<hbm>>) dst(%arg10 : memref<10000xf32, #tpu.memory_space<vmem>>)
      tpu.yield
    }) : () -> ()
    %scan3A_9 = arith.constant 0 : i32
    %scan3A_10 = arith.constant 125 : i32
    %scan3A_11 = arith.addi %scan3A_9, %scan3A_10 : i32
    %scan3A_12 = arith.constant 1 : i32
    scf.for %scan3A_22 = %scan3A_9 to %scan3A_11 step %scan3A_12  : i32 {
      %mul3A_23 = arith.constant 80 : i32
      %mul3A_24 = arith.muli %scan3A_22, %mul3A_23 : i32
      %add3A_25 = arith.constant 0 : i32
      %add3A_26 = arith.addi %mul3A_24, %add3A_25 : i32
      %get3A = arith.index_cast %add3A_26 : i32 to index
      %get3A_27 = tpu.vector_load %arg9[%get3A] {strides = array<i32>} : memref<10000xi32, #tpu.memory_space<vmem>>, vector<16xi32>,
      %get3A_28 = vector.shape_cast %get3A_27 : vector<16xi32> to vector<16xi32>
      %add3A_29 = arith.constant 0 : i32
      %add3A_30 = arith.addi %mul3A_24, %add3A_29 : i32
      %get3A_31 = arith.index_cast %add3A_30 : i32 to index
      %get3A_32 = tpu.vector_load %arg8[%get3A_31] {strides = array<i32>} : memref<10000xi32, #tpu.memory_space<vmem>>, vector<16xi32>,
      %get3A_33 = vector.shape_cast %get3A_32 : vector<16xi32> to vector<16xi32>
      %mul3A_34 = arith.constant 10000 : i32
      %mul3A_35 = vector.broadcast %mul3A_34 : i32 to vector<16xi32>
      %mul3A_36 = arith.muli %get3A_28, %mul3A_35 : vector<16xi32>
      %add3A_37 = arith.addi %mul3A_36, %get3A_33 : vector<16xi32>
      %swap3A = arith.constant 0 : index
      %swap3A_38 = tpu.vector_load %arg11[%swap3A] {strides = array<i32>} : memref<80xi32, #tpu.memory_space<vmem>>, vector<16xi32>,
      %swap3A_39 = vector.shape_cast %swap3A_38 : vector<16xi32> to vector<16xi32>
      %swap3A_40 = vector.shape_cast %add3A_37 : vector<16xi32> to vector<16xi32>
      tpu.vector_store %arg11[%swap3A], %swap3A_40 {strides = array<i32>} : memref<80xi32, #tpu.memory_space<vmem>>, vector<16xi32>,
      %add3A_41 = arith.constant 16 : i32
      %add3A_42 = arith.addi %mul3A_24, %add3A_41 : i32
      %get3A_43 = arith.index_cast %add3A_42 : i32 to index
      %get3A_44 = tpu.vector_load %arg9[%get3A_43] {strides = array<i32>} : memref<10000xi32, #tpu.memory_space<vmem>>, vector<16xi32>,
      %get3A_45 = vector.shape_cast %get3A_44 : vector<16xi32> to vector<16xi32>
      %add3A_46 = arith.constant 16 : i32
      %add3A_47 = arith.addi %mul3A_24, %add3A_46 : i32
      %get3A_48 = arith.index_cast %add3A_47 : i32 to index
      %get3A_49 = tpu.vector_load %arg8[%get3A_48] {strides = array<i32>} : memref<10000xi32, #tpu.memory_space<vmem>>, vector<16xi32>,
      %get3A_50 = vector.shape_cast %get3A_49 : vector<16xi32> to vector<16xi32>
      %mul3A_51 = arith.constant 10000 : i32
      %mul3A_52 = vector.broadcast %mul3A_51 : i32 to vector<16xi32>
      %mul3A_53 = arith.muli %get3A_45, %mul3A_52 : vector<16xi32>
      %add3A_54 = arith.addi %mul3A_53, %get3A_50 : vector<16xi32>
      %swap3A_55 = arith.constant 16 : index
      %swap3A_56 = tpu.vector_load %arg11[%swap3A_55] {strides = array<i32>} : memref<80xi32, #tpu.memory_space<vmem>>, vector<16xi32>,
      %swap3A_57 = vector.shape_cast %swap3A_56 : vector<16xi32> to vector<16xi32>
      %swap3A_58 = vector.shape_cast %add3A_54 : vector<16xi32> to vector<16xi32>
      tpu.vector_store %arg11[%swap3A_55], %swap3A_58 {strides = array<i32>} : memref<80xi32, #tpu.memory_space<vmem>>, vector<16xi32>,
      %add3A_59 = arith.constant 32 : i32
      %add3A_60 = arith.addi %mul3A_24, %add3A_59 : i32
      %get3A_61 = arith.index_cast %add3A_60 : i32 to index
      %get3A_62 = tpu.vector_load %arg9[%get3A_61] {strides = array<i32>} : memref<10000xi32, #tpu.memory_space<vmem>>, vector<16xi32>,
      %get3A_63 = vector.shape_cast %get3A_62 : vector<16xi32> to vector<16xi32>
      %add3A_64 = arith.constant 32 : i32
      %add3A_65 = arith.addi %mul3A_24, %add3A_64 : i32
      %get3A_66 = arith.index_cast %add3A_65 : i32 to index
      %get3A_67 = tpu.vector_load %arg8[%get3A_66] {strides = array<i32>} : memref<10000xi32, #tpu.memory_space<vmem>>, vector<16xi32>,
      %get3A_68 = vector.shape_cast %get3A_67 : vector<16xi32> to vector<16xi32>
      %mul3A_69 = arith.constant 10000 : i32
      %mul3A_70 = vector.broadcast %mul3A_69 : i32 to vector<16xi32>
      %mul3A_71 = arith.muli %get3A_63, %mul3A_70 : vector<16xi32>
      %add3A_72 = arith.addi %mul3A_71, %get3A_68 : vector<16xi32>
      %swap3A_73 = arith.constant 32 : index
      %swap3A_74 = tpu.vector_load %arg11[%swap3A_73] {strides = array<i32>} : memref<80xi32, #tpu.memory_space<vmem>>, vector<16xi32>,
      %swap3A_75 = vector.shape_cast %swap3A_74 : vector<16xi32> to vector<16xi32>
      %swap3A_76 = vector.shape_cast %add3A_72 : vector<16xi32> to vector<16xi32>
      tpu.vector_store %arg11[%swap3A_73], %swap3A_76 {strides = array<i32>} : memref<80xi32, #tpu.memory_space<vmem>>, vector<16xi32>,
      %add3A_77 = arith.constant 48 : i32
      %add3A_78 = arith.addi %mul3A_24, %add3A_77 : i32
      %get3A_79 = arith.index_cast %add3A_78 : i32 to index
      %get3A_80 = tpu.vector_load %arg9[%get3A_79] {strides = array<i32>} : memref<10000xi32, #tpu.memory_space<vmem>>, vector<16xi32>,
      %get3A_81 = vector.shape_cast %get3A_80 : vector<16xi32> to vector<16xi32>
      %add3A_82 = arith.constant 48 : i32
      %add3A_83 = arith.addi %mul3A_24, %add3A_82 : i32
      %get3A_84 = arith.index_cast %add3A_83 : i32 to index
      %get3A_85 = tpu.vector_load %arg8[%get3A_84] {strides = array<i32>} : memref<10000xi32, #tpu.memory_space<vmem>>, vector<16xi32>,
      %get3A_86 = vector.shape_cast %get3A_85 : vector<16xi32> to vector<16xi32>
      %mul3A_87 = arith.constant 10000 : i32
      %mul3A_88 = vector.broadcast %mul3A_87 : i32 to vector<16xi32>
      %mul3A_89 = arith.muli %get3A_81, %mul3A_88 : vector<16xi32>
      %add3A_90 = arith.addi %mul3A_89, %get3A_86 : vector<16xi32>
      %swap3A_91 = arith.constant 48 : index
      %swap3A_92 = tpu.vector_load %arg11[%swap3A_91] {strides = array<i32>} : memref<80xi32, #tpu.memory_space<vmem>>, vector<16xi32>,
      %swap3A_93 = vector.shape_cast %swap3A_92 : vector<16xi32> to vector<16xi32>
      %swap3A_94 = vector.shape_cast %add3A_90 : vector<16xi32> to vector<16xi32>
      tpu.vector_store %arg11[%swap3A_91], %swap3A_94 {strides = array<i32>} : memref<80xi32, #tpu.memory_space<vmem>>, vector<16xi32>,
      %add3A_95 = arith.constant 64 : i32
      %add3A_96 = arith.addi %mul3A_24, %add3A_95 : i32
      %get3A_97 = arith.index_cast %add3A_96 : i32 to index
      %get3A_98 = tpu.vector_load %arg9[%get3A_97] {strides = array<i32>} : memref<10000xi32, #tpu.memory_space<vmem>>, vector<16xi32>,
      %get3A_99 = vector.shape_cast %get3A_98 : vector<16xi32> to vector<16xi32>
      %add3A_100 = arith.constant 64 : i32
      %add3A_101 = arith.addi %mul3A_24, %add3A_100 : i32
      %get3A_102 = arith.index_cast %add3A_101 : i32 to index
      %get3A_103 = tpu.vector_load %arg8[%get3A_102] {strides = array<i32>} : memref<10000xi32, #tpu.memory_space<vmem>>, vector<16xi32>,
      %get3A_104 = vector.shape_cast %get3A_103 : vector<16xi32> to vector<16xi32>
      %mul3A_105 = arith.constant 10000 : i32
      %mul3A_106 = vector.broadcast %mul3A_105 : i32 to vector<16xi32>
      %mul3A_107 = arith.muli %get3A_99, %mul3A_106 : vector<16xi32>
      %add3A_108 = arith.addi %mul3A_107, %get3A_104 : vector<16xi32>
      %swap3A_109 = arith.constant 64 : index
      %swap3A_110 = tpu.vector_load %arg11[%swap3A_109] {strides = array<i32>} : memref<80xi32, #tpu.memory_space<vmem>>, vector<16xi32>,
      %swap3A_111 = vector.shape_cast %swap3A_110 : vector<16xi32> to vector<16xi32>
      %swap3A_112 = vector.shape_cast %add3A_108 : vector<16xi32> to vector<16xi32>
      tpu.vector_store %arg11[%swap3A_109], %swap3A_112 {strides = array<i32>} : memref<80xi32, #tpu.memory_space<vmem>>, vector<16xi32>,
      "tpu.region"() ({
        %run_scoped3A = tpu.sem_alloc : memref<!tpu.dma_semaphore, #tpu.memory_space<semaphore_mem>>
        %dma_start3A = tpu.memref_slice %arg10[%mul3A_24] : memref<10000xf32, #tpu.memory_space<vmem>> -> memref<80xf32, #tpu.memory_space<vmem>>
        %dma_start3A_113 = arith.constant 0 : i32
        %dma_start3A_114 = tpu.memref_slice %arg6[%dma_start3A_113] : memref<30208xf32, #tpu.memory_space<vmem_shared>> -> memref<30208xf32, #tpu.memory_space<vmem_shared>>
        tpu.enqueue_indirect_dma source(%dma_start3A : memref<80xf32, #tpu.memory_space<vmem>>) target(%dma_start3A_114 : memref<30208xf32, #tpu.memory_space<vmem_shared>>) offsets(%arg11 : memref<80xi32, #tpu.memory_space<vmem>>) semaphore(%run_scoped3A : memref<!tpu.dma_semaphore, #tpu.memory_space<semaphore_mem>>) {add = true}
        %dma_wait3A = tpu.memref_slice %arg10[%mul3A_24] : memref<10000xf32, #tpu.memory_space<vmem>> -> memref<80xf32, #tpu.memory_space<vmem>>
        %dma_wait3A_115 = arith.constant 0 : i32
        %dma_wait3A_116 = tpu.memref_slice %arg6[%dma_wait3A_115] : memref<30208xf32, #tpu.memory_space<vmem_shared>> -> memref<30208xf32, #tpu.memory_space<vmem_shared>>
        tpu.wait_indirect_dma semaphore(%run_scoped3A : memref<!tpu.dma_semaphore, #tpu.memory_space<semaphore_mem>>) src(%dma_wait3A : memref<80xf32, #tpu.memory_space<vmem>>) dst(%dma_wait3A_116 : memref<30208xf32, #tpu.memory_space<vmem_shared>>)
        tpu.yield
      }) : () -> ()
    }
    %scan3A_13 = arith.constant 125 : i32
    %barrier3A_14 = arith.constant 0 : index
    tpu.barrier barrier_id(%barrier3A_14)
    %mul3A_15 = arith.constant 1888 : i32
    %mul3A_16 = arith.muli %arg1, %mul3A_15 : i32
    "tpu.region"() ({
      %run_scoped3A = tpu.sem_alloc : memref<!tpu.dma_semaphore, #tpu.memory_space<semaphore_mem>>
      %dma_start3A = tpu.memref_slice %arg6[%mul3A_16] : memref<30208xf32, #tpu.memory_space<vmem_shared>> -> memref<1888xf32, #tpu.memory_space<vmem_shared>>
      %dma_start3A_22 = tpu.memref_slice %arg6[%mul3A_16] : memref<30208xf32, #tpu.memory_space<vmem_shared>> -> memref<1888xf32, #tpu.memory_space<vmem_shared>>
      tpu.enqueue_dma source(%dma_start3A_22 : memref<1888xf32, #tpu.memory_space<vmem_shared>>) target(%arg7 : memref<1888xf32, #tpu.memory_space<vmem>>) target_semaphore(%run_scoped3A : memref<!tpu.dma_semaphore, #tpu.memory_space<semaphore_mem>>)
      %dma_wait3A = tpu.memref_slice %arg6[%mul3A_16] : memref<30208xf32, #tpu.memory_space<vmem_shared>> -> memref<1888xf32, #tpu.memory_space<vmem_shared>>
      %dma_wait3A_23 = tpu.memref_slice %arg6[%mul3A_16] : memref<30208xf32, #tpu.memory_space<vmem_shared>> -> memref<1888xf32, #tpu.memory_space<vmem_shared>>
      tpu.wait_dma2 semaphore(%run_scoped3A : memref<!tpu.dma_semaphore, #tpu.memory_space<semaphore_mem>>) src(%dma_wait3A_23 : memref<1888xf32, #tpu.memory_space<vmem_shared>>) dst(%arg7 : memref<1888xf32, #tpu.memory_space<vmem>>)
      tpu.yield
    }) : () -> ()
    %mul3A_17 = arith.constant 30208 : i32
    %mul3A_18 = arith.muli %arg0, %mul3A_17 : i32
    %mul3A_19 = arith.constant 1888 : i32
    %mul3A_20 = arith.muli %arg1, %mul3A_19 : i32
    %add3A_21 = arith.addi %mul3A_18, %mul3A_20 : i32
    "tpu.region"() ({
      %run_scoped3A = tpu.sem_alloc : memref<!tpu.dma_semaphore, #tpu.memory_space<semaphore_mem>>
      %dma_start3A = tpu.memref_slice %arg5[%add3A_21] : memref<60416xf32, #tpu.memory_space<hbm>> -> memref<1888xf32, #tpu.memory_space<hbm>>
      %dma_start3A_22 = tpu.memref_slice %arg5[%add3A_21] : memref<60416xf32, #tpu.memory_space<hbm>> -> memref<1888xf32, #tpu.memory_space<hbm>>
      tpu.enqueue_dma source(%arg7 : memref<1888xf32, #tpu.memory_space<vmem>>) target(%dma_start3A_22 : memref<1888xf32, #tpu.memory_space<hbm>>) target_semaphore(%run_scoped3A : memref<!tpu.dma_semaphore, #tpu.memory_space<semaphore_mem>>)
      %dma_wait3A = tpu.memref_slice %arg5[%add3A_21] : memref<60416xf32, #tpu.memory_space<hbm>> -> memref<1888xf32, #tpu.memory_space<hbm>>
      %dma_wait3A_23 = tpu.memref_slice %arg5[%add3A_21] : memref<60416xf32, #tpu.memory_space<hbm>> -> memref<1888xf32, #tpu.memory_space<hbm>>
      tpu.wait_dma2 semaphore(%run_scoped3A : memref<!tpu.dma_semaphore, #tpu.memory_space<semaphore_mem>>) src(%arg7 : memref<1888xf32, #tpu.memory_space<vmem>>) dst(%dma_wait3A_23 : memref<1888xf32, #tpu.memory_space<hbm>>)
      tpu.yield
    }) : () -> ()
    return
  }
}

#map = affine_map<(d0, d1) -> (0, 0)>
#map1 = affine_map<(d0, d1) -> (0)>
module attributes {stable_mosaic.version = 14 : i64} {
  func.func @k(%arg0: i32, %arg1: i32, %arg2: memref<30000x128xf32, #tpu.memory_space<hbm>>, %arg3: memref<320000xi32, #tpu.memory_space<hbm>>, %arg4: memref<320000xi32, #tpu.memory_space<hbm>>, %arg5: memref<320000xi32, #tpu.memory_space<hbm>>, %arg6: memref<320000xf32, #tpu.memory_space<hbm>>, %arg7: memref<30208xf32, #tpu.memory_space<hbm>>, %arg8: memref<20480x128xf32, #tpu.memory_space<hbm>>, %arg9: memref<10240x128xf32, #tpu.memory_space<vmem_shared>>, %arg10: memref<2000xi32, #tpu.memory_space<vmem>>, %arg11: memref<2000xi32, #tpu.memory_space<vmem>>, %arg12: memref<2000xi32, #tpu.memory_space<vmem>>, %arg13: memref<2000xf32, #tpu.memory_space<vmem>>, %arg14: memref<80xi32, #tpu.memory_space<vmem>>, %arg15: memref<80xi32, #tpu.memory_space<vmem>>, %arg16: memref<80xi32, #tpu.memory_space<vmem>>, %arg17: memref<80xi32, #tpu.memory_space<vmem>>, %arg18: memref<80xi32, #tpu.memory_space<vmem>>, %arg19: memref<80xi32, #tpu.memory_space<vmem>>, %arg20: memref<80xi32, #tpu.memory_space<vmem>>, %arg21: memref<80xi32, #tpu.memory_space<vmem>>, %arg22: memref<80xi32, #tpu.memory_space<vmem>>, %arg23: memref<80xf32, #tpu.memory_space<vmem>>, %arg24: memref<80xf32, #tpu.memory_space<vmem>>, %arg25: memref<80xf32, #tpu.memory_space<vmem>>, %arg26: memref<80xf32, #tpu.memory_space<vmem>>, %arg27: memref<80x128xf32, #tpu.memory_space<vmem>>, %arg28: memref<80x128xf32, #tpu.memory_space<vmem>>, %arg29: memref<80x128xf32, #tpu.memory_space<vmem>>, %arg30: memref<!tpu.dma_semaphore, #tpu.memory_space<semaphore_mem>>, %arg31: memref<!tpu.dma_semaphore, #tpu.memory_space<semaphore_mem>>, %arg32: memref<!tpu.dma_semaphore, #tpu.memory_space<semaphore_mem>>, %arg33: memref<!tpu.dma_semaphore, #tpu.memory_space<semaphore_mem>>, %arg34: memref<!tpu.dma_semaphore, #tpu.memory_space<semaphore_mem>>, %arg35: memref<!tpu.dma_semaphore, #tpu.memory_space<semaphore_mem>>, %arg36: memref<!tpu.dma_semaphore, #tpu.memory_space<semaphore_mem>>, %arg37: memref<!tpu.dma_semaphore, #tpu.memory_space<semaphore_mem>>, %arg38: memref<!tpu.dma_semaphore, #tpu.memory_space<semaphore_mem>>) attributes {dimension_semantics = [#tpu.dimension_semantics<core_parallel>, #tpu.dimension_semantics<subcore_parallel>], iteration_bounds = array<i64: 2, 16>, scalar_prefetch = 0 : i64, scratch_operands = 30 : i64, tpu.core_type = #tpu.core_type<sc_vector_subcore>, window_params = [{transform_indices = #map}, {transform_indices = #map1}, {transform_indices = #map1}, {transform_indices = #map1}, {transform_indices = #map1}, {transform_indices = #map1}, {transform_indices = #map}]} {
    %mul3A = arith.constant 16 : i32
    %mul3A_0 = arith.muli %arg0, %mul3A : i32
    %add3A = arith.addi %mul3A_0, %arg1 : i32
    %scan3A = arith.constant 0 : i32
    %scan3A_1 = arith.constant 640 : i32
    %scan3A_2 = arith.addi %scan3A, %scan3A_1 : i32
    %scan3A_3 = arith.constant 1 : i32
    scf.for %scan3A_203 = %scan3A to %scan3A_2 step %scan3A_3  : i32 {
      %jit3A = arith.constant 8 : i32
      %div3A = arith.divsi %scan3A_203, %jit3A : i32
      %sign3A = arith.constant 0 : i32
      %sign3A_204 = arith.cmpi sgt, %scan3A_203, %sign3A : i32
      %sign3A_205 = arith.extui %sign3A_204 : i1 to i32
      %sign3A_206 = arith.constant 0 : i32
      %sign3A_207 = arith.cmpi slt, %scan3A_203, %sign3A_206 : i32
      %sign3A_208 = arith.extui %sign3A_207 : i1 to i32
      %sign3A_209 = arith.subi %sign3A_205, %sign3A_208 : i32
      %sign3A_210 = arith.constant 0 : i32
      %sign3A_211 = arith.cmpi sgt, %jit3A, %sign3A_210 : i32
      %sign3A_212 = arith.extui %sign3A_211 : i1 to i32
      %sign3A_213 = arith.constant 0 : i32
      %sign3A_214 = arith.cmpi slt, %jit3A, %sign3A_213 : i32
      %sign3A_215 = arith.extui %sign3A_214 : i1 to i32
      %sign3A_216 = arith.subi %sign3A_212, %sign3A_215 : i32
      %ne3A = arith.cmpi ne, %sign3A_209, %sign3A_216 : i32
      %rem3A = arith.remsi %scan3A_203, %jit3A : i32
      %ne3A_217 = arith.constant 0 : i32
      %ne3A_218 = arith.cmpi ne, %rem3A, %ne3A_217 : i32
      %and3A = arith.andi %ne3A, %ne3A_218 : i1
      %sub3A = arith.constant 1 : i32
      %sub3A_219 = arith.subi %div3A, %sub3A : i32
      %select_n3A = arith.select %and3A, %sub3A_219, %div3A : i32
      %jit3A_220 = arith.constant 8 : i32
      %eq3A = arith.constant 0 : i32
      %eq3A_221 = arith.cmpi eq, %jit3A_220, %eq3A : i32
      %jit3A_222 = arith.constant 1 : i32
      %select_n3A_223 = arith.select %eq3A_221, %jit3A_222, %jit3A_220 : i32
      %rem3A_224 = arith.remsi %scan3A_203, %select_n3A_223 : i32
      %ne3A_225 = arith.constant 0 : i32
      %ne3A_226 = arith.cmpi ne, %rem3A_224, %ne3A_225 : i32
      %lt3A = arith.constant 0 : i32
      %lt3A_227 = arith.cmpi slt, %rem3A_224, %lt3A : i32
      %lt3A_228 = arith.constant 0 : i32
      %lt3A_229 = arith.cmpi slt, %select_n3A_223, %lt3A_228 : i32
      %ne3A_230 = arith.xori %lt3A_227, %lt3A_229 : i1
      %and3A_231 = arith.andi %ne3A_230, %ne3A_226 : i1
      %add3A_232 = arith.addi %rem3A_224, %select_n3A_223 : i32
      %select_n3A_233 = arith.select %and3A_231, %add3A_232, %rem3A_224 : i32
      %broadcast_in_dim3A_234 = arith.constant 0.000000e+00 : f32
      %broadcast_in_dim3A_235 = vector.broadcast %broadcast_in_dim3A_234 : f32 to vector<16xf32>
      %mul3A_236 = arith.constant 16 : i32
      %mul3A_237 = arith.muli %select_n3A_233, %mul3A_236 : i32
      %swap3A_238 = arith.index_cast %select_n3A : i32 to index
      %swap3A_239 = arith.index_cast %mul3A_237 : i32 to index
      %swap3A_240 = tpu.vector_load %arg27[%swap3A_238, %swap3A_239] {strides = array<i32>} : memref<80x128xf32, #tpu.memory_space<vmem>>, vector<16xf32>,
      tpu.vector_store %arg27[%swap3A_238, %swap3A_239], %broadcast_in_dim3A_235 {strides = array<i32>} : memref<80x128xf32, #tpu.memory_space<vmem>>, vector<16xf32>,
    }
    %scan3A_4 = arith.constant 640 : i32
    %mul3A_5 = arith.constant 640 : i32
    %mul3A_6 = arith.muli %arg1, %mul3A_5 : i32
    %add3A_7 = arith.constant 0 : i32
    %add3A_8 = arith.addi %mul3A_6, %add3A_7 : i32
    "tpu.region"() ({
      %run_scoped3A = tpu.sem_alloc : memref<!tpu.dma_semaphore, #tpu.memory_space<semaphore_mem>>
      %dma_start3A_203 = arith.constant 0 : i32
      %dma_start3A_204 = tpu.memref_slice %arg9[%add3A_8, %dma_start3A_203] : memref<10240x128xf32, #tpu.memory_space<vmem_shared>> -> memref<80x128xf32, #tpu.memory_space<vmem_shared>>
      %dma_start3A_205 = arith.constant 0 : i32
      %dma_start3A_206 = tpu.memref_slice %arg9[%add3A_8, %dma_start3A_205] : memref<10240x128xf32, #tpu.memory_space<vmem_shared>> -> memref<80x128xf32, #tpu.memory_space<vmem_shared>>
      tpu.enqueue_dma source(%arg27 : memref<80x128xf32, #tpu.memory_space<vmem>>) target(%dma_start3A_206 : memref<80x128xf32, #tpu.memory_space<vmem_shared>>) target_semaphore(%run_scoped3A : memref<!tpu.dma_semaphore, #tpu.memory_space<semaphore_mem>>)
      %dma_wait3A_207 = arith.constant 0 : i32
      %dma_wait3A_208 = tpu.memref_slice %arg9[%add3A_8, %dma_wait3A_207] : memref<10240x128xf32, #tpu.memory_space<vmem_shared>> -> memref<80x128xf32, #tpu.memory_space<vmem_shared>>
      %dma_wait3A_209 = arith.constant 0 : i32
      %dma_wait3A_210 = tpu.memref_slice %arg9[%add3A_8, %dma_wait3A_209] : memref<10240x128xf32, #tpu.memory_space<vmem_shared>> -> memref<80x128xf32, #tpu.memory_space<vmem_shared>>
      tpu.wait_dma2 semaphore(%run_scoped3A : memref<!tpu.dma_semaphore, #tpu.memory_space<semaphore_mem>>) src(%arg27 : memref<80x128xf32, #tpu.memory_space<vmem>>) dst(%dma_wait3A_210 : memref<80x128xf32, #tpu.memory_space<vmem_shared>>)
      tpu.yield
    }) : () -> ()
    %mul3A_9 = arith.constant 640 : i32
    %mul3A_10 = arith.muli %arg1, %mul3A_9 : i32
    %add3A_11 = arith.constant 80 : i32
    %add3A_12 = arith.addi %mul3A_10, %add3A_11 : i32
    "tpu.region"() ({
      %run_scoped3A = tpu.sem_alloc : memref<!tpu.dma_semaphore, #tpu.memory_space<semaphore_mem>>
      %dma_start3A_203 = arith.constant 0 : i32
      %dma_start3A_204 = tpu.memref_slice %arg9[%add3A_12, %dma_start3A_203] : memref<10240x128xf32, #tpu.memory_space<vmem_shared>> -> memref<80x128xf32, #tpu.memory_space<vmem_shared>>
      %dma_start3A_205 = arith.constant 0 : i32
      %dma_start3A_206 = tpu.memref_slice %arg9[%add3A_12, %dma_start3A_205] : memref<10240x128xf32, #tpu.memory_space<vmem_shared>> -> memref<80x128xf32, #tpu.memory_space<vmem_shared>>
      tpu.enqueue_dma source(%arg27 : memref<80x128xf32, #tpu.memory_space<vmem>>) target(%dma_start3A_206 : memref<80x128xf32, #tpu.memory_space<vmem_shared>>) target_semaphore(%run_scoped3A : memref<!tpu.dma_semaphore, #tpu.memory_space<semaphore_mem>>)
      %dma_wait3A_207 = arith.constant 0 : i32
      %dma_wait3A_208 = tpu.memref_slice %arg9[%add3A_12, %dma_wait3A_207] : memref<10240x128xf32, #tpu.memory_space<vmem_shared>> -> memref<80x128xf32, #tpu.memory_space<vmem_shared>>
      %dma_wait3A_209 = arith.constant 0 : i32
      %dma_wait3A_210 = tpu.memref_slice %arg9[%add3A_12, %dma_wait3A_209] : memref<10240x128xf32, #tpu.memory_space<vmem_shared>> -> memref<80x128xf32, #tpu.memory_space<vmem_shared>>
      tpu.wait_dma2 semaphore(%run_scoped3A : memref<!tpu.dma_semaphore, #tpu.memory_space<semaphore_mem>>) src(%arg27 : memref<80x128xf32, #tpu.memory_space<vmem>>) dst(%dma_wait3A_210 : memref<80x128xf32, #tpu.memory_space<vmem_shared>>)
      tpu.yield
    }) : () -> ()
    %mul3A_13 = arith.constant 640 : i32
    %mul3A_14 = arith.muli %arg1, %mul3A_13 : i32
    %add3A_15 = arith.constant 160 : i32
    %add3A_16 = arith.addi %mul3A_14, %add3A_15 : i32
    "tpu.region"() ({
      %run_scoped3A = tpu.sem_alloc : memref<!tpu.dma_semaphore, #tpu.memory_space<semaphore_mem>>
      %dma_start3A_203 = arith.constant 0 : i32
      %dma_start3A_204 = tpu.memref_slice %arg9[%add3A_16, %dma_start3A_203] : memref<10240x128xf32, #tpu.memory_space<vmem_shared>> -> memref<80x128xf32, #tpu.memory_space<vmem_shared>>
      %dma_start3A_205 = arith.constant 0 : i32
      %dma_start3A_206 = tpu.memref_slice %arg9[%add3A_16, %dma_start3A_205] : memref<10240x128xf32, #tpu.memory_space<vmem_shared>> -> memref<80x128xf32, #tpu.memory_space<vmem_shared>>
      tpu.enqueue_dma source(%arg27 : memref<80x128xf32, #tpu.memory_space<vmem>>) target(%dma_start3A_206 : memref<80x128xf32, #tpu.memory_space<vmem_shared>>) target_semaphore(%run_scoped3A : memref<!tpu.dma_semaphore, #tpu.memory_space<semaphore_mem>>)
      %dma_wait3A_207 = arith.constant 0 : i32
      %dma_wait3A_208 = tpu.memref_slice %arg9[%add3A_16, %dma_wait3A_207] : memref<10240x128xf32, #tpu.memory_space<vmem_shared>> -> memref<80x128xf32, #tpu.memory_space<vmem_shared>>
      %dma_wait3A_209 = arith.constant 0 : i32
      %dma_wait3A_210 = tpu.memref_slice %arg9[%add3A_16, %dma_wait3A_209] : memref<10240x128xf32, #tpu.memory_space<vmem_shared>> -> memref<80x128xf32, #tpu.memory_space<vmem_shared>>
      tpu.wait_dma2 semaphore(%run_scoped3A : memref<!tpu.dma_semaphore, #tpu.memory_space<semaphore_mem>>) src(%arg27 : memref<80x128xf32, #tpu.memory_space<vmem>>) dst(%dma_wait3A_210 : memref<80x128xf32, #tpu.memory_space<vmem_shared>>)
      tpu.yield
    }) : () -> ()
    %mul3A_17 = arith.constant 640 : i32
    %mul3A_18 = arith.muli %arg1, %mul3A_17 : i32
    %add3A_19 = arith.constant 240 : i32
    %add3A_20 = arith.addi %mul3A_18, %add3A_19 : i32
    "tpu.region"() ({
      %run_scoped3A = tpu.sem_alloc : memref<!tpu.dma_semaphore, #tpu.memory_space<semaphore_mem>>
      %dma_start3A_203 = arith.constant 0 : i32
      %dma_start3A_204 = tpu.memref_slice %arg9[%add3A_20, %dma_start3A_203] : memref<10240x128xf32, #tpu.memory_space<vmem_shared>> -> memref<80x128xf32, #tpu.memory_space<vmem_shared>>
      %dma_start3A_205 = arith.constant 0 : i32
      %dma_start3A_206 = tpu.memref_slice %arg9[%add3A_20, %dma_start3A_205] : memref<10240x128xf32, #tpu.memory_space<vmem_shared>> -> memref<80x128xf32, #tpu.memory_space<vmem_shared>>
      tpu.enqueue_dma source(%arg27 : memref<80x128xf32, #tpu.memory_space<vmem>>) target(%dma_start3A_206 : memref<80x128xf32, #tpu.memory_space<vmem_shared>>) target_semaphore(%run_scoped3A : memref<!tpu.dma_semaphore, #tpu.memory_space<semaphore_mem>>)
      %dma_wait3A_207 = arith.constant 0 : i32
      %dma_wait3A_208 = tpu.memref_slice %arg9[%add3A_20, %dma_wait3A_207] : memref<10240x128xf32, #tpu.memory_space<vmem_shared>> -> memref<80x128xf32, #tpu.memory_space<vmem_shared>>
      %dma_wait3A_209 = arith.constant 0 : i32
      %dma_wait3A_210 = tpu.memref_slice %arg9[%add3A_20, %dma_wait3A_209] : memref<10240x128xf32, #tpu.memory_space<vmem_shared>> -> memref<80x128xf32, #tpu.memory_space<vmem_shared>>
      tpu.wait_dma2 semaphore(%run_scoped3A : memref<!tpu.dma_semaphore, #tpu.memory_space<semaphore_mem>>) src(%arg27 : memref<80x128xf32, #tpu.memory_space<vmem>>) dst(%dma_wait3A_210 : memref<80x128xf32, #tpu.memory_space<vmem_shared>>)
      tpu.yield
    }) : () -> ()
    %mul3A_21 = arith.constant 640 : i32
    %mul3A_22 = arith.muli %arg1, %mul3A_21 : i32
    %add3A_23 = arith.constant 320 : i32
    %add3A_24 = arith.addi %mul3A_22, %add3A_23 : i32
    "tpu.region"() ({
      %run_scoped3A = tpu.sem_alloc : memref<!tpu.dma_semaphore, #tpu.memory_space<semaphore_mem>>
      %dma_start3A_203 = arith.constant 0 : i32
      %dma_start3A_204 = tpu.memref_slice %arg9[%add3A_24, %dma_start3A_203] : memref<10240x128xf32, #tpu.memory_space<vmem_shared>> -> memref<80x128xf32, #tpu.memory_space<vmem_shared>>
      %dma_start3A_205 = arith.constant 0 : i32
      %dma_start3A_206 = tpu.memref_slice %arg9[%add3A_24, %dma_start3A_205] : memref<10240x128xf32, #tpu.memory_space<vmem_shared>> -> memref<80x128xf32, #tpu.memory_space<vmem_shared>>
      tpu.enqueue_dma source(%arg27 : memref<80x128xf32, #tpu.memory_space<vmem>>) target(%dma_start3A_206 : memref<80x128xf32, #tpu.memory_space<vmem_shared>>) target_semaphore(%run_scoped3A : memref<!tpu.dma_semaphore, #tpu.memory_space<semaphore_mem>>)
      %dma_wait3A_207 = arith.constant 0 : i32
      %dma_wait3A_208 = tpu.memref_slice %arg9[%add3A_24, %dma_wait3A_207] : memref<10240x128xf32, #tpu.memory_space<vmem_shared>> -> memref<80x128xf32, #tpu.memory_space<vmem_shared>>
      %dma_wait3A_209 = arith.constant 0 : i32
      %dma_wait3A_210 = tpu.memref_slice %arg9[%add3A_24, %dma_wait3A_209] : memref<10240x128xf32, #tpu.memory_space<vmem_shared>> -> memref<80x128xf32, #tpu.memory_space<vmem_shared>>
      tpu.wait_dma2 semaphore(%run_scoped3A : memref<!tpu.dma_semaphore, #tpu.memory_space<semaphore_mem>>) src(%arg27 : memref<80x128xf32, #tpu.memory_space<vmem>>) dst(%dma_wait3A_210 : memref<80x128xf32, #tpu.memory_space<vmem_shared>>)
      tpu.yield
    }) : () -> ()
    %mul3A_25 = arith.constant 640 : i32
    %mul3A_26 = arith.muli %arg1, %mul3A_25 : i32
    %add3A_27 = arith.constant 400 : i32
    %add3A_28 = arith.addi %mul3A_26, %add3A_27 : i32
    "tpu.region"() ({
      %run_scoped3A = tpu.sem_alloc : memref<!tpu.dma_semaphore, #tpu.memory_space<semaphore_mem>>
      %dma_start3A_203 = arith.constant 0 : i32
      %dma_start3A_204 = tpu.memref_slice %arg9[%add3A_28, %dma_start3A_203] : memref<10240x128xf32, #tpu.memory_space<vmem_shared>> -> memref<80x128xf32, #tpu.memory_space<vmem_shared>>
      %dma_start3A_205 = arith.constant 0 : i32
      %dma_start3A_206 = tpu.memref_slice %arg9[%add3A_28, %dma_start3A_205] : memref<10240x128xf32, #tpu.memory_space<vmem_shared>> -> memref<80x128xf32, #tpu.memory_space<vmem_shared>>
      tpu.enqueue_dma source(%arg27 : memref<80x128xf32, #tpu.memory_space<vmem>>) target(%dma_start3A_206 : memref<80x128xf32, #tpu.memory_space<vmem_shared>>) target_semaphore(%run_scoped3A : memref<!tpu.dma_semaphore, #tpu.memory_space<semaphore_mem>>)
      %dma_wait3A_207 = arith.constant 0 : i32
      %dma_wait3A_208 = tpu.memref_slice %arg9[%add3A_28, %dma_wait3A_207] : memref<10240x128xf32, #tpu.memory_space<vmem_shared>> -> memref<80x128xf32, #tpu.memory_space<vmem_shared>>
      %dma_wait3A_209 = arith.constant 0 : i32
      %dma_wait3A_210 = tpu.memref_slice %arg9[%add3A_28, %dma_wait3A_209] : memref<10240x128xf32, #tpu.memory_space<vmem_shared>> -> memref<80x128xf32, #tpu.memory_space<vmem_shared>>
      tpu.wait_dma2 semaphore(%run_scoped3A : memref<!tpu.dma_semaphore, #tpu.memory_space<semaphore_mem>>) src(%arg27 : memref<80x128xf32, #tpu.memory_space<vmem>>) dst(%dma_wait3A_210 : memref<80x128xf32, #tpu.memory_space<vmem_shared>>)
      tpu.yield
    }) : () -> ()
    %mul3A_29 = arith.constant 640 : i32
    %mul3A_30 = arith.muli %arg1, %mul3A_29 : i32
    %add3A_31 = arith.constant 480 : i32
    %add3A_32 = arith.addi %mul3A_30, %add3A_31 : i32
    "tpu.region"() ({
      %run_scoped3A = tpu.sem_alloc : memref<!tpu.dma_semaphore, #tpu.memory_space<semaphore_mem>>
      %dma_start3A_203 = arith.constant 0 : i32
      %dma_start3A_204 = tpu.memref_slice %arg9[%add3A_32, %dma_start3A_203] : memref<10240x128xf32, #tpu.memory_space<vmem_shared>> -> memref<80x128xf32, #tpu.memory_space<vmem_shared>>
      %dma_start3A_205 = arith.constant 0 : i32
      %dma_start3A_206 = tpu.memref_slice %arg9[%add3A_32, %dma_start3A_205] : memref<10240x128xf32, #tpu.memory_space<vmem_shared>> -> memref<80x128xf32, #tpu.memory_space<vmem_shared>>
      tpu.enqueue_dma source(%arg27 : memref<80x128xf32, #tpu.memory_space<vmem>>) target(%dma_start3A_206 : memref<80x128xf32, #tpu.memory_space<vmem_shared>>) target_semaphore(%run_scoped3A : memref<!tpu.dma_semaphore, #tpu.memory_space<semaphore_mem>>)
      %dma_wait3A_207 = arith.constant 0 : i32
      %dma_wait3A_208 = tpu.memref_slice %arg9[%add3A_32, %dma_wait3A_207] : memref<10240x128xf32, #tpu.memory_space<vmem_shared>> -> memref<80x128xf32, #tpu.memory_space<vmem_shared>>
      %dma_wait3A_209 = arith.constant 0 : i32
      %dma_wait3A_210 = tpu.memref_slice %arg9[%add3A_32, %dma_wait3A_209] : memref<10240x128xf32, #tpu.memory_space<vmem_shared>> -> memref<80x128xf32, #tpu.memory_space<vmem_shared>>
      tpu.wait_dma2 semaphore(%run_scoped3A : memref<!tpu.dma_semaphore, #tpu.memory_space<semaphore_mem>>) src(%arg27 : memref<80x128xf32, #tpu.memory_space<vmem>>) dst(%dma_wait3A_210 : memref<80x128xf32, #tpu.memory_space<vmem_shared>>)
      tpu.yield
    }) : () -> ()
    %mul3A_33 = arith.constant 640 : i32
    %mul3A_34 = arith.muli %arg1, %mul3A_33 : i32
    %add3A_35 = arith.constant 560 : i32
    %add3A_36 = arith.addi %mul3A_34, %add3A_35 : i32
    "tpu.region"() ({
      %run_scoped3A = tpu.sem_alloc : memref<!tpu.dma_semaphore, #tpu.memory_space<semaphore_mem>>
      %dma_start3A_203 = arith.constant 0 : i32
      %dma_start3A_204 = tpu.memref_slice %arg9[%add3A_36, %dma_start3A_203] : memref<10240x128xf32, #tpu.memory_space<vmem_shared>> -> memref<80x128xf32, #tpu.memory_space<vmem_shared>>
      %dma_start3A_205 = arith.constant 0 : i32
      %dma_start3A_206 = tpu.memref_slice %arg9[%add3A_36, %dma_start3A_205] : memref<10240x128xf32, #tpu.memory_space<vmem_shared>> -> memref<80x128xf32, #tpu.memory_space<vmem_shared>>
      tpu.enqueue_dma source(%arg27 : memref<80x128xf32, #tpu.memory_space<vmem>>) target(%dma_start3A_206 : memref<80x128xf32, #tpu.memory_space<vmem_shared>>) target_semaphore(%run_scoped3A : memref<!tpu.dma_semaphore, #tpu.memory_space<semaphore_mem>>)
      %dma_wait3A_207 = arith.constant 0 : i32
      %dma_wait3A_208 = tpu.memref_slice %arg9[%add3A_36, %dma_wait3A_207] : memref<10240x128xf32, #tpu.memory_space<vmem_shared>> -> memref<80x128xf32, #tpu.memory_space<vmem_shared>>
      %dma_wait3A_209 = arith.constant 0 : i32
      %dma_wait3A_210 = tpu.memref_slice %arg9[%add3A_36, %dma_wait3A_209] : memref<10240x128xf32, #tpu.memory_space<vmem_shared>> -> memref<80x128xf32, #tpu.memory_space<vmem_shared>>
      tpu.wait_dma2 semaphore(%run_scoped3A : memref<!tpu.dma_semaphore, #tpu.memory_space<semaphore_mem>>) src(%arg27 : memref<80x128xf32, #tpu.memory_space<vmem>>) dst(%dma_wait3A_210 : memref<80x128xf32, #tpu.memory_space<vmem_shared>>)
      tpu.yield
    }) : () -> ()
    %barrier3A = arith.constant 0 : index
    tpu.barrier barrier_id(%barrier3A)
    %broadcast_in_dim3A = arith.constant 10000 : i32
    %broadcast_in_dim3A_37 = vector.broadcast %broadcast_in_dim3A : i32 to vector<16xi32>
    %swap3A = arith.constant 0 : index
    %swap3A_38 = tpu.vector_load %arg17[%swap3A] {strides = array<i32>} : memref<80xi32, #tpu.memory_space<vmem>>, vector<16xi32>,
    %swap3A_39 = vector.shape_cast %swap3A_38 : vector<16xi32> to vector<16xi32>
    %swap3A_40 = vector.shape_cast %broadcast_in_dim3A_37 : vector<16xi32> to vector<16xi32>
    tpu.vector_store %arg17[%swap3A], %swap3A_40 {strides = array<i32>} : memref<80xi32, #tpu.memory_space<vmem>>, vector<16xi32>,
    %broadcast_in_dim3A_41 = arith.constant 10000 : i32
    %broadcast_in_dim3A_42 = vector.broadcast %broadcast_in_dim3A_41 : i32 to vector<16xi32>
    %swap3A_43 = arith.constant 16 : index
    %swap3A_44 = tpu.vector_load %arg17[%swap3A_43] {strides = array<i32>} : memref<80xi32, #tpu.memory_space<vmem>>, vector<16xi32>,
    %swap3A_45 = vector.shape_cast %swap3A_44 : vector<16xi32> to vector<16xi32>
    %swap3A_46 = vector.shape_cast %broadcast_in_dim3A_42 : vector<16xi32> to vector<16xi32>
    tpu.vector_store %arg17[%swap3A_43], %swap3A_46 {strides = array<i32>} : memref<80xi32, #tpu.memory_space<vmem>>, vector<16xi32>,
    %broadcast_in_dim3A_47 = arith.constant 10000 : i32
    %broadcast_in_dim3A_48 = vector.broadcast %broadcast_in_dim3A_47 : i32 to vector<16xi32>
    %swap3A_49 = arith.constant 32 : index
    %swap3A_50 = tpu.vector_load %arg17[%swap3A_49] {strides = array<i32>} : memref<80xi32, #tpu.memory_space<vmem>>, vector<16xi32>,
    %swap3A_51 = vector.shape_cast %swap3A_50 : vector<16xi32> to vector<16xi32>
    %swap3A_52 = vector.shape_cast %broadcast_in_dim3A_48 : vector<16xi32> to vector<16xi32>
    tpu.vector_store %arg17[%swap3A_49], %swap3A_52 {strides = array<i32>} : memref<80xi32, #tpu.memory_space<vmem>>, vector<16xi32>,
    %broadcast_in_dim3A_53 = arith.constant 10000 : i32
    %broadcast_in_dim3A_54 = vector.broadcast %broadcast_in_dim3A_53 : i32 to vector<16xi32>
    %swap3A_55 = arith.constant 48 : index
    %swap3A_56 = tpu.vector_load %arg17[%swap3A_55] {strides = array<i32>} : memref<80xi32, #tpu.memory_space<vmem>>, vector<16xi32>,
    %swap3A_57 = vector.shape_cast %swap3A_56 : vector<16xi32> to vector<16xi32>
    %swap3A_58 = vector.shape_cast %broadcast_in_dim3A_54 : vector<16xi32> to vector<16xi32>
    tpu.vector_store %arg17[%swap3A_55], %swap3A_58 {strides = array<i32>} : memref<80xi32, #tpu.memory_space<vmem>>, vector<16xi32>,
    %broadcast_in_dim3A_59 = arith.constant 10000 : i32
    %broadcast_in_dim3A_60 = vector.broadcast %broadcast_in_dim3A_59 : i32 to vector<16xi32>
    %swap3A_61 = arith.constant 64 : index
    %swap3A_62 = tpu.vector_load %arg17[%swap3A_61] {strides = array<i32>} : memref<80xi32, #tpu.memory_space<vmem>>, vector<16xi32>,
    %swap3A_63 = vector.shape_cast %swap3A_62 : vector<16xi32> to vector<16xi32>
    %swap3A_64 = vector.shape_cast %broadcast_in_dim3A_60 : vector<16xi32> to vector<16xi32>
    tpu.vector_store %arg17[%swap3A_61], %swap3A_64 {strides = array<i32>} : memref<80xi32, #tpu.memory_space<vmem>>, vector<16xi32>,
    %dma_start3A = arith.constant 0 : i32
    %dma_start3A_65 = arith.constant 0 : i32
    %dma_start3A_66 = tpu.memref_slice %arg9[%dma_start3A, %dma_start3A_65] : memref<10240x128xf32, #tpu.memory_space<vmem_shared>> -> memref<10240x128xf32, #tpu.memory_space<vmem_shared>>
    tpu.enqueue_indirect_dma source(%arg27 : memref<80x128xf32, #tpu.memory_space<vmem>>) target(%dma_start3A_66 : memref<10240x128xf32, #tpu.memory_space<vmem_shared>>) offsets(%arg17 : memref<80xi32, #tpu.memory_space<vmem>>) semaphore(%arg36 : memref<!tpu.dma_semaphore, #tpu.memory_space<semaphore_mem>>) {add = true}
    %broadcast_in_dim3A_67 = arith.constant 10000 : i32
    %broadcast_in_dim3A_68 = vector.broadcast %broadcast_in_dim3A_67 : i32 to vector<16xi32>
    %swap3A_69 = arith.constant 0 : index
    %swap3A_70 = tpu.vector_load %arg18[%swap3A_69] {strides = array<i32>} : memref<80xi32, #tpu.memory_space<vmem>>, vector<16xi32>,
    %swap3A_71 = vector.shape_cast %swap3A_70 : vector<16xi32> to vector<16xi32>
    %swap3A_72 = vector.shape_cast %broadcast_in_dim3A_68 : vector<16xi32> to vector<16xi32>
    tpu.vector_store %arg18[%swap3A_69], %swap3A_72 {strides = array<i32>} : memref<80xi32, #tpu.memory_space<vmem>>, vector<16xi32>,
    %broadcast_in_dim3A_73 = arith.constant 10000 : i32
    %broadcast_in_dim3A_74 = vector.broadcast %broadcast_in_dim3A_73 : i32 to vector<16xi32>
    %swap3A_75 = arith.constant 16 : index
    %swap3A_76 = tpu.vector_load %arg18[%swap3A_75] {strides = array<i32>} : memref<80xi32, #tpu.memory_space<vmem>>, vector<16xi32>,
    %swap3A_77 = vector.shape_cast %swap3A_76 : vector<16xi32> to vector<16xi32>
    %swap3A_78 = vector.shape_cast %broadcast_in_dim3A_74 : vector<16xi32> to vector<16xi32>
    tpu.vector_store %arg18[%swap3A_75], %swap3A_78 {strides = array<i32>} : memref<80xi32, #tpu.memory_space<vmem>>, vector<16xi32>,
    %broadcast_in_dim3A_79 = arith.constant 10000 : i32
    %broadcast_in_dim3A_80 = vector.broadcast %broadcast_in_dim3A_79 : i32 to vector<16xi32>
    %swap3A_81 = arith.constant 32 : index
    %swap3A_82 = tpu.vector_load %arg18[%swap3A_81] {strides = array<i32>} : memref<80xi32, #tpu.memory_space<vmem>>, vector<16xi32>,
    %swap3A_83 = vector.shape_cast %swap3A_82 : vector<16xi32> to vector<16xi32>
    %swap3A_84 = vector.shape_cast %broadcast_in_dim3A_80 : vector<16xi32> to vector<16xi32>
    tpu.vector_store %arg18[%swap3A_81], %swap3A_84 {strides = array<i32>} : memref<80xi32, #tpu.memory_space<vmem>>, vector<16xi32>,
    %broadcast_in_dim3A_85 = arith.constant 10000 : i32
    %broadcast_in_dim3A_86 = vector.broadcast %broadcast_in_dim3A_85 : i32 to vector<16xi32>
    %swap3A_87 = arith.constant 48 : index
    %swap3A_88 = tpu.vector_load %arg18[%swap3A_87] {strides = array<i32>} : memref<80xi32, #tpu.memory_space<vmem>>, vector<16xi32>,
    %swap3A_89 = vector.shape_cast %swap3A_88 : vector<16xi32> to vector<16xi32>
    %swap3A_90 = vector.shape_cast %broadcast_in_dim3A_86 : vector<16xi32> to vector<16xi32>
    tpu.vector_store %arg18[%swap3A_87], %swap3A_90 {strides = array<i32>} : memref<80xi32, #tpu.memory_space<vmem>>, vector<16xi32>,
    %broadcast_in_dim3A_91 = arith.constant 10000 : i32
    %broadcast_in_dim3A_92 = vector.broadcast %broadcast_in_dim3A_91 : i32 to vector<16xi32>
    %swap3A_93 = arith.constant 64 : index
    %swap3A_94 = tpu.vector_load %arg18[%swap3A_93] {strides = array<i32>} : memref<80xi32, #tpu.memory_space<vmem>>, vector<16xi32>,
    %swap3A_95 = vector.shape_cast %swap3A_94 : vector<16xi32> to vector<16xi32>
    %swap3A_96 = vector.shape_cast %broadcast_in_dim3A_92 : vector<16xi32> to vector<16xi32>
    tpu.vector_store %arg18[%swap3A_93], %swap3A_96 {strides = array<i32>} : memref<80xi32, #tpu.memory_space<vmem>>, vector<16xi32>,
    %dma_start3A_97 = arith.constant 0 : i32
    %dma_start3A_98 = arith.constant 0 : i32
    %dma_start3A_99 = tpu.memref_slice %arg9[%dma_start3A_97, %dma_start3A_98] : memref<10240x128xf32, #tpu.memory_space<vmem_shared>> -> memref<10240x128xf32, #tpu.memory_space<vmem_shared>>
    tpu.enqueue_indirect_dma source(%arg28 : memref<80x128xf32, #tpu.memory_space<vmem>>) target(%dma_start3A_99 : memref<10240x128xf32, #tpu.memory_space<vmem_shared>>) offsets(%arg18 : memref<80xi32, #tpu.memory_space<vmem>>) semaphore(%arg37 : memref<!tpu.dma_semaphore, #tpu.memory_space<semaphore_mem>>) {add = true}
    %broadcast_in_dim3A_100 = arith.constant 10000 : i32
    %broadcast_in_dim3A_101 = vector.broadcast %broadcast_in_dim3A_100 : i32 to vector<16xi32>
    %swap3A_102 = arith.constant 0 : index
    %swap3A_103 = tpu.vector_load %arg19[%swap3A_102] {strides = array<i32>} : memref<80xi32, #tpu.memory_space<vmem>>, vector<16xi32>,
    %swap3A_104 = vector.shape_cast %swap3A_103 : vector<16xi32> to vector<16xi32>
    %swap3A_105 = vector.shape_cast %broadcast_in_dim3A_101 : vector<16xi32> to vector<16xi32>
    tpu.vector_store %arg19[%swap3A_102], %swap3A_105 {strides = array<i32>} : memref<80xi32, #tpu.memory_space<vmem>>, vector<16xi32>,
    %broadcast_in_dim3A_106 = arith.constant 10000 : i32
    %broadcast_in_dim3A_107 = vector.broadcast %broadcast_in_dim3A_106 : i32 to vector<16xi32>
    %swap3A_108 = arith.constant 16 : index
    %swap3A_109 = tpu.vector_load %arg19[%swap3A_108] {strides = array<i32>} : memref<80xi32, #tpu.memory_space<vmem>>, vector<16xi32>,
    %swap3A_110 = vector.shape_cast %swap3A_109 : vector<16xi32> to vector<16xi32>
    %swap3A_111 = vector.shape_cast %broadcast_in_dim3A_107 : vector<16xi32> to vector<16xi32>
    tpu.vector_store %arg19[%swap3A_108], %swap3A_111 {strides = array<i32>} : memref<80xi32, #tpu.memory_space<vmem>>, vector<16xi32>,
    %broadcast_in_dim3A_112 = arith.constant 10000 : i32
    %broadcast_in_dim3A_113 = vector.broadcast %broadcast_in_dim3A_112 : i32 to vector<16xi32>
    %swap3A_114 = arith.constant 32 : index
    %swap3A_115 = tpu.vector_load %arg19[%swap3A_114] {strides = array<i32>} : memref<80xi32, #tpu.memory_space<vmem>>, vector<16xi32>,
    %swap3A_116 = vector.shape_cast %swap3A_115 : vector<16xi32> to vector<16xi32>
    %swap3A_117 = vector.shape_cast %broadcast_in_dim3A_113 : vector<16xi32> to vector<16xi32>
    tpu.vector_store %arg19[%swap3A_114], %swap3A_117 {strides = array<i32>} : memref<80xi32, #tpu.memory_space<vmem>>, vector<16xi32>,
    %broadcast_in_dim3A_118 = arith.constant 10000 : i32
    %broadcast_in_dim3A_119 = vector.broadcast %broadcast_in_dim3A_118 : i32 to vector<16xi32>
    %swap3A_120 = arith.constant 48 : index
    %swap3A_121 = tpu.vector_load %arg19[%swap3A_120] {strides = array<i32>} : memref<80xi32, #tpu.memory_space<vmem>>, vector<16xi32>,
    %swap3A_122 = vector.shape_cast %swap3A_121 : vector<16xi32> to vector<16xi32>
    %swap3A_123 = vector.shape_cast %broadcast_in_dim3A_119 : vector<16xi32> to vector<16xi32>
    tpu.vector_store %arg19[%swap3A_120], %swap3A_123 {strides = array<i32>} : memref<80xi32, #tpu.memory_space<vmem>>, vector<16xi32>,
    %broadcast_in_dim3A_124 = arith.constant 10000 : i32
    %broadcast_in_dim3A_125 = vector.broadcast %broadcast_in_dim3A_124 : i32 to vector<16xi32>
    %swap3A_126 = arith.constant 64 : index
    %swap3A_127 = tpu.vector_load %arg19[%swap3A_126] {strides = array<i32>} : memref<80xi32, #tpu.memory_space<vmem>>, vector<16xi32>,
    %swap3A_128 = vector.shape_cast %swap3A_127 : vector<16xi32> to vector<16xi32>
    %swap3A_129 = vector.shape_cast %broadcast_in_dim3A_125 : vector<16xi32> to vector<16xi32>
    tpu.vector_store %arg19[%swap3A_126], %swap3A_129 {strides = array<i32>} : memref<80xi32, #tpu.memory_space<vmem>>, vector<16xi32>,
    %dma_start3A_130 = arith.constant 0 : i32
    %dma_start3A_131 = arith.constant 0 : i32
    %dma_start3A_132 = tpu.memref_slice %arg9[%dma_start3A_130, %dma_start3A_131] : memref<10240x128xf32, #tpu.memory_space<vmem_shared>> -> memref<10240x128xf32, #tpu.memory_space<vmem_shared>>
    tpu.enqueue_indirect_dma source(%arg29 : memref<80x128xf32, #tpu.memory_space<vmem>>) target(%dma_start3A_132 : memref<10240x128xf32, #tpu.memory_space<vmem_shared>>) offsets(%arg19 : memref<80xi32, #tpu.memory_space<vmem>>) semaphore(%arg38 : memref<!tpu.dma_semaphore, #tpu.memory_space<semaphore_mem>>) {add = true}
    %scan3A_133 = arith.constant 0 : i32
    %scan3A_134 = arith.constant 5 : i32
    %scan3A_135 = arith.addi %scan3A_133, %scan3A_134 : i32
    %scan3A_136 = arith.constant 1 : i32
    scf.for %scan3A_203 = %scan3A_133 to %scan3A_135 step %scan3A_136  : i32 {
      %mul3A_204 = arith.constant 10000 : i32
      %mul3A_205 = arith.muli %add3A, %mul3A_204 : i32
      %mul3A_206 = arith.constant 2000 : i32
      %mul3A_207 = arith.muli %scan3A_203, %mul3A_206 : i32
      %add3A_208 = arith.addi %mul3A_205, %mul3A_207 : i32
      "tpu.region"() ({
        %run_scoped3A = tpu.sem_alloc : memref<!tpu.dma_semaphore, #tpu.memory_space<semaphore_mem>>
        %dma_start3A_537 = tpu.memref_slice %arg3[%add3A_208] : memref<320000xi32, #tpu.memory_space<hbm>> -> memref<2000xi32, #tpu.memory_space<hbm>>
        %dma_start3A_538 = tpu.memref_slice %arg3[%add3A_208] : memref<320000xi32, #tpu.memory_space<hbm>> -> memref<2000xi32, #tpu.memory_space<hbm>>
        tpu.enqueue_dma source(%dma_start3A_538 : memref<2000xi32, #tpu.memory_space<hbm>>) target(%arg10 : memref<2000xi32, #tpu.memory_space<vmem>>) target_semaphore(%run_scoped3A : memref<!tpu.dma_semaphore, #tpu.memory_space<semaphore_mem>>)
        %dma_wait3A_539 = tpu.memref_slice %arg3[%add3A_208] : memref<320000xi32, #tpu.memory_space<hbm>> -> memref<2000xi32, #tpu.memory_space<hbm>>
        %dma_wait3A_540 = tpu.memref_slice %arg3[%add3A_208] : memref<320000xi32, #tpu.memory_space<hbm>> -> memref<2000xi32, #tpu.memory_space<hbm>>
        tpu.wait_dma2 semaphore(%run_scoped3A : memref<!tpu.dma_semaphore, #tpu.memory_space<semaphore_mem>>) src(%dma_wait3A_540 : memref<2000xi32, #tpu.memory_space<hbm>>) dst(%arg10 : memref<2000xi32, #tpu.memory_space<vmem>>)
        tpu.yield
      }) : () -> ()
      "tpu.region"() ({
        %run_scoped3A = tpu.sem_alloc : memref<!tpu.dma_semaphore, #tpu.memory_space<semaphore_mem>>
        %dma_start3A_537 = tpu.memref_slice %arg4[%add3A_208] : memref<320000xi32, #tpu.memory_space<hbm>> -> memref<2000xi32, #tpu.memory_space<hbm>>
        %dma_start3A_538 = tpu.memref_slice %arg4[%add3A_208] : memref<320000xi32, #tpu.memory_space<hbm>> -> memref<2000xi32, #tpu.memory_space<hbm>>
        tpu.enqueue_dma source(%dma_start3A_538 : memref<2000xi32, #tpu.memory_space<hbm>>) target(%arg11 : memref<2000xi32, #tpu.memory_space<vmem>>) target_semaphore(%run_scoped3A : memref<!tpu.dma_semaphore, #tpu.memory_space<semaphore_mem>>)
        %dma_wait3A_539 = tpu.memref_slice %arg4[%add3A_208] : memref<320000xi32, #tpu.memory_space<hbm>> -> memref<2000xi32, #tpu.memory_space<hbm>>
        %dma_wait3A_540 = tpu.memref_slice %arg4[%add3A_208] : memref<320000xi32, #tpu.memory_space<hbm>> -> memref<2000xi32, #tpu.memory_space<hbm>>
        tpu.wait_dma2 semaphore(%run_scoped3A : memref<!tpu.dma_semaphore, #tpu.memory_space<semaphore_mem>>) src(%dma_wait3A_540 : memref<2000xi32, #tpu.memory_space<hbm>>) dst(%arg11 : memref<2000xi32, #tpu.memory_space<vmem>>)
        tpu.yield
      }) : () -> ()
      "tpu.region"() ({
        %run_scoped3A = tpu.sem_alloc : memref<!tpu.dma_semaphore, #tpu.memory_space<semaphore_mem>>
        %dma_start3A_537 = tpu.memref_slice %arg5[%add3A_208] : memref<320000xi32, #tpu.memory_space<hbm>> -> memref<2000xi32, #tpu.memory_space<hbm>>
        %dma_start3A_538 = tpu.memref_slice %arg5[%add3A_208] : memref<320000xi32, #tpu.memory_space<hbm>> -> memref<2000xi32, #tpu.memory_space<hbm>>
        tpu.enqueue_dma source(%dma_start3A_538 : memref<2000xi32, #tpu.memory_space<hbm>>) target(%arg12 : memref<2000xi32, #tpu.memory_space<vmem>>) target_semaphore(%run_scoped3A : memref<!tpu.dma_semaphore, #tpu.memory_space<semaphore_mem>>)
        %dma_wait3A_539 = tpu.memref_slice %arg5[%add3A_208] : memref<320000xi32, #tpu.memory_space<hbm>> -> memref<2000xi32, #tpu.memory_space<hbm>>
        %dma_wait3A_540 = tpu.memref_slice %arg5[%add3A_208] : memref<320000xi32, #tpu.memory_space<hbm>> -> memref<2000xi32, #tpu.memory_space<hbm>>
        tpu.wait_dma2 semaphore(%run_scoped3A : memref<!tpu.dma_semaphore, #tpu.memory_space<semaphore_mem>>) src(%dma_wait3A_540 : memref<2000xi32, #tpu.memory_space<hbm>>) dst(%arg12 : memref<2000xi32, #tpu.memory_space<vmem>>)
        tpu.yield
      }) : () -> ()
      "tpu.region"() ({
        %run_scoped3A = tpu.sem_alloc : memref<!tpu.dma_semaphore, #tpu.memory_space<semaphore_mem>>
        %dma_start3A_537 = tpu.memref_slice %arg6[%add3A_208] : memref<320000xf32, #tpu.memory_space<hbm>> -> memref<2000xf32, #tpu.memory_space<hbm>>
        %dma_start3A_538 = tpu.memref_slice %arg6[%add3A_208] : memref<320000xf32, #tpu.memory_space<hbm>> -> memref<2000xf32, #tpu.memory_space<hbm>>
        tpu.enqueue_dma source(%dma_start3A_538 : memref<2000xf32, #tpu.memory_space<hbm>>) target(%arg13 : memref<2000xf32, #tpu.memory_space<vmem>>) target_semaphore(%run_scoped3A : memref<!tpu.dma_semaphore, #tpu.memory_space<semaphore_mem>>)
        %dma_wait3A_539 = tpu.memref_slice %arg6[%add3A_208] : memref<320000xf32, #tpu.memory_space<hbm>> -> memref<2000xf32, #tpu.memory_space<hbm>>
        %dma_wait3A_540 = tpu.memref_slice %arg6[%add3A_208] : memref<320000xf32, #tpu.memory_space<hbm>> -> memref<2000xf32, #tpu.memory_space<hbm>>
        tpu.wait_dma2 semaphore(%run_scoped3A : memref<!tpu.dma_semaphore, #tpu.memory_space<semaphore_mem>>) src(%dma_wait3A_540 : memref<2000xf32, #tpu.memory_space<hbm>>) dst(%arg13 : memref<2000xf32, #tpu.memory_space<vmem>>)
        tpu.yield
      }) : () -> ()
      %dma_wait3A_209 = arith.constant 0 : i32
      %dma_wait3A_210 = arith.constant 0 : i32
      %dma_wait3A_211 = tpu.memref_slice %arg9[%dma_wait3A_209, %dma_wait3A_210] : memref<10240x128xf32, #tpu.memory_space<vmem_shared>> -> memref<10240x128xf32, #tpu.memory_space<vmem_shared>>
      tpu.wait_indirect_dma semaphore(%arg36 : memref<!tpu.dma_semaphore, #tpu.memory_space<semaphore_mem>>) src(%arg27 : memref<80x128xf32, #tpu.memory_space<vmem>>) dst(%dma_wait3A_211 : memref<10240x128xf32, #tpu.memory_space<vmem_shared>>)
      %get3A = arith.constant 0 : index
      %get3A_212 = tpu.vector_load %arg12[%get3A] {strides = array<i32>} : memref<2000xi32, #tpu.memory_space<vmem>>, vector<16xi32>,
      %get3A_213 = arith.constant 0 : index
      %get3A_214 = tpu.vector_load %arg10[%get3A_213] {strides = array<i32>} : memref<2000xi32, #tpu.memory_space<vmem>>, vector<16xi32>,
      %get3A_215 = arith.constant 0 : index
      %get3A_216 = tpu.vector_load %arg11[%get3A_215] {strides = array<i32>} : memref<2000xi32, #tpu.memory_space<vmem>>, vector<16xi32>,
      %mul3A_217 = arith.constant 10000 : i32
      %mul3A_218 = vector.broadcast %mul3A_217 : i32 to vector<16xi32>
      %mul3A_219 = arith.muli %get3A_212, %mul3A_218 : vector<16xi32>
      %add3A_220 = arith.addi %mul3A_219, %get3A_214 : vector<16xi32>
      %swap3A_221 = arith.constant 0 : index
      %swap3A_222 = tpu.vector_load %arg14[%swap3A_221] {strides = array<i32>} : memref<80xi32, #tpu.memory_space<vmem>>, vector<16xi32>,
      %swap3A_223 = vector.shape_cast %swap3A_222 : vector<16xi32> to vector<16xi32>
      %swap3A_224 = vector.shape_cast %add3A_220 : vector<16xi32> to vector<16xi32>
      tpu.vector_store %arg14[%swap3A_221], %swap3A_224 {strides = array<i32>} : memref<80xi32, #tpu.memory_space<vmem>>, vector<16xi32>,
      %swap3A_225 = arith.constant 0 : index
      %swap3A_226 = tpu.vector_load %arg17[%swap3A_225] {strides = array<i32>} : memref<80xi32, #tpu.memory_space<vmem>>, vector<16xi32>,
      %swap3A_227 = vector.shape_cast %swap3A_226 : vector<16xi32> to vector<16xi32>
      %swap3A_228 = vector.shape_cast %get3A_216 : vector<16xi32> to vector<16xi32>
      tpu.vector_store %arg17[%swap3A_225], %swap3A_228 {strides = array<i32>} : memref<80xi32, #tpu.memory_space<vmem>>, vector<16xi32>,
      %mul3A_229 = arith.constant 10000 : i32
      %mul3A_230 = vector.broadcast %mul3A_229 : i32 to vector<16xi32>
      %mul3A_231 = arith.muli %get3A_212, %mul3A_230 : vector<16xi32>
      %add3A_232 = arith.addi %mul3A_231, %get3A_216 : vector<16xi32>
      %swap3A_233 = arith.constant 0 : index
      %swap3A_234 = tpu.vector_load %arg20[%swap3A_233] {strides = array<i32>} : memref<80xi32, #tpu.memory_space<vmem>>, vector<16xi32>,
      %swap3A_235 = vector.shape_cast %swap3A_234 : vector<16xi32> to vector<16xi32>
      %swap3A_236 = vector.shape_cast %add3A_232 : vector<16xi32> to vector<16xi32>
      tpu.vector_store %arg20[%swap3A_233], %swap3A_236 {strides = array<i32>} : memref<80xi32, #tpu.memory_space<vmem>>, vector<16xi32>,
      %get3A_237 = arith.constant 16 : index
      %get3A_238 = tpu.vector_load %arg12[%get3A_237] {strides = array<i32>} : memref<2000xi32, #tpu.memory_space<vmem>>, vector<16xi32>,
      %get3A_239 = arith.constant 16 : index
      %get3A_240 = tpu.vector_load %arg10[%get3A_239] {strides = array<i32>} : memref<2000xi32, #tpu.memory_space<vmem>>, vector<16xi32>,
      %get3A_241 = arith.constant 16 : index
      %get3A_242 = tpu.vector_load %arg11[%get3A_241] {strides = array<i32>} : memref<2000xi32, #tpu.memory_space<vmem>>, vector<16xi32>,
      %mul3A_243 = arith.constant 10000 : i32
      %mul3A_244 = vector.broadcast %mul3A_243 : i32 to vector<16xi32>
      %mul3A_245 = arith.muli %get3A_238, %mul3A_244 : vector<16xi32>
      %add3A_246 = arith.addi %mul3A_245, %get3A_240 : vector<16xi32>
      %swap3A_247 = arith.constant 16 : index
      %swap3A_248 = tpu.vector_load %arg14[%swap3A_247] {strides = array<i32>} : memref<80xi32, #tpu.memory_space<vmem>>, vector<16xi32>,
      %swap3A_249 = vector.shape_cast %swap3A_248 : vector<16xi32> to vector<16xi32>
      %swap3A_250 = vector.shape_cast %add3A_246 : vector<16xi32> to vector<16xi32>
      tpu.vector_store %arg14[%swap3A_247], %swap3A_250 {strides = array<i32>} : memref<80xi32, #tpu.memory_space<vmem>>, vector<16xi32>,
      %swap3A_251 = arith.constant 16 : index
      %swap3A_252 = tpu.vector_load %arg17[%swap3A_251] {strides = array<i32>} : memref<80xi32, #tpu.memory_space<vmem>>, vector<16xi32>,
      %swap3A_253 = vector.shape_cast %swap3A_252 : vector<16xi32> to vector<16xi32>
      %swap3A_254 = vector.shape_cast %get3A_242 : vector<16xi32> to vector<16xi32>
      tpu.vector_store %arg17[%swap3A_251], %swap3A_254 {strides = array<i32>} : memref<80xi32, #tpu.memory_space<vmem>>, vector<16xi32>,
      %mul3A_255 = arith.constant 10000 : i32
      %mul3A_256 = vector.broadcast %mul3A_255 : i32 to vector<16xi32>
      %mul3A_257 = arith.muli %get3A_238, %mul3A_256 : vector<16xi32>
      %add3A_258 = arith.addi %mul3A_257, %get3A_242 : vector<16xi32>
      %swap3A_259 = arith.constant 16 : index
      %swap3A_260 = tpu.vector_load %arg20[%swap3A_259] {strides = array<i32>} : memref<80xi32, #tpu.memory_space<vmem>>, vector<16xi32>,
      %swap3A_261 = vector.shape_cast %swap3A_260 : vector<16xi32> to vector<16xi32>
      %swap3A_262 = vector.shape_cast %add3A_258 : vector<16xi32> to vector<16xi32>
      tpu.vector_store %arg20[%swap3A_259], %swap3A_262 {strides = array<i32>} : memref<80xi32, #tpu.memory_space<vmem>>, vector<16xi32>,
      %get3A_263 = arith.constant 32 : index
      %get3A_264 = tpu.vector_load %arg12[%get3A_263] {strides = array<i32>} : memref<2000xi32, #tpu.memory_space<vmem>>, vector<16xi32>,
      %get3A_265 = arith.constant 32 : index
      %get3A_266 = tpu.vector_load %arg10[%get3A_265] {strides = array<i32>} : memref<2000xi32, #tpu.memory_space<vmem>>, vector<16xi32>,
      %get3A_267 = arith.constant 32 : index
      %get3A_268 = tpu.vector_load %arg11[%get3A_267] {strides = array<i32>} : memref<2000xi32, #tpu.memory_space<vmem>>, vector<16xi32>,
      %mul3A_269 = arith.constant 10000 : i32
      %mul3A_270 = vector.broadcast %mul3A_269 : i32 to vector<16xi32>
      %mul3A_271 = arith.muli %get3A_264, %mul3A_270 : vector<16xi32>
      %add3A_272 = arith.addi %mul3A_271, %get3A_266 : vector<16xi32>
      %swap3A_273 = arith.constant 32 : index
      %swap3A_274 = tpu.vector_load %arg14[%swap3A_273] {strides = array<i32>} : memref<80xi32, #tpu.memory_space<vmem>>, vector<16xi32>,
      %swap3A_275 = vector.shape_cast %swap3A_274 : vector<16xi32> to vector<16xi32>
      %swap3A_276 = vector.shape_cast %add3A_272 : vector<16xi32> to vector<16xi32>
      tpu.vector_store %arg14[%swap3A_273], %swap3A_276 {strides = array<i32>} : memref<80xi32, #tpu.memory_space<vmem>>, vector<16xi32>,
      %swap3A_277 = arith.constant 32 : index
      %swap3A_278 = tpu.vector_load %arg17[%swap3A_277] {strides = array<i32>} : memref<80xi32, #tpu.memory_space<vmem>>, vector<16xi32>,
      %swap3A_279 = vector.shape_cast %swap3A_278 : vector<16xi32> to vector<16xi32>
      %swap3A_280 = vector.shape_cast %get3A_268 : vector<16xi32> to vector<16xi32>
      tpu.vector_store %arg17[%swap3A_277], %swap3A_280 {strides = array<i32>} : memref<80xi32, #tpu.memory_space<vmem>>, vector<16xi32>,
      %mul3A_281 = arith.constant 10000 : i32
      %mul3A_282 = vector.broadcast %mul3A_281 : i32 to vector<16xi32>
      %mul3A_283 = arith.muli %get3A_264, %mul3A_282 : vector<16xi32>
      %add3A_284 = arith.addi %mul3A_283, %get3A_268 : vector<16xi32>
      %swap3A_285 = arith.constant 32 : index
      %swap3A_286 = tpu.vector_load %arg20[%swap3A_285] {strides = array<i32>} : memref<80xi32, #tpu.memory_space<vmem>>, vector<16xi32>,
      %swap3A_287 = vector.shape_cast %swap3A_286 : vector<16xi32> to vector<16xi32>
      %swap3A_288 = vector.shape_cast %add3A_284 : vector<16xi32> to vector<16xi32>
      tpu.vector_store %arg20[%swap3A_285], %swap3A_288 {strides = array<i32>} : memref<80xi32, #tpu.memory_space<vmem>>, vector<16xi32>,
      %get3A_289 = arith.constant 48 : index
      %get3A_290 = tpu.vector_load %arg12[%get3A_289] {strides = array<i32>} : memref<2000xi32, #tpu.memory_space<vmem>>, vector<16xi32>,
      %get3A_291 = arith.constant 48 : index
      %get3A_292 = tpu.vector_load %arg10[%get3A_291] {strides = array<i32>} : memref<2000xi32, #tpu.memory_space<vmem>>, vector<16xi32>,
      %get3A_293 = arith.constant 48 : index
      %get3A_294 = tpu.vector_load %arg11[%get3A_293] {strides = array<i32>} : memref<2000xi32, #tpu.memory_space<vmem>>, vector<16xi32>,
      %mul3A_295 = arith.constant 10000 : i32
      %mul3A_296 = vector.broadcast %mul3A_295 : i32 to vector<16xi32>
      %mul3A_297 = arith.muli %get3A_290, %mul3A_296 : vector<16xi32>
      %add3A_298 = arith.addi %mul3A_297, %get3A_292 : vector<16xi32>
      %swap3A_299 = arith.constant 48 : index
      %swap3A_300 = tpu.vector_load %arg14[%swap3A_299] {strides = array<i32>} : memref<80xi32, #tpu.memory_space<vmem>>, vector<16xi32>,
      %swap3A_301 = vector.shape_cast %swap3A_300 : vector<16xi32> to vector<16xi32>
      %swap3A_302 = vector.shape_cast %add3A_298 : vector<16xi32> to vector<16xi32>
      tpu.vector_store %arg14[%swap3A_299], %swap3A_302 {strides = array<i32>} : memref<80xi32, #tpu.memory_space<vmem>>, vector<16xi32>,
      %swap3A_303 = arith.constant 48 : index
      %swap3A_304 = tpu.vector_load %arg17[%swap3A_303] {strides = array<i32>} : memref<80xi32, #tpu.memory_space<vmem>>, vector<16xi32>,
      %swap3A_305 = vector.shape_cast %swap3A_304 : vector<16xi32> to vector<16xi32>
      %swap3A_306 = vector.shape_cast %get3A_294 : vector<16xi32> to vector<16xi32>
      tpu.vector_store %arg17[%swap3A_303], %swap3A_306 {strides = array<i32>} : memref<80xi32, #tpu.memory_space<vmem>>, vector<16xi32>,
      %mul3A_307 = arith.constant 10000 : i32
      %mul3A_308 = vector.broadcast %mul3A_307 : i32 to vector<16xi32>
      %mul3A_309 = arith.muli %get3A_290, %mul3A_308 : vector<16xi32>
      %add3A_310 = arith.addi %mul3A_309, %get3A_294 : vector<16xi32>
      %swap3A_311 = arith.constant 48 : index
      %swap3A_312 = tpu.vector_load %arg20[%swap3A_311] {strides = array<i32>} : memref<80xi32, #tpu.memory_space<vmem>>, vector<16xi32>,
      %swap3A_313 = vector.shape_cast %swap3A_312 : vector<16xi32> to vector<16xi32>
      %swap3A_314 = vector.shape_cast %add3A_310 : vector<16xi32> to vector<16xi32>
      tpu.vector_store %arg20[%swap3A_311], %swap3A_314 {strides = array<i32>} : memref<80xi32, #tpu.memory_space<vmem>>, vector<16xi32>,
      %get3A_315 = arith.constant 64 : index
      %get3A_316 = tpu.vector_load %arg12[%get3A_315] {strides = array<i32>} : memref<2000xi32, #tpu.memory_space<vmem>>, vector<16xi32>,
      %get3A_317 = arith.constant 64 : index
      %get3A_318 = tpu.vector_load %arg10[%get3A_317] {strides = array<i32>} : memref<2000xi32, #tpu.memory_space<vmem>>, vector<16xi32>,
      %get3A_319 = arith.constant 64 : index
      %get3A_320 = tpu.vector_load %arg11[%get3A_319] {strides = array<i32>} : memref<2000xi32, #tpu.memory_space<vmem>>, vector<16xi32>,
      %mul3A_321 = arith.constant 10000 : i32
      %mul3A_322 = vector.broadcast %mul3A_321 : i32 to vector<16xi32>
      %mul3A_323 = arith.muli %get3A_316, %mul3A_322 : vector<16xi32>
      %add3A_324 = arith.addi %mul3A_323, %get3A_318 : vector<16xi32>
      %swap3A_325 = arith.constant 64 : index
      %swap3A_326 = tpu.vector_load %arg14[%swap3A_325] {strides = array<i32>} : memref<80xi32, #tpu.memory_space<vmem>>, vector<16xi32>,
      %swap3A_327 = vector.shape_cast %swap3A_326 : vector<16xi32> to vector<16xi32>
      %swap3A_328 = vector.shape_cast %add3A_324 : vector<16xi32> to vector<16xi32>
      tpu.vector_store %arg14[%swap3A_325], %swap3A_328 {strides = array<i32>} : memref<80xi32, #tpu.memory_space<vmem>>, vector<16xi32>,
      %swap3A_329 = arith.constant 64 : index
      %swap3A_330 = tpu.vector_load %arg17[%swap3A_329] {strides = array<i32>} : memref<80xi32, #tpu.memory_space<vmem>>, vector<16xi32>,
      %swap3A_331 = vector.shape_cast %swap3A_330 : vector<16xi32> to vector<16xi32>
      %swap3A_332 = vector.shape_cast %get3A_320 : vector<16xi32> to vector<16xi32>
      tpu.vector_store %arg17[%swap3A_329], %swap3A_332 {strides = array<i32>} : memref<80xi32, #tpu.memory_space<vmem>>, vector<16xi32>,
      %mul3A_333 = arith.constant 10000 : i32
      %mul3A_334 = vector.broadcast %mul3A_333 : i32 to vector<16xi32>
      %mul3A_335 = arith.muli %get3A_316, %mul3A_334 : vector<16xi32>
      %add3A_336 = arith.addi %mul3A_335, %get3A_320 : vector<16xi32>
      %swap3A_337 = arith.constant 64 : index
      %swap3A_338 = tpu.vector_load %arg20[%swap3A_337] {strides = array<i32>} : memref<80xi32, #tpu.memory_space<vmem>>, vector<16xi32>,
      %swap3A_339 = vector.shape_cast %swap3A_338 : vector<16xi32> to vector<16xi32>
      %swap3A_340 = vector.shape_cast %add3A_336 : vector<16xi32> to vector<16xi32>
      tpu.vector_store %arg20[%swap3A_337], %swap3A_340 {strides = array<i32>} : memref<80xi32, #tpu.memory_space<vmem>>, vector<16xi32>,
      %dma_start3A_341 = arith.constant 0 : i32
      %dma_start3A_342 = arith.constant 0 : i32
      %dma_start3A_343 = tpu.memref_slice %arg2[%dma_start3A_341, %dma_start3A_342] : memref<30000x128xf32, #tpu.memory_space<hbm>> -> memref<30000x128xf32, #tpu.memory_space<hbm>>
      tpu.enqueue_indirect_dma source(%dma_start3A_343 : memref<30000x128xf32, #tpu.memory_space<hbm>>) target(%arg27 : memref<80x128xf32, #tpu.memory_space<vmem>>) offsets(%arg14 : memref<80xi32, #tpu.memory_space<vmem>>) semaphore(%arg30 : memref<!tpu.dma_semaphore, #tpu.memory_space<semaphore_mem>>)
      %dma_start3A_344 = arith.constant 0 : i32
      %dma_start3A_345 = tpu.memref_slice %arg7[%dma_start3A_344] : memref<30208xf32, #tpu.memory_space<hbm>> -> memref<30208xf32, #tpu.memory_space<hbm>>
      tpu.enqueue_indirect_dma source(%dma_start3A_345 : memref<30208xf32, #tpu.memory_space<hbm>>) target(%arg23 : memref<80xf32, #tpu.memory_space<vmem>>) offsets(%arg20 : memref<80xi32, #tpu.memory_space<vmem>>) semaphore(%arg33 : memref<!tpu.dma_semaphore, #tpu.memory_space<semaphore_mem>>)
      %dma_wait3A_346 = arith.constant 0 : i32
      %dma_wait3A_347 = arith.constant 0 : i32
      %dma_wait3A_348 = tpu.memref_slice %arg9[%dma_wait3A_346, %dma_wait3A_347] : memref<10240x128xf32, #tpu.memory_space<vmem_shared>> -> memref<10240x128xf32, #tpu.memory_space<vmem_shared>>
      tpu.wait_indirect_dma semaphore(%arg37 : memref<!tpu.dma_semaphore, #tpu.memory_space<semaphore_mem>>) src(%arg28 : memref<80x128xf32, #tpu.memory_space<vmem>>) dst(%dma_wait3A_348 : memref<10240x128xf32, #tpu.memory_space<vmem_shared>>)
      %get3A_349 = arith.constant 80 : index
      %get3A_350 = tpu.vector_load %arg12[%get3A_349] {strides = array<i32>} : memref<2000xi32, #tpu.memory_space<vmem>>, vector<16xi32>,
      %get3A_351 = arith.constant 80 : index
      %get3A_352 = tpu.vector_load %arg10[%get3A_351] {strides = array<i32>} : memref<2000xi32, #tpu.memory_space<vmem>>, vector<16xi32>,
      %get3A_353 = arith.constant 80 : index
      %get3A_354 = tpu.vector_load %arg11[%get3A_353] {strides = array<i32>} : memref<2000xi32, #tpu.memory_space<vmem>>, vector<16xi32>,
      %mul3A_355 = arith.constant 10000 : i32
      %mul3A_356 = vector.broadcast %mul3A_355 : i32 to vector<16xi32>
      %mul3A_357 = arith.muli %get3A_350, %mul3A_356 : vector<16xi32>
      %add3A_358 = arith.addi %mul3A_357, %get3A_352 : vector<16xi32>
      %swap3A_359 = arith.constant 0 : index
      %swap3A_360 = tpu.vector_load %arg15[%swap3A_359] {strides = array<i32>} : memref<80xi32, #tpu.memory_space<vmem>>, vector<16xi32>,
      %swap3A_361 = vector.shape_cast %swap3A_360 : vector<16xi32> to vector<16xi32>
      %swap3A_362 = vector.shape_cast %add3A_358 : vector<16xi32> to vector<16xi32>
      tpu.vector_store %arg15[%swap3A_359], %swap3A_362 {strides = array<i32>} : memref<80xi32, #tpu.memory_space<vmem>>, vector<16xi32>,
      %swap3A_363 = arith.constant 0 : index
      %swap3A_364 = tpu.vector_load %arg18[%swap3A_363] {strides = array<i32>} : memref<80xi32, #tpu.memory_space<vmem>>, vector<16xi32>,
      %swap3A_365 = vector.shape_cast %swap3A_364 : vector<16xi32> to vector<16xi32>
      %swap3A_366 = vector.shape_cast %get3A_354 : vector<16xi32> to vector<16xi32>
      tpu.vector_store %arg18[%swap3A_363], %swap3A_366 {strides = array<i32>} : memref<80xi32, #tpu.memory_space<vmem>>, vector<16xi32>,
      %mul3A_367 = arith.constant 10000 : i32
      %mul3A_368 = vector.broadcast %mul3A_367 : i32 to vector<16xi32>
      %mul3A_369 = arith.muli %get3A_350, %mul3A_368 : vector<16xi32>
      %add3A_370 = arith.addi %mul3A_369, %get3A_354 : vector<16xi32>
      %swap3A_371 = arith.constant 0 : index
      %swap3A_372 = tpu.vector_load %arg21[%swap3A_371] {strides = array<i32>} : memref<80xi32, #tpu.memory_space<vmem>>, vector<16xi32>,
      %swap3A_373 = vector.shape_cast %swap3A_372 : vector<16xi32> to vector<16xi32>
      %swap3A_374 = vector.shape_cast %add3A_370 : vector<16xi32> to vector<16xi32>
      tpu.vector_store %arg21[%swap3A_371], %swap3A_374 {strides = array<i32>} : memref<80xi32, #tpu.memory_space<vmem>>, vector<16xi32>,
      %get3A_375 = arith.constant 96 : index
      %get3A_376 = tpu.vector_load %arg12[%get3A_375] {strides = array<i32>} : memref<2000xi32, #tpu.memory_space<vmem>>, vector<16xi32>,
      %get3A_377 = arith.constant 96 : index
      %get3A_378 = tpu.vector_load %arg10[%get3A_377] {strides = array<i32>} : memref<2000xi32, #tpu.memory_space<vmem>>, vector<16xi32>,
      %get3A_379 = arith.constant 96 : index
      %get3A_380 = tpu.vector_load %arg11[%get3A_379] {strides = array<i32>} : memref<2000xi32, #tpu.memory_space<vmem>>, vector<16xi32>,
      %mul3A_381 = arith.constant 10000 : i32
      %mul3A_382 = vector.broadcast %mul3A_381 : i32 to vector<16xi32>
      %mul3A_383 = arith.muli %get3A_376, %mul3A_382 : vector<16xi32>
      %add3A_384 = arith.addi %mul3A_383, %get3A_378 : vector<16xi32>
      %swap3A_385 = arith.constant 16 : index
      %swap3A_386 = tpu.vector_load %arg15[%swap3A_385] {strides = array<i32>} : memref<80xi32, #tpu.memory_space<vmem>>, vector<16xi32>,
      %swap3A_387 = vector.shape_cast %swap3A_386 : vector<16xi32> to vector<16xi32>
      %swap3A_388 = vector.shape_cast %add3A_384 : vector<16xi32> to vector<16xi32>
      tpu.vector_store %arg15[%swap3A_385], %swap3A_388 {strides = array<i32>} : memref<80xi32, #tpu.memory_space<vmem>>, vector<16xi32>,
      %swap3A_389 = arith.constant 16 : index
      %swap3A_390 = tpu.vector_load %arg18[%swap3A_389] {strides = array<i32>} : memref<80xi32, #tpu.memory_space<vmem>>, vector<16xi32>,
      %swap3A_391 = vector.shape_cast %swap3A_390 : vector<16xi32> to vector<16xi32>
      %swap3A_392 = vector.shape_cast %get3A_380 : vector<16xi32> to vector<16xi32>
      tpu.vector_store %arg18[%swap3A_389], %swap3A_392 {strides = array<i32>} : memref<80xi32, #tpu.memory_space<vmem>>, vector<16xi32>,
      %mul3A_393 = arith.constant 10000 : i32
      %mul3A_394 = vector.broadcast %mul3A_393 : i32 to vector<16xi32>
      %mul3A_395 = arith.muli %get3A_376, %mul3A_394 : vector<16xi32>
      %add3A_396 = arith.addi %mul3A_395, %get3A_380 : vector<16xi32>
      %swap3A_397 = arith.constant 16 : index
      %swap3A_398 = tpu.vector_load %arg21[%swap3A_397] {strides = array<i32>} : memref<80xi32, #tpu.memory_space<vmem>>, vector<16xi32>,
      %swap3A_399 = vector.shape_cast %swap3A_398 : vector<16xi32> to vector<16xi32>
      %swap3A_400 = vector.shape_cast %add3A_396 : vector<16xi32> to vector<16xi32>
      tpu.vector_store %arg21[%swap3A_397], %swap3A_400 {strides = array<i32>} : memref<80xi32, #tpu.memory_space<vmem>>, vector<16xi32>,
      %get3A_401 = arith.constant 112 : index
      %get3A_402 = tpu.vector_load %arg12[%get3A_401] {strides = array<i32>} : memref<2000xi32, #tpu.memory_space<vmem>>, vector<16xi32>,
      %get3A_403 = arith.constant 112 : index
      %get3A_404 = tpu.vector_load %arg10[%get3A_403] {strides = array<i32>} : memref<2000xi32, #tpu.memory_space<vmem>>, vector<16xi32>,
      %get3A_405 = arith.constant 112 : index
      %get3A_406 = tpu.vector_load %arg11[%get3A_405] {strides = array<i32>} : memref<2000xi32, #tpu.memory_space<vmem>>, vector<16xi32>,
      %mul3A_407 = arith.constant 10000 : i32
      %mul3A_408 = vector.broadcast %mul3A_407 : i32 to vector<16xi32>
      %mul3A_409 = arith.muli %get3A_402, %mul3A_408 : vector<16xi32>
      %add3A_410 = arith.addi %mul3A_409, %get3A_404 : vector<16xi32>
      %swap3A_411 = arith.constant 32 : index
      %swap3A_412 = tpu.vector_load %arg15[%swap3A_411] {strides = array<i32>} : memref<80xi32, #tpu.memory_space<vmem>>, vector<16xi32>,
      %swap3A_413 = vector.shape_cast %swap3A_412 : vector<16xi32> to vector<16xi32>
      %swap3A_414 = vector.shape_cast %add3A_410 : vector<16xi32> to vector<16xi32>
      tpu.vector_store %arg15[%swap3A_411], %swap3A_414 {strides = array<i32>} : memref<80xi32, #tpu.memory_space<vmem>>, vector<16xi32>,
      %swap3A_415 = arith.constant 32 : index
      %swap3A_416 = tpu.vector_load %arg18[%swap3A_415] {strides = array<i32>} : memref<80xi32, #tpu.memory_space<vmem>>, vector<16xi32>,
      %swap3A_417 = vector.shape_cast %swap3A_416 : vector<16xi32> to vector<16xi32>
      %swap3A_418 = vector.shape_cast %get3A_406 : vector<16xi32> to vector<16xi32>
      tpu.vector_store %arg18[%swap3A_415], %swap3A_418 {strides = array<i32>} : memref<80xi32, #tpu.memory_space<vmem>>, vector<16xi32>,
      %mul3A_419 = arith.constant 10000 : i32
      %mul3A_420 = vector.broadcast %mul3A_419 : i32 to vector<16xi32>
      %mul3A_421 = arith.muli %get3A_402, %mul3A_420 : vector<16xi32>
      %add3A_422 = arith.addi %mul3A_421, %get3A_406 : vector<16xi32>
      %swap3A_423 = arith.constant 32 : index
      %swap3A_424 = tpu.vector_load %arg21[%swap3A_423] {strides = array<i32>} : memref<80xi32, #tpu.memory_space<vmem>>, vector<16xi32>,
      %swap3A_425 = vector.shape_cast %swap3A_424 : vector<16xi32> to vector<16xi32>
      %swap3A_426 = vector.shape_cast %add3A_422 : vector<16xi32> to vector<16xi32>
      tpu.vector_store %arg21[%swap3A_423], %swap3A_426 {strides = array<i32>} : memref<80xi32, #tpu.memory_space<vmem>>, vector<16xi32>,
      %get3A_427 = arith.constant 128 : index
      %get3A_428 = tpu.vector_load %arg12[%get3A_427] {strides = array<i32>} : memref<2000xi32, #tpu.memory_space<vmem>>, vector<16xi32>,
      %get3A_429 = arith.constant 128 : index
      %get3A_430 = tpu.vector_load %arg10[%get3A_429] {strides = array<i32>} : memref<2000xi32, #tpu.memory_space<vmem>>, vector<16xi32>,
      %get3A_431 = arith.constant 128 : index
      %get3A_432 = tpu.vector_load %arg11[%get3A_431] {strides = array<i32>} : memref<2000xi32, #tpu.memory_space<vmem>>, vector<16xi32>,
      %mul3A_433 = arith.constant 10000 : i32
      %mul3A_434 = vector.broadcast %mul3A_433 : i32 to vector<16xi32>
      %mul3A_435 = arith.muli %get3A_428, %mul3A_434 : vector<16xi32>
      %add3A_436 = arith.addi %mul3A_435, %get3A_430 : vector<16xi32>
      %swap3A_437 = arith.constant 48 : index
      %swap3A_438 = tpu.vector_load %arg15[%swap3A_437] {strides = array<i32>} : memref<80xi32, #tpu.memory_space<vmem>>, vector<16xi32>,
      %swap3A_439 = vector.shape_cast %swap3A_438 : vector<16xi32> to vector<16xi32>
      %swap3A_440 = vector.shape_cast %add3A_436 : vector<16xi32> to vector<16xi32>
      tpu.vector_store %arg15[%swap3A_437], %swap3A_440 {strides = array<i32>} : memref<80xi32, #tpu.memory_space<vmem>>, vector<16xi32>,
      %swap3A_441 = arith.constant 48 : index
      %swap3A_442 = tpu.vector_load %arg18[%swap3A_441] {strides = array<i32>} : memref<80xi32, #tpu.memory_space<vmem>>, vector<16xi32>,
      %swap3A_443 = vector.shape_cast %swap3A_442 : vector<16xi32> to vector<16xi32>
      %swap3A_444 = vector.shape_cast %get3A_432 : vector<16xi32> to vector<16xi32>
      tpu.vector_store %arg18[%swap3A_441], %swap3A_444 {strides = array<i32>} : memref<80xi32, #tpu.memory_space<vmem>>, vector<16xi32>,
      %mul3A_445 = arith.constant 10000 : i32
      %mul3A_446 = vector.broadcast %mul3A_445 : i32 to vector<16xi32>
      %mul3A_447 = arith.muli %get3A_428, %mul3A_446 : vector<16xi32>
      %add3A_448 = arith.addi %mul3A_447, %get3A_432 : vector<16xi32>
      %swap3A_449 = arith.constant 48 : index
      %swap3A_450 = tpu.vector_load %arg21[%swap3A_449] {strides = array<i32>} : memref<80xi32, #tpu.memory_space<vmem>>, vector<16xi32>,
      %swap3A_451 = vector.shape_cast %swap3A_450 : vector<16xi32> to vector<16xi32>
      %swap3A_452 = vector.shape_cast %add3A_448 : vector<16xi32> to vector<16xi32>
      tpu.vector_store %arg21[%swap3A_449], %swap3A_452 {strides = array<i32>} : memref<80xi32, #tpu.memory_space<vmem>>, vector<16xi32>,
      %get3A_453 = arith.constant 144 : index
      %get3A_454 = tpu.vector_load %arg12[%get3A_453] {strides = array<i32>} : memref<2000xi32, #tpu.memory_space<vmem>>, vector<16xi32>,
      %get3A_455 = arith.constant 144 : index
      %get3A_456 = tpu.vector_load %arg10[%get3A_455] {strides = array<i32>} : memref<2000xi32, #tpu.memory_space<vmem>>, vector<16xi32>,
      %get3A_457 = arith.constant 144 : index
      %get3A_458 = tpu.vector_load %arg11[%get3A_457] {strides = array<i32>} : memref<2000xi32, #tpu.memory_space<vmem>>, vector<16xi32>,
      %mul3A_459 = arith.constant 10000 : i32
      %mul3A_460 = vector.broadcast %mul3A_459 : i32 to vector<16xi32>
      %mul3A_461 = arith.muli %get3A_454, %mul3A_460 : vector<16xi32>
      %add3A_462 = arith.addi %mul3A_461, %get3A_456 : vector<16xi32>
      %swap3A_463 = arith.constant 64 : index
      %swap3A_464 = tpu.vector_load %arg15[%swap3A_463] {strides = array<i32>} : memref<80xi32, #tpu.memory_space<vmem>>, vector<16xi32>,
      %swap3A_465 = vector.shape_cast %swap3A_464 : vector<16xi32> to vector<16xi32>
      %swap3A_466 = vector.shape_cast %add3A_462 : vector<16xi32> to vector<16xi32>
      tpu.vector_store %arg15[%swap3A_463], %swap3A_466 {strides = array<i32>} : memref<80xi32, #tpu.memory_space<vmem>>, vector<16xi32>,
      %swap3A_467 = arith.constant 64 : index
      %swap3A_468 = tpu.vector_load %arg18[%swap3A_467] {strides = array<i32>} : memref<80xi32, #tpu.memory_space<vmem>>, vector<16xi32>,
      %swap3A_469 = vector.shape_cast %swap3A_468 : vector<16xi32> to vector<16xi32>
      %swap3A_470 = vector.shape_cast %get3A_458 : vector<16xi32> to vector<16xi32>
      tpu.vector_store %arg18[%swap3A_467], %swap3A_470 {strides = array<i32>} : memref<80xi32, #tpu.memory_space<vmem>>, vector<16xi32>,
      %mul3A_471 = arith.constant 10000 : i32
      %mul3A_472 = vector.broadcast %mul3A_471 : i32 to vector<16xi32>
      %mul3A_473 = arith.muli %get3A_454, %mul3A_472 : vector<16xi32>
      %add3A_474 = arith.addi %mul3A_473, %get3A_458 : vector<16xi32>
      %swap3A_475 = arith.constant 64 : index
      %swap3A_476 = tpu.vector_load %arg21[%swap3A_475] {strides = array<i32>} : memref<80xi32, #tpu.memory_space<vmem>>, vector<16xi32>,
      %swap3A_477 = vector.shape_cast %swap3A_476 : vector<16xi32> to vector<16xi32>
      %swap3A_478 = vector.shape_cast %add3A_474 : vector<16xi32> to vector<16xi32>
      tpu.vector_store %arg21[%swap3A_475], %swap3A_478 {strides = array<i32>} : memref<80xi32, #tpu.memory_space<vmem>>, vector<16xi32>,
      %dma_start3A_479 = arith.constant 0 : i32
      %dma_start3A_480 = arith.constant 0 : i32
      %dma_start3A_481 = tpu.memref_slice %arg2[%dma_start3A_479, %dma_start3A_480] : memref<30000x128xf32, #tpu.memory_space<hbm>> -> memref<30000x128xf32, #tpu.memory_space<hbm>>
      tpu.enqueue_indirect_dma source(%dma_start3A_481 : memref<30000x128xf32, #tpu.memory_space<hbm>>) target(%arg28 : memref<80x128xf32, #tpu.memory_space<vmem>>) offsets(%arg15 : memref<80xi32, #tpu.memory_space<vmem>>) semaphore(%arg31 : memref<!tpu.dma_semaphore, #tpu.memory_space<semaphore_mem>>)
      %dma_start3A_482 = arith.constant 0 : i32
      %dma_start3A_483 = tpu.memref_slice %arg7[%dma_start3A_482] : memref<30208xf32, #tpu.memory_space<hbm>> -> memref<30208xf32, #tpu.memory_space<hbm>>
      tpu.enqueue_indirect_dma source(%dma_start3A_483 : memref<30208xf32, #tpu.memory_space<hbm>>) target(%arg24 : memref<80xf32, #tpu.memory_space<vmem>>) offsets(%arg21 : memref<80xi32, #tpu.memory_space<vmem>>) semaphore(%arg34 : memref<!tpu.dma_semaphore, #tpu.memory_space<semaphore_mem>>)
      %scan3A_484 = arith.constant 0 : i32
      %scan3A_485 = arith.constant 8 : i32
      %scan3A_486 = arith.addi %scan3A_484, %scan3A_485 : i32
      %scan3A_487 = arith.constant 1 : i32
      scf.for %scan3A_537 = %scan3A_484 to %scan3A_486 step %scan3A_487  : i32 {
        %mul3A_538 = arith.constant 3 : i32
        %mul3A_539 = arith.muli %scan3A_537, %mul3A_538 : i32
        %add3A_540 = arith.constant 0 : i32
        %add3A_541 = arith.addi %mul3A_539, %add3A_540 : i32
        %mul3A_542 = arith.constant 80 : i32
        %mul3A_543 = arith.muli %add3A_541, %mul3A_542 : i32
        %dma_wait3A_544 = arith.constant 0 : i32
        %dma_wait3A_545 = arith.constant 0 : i32
        %dma_wait3A_546 = tpu.memref_slice %arg2[%dma_wait3A_544, %dma_wait3A_545] : memref<30000x128xf32, #tpu.memory_space<hbm>> -> memref<30000x128xf32, #tpu.memory_space<hbm>>
        tpu.wait_indirect_dma semaphore(%arg30 : memref<!tpu.dma_semaphore, #tpu.memory_space<semaphore_mem>>) src(%dma_wait3A_546 : memref<30000x128xf32, #tpu.memory_space<hbm>>) dst(%arg27 : memref<80x128xf32, #tpu.memory_space<vmem>>)
        %dma_wait3A_547 = arith.constant 0 : i32
        %dma_wait3A_548 = tpu.memref_slice %arg7[%dma_wait3A_547] : memref<30208xf32, #tpu.memory_space<hbm>> -> memref<30208xf32, #tpu.memory_space<hbm>>
        tpu.wait_indirect_dma semaphore(%arg33 : memref<!tpu.dma_semaphore, #tpu.memory_space<semaphore_mem>>) src(%dma_wait3A_548 : memref<30208xf32, #tpu.memory_space<hbm>>) dst(%arg23 : memref<80xf32, #tpu.memory_space<vmem>>)
        %add3A_549 = arith.constant 0 : i32
        %add3A_550 = arith.addi %mul3A_543, %add3A_549 : i32
        %get3A_551 = arith.index_cast %add3A_550 : i32 to index
        %get3A_552 = tpu.vector_load %arg13[%get3A_551] {strides = array<i32>} : memref<2000xf32, #tpu.memory_space<vmem>>, vector<16xf32>,
        %get3A_553 = arith.constant 0 : index
        %get3A_554 = tpu.vector_load %arg23[%get3A_553] {strides = array<i32>} : memref<80xf32, #tpu.memory_space<vmem>>, vector<16xf32>,
        %mul3A_555 = arith.mulf %get3A_552, %get3A_554 : vector<16xf32>
        %swap3A_556 = arith.constant 0 : index
        %swap3A_557 = tpu.vector_load %arg26[%swap3A_556] {strides = array<i32>} : memref<80xf32, #tpu.memory_space<vmem>>, vector<16xf32>,
        tpu.vector_store %arg26[%swap3A_556], %mul3A_555 {strides = array<i32>} : memref<80xf32, #tpu.memory_space<vmem>>, vector<16xf32>,
        %add3A_558 = arith.constant 16 : i32
        %add3A_559 = arith.addi %mul3A_543, %add3A_558 : i32
        %get3A_560 = arith.index_cast %add3A_559 : i32 to index
        %get3A_561 = tpu.vector_load %arg13[%get3A_560] {strides = array<i32>} : memref<2000xf32, #tpu.memory_space<vmem>>, vector<16xf32>,
        %get3A_562 = arith.constant 16 : index
        %get3A_563 = tpu.vector_load %arg23[%get3A_562] {strides = array<i32>} : memref<80xf32, #tpu.memory_space<vmem>>, vector<16xf32>,
        %mul3A_564 = arith.mulf %get3A_561, %get3A_563 : vector<16xf32>
        %swap3A_565 = arith.constant 16 : index
        %swap3A_566 = tpu.vector_load %arg26[%swap3A_565] {strides = array<i32>} : memref<80xf32, #tpu.memory_space<vmem>>, vector<16xf32>,
        tpu.vector_store %arg26[%swap3A_565], %mul3A_564 {strides = array<i32>} : memref<80xf32, #tpu.memory_space<vmem>>, vector<16xf32>,
        %add3A_567 = arith.constant 32 : i32
        %add3A_568 = arith.addi %mul3A_543, %add3A_567 : i32
        %get3A_569 = arith.index_cast %add3A_568 : i32 to index
        %get3A_570 = tpu.vector_load %arg13[%get3A_569] {strides = array<i32>} : memref<2000xf32, #tpu.memory_space<vmem>>, vector<16xf32>,
        %get3A_571 = arith.constant 32 : index
        %get3A_572 = tpu.vector_load %arg23[%get3A_571] {strides = array<i32>} : memref<80xf32, #tpu.memory_space<vmem>>, vector<16xf32>,
        %mul3A_573 = arith.mulf %get3A_570, %get3A_572 : vector<16xf32>
        %swap3A_574 = arith.constant 32 : index
        %swap3A_575 = tpu.vector_load %arg26[%swap3A_574] {strides = array<i32>} : memref<80xf32, #tpu.memory_space<vmem>>, vector<16xf32>,
        tpu.vector_store %arg26[%swap3A_574], %mul3A_573 {strides = array<i32>} : memref<80xf32, #tpu.memory_space<vmem>>, vector<16xf32>,
        %add3A_576 = arith.constant 48 : i32
        %add3A_577 = arith.addi %mul3A_543, %add3A_576 : i32
        %get3A_578 = arith.index_cast %add3A_577 : i32 to index
        %get3A_579 = tpu.vector_load %arg13[%get3A_578] {strides = array<i32>} : memref<2000xf32, #tpu.memory_space<vmem>>, vector<16xf32>,
        %get3A_580 = arith.constant 48 : index
        %get3A_581 = tpu.vector_load %arg23[%get3A_580] {strides = array<i32>} : memref<80xf32, #tpu.memory_space<vmem>>, vector<16xf32>,
        %mul3A_582 = arith.mulf %get3A_579, %get3A_581 : vector<16xf32>
        %swap3A_583 = arith.constant 48 : index
        %swap3A_584 = tpu.vector_load %arg26[%swap3A_583] {strides = array<i32>} : memref<80xf32, #tpu.memory_space<vmem>>, vector<16xf32>,
        tpu.vector_store %arg26[%swap3A_583], %mul3A_582 {strides = array<i32>} : memref<80xf32, #tpu.memory_space<vmem>>, vector<16xf32>,
        %add3A_585 = arith.constant 64 : i32
        %add3A_586 = arith.addi %mul3A_543, %add3A_585 : i32
        %get3A_587 = arith.index_cast %add3A_586 : i32 to index
        %get3A_588 = tpu.vector_load %arg13[%get3A_587] {strides = array<i32>} : memref<2000xf32, #tpu.memory_space<vmem>>, vector<16xf32>,
        %get3A_589 = arith.constant 64 : index
        %get3A_590 = tpu.vector_load %arg23[%get3A_589] {strides = array<i32>} : memref<80xf32, #tpu.memory_space<vmem>>, vector<16xf32>,
        %mul3A_591 = arith.mulf %get3A_588, %get3A_590 : vector<16xf32>
        %swap3A_592 = arith.constant 64 : index
        %swap3A_593 = tpu.vector_load %arg26[%swap3A_592] {strides = array<i32>} : memref<80xf32, #tpu.memory_space<vmem>>, vector<16xf32>,
        tpu.vector_store %arg26[%swap3A_592], %mul3A_591 {strides = array<i32>} : memref<80xf32, #tpu.memory_space<vmem>>, vector<16xf32>,
        %scan3A_594 = arith.constant 0 : i32
        %scan3A_595 = arith.constant 20 : i32
        %scan3A_596 = arith.addi %scan3A_594, %scan3A_595 : i32
        %scan3A_597 = arith.constant 1 : i32
        scf.for %scan3A_1074 = %scan3A_594 to %scan3A_596 step %scan3A_597  : i32 {
          %mul3A_1075 = arith.constant 4 : i32
          %mul3A_1076 = arith.muli %scan3A_1074, %mul3A_1075 : i32
          %add3A_1077 = arith.constant 0 : i32
          %add3A_1078 = arith.addi %mul3A_1076, %add3A_1077 : i32
          %broadcast_in_dim3A_1079 = vector.broadcast %add3A_1078 : i32 to vector<16xi32>
          %gather3A = tpu.vector_load_idx %arg26[%broadcast_in_dim3A_1079] : memref<80xf32, #tpu.memory_space<vmem>>[vector<16xi32>], vector<16xf32>,
          %get3A_1080 = arith.index_cast %add3A_1078 : i32 to index
          %get3A_1081 = arith.constant 0 : index
          %get3A_1082 = tpu.vector_load %arg27[%get3A_1080, %get3A_1081] {strides = array<i32>} : memref<80x128xf32, #tpu.memory_space<vmem>>, vector<16xf32>,
          %mul3A_1083 = arith.mulf %get3A_1082, %gather3A : vector<16xf32>
          %swap3A_1084 = arith.index_cast %add3A_1078 : i32 to index
          %swap3A_1085 = arith.constant 0 : index
          %swap3A_1086 = tpu.vector_load %arg27[%swap3A_1084, %swap3A_1085] {strides = array<i32>} : memref<80x128xf32, #tpu.memory_space<vmem>>, vector<16xf32>,
          tpu.vector_store %arg27[%swap3A_1084, %swap3A_1085], %mul3A_1083 {strides = array<i32>} : memref<80x128xf32, #tpu.memory_space<vmem>>, vector<16xf32>,
          %get3A_1087 = arith.index_cast %add3A_1078 : i32 to index
          %get3A_1088 = arith.constant 16 : index
          %get3A_1089 = tpu.vector_load %arg27[%get3A_1087, %get3A_1088] {strides = array<i32>} : memref<80x128xf32, #tpu.memory_space<vmem>>, vector<16xf32>,
          %mul3A_1090 = arith.mulf %get3A_1089, %gather3A : vector<16xf32>
          %swap3A_1091 = arith.index_cast %add3A_1078 : i32 to index
          %swap3A_1092 = arith.constant 16 : index
          %swap3A_1093 = tpu.vector_load %arg27[%swap3A_1091, %swap3A_1092] {strides = array<i32>} : memref<80x128xf32, #tpu.memory_space<vmem>>, vector<16xf32>,
          tpu.vector_store %arg27[%swap3A_1091, %swap3A_1092], %mul3A_1090 {strides = array<i32>} : memref<80x128xf32, #tpu.memory_space<vmem>>, vector<16xf32>,
          %get3A_1094 = arith.index_cast %add3A_1078 : i32 to index
          %get3A_1095 = arith.constant 32 : index
          %get3A_1096 = tpu.vector_load %arg27[%get3A_1094, %get3A_1095] {strides = array<i32>} : memref<80x128xf32, #tpu.memory_space<vmem>>, vector<16xf32>,
          %mul3A_1097 = arith.mulf %get3A_1096, %gather3A : vector<16xf32>
          %swap3A_1098 = arith.index_cast %add3A_1078 : i32 to index
          %swap3A_1099 = arith.constant 32 : index
          %swap3A_1100 = tpu.vector_load %arg27[%swap3A_1098, %swap3A_1099] {strides = array<i32>} : memref<80x128xf32, #tpu.memory_space<vmem>>, vector<16xf32>,
          tpu.vector_store %arg27[%swap3A_1098, %swap3A_1099], %mul3A_1097 {strides = array<i32>} : memref<80x128xf32, #tpu.memory_space<vmem>>, vector<16xf32>,
          %get3A_1101 = arith.index_cast %add3A_1078 : i32 to index
          %get3A_1102 = arith.constant 48 : index
          %get3A_1103 = tpu.vector_load %arg27[%get3A_1101, %get3A_1102] {strides = array<i32>} : memref<80x128xf32, #tpu.memory_space<vmem>>, vector<16xf32>,
          %mul3A_1104 = arith.mulf %get3A_1103, %gather3A : vector<16xf32>
          %swap3A_1105 = arith.index_cast %add3A_1078 : i32 to index
          %swap3A_1106 = arith.constant 48 : index
          %swap3A_1107 = tpu.vector_load %arg27[%swap3A_1105, %swap3A_1106] {strides = array<i32>} : memref<80x128xf32, #tpu.memory_space<vmem>>, vector<16xf32>,
          tpu.vector_store %arg27[%swap3A_1105, %swap3A_1106], %mul3A_1104 {strides = array<i32>} : memref<80x128xf32, #tpu.memory_space<vmem>>, vector<16xf32>,
          %get3A_1108 = arith.index_cast %add3A_1078 : i32 to index
          %get3A_1109 = arith.constant 64 : index
          %get3A_1110 = tpu.vector_load %arg27[%get3A_1108, %get3A_1109] {strides = array<i32>} : memref<80x128xf32, #tpu.memory_space<vmem>>, vector<16xf32>,
          %mul3A_1111 = arith.mulf %get3A_1110, %gather3A : vector<16xf32>
          %swap3A_1112 = arith.index_cast %add3A_1078 : i32 to index
          %swap3A_1113 = arith.constant 64 : index
          %swap3A_1114 = tpu.vector_load %arg27[%swap3A_1112, %swap3A_1113] {strides = array<i32>} : memref<80x128xf32, #tpu.memory_space<vmem>>, vector<16xf32>,
          tpu.vector_store %arg27[%swap3A_1112, %swap3A_1113], %mul3A_1111 {strides = array<i32>} : memref<80x128xf32, #tpu.memory_space<vmem>>, vector<16xf32>,
          %get3A_1115 = arith.index_cast %add3A_1078 : i32 to index
          %get3A_1116 = arith.constant 80 : index
          %get3A_1117 = tpu.vector_load %arg27[%get3A_1115, %get3A_1116] {strides = array<i32>} : memref<80x128xf32, #tpu.memory_space<vmem>>, vector<16xf32>,
          %mul3A_1118 = arith.mulf %get3A_1117, %gather3A : vector<16xf32>
          %swap3A_1119 = arith.index_cast %add3A_1078 : i32 to index
          %swap3A_1120 = arith.constant 80 : index
          %swap3A_1121 = tpu.vector_load %arg27[%swap3A_1119, %swap3A_1120] {strides = array<i32>} : memref<80x128xf32, #tpu.memory_space<vmem>>, vector<16xf32>,
          tpu.vector_store %arg27[%swap3A_1119, %swap3A_1120], %mul3A_1118 {strides = array<i32>} : memref<80x128xf32, #tpu.memory_space<vmem>>, vector<16xf32>,
          %get3A_1122 = arith.index_cast %add3A_1078 : i32 to index
          %get3A_1123 = arith.constant 96 : index
          %get3A_1124 = tpu.vector_load %arg27[%get3A_1122, %get3A_1123] {strides = array<i32>} : memref<80x128xf32, #tpu.memory_space<vmem>>, vector<16xf32>,
          %mul3A_1125 = arith.mulf %get3A_1124, %gather3A : vector<16xf32>
          %swap3A_1126 = arith.index_cast %add3A_1078 : i32 to index
          %swap3A_1127 = arith.constant 96 : index
          %swap3A_1128 = tpu.vector_load %arg27[%swap3A_1126, %swap3A_1127] {strides = array<i32>} : memref<80x128xf32, #tpu.memory_space<vmem>>, vector<16xf32>,
          tpu.vector_store %arg27[%swap3A_1126, %swap3A_1127], %mul3A_1125 {strides = array<i32>} : memref<80x128xf32, #tpu.memory_space<vmem>>, vector<16xf32>,
          %get3A_1129 = arith.index_cast %add3A_1078 : i32 to index
          %get3A_1130 = arith.constant 112 : index
          %get3A_1131 = tpu.vector_load %arg27[%get3A_1129, %get3A_1130] {strides = array<i32>} : memref<80x128xf32, #tpu.memory_space<vmem>>, vector<16xf32>,
          %mul3A_1132 = arith.mulf %get3A_1131, %gather3A : vector<16xf32>
          %swap3A_1133 = arith.index_cast %add3A_1078 : i32 to index
          %swap3A_1134 = arith.constant 112 : index
          %swap3A_1135 = tpu.vector_load %arg27[%swap3A_1133, %swap3A_1134] {strides = array<i32>} : memref<80x128xf32, #tpu.memory_space<vmem>>, vector<16xf32>,
          tpu.vector_store %arg27[%swap3A_1133, %swap3A_1134], %mul3A_1132 {strides = array<i32>} : memref<80x128xf32, #tpu.memory_space<vmem>>, vector<16xf32>,
          %mul3A_1136 = arith.constant 4 : i32
          %mul3A_1137 = arith.muli %scan3A_1074, %mul3A_1136 : i32
          %add3A_1138 = arith.constant 1 : i32
          %add3A_1139 = arith.addi %mul3A_1137, %add3A_1138 : i32
          %broadcast_in_dim3A_1140 = vector.broadcast %add3A_1139 : i32 to vector<16xi32>
          %gather3A_1141 = tpu.vector_load_idx %arg26[%broadcast_in_dim3A_1140] : memref<80xf32, #tpu.memory_space<vmem>>[vector<16xi32>], vector<16xf32>,
          %get3A_1142 = arith.index_cast %add3A_1139 : i32 to index
          %get3A_1143 = arith.constant 0 : index
          %get3A_1144 = tpu.vector_load %arg27[%get3A_1142, %get3A_1143] {strides = array<i32>} : memref<80x128xf32, #tpu.memory_space<vmem>>, vector<16xf32>,
          %mul3A_1145 = arith.mulf %get3A_1144, %gather3A_1141 : vector<16xf32>
          %swap3A_1146 = arith.index_cast %add3A_1139 : i32 to index
          %swap3A_1147 = arith.constant 0 : index
          %swap3A_1148 = tpu.vector_load %arg27[%swap3A_1146, %swap3A_1147] {strides = array<i32>} : memref<80x128xf32, #tpu.memory_space<vmem>>, vector<16xf32>,
          tpu.vector_store %arg27[%swap3A_1146, %swap3A_1147], %mul3A_1145 {strides = array<i32>} : memref<80x128xf32, #tpu.memory_space<vmem>>, vector<16xf32>,
          %get3A_1149 = arith.index_cast %add3A_1139 : i32 to index
          %get3A_1150 = arith.constant 16 : index
          %get3A_1151 = tpu.vector_load %arg27[%get3A_1149, %get3A_1150] {strides = array<i32>} : memref<80x128xf32, #tpu.memory_space<vmem>>, vector<16xf32>,
          %mul3A_1152 = arith.mulf %get3A_1151, %gather3A_1141 : vector<16xf32>
          %swap3A_1153 = arith.index_cast %add3A_1139 : i32 to index
          %swap3A_1154 = arith.constant 16 : index
          %swap3A_1155 = tpu.vector_load %arg27[%swap3A_1153, %swap3A_1154] {strides = array<i32>} : memref<80x128xf32, #tpu.memory_space<vmem>>, vector<16xf32>,
          tpu.vector_store %arg27[%swap3A_1153, %swap3A_1154], %mul3A_1152 {strides = array<i32>} : memref<80x128xf32, #tpu.memory_space<vmem>>, vector<16xf32>,
          %get3A_1156 = arith.index_cast %add3A_1139 : i32 to index
          %get3A_1157 = arith.constant 32 : index
          %get3A_1158 = tpu.vector_load %arg27[%get3A_1156, %get3A_1157] {strides = array<i32>} : memref<80x128xf32, #tpu.memory_space<vmem>>, vector<16xf32>,
          %mul3A_1159 = arith.mulf %get3A_1158, %gather3A_1141 : vector<16xf32>
          %swap3A_1160 = arith.index_cast %add3A_1139 : i32 to index
          %swap3A_1161 = arith.constant 32 : index
          %swap3A_1162 = tpu.vector_load %arg27[%swap3A_1160, %swap3A_1161] {strides = array<i32>} : memref<80x128xf32, #tpu.memory_space<vmem>>, vector<16xf32>,
          tpu.vector_store %arg27[%swap3A_1160, %swap3A_1161], %mul3A_1159 {strides = array<i32>} : memref<80x128xf32, #tpu.memory_space<vmem>>, vector<16xf32>,
          %get3A_1163 = arith.index_cast %add3A_1139 : i32 to index
          %get3A_1164 = arith.constant 48 : index
          %get3A_1165 = tpu.vector_load %arg27[%get3A_1163, %get3A_1164] {strides = array<i32>} : memref<80x128xf32, #tpu.memory_space<vmem>>, vector<16xf32>,
          %mul3A_1166 = arith.mulf %get3A_1165, %gather3A_1141 : vector<16xf32>
          %swap3A_1167 = arith.index_cast %add3A_1139 : i32 to index
          %swap3A_1168 = arith.constant 48 : index
          %swap3A_1169 = tpu.vector_load %arg27[%swap3A_1167, %swap3A_1168] {strides = array<i32>} : memref<80x128xf32, #tpu.memory_space<vmem>>, vector<16xf32>,
          tpu.vector_store %arg27[%swap3A_1167, %swap3A_1168], %mul3A_1166 {strides = array<i32>} : memref<80x128xf32, #tpu.memory_space<vmem>>, vector<16xf32>,
          %get3A_1170 = arith.index_cast %add3A_1139 : i32 to index
          %get3A_1171 = arith.constant 64 : index
          %get3A_1172 = tpu.vector_load %arg27[%get3A_1170, %get3A_1171] {strides = array<i32>} : memref<80x128xf32, #tpu.memory_space<vmem>>, vector<16xf32>,
          %mul3A_1173 = arith.mulf %get3A_1172, %gather3A_1141 : vector<16xf32>
          %swap3A_1174 = arith.index_cast %add3A_1139 : i32 to index
          %swap3A_1175 = arith.constant 64 : index
          %swap3A_1176 = tpu.vector_load %arg27[%swap3A_1174, %swap3A_1175] {strides = array<i32>} : memref<80x128xf32, #tpu.memory_space<vmem>>, vector<16xf32>,
          tpu.vector_store %arg27[%swap3A_1174, %swap3A_1175], %mul3A_1173 {strides = array<i32>} : memref<80x128xf32, #tpu.memory_space<vmem>>, vector<16xf32>,
          %get3A_1177 = arith.index_cast %add3A_1139 : i32 to index
          %get3A_1178 = arith.constant 80 : index
          %get3A_1179 = tpu.vector_load %arg27[%get3A_1177, %get3A_1178] {strides = array<i32>} : memref<80x128xf32, #tpu.memory_space<vmem>>, vector<16xf32>,
          %mul3A_1180 = arith.mulf %get3A_1179, %gather3A_1141 : vector<16xf32>
          %swap3A_1181 = arith.index_cast %add3A_1139 : i32 to index
          %swap3A_1182 = arith.constant 80 : index
          %swap3A_1183 = tpu.vector_load %arg27[%swap3A_1181, %swap3A_1182] {strides = array<i32>} : memref<80x128xf32, #tpu.memory_space<vmem>>, vector<16xf32>,
          tpu.vector_store %arg27[%swap3A_1181, %swap3A_1182], %mul3A_1180 {strides = array<i32>} : memref<80x128xf32, #tpu.memory_space<vmem>>, vector<16xf32>,
          %get3A_1184 = arith.index_cast %add3A_1139 : i32 to index
          %get3A_1185 = arith.constant 96 : index
          %get3A_1186 = tpu.vector_load %arg27[%get3A_1184, %get3A_1185] {strides = array<i32>} : memref<80x128xf32, #tpu.memory_space<vmem>>, vector<16xf32>,
          %mul3A_1187 = arith.mulf %get3A_1186, %gather3A_1141 : vector<16xf32>
          %swap3A_1188 = arith.index_cast %add3A_1139 : i32 to index
          %swap3A_1189 = arith.constant 96 : index
          %swap3A_1190 = tpu.vector_load %arg27[%swap3A_1188, %swap3A_1189] {strides = array<i32>} : memref<80x128xf32, #tpu.memory_space<vmem>>, vector<16xf32>,
          tpu.vector_store %arg27[%swap3A_1188, %swap3A_1189], %mul3A_1187 {strides = array<i32>} : memref<80x128xf32, #tpu.memory_space<vmem>>, vector<16xf32>,
          %get3A_1191 = arith.index_cast %add3A_1139 : i32 to index
          %get3A_1192 = arith.constant 112 : index
          %get3A_1193 = tpu.vector_load %arg27[%get3A_1191, %get3A_1192] {strides = array<i32>} : memref<80x128xf32, #tpu.memory_space<vmem>>, vector<16xf32>,
          %mul3A_1194 = arith.mulf %get3A_1193, %gather3A_1141 : vector<16xf32>
          %swap3A_1195 = arith.index_cast %add3A_1139 : i32 to index
          %swap3A_1196 = arith.constant 112 : index
          %swap3A_1197 = tpu.vector_load %arg27[%swap3A_1195, %swap3A_1196] {strides = array<i32>} : memref<80x128xf32, #tpu.memory_space<vmem>>, vector<16xf32>,
          tpu.vector_store %arg27[%swap3A_1195, %swap3A_1196], %mul3A_1194 {strides = array<i32>} : memref<80x128xf32, #tpu.memory_space<vmem>>, vector<16xf32>,
          %mul3A_1198 = arith.constant 4 : i32
          %mul3A_1199 = arith.muli %scan3A_1074, %mul3A_1198 : i32
          %add3A_1200 = arith.constant 2 : i32
          %add3A_1201 = arith.addi %mul3A_1199, %add3A_1200 : i32
          %broadcast_in_dim3A_1202 = vector.broadcast %add3A_1201 : i32 to vector<16xi32>
          %gather3A_1203 = tpu.vector_load_idx %arg26[%broadcast_in_dim3A_1202] : memref<80xf32, #tpu.memory_space<vmem>>[vector<16xi32>], vector<16xf32>,
          %get3A_1204 = arith.index_cast %add3A_1201 : i32 to index
          %get3A_1205 = arith.constant 0 : index
          %get3A_1206 = tpu.vector_load %arg27[%get3A_1204, %get3A_1205] {strides = array<i32>} : memref<80x128xf32, #tpu.memory_space<vmem>>, vector<16xf32>,
          %mul3A_1207 = arith.mulf %get3A_1206, %gather3A_1203 : vector<16xf32>
          %swap3A_1208 = arith.index_cast %add3A_1201 : i32 to index
          %swap3A_1209 = arith.constant 0 : index
          %swap3A_1210 = tpu.vector_load %arg27[%swap3A_1208, %swap3A_1209] {strides = array<i32>} : memref<80x128xf32, #tpu.memory_space<vmem>>, vector<16xf32>,
          tpu.vector_store %arg27[%swap3A_1208, %swap3A_1209], %mul3A_1207 {strides = array<i32>} : memref<80x128xf32, #tpu.memory_space<vmem>>, vector<16xf32>,
          %get3A_1211 = arith.index_cast %add3A_1201 : i32 to index
          %get3A_1212 = arith.constant 16 : index
          %get3A_1213 = tpu.vector_load %arg27[%get3A_1211, %get3A_1212] {strides = array<i32>} : memref<80x128xf32, #tpu.memory_space<vmem>>, vector<16xf32>,
          %mul3A_1214 = arith.mulf %get3A_1213, %gather3A_1203 : vector<16xf32>
          %swap3A_1215 = arith.index_cast %add3A_1201 : i32 to index
          %swap3A_1216 = arith.constant 16 : index
          %swap3A_1217 = tpu.vector_load %arg27[%swap3A_1215, %swap3A_1216] {strides = array<i32>} : memref<80x128xf32, #tpu.memory_space<vmem>>, vector<16xf32>,
          tpu.vector_store %arg27[%swap3A_1215, %swap3A_1216], %mul3A_1214 {strides = array<i32>} : memref<80x128xf32, #tpu.memory_space<vmem>>, vector<16xf32>,
          %get3A_1218 = arith.index_cast %add3A_1201 : i32 to index
          %get3A_1219 = arith.constant 32 : index
          %get3A_1220 = tpu.vector_load %arg27[%get3A_1218, %get3A_1219] {strides = array<i32>} : memref<80x128xf32, #tpu.memory_space<vmem>>, vector<16xf32>,
          %mul3A_1221 = arith.mulf %get3A_1220, %gather3A_1203 : vector<16xf32>
          %swap3A_1222 = arith.index_cast %add3A_1201 : i32 to index
          %swap3A_1223 = arith.constant 32 : index
          %swap3A_1224 = tpu.vector_load %arg27[%swap3A_1222, %swap3A_1223] {strides = array<i32>} : memref<80x128xf32, #tpu.memory_space<vmem>>, vector<16xf32>,
          tpu.vector_store %arg27[%swap3A_1222, %swap3A_1223], %mul3A_1221 {strides = array<i32>} : memref<80x128xf32, #tpu.memory_space<vmem>>, vector<16xf32>,
          %get3A_1225 = arith.index_cast %add3A_1201 : i32 to index
          %get3A_1226 = arith.constant 48 : index
          %get3A_1227 = tpu.vector_load %arg27[%get3A_1225, %get3A_1226] {strides = array<i32>} : memref<80x128xf32, #tpu.memory_space<vmem>>, vector<16xf32>,
          %mul3A_1228 = arith.mulf %get3A_1227, %gather3A_1203 : vector<16xf32>
          %swap3A_1229 = arith.index_cast %add3A_1201 : i32 to index
          %swap3A_1230 = arith.constant 48 : index
          %swap3A_1231 = tpu.vector_load %arg27[%swap3A_1229, %swap3A_1230] {strides = array<i32>} : memref<80x128xf32, #tpu.memory_space<vmem>>, vector<16xf32>,
          tpu.vector_store %arg27[%swap3A_1229, %swap3A_1230], %mul3A_1228 {strides = array<i32>} : memref<80x128xf32, #tpu.memory_space<vmem>>, vector<16xf32>,
          %get3A_1232 = arith.index_cast %add3A_1201 : i32 to index
          %get3A_1233 = arith.constant 64 : index
          %get3A_1234 = tpu.vector_load %arg27[%get3A_1232, %get3A_1233] {strides = array<i32>} : memref<80x128xf32, #tpu.memory_space<vmem>>, vector<16xf32>,
          %mul3A_1235 = arith.mulf %get3A_1234, %gather3A_1203 : vector<16xf32>
          %swap3A_1236 = arith.index_cast %add3A_1201 : i32 to index
          %swap3A_1237 = arith.constant 64 : index
          %swap3A_1238 = tpu.vector_load %arg27[%swap3A_1236, %swap3A_1237] {strides = array<i32>} : memref<80x128xf32, #tpu.memory_space<vmem>>, vector<16xf32>,
          tpu.vector_store %arg27[%swap3A_1236, %swap3A_1237], %mul3A_1235 {strides = array<i32>} : memref<80x128xf32, #tpu.memory_space<vmem>>, vector<16xf32>,
          %get3A_1239 = arith.index_cast %add3A_1201 : i32 to index
          %get3A_1240 = arith.constant 80 : index
          %get3A_1241 = tpu.vector_load %arg27[%get3A_1239, %get3A_1240] {strides = array<i32>} : memref<80x128xf32, #tpu.memory_space<vmem>>, vector<16xf32>,
          %mul3A_1242 = arith.mulf %get3A_1241, %gather3A_1203 : vector<16xf32>
          %swap3A_1243 = arith.index_cast %add3A_1201 : i32 to index
          %swap3A_1244 = arith.constant 80 : index
          %swap3A_1245 = tpu.vector_load %arg27[%swap3A_1243, %swap3A_1244] {strides = array<i32>} : memref<80x128xf32, #tpu.memory_space<vmem>>, vector<16xf32>,
          tpu.vector_store %arg27[%swap3A_1243, %swap3A_1244], %mul3A_1242 {strides = array<i32>} : memref<80x128xf32, #tpu.memory_space<vmem>>, vector<16xf32>,
          %get3A_1246 = arith.index_cast %add3A_1201 : i32 to index
          %get3A_1247 = arith.constant 96 : index
          %get3A_1248 = tpu.vector_load %arg27[%get3A_1246, %get3A_1247] {strides = array<i32>} : memref<80x128xf32, #tpu.memory_space<vmem>>, vector<16xf32>,
          %mul3A_1249 = arith.mulf %get3A_1248, %gather3A_1203 : vector<16xf32>
          %swap3A_1250 = arith.index_cast %add3A_1201 : i32 to index
          %swap3A_1251 = arith.constant 96 : index
          %swap3A_1252 = tpu.vector_load %arg27[%swap3A_1250, %swap3A_1251] {strides = array<i32>} : memref<80x128xf32, #tpu.memory_space<vmem>>, vector<16xf32>,
          tpu.vector_store %arg27[%swap3A_1250, %swap3A_1251], %mul3A_1249 {strides = array<i32>} : memref<80x128xf32, #tpu.memory_space<vmem>>, vector<16xf32>,
          %get3A_1253 = arith.index_cast %add3A_1201 : i32 to index
          %get3A_1254 = arith.constant 112 : index
          %get3A_1255 = tpu.vector_load %arg27[%get3A_1253, %get3A_1254] {strides = array<i32>} : memref<80x128xf32, #tpu.memory_space<vmem>>, vector<16xf32>,
          %mul3A_1256 = arith.mulf %get3A_1255, %gather3A_1203 : vector<16xf32>
          %swap3A_1257 = arith.index_cast %add3A_1201 : i32 to index
          %swap3A_1258 = arith.constant 112 : index
          %swap3A_1259 = tpu.vector_load %arg27[%swap3A_1257, %swap3A_1258] {strides = array<i32>} : memref<80x128xf32, #tpu.memory_space<vmem>>, vector<16xf32>,
          tpu.vector_store %arg27[%swap3A_1257, %swap3A_1258], %mul3A_1256 {strides = array<i32>} : memref<80x128xf32, #tpu.memory_space<vmem>>, vector<16xf32>,
          %mul3A_1260 = arith.constant 4 : i32
          %mul3A_1261 = arith.muli %scan3A_1074, %mul3A_1260 : i32
          %add3A_1262 = arith.constant 3 : i32
          %add3A_1263 = arith.addi %mul3A_1261, %add3A_1262 : i32
          %broadcast_in_dim3A_1264 = vector.broadcast %add3A_1263 : i32 to vector<16xi32>
          %gather3A_1265 = tpu.vector_load_idx %arg26[%broadcast_in_dim3A_1264] : memref<80xf32, #tpu.memory_space<vmem>>[vector<16xi32>], vector<16xf32>,
          %get3A_1266 = arith.index_cast %add3A_1263 : i32 to index
          %get3A_1267 = arith.constant 0 : index
          %get3A_1268 = tpu.vector_load %arg27[%get3A_1266, %get3A_1267] {strides = array<i32>} : memref<80x128xf32, #tpu.memory_space<vmem>>, vector<16xf32>,
          %mul3A_1269 = arith.mulf %get3A_1268, %gather3A_1265 : vector<16xf32>
          %swap3A_1270 = arith.index_cast %add3A_1263 : i32 to index
          %swap3A_1271 = arith.constant 0 : index
          %swap3A_1272 = tpu.vector_load %arg27[%swap3A_1270, %swap3A_1271] {strides = array<i32>} : memref<80x128xf32, #tpu.memory_space<vmem>>, vector<16xf32>,
          tpu.vector_store %arg27[%swap3A_1270, %swap3A_1271], %mul3A_1269 {strides = array<i32>} : memref<80x128xf32, #tpu.memory_space<vmem>>, vector<16xf32>,
          %get3A_1273 = arith.index_cast %add3A_1263 : i32 to index
          %get3A_1274 = arith.constant 16 : index
          %get3A_1275 = tpu.vector_load %arg27[%get3A_1273, %get3A_1274] {strides = array<i32>} : memref<80x128xf32, #tpu.memory_space<vmem>>, vector<16xf32>,
          %mul3A_1276 = arith.mulf %get3A_1275, %gather3A_1265 : vector<16xf32>
          %swap3A_1277 = arith.index_cast %add3A_1263 : i32 to index
          %swap3A_1278 = arith.constant 16 : index
          %swap3A_1279 = tpu.vector_load %arg27[%swap3A_1277, %swap3A_1278] {strides = array<i32>} : memref<80x128xf32, #tpu.memory_space<vmem>>, vector<16xf32>,
          tpu.vector_store %arg27[%swap3A_1277, %swap3A_1278], %mul3A_1276 {strides = array<i32>} : memref<80x128xf32, #tpu.memory_space<vmem>>, vector<16xf32>,
          %get3A_1280 = arith.index_cast %add3A_1263 : i32 to index
          %get3A_1281 = arith.constant 32 : index
          %get3A_1282 = tpu.vector_load %arg27[%get3A_1280, %get3A_1281] {strides = array<i32>} : memref<80x128xf32, #tpu.memory_space<vmem>>, vector<16xf32>,
          %mul3A_1283 = arith.mulf %get3A_1282, %gather3A_1265 : vector<16xf32>
          %swap3A_1284 = arith.index_cast %add3A_1263 : i32 to index
          %swap3A_1285 = arith.constant 32 : index
          %swap3A_1286 = tpu.vector_load %arg27[%swap3A_1284, %swap3A_1285] {strides = array<i32>} : memref<80x128xf32, #tpu.memory_space<vmem>>, vector<16xf32>,
          tpu.vector_store %arg27[%swap3A_1284, %swap3A_1285], %mul3A_1283 {strides = array<i32>} : memref<80x128xf32, #tpu.memory_space<vmem>>, vector<16xf32>,
          %get3A_1287 = arith.index_cast %add3A_1263 : i32 to index
          %get3A_1288 = arith.constant 48 : index
          %get3A_1289 = tpu.vector_load %arg27[%get3A_1287, %get3A_1288] {strides = array<i32>} : memref<80x128xf32, #tpu.memory_space<vmem>>, vector<16xf32>,
          %mul3A_1290 = arith.mulf %get3A_1289, %gather3A_1265 : vector<16xf32>
          %swap3A_1291 = arith.index_cast %add3A_1263 : i32 to index
          %swap3A_1292 = arith.constant 48 : index
          %swap3A_1293 = tpu.vector_load %arg27[%swap3A_1291, %swap3A_1292] {strides = array<i32>} : memref<80x128xf32, #tpu.memory_space<vmem>>, vector<16xf32>,
          tpu.vector_store %arg27[%swap3A_1291, %swap3A_1292], %mul3A_1290 {strides = array<i32>} : memref<80x128xf32, #tpu.memory_space<vmem>>, vector<16xf32>,
          %get3A_1294 = arith.index_cast %add3A_1263 : i32 to index
          %get3A_1295 = arith.constant 64 : index
          %get3A_1296 = tpu.vector_load %arg27[%get3A_1294, %get3A_1295] {strides = array<i32>} : memref<80x128xf32, #tpu.memory_space<vmem>>, vector<16xf32>,
          %mul3A_1297 = arith.mulf %get3A_1296, %gather3A_1265 : vector<16xf32>
          %swap3A_1298 = arith.index_cast %add3A_1263 : i32 to index
          %swap3A_1299 = arith.constant 64 : index
          %swap3A_1300 = tpu.vector_load %arg27[%swap3A_1298, %swap3A_1299] {strides = array<i32>} : memref<80x128xf32, #tpu.memory_space<vmem>>, vector<16xf32>,
          tpu.vector_store %arg27[%swap3A_1298, %swap3A_1299], %mul3A_1297 {strides = array<i32>} : memref<80x128xf32, #tpu.memory_space<vmem>>, vector<16xf32>,
          %get3A_1301 = arith.index_cast %add3A_1263 : i32 to index
          %get3A_1302 = arith.constant 80 : index
          %get3A_1303 = tpu.vector_load %arg27[%get3A_1301, %get3A_1302] {strides = array<i32>} : memref<80x128xf32, #tpu.memory_space<vmem>>, vector<16xf32>,
          %mul3A_1304 = arith.mulf %get3A_1303, %gather3A_1265 : vector<16xf32>
          %swap3A_1305 = arith.index_cast %add3A_1263 : i32 to index
          %swap3A_1306 = arith.constant 80 : index
          %swap3A_1307 = tpu.vector_load %arg27[%swap3A_1305, %swap3A_1306] {strides = array<i32>} : memref<80x128xf32, #tpu.memory_space<vmem>>, vector<16xf32>,
          tpu.vector_store %arg27[%swap3A_1305, %swap3A_1306], %mul3A_1304 {strides = array<i32>} : memref<80x128xf32, #tpu.memory_space<vmem>>, vector<16xf32>,
          %get3A_1308 = arith.index_cast %add3A_1263 : i32 to index
          %get3A_1309 = arith.constant 96 : index
          %get3A_1310 = tpu.vector_load %arg27[%get3A_1308, %get3A_1309] {strides = array<i32>} : memref<80x128xf32, #tpu.memory_space<vmem>>, vector<16xf32>,
          %mul3A_1311 = arith.mulf %get3A_1310, %gather3A_1265 : vector<16xf32>
          %swap3A_1312 = arith.index_cast %add3A_1263 : i32 to index
          %swap3A_1313 = arith.constant 96 : index
          %swap3A_1314 = tpu.vector_load %arg27[%swap3A_1312, %swap3A_1313] {strides = array<i32>} : memref<80x128xf32, #tpu.memory_space<vmem>>, vector<16xf32>,
          tpu.vector_store %arg27[%swap3A_1312, %swap3A_1313], %mul3A_1311 {strides = array<i32>} : memref<80x128xf32, #tpu.memory_space<vmem>>, vector<16xf32>,
          %get3A_1315 = arith.index_cast %add3A_1263 : i32 to index
          %get3A_1316 = arith.constant 112 : index
          %get3A_1317 = tpu.vector_load %arg27[%get3A_1315, %get3A_1316] {strides = array<i32>} : memref<80x128xf32, #tpu.memory_space<vmem>>, vector<16xf32>,
          %mul3A_1318 = arith.mulf %get3A_1317, %gather3A_1265 : vector<16xf32>
          %swap3A_1319 = arith.index_cast %add3A_1263 : i32 to index
          %swap3A_1320 = arith.constant 112 : index
          %swap3A_1321 = tpu.vector_load %arg27[%swap3A_1319, %swap3A_1320] {strides = array<i32>} : memref<80x128xf32, #tpu.memory_space<vmem>>, vector<16xf32>,
          tpu.vector_store %arg27[%swap3A_1319, %swap3A_1320], %mul3A_1318 {strides = array<i32>} : memref<80x128xf32, #tpu.memory_space<vmem>>, vector<16xf32>,
        }
        %scan3A_598 = arith.constant 20 : i32
        %dma_start3A_599 = arith.constant 0 : i32
        %dma_start3A_600 = arith.constant 0 : i32
        %dma_start3A_601 = tpu.memref_slice %arg9[%dma_start3A_599, %dma_start3A_600] : memref<10240x128xf32, #tpu.memory_space<vmem_shared>> -> memref<10240x128xf32, #tpu.memory_space<vmem_shared>>
        tpu.enqueue_indirect_dma source(%arg27 : memref<80x128xf32, #tpu.memory_space<vmem>>) target(%dma_start3A_601 : memref<10240x128xf32, #tpu.memory_space<vmem_shared>>) offsets(%arg17 : memref<80xi32, #tpu.memory_space<vmem>>) semaphore(%arg36 : memref<!tpu.dma_semaphore, #tpu.memory_space<semaphore_mem>>) {add = true}
        %add3A_602 = arith.constant 2 : i32
        %add3A_603 = arith.addi %add3A_541, %add3A_602 : i32
        %dma_wait3A_604 = arith.constant 0 : i32
        %dma_wait3A_605 = arith.constant 0 : i32
        %dma_wait3A_606 = tpu.memref_slice %arg9[%dma_wait3A_604, %dma_wait3A_605] : memref<10240x128xf32, #tpu.memory_space<vmem_shared>> -> memref<10240x128xf32, #tpu.memory_space<vmem_shared>>
        tpu.wait_indirect_dma semaphore(%arg38 : memref<!tpu.dma_semaphore, #tpu.memory_space<semaphore_mem>>) src(%arg29 : memref<80x128xf32, #tpu.memory_space<vmem>>) dst(%dma_wait3A_606 : memref<10240x128xf32, #tpu.memory_space<vmem_shared>>)
        %mul3A_607 = arith.constant 80 : i32
        %mul3A_608 = arith.muli %add3A_603, %mul3A_607 : i32
        %add3A_609 = arith.constant 0 : i32
        %add3A_610 = arith.addi %mul3A_608, %add3A_609 : i32
        %get3A_611 = arith.index_cast %add3A_610 : i32 to index
        %get3A_612 = tpu.vector_load %arg12[%get3A_611] {strides = array<i32>} : memref<2000xi32, #tpu.memory_space<vmem>>, vector<16xi32>,
        %add3A_613 = arith.constant 0 : i32
        %add3A_614 = arith.addi %mul3A_608, %add3A_613 : i32
        %get3A_615 = arith.index_cast %add3A_614 : i32 to index
        %get3A_616 = tpu.vector_load %arg10[%get3A_615] {strides = array<i32>} : memref<2000xi32, #tpu.memory_space<vmem>>, vector<16xi32>,
        %add3A_617 = arith.constant 0 : i32
        %add3A_618 = arith.addi %mul3A_608, %add3A_617 : i32
        %get3A_619 = arith.index_cast %add3A_618 : i32 to index
        %get3A_620 = tpu.vector_load %arg11[%get3A_619] {strides = array<i32>} : memref<2000xi32, #tpu.memory_space<vmem>>, vector<16xi32>,
        %mul3A_621 = arith.constant 10000 : i32
        %mul3A_622 = vector.broadcast %mul3A_621 : i32 to vector<16xi32>
        %mul3A_623 = arith.muli %get3A_612, %mul3A_622 : vector<16xi32>
        %add3A_624 = arith.addi %mul3A_623, %get3A_616 : vector<16xi32>
        %swap3A_625 = arith.constant 0 : index
        %swap3A_626 = tpu.vector_load %arg16[%swap3A_625] {strides = array<i32>} : memref<80xi32, #tpu.memory_space<vmem>>, vector<16xi32>,
        %swap3A_627 = vector.shape_cast %swap3A_626 : vector<16xi32> to vector<16xi32>
        %swap3A_628 = vector.shape_cast %add3A_624 : vector<16xi32> to vector<16xi32>
        tpu.vector_store %arg16[%swap3A_625], %swap3A_628 {strides = array<i32>} : memref<80xi32, #tpu.memory_space<vmem>>, vector<16xi32>,
        %swap3A_629 = arith.constant 0 : index
        %swap3A_630 = tpu.vector_load %arg19[%swap3A_629] {strides = array<i32>} : memref<80xi32, #tpu.memory_space<vmem>>, vector<16xi32>,
        %swap3A_631 = vector.shape_cast %swap3A_630 : vector<16xi32> to vector<16xi32>
        %swap3A_632 = vector.shape_cast %get3A_620 : vector<16xi32> to vector<16xi32>
        tpu.vector_store %arg19[%swap3A_629], %swap3A_632 {strides = array<i32>} : memref<80xi32, #tpu.memory_space<vmem>>, vector<16xi32>,
        %mul3A_633 = arith.constant 10000 : i32
        %mul3A_634 = vector.broadcast %mul3A_633 : i32 to vector<16xi32>
        %mul3A_635 = arith.muli %get3A_612, %mul3A_634 : vector<16xi32>
        %add3A_636 = arith.addi %mul3A_635, %get3A_620 : vector<16xi32>
        %swap3A_637 = arith.constant 0 : index
        %swap3A_638 = tpu.vector_load %arg22[%swap3A_637] {strides = array<i32>} : memref<80xi32, #tpu.memory_space<vmem>>, vector<16xi32>,
        %swap3A_639 = vector.shape_cast %swap3A_638 : vector<16xi32> to vector<16xi32>
        %swap3A_640 = vector.shape_cast %add3A_636 : vector<16xi32> to vector<16xi32>
        tpu.vector_store %arg22[%swap3A_637], %swap3A_640 {strides = array<i32>} : memref<80xi32, #tpu.memory_space<vmem>>, vector<16xi32>,
        %add3A_641 = arith.constant 16 : i32
        %add3A_642 = arith.addi %mul3A_608, %add3A_641 : i32
        %get3A_643 = arith.index_cast %add3A_642 : i32 to index
        %get3A_644 = tpu.vector_load %arg12[%get3A_643] {strides = array<i32>} : memref<2000xi32, #tpu.memory_space<vmem>>, vector<16xi32>,
        %add3A_645 = arith.constant 16 : i32
        %add3A_646 = arith.addi %mul3A_608, %add3A_645 : i32
        %get3A_647 = arith.index_cast %add3A_646 : i32 to index
        %get3A_648 = tpu.vector_load %arg10[%get3A_647] {strides = array<i32>} : memref<2000xi32, #tpu.memory_space<vmem>>, vector<16xi32>,
        %add3A_649 = arith.constant 16 : i32
        %add3A_650 = arith.addi %mul3A_608, %add3A_649 : i32
        %get3A_651 = arith.index_cast %add3A_650 : i32 to index
        %get3A_652 = tpu.vector_load %arg11[%get3A_651] {strides = array<i32>} : memref<2000xi32, #tpu.memory_space<vmem>>, vector<16xi32>,
        %mul3A_653 = arith.constant 10000 : i32
        %mul3A_654 = vector.broadcast %mul3A_653 : i32 to vector<16xi32>
        %mul3A_655 = arith.muli %get3A_644, %mul3A_654 : vector<16xi32>
        %add3A_656 = arith.addi %mul3A_655, %get3A_648 : vector<16xi32>
        %swap3A_657 = arith.constant 16 : index
        %swap3A_658 = tpu.vector_load %arg16[%swap3A_657] {strides = array<i32>} : memref<80xi32, #tpu.memory_space<vmem>>, vector<16xi32>,
        %swap3A_659 = vector.shape_cast %swap3A_658 : vector<16xi32> to vector<16xi32>
        %swap3A_660 = vector.shape_cast %add3A_656 : vector<16xi32> to vector<16xi32>
        tpu.vector_store %arg16[%swap3A_657], %swap3A_660 {strides = array<i32>} : memref<80xi32, #tpu.memory_space<vmem>>, vector<16xi32>,
        %swap3A_661 = arith.constant 16 : index
        %swap3A_662 = tpu.vector_load %arg19[%swap3A_661] {strides = array<i32>} : memref<80xi32, #tpu.memory_space<vmem>>, vector<16xi32>,
        %swap3A_663 = vector.shape_cast %swap3A_662 : vector<16xi32> to vector<16xi32>
        %swap3A_664 = vector.shape_cast %get3A_652 : vector<16xi32> to vector<16xi32>
        tpu.vector_store %arg19[%swap3A_661], %swap3A_664 {strides = array<i32>} : memref<80xi32, #tpu.memory_space<vmem>>, vector<16xi32>,
        %mul3A_665 = arith.constant 10000 : i32
        %mul3A_666 = vector.broadcast %mul3A_665 : i32 to vector<16xi32>
        %mul3A_667 = arith.muli %get3A_644, %mul3A_666 : vector<16xi32>
        %add3A_668 = arith.addi %mul3A_667, %get3A_652 : vector<16xi32>
        %swap3A_669 = arith.constant 16 : index
        %swap3A_670 = tpu.vector_load %arg22[%swap3A_669] {strides = array<i32>} : memref<80xi32, #tpu.memory_space<vmem>>, vector<16xi32>,
        %swap3A_671 = vector.shape_cast %swap3A_670 : vector<16xi32> to vector<16xi32>
        %swap3A_672 = vector.shape_cast %add3A_668 : vector<16xi32> to vector<16xi32>
        tpu.vector_store %arg22[%swap3A_669], %swap3A_672 {strides = array<i32>} : memref<80xi32, #tpu.memory_space<vmem>>, vector<16xi32>,
        %add3A_673 = arith.constant 32 : i32
        %add3A_674 = arith.addi %mul3A_608, %add3A_673 : i32
        %get3A_675 = arith.index_cast %add3A_674 : i32 to index
        %get3A_676 = tpu.vector_load %arg12[%get3A_675] {strides = array<i32>} : memref<2000xi32, #tpu.memory_space<vmem>>, vector<16xi32>,
        %add3A_677 = arith.constant 32 : i32
        %add3A_678 = arith.addi %mul3A_608, %add3A_677 : i32
        %get3A_679 = arith.index_cast %add3A_678 : i32 to index
        %get3A_680 = tpu.vector_load %arg10[%get3A_679] {strides = array<i32>} : memref<2000xi32, #tpu.memory_space<vmem>>, vector<16xi32>,
        %add3A_681 = arith.constant 32 : i32
        %add3A_682 = arith.addi %mul3A_608, %add3A_681 : i32
        %get3A_683 = arith.index_cast %add3A_682 : i32 to index
        %get3A_684 = tpu.vector_load %arg11[%get3A_683] {strides = array<i32>} : memref<2000xi32, #tpu.memory_space<vmem>>, vector<16xi32>,
        %mul3A_685 = arith.constant 10000 : i32
        %mul3A_686 = vector.broadcast %mul3A_685 : i32 to vector<16xi32>
        %mul3A_687 = arith.muli %get3A_676, %mul3A_686 : vector<16xi32>
        %add3A_688 = arith.addi %mul3A_687, %get3A_680 : vector<16xi32>
        %swap3A_689 = arith.constant 32 : index
        %swap3A_690 = tpu.vector_load %arg16[%swap3A_689] {strides = array<i32>} : memref<80xi32, #tpu.memory_space<vmem>>, vector<16xi32>,
        %swap3A_691 = vector.shape_cast %swap3A_690 : vector<16xi32> to vector<16xi32>
        %swap3A_692 = vector.shape_cast %add3A_688 : vector<16xi32> to vector<16xi32>
        tpu.vector_store %arg16[%swap3A_689], %swap3A_692 {strides = array<i32>} : memref<80xi32, #tpu.memory_space<vmem>>, vector<16xi32>,
        %swap3A_693 = arith.constant 32 : index
        %swap3A_694 = tpu.vector_load %arg19[%swap3A_693] {strides = array<i32>} : memref<80xi32, #tpu.memory_space<vmem>>, vector<16xi32>,
        %swap3A_695 = vector.shape_cast %swap3A_694 : vector<16xi32> to vector<16xi32>
        %swap3A_696 = vector.shape_cast %get3A_684 : vector<16xi32> to vector<16xi32>
        tpu.vector_store %arg19[%swap3A_693], %swap3A_696 {strides = array<i32>} : memref<80xi32, #tpu.memory_space<vmem>>, vector<16xi32>,
        %mul3A_697 = arith.constant 10000 : i32
        %mul3A_698 = vector.broadcast %mul3A_697 : i32 to vector<16xi32>
        %mul3A_699 = arith.muli %get3A_676, %mul3A_698 : vector<16xi32>
        %add3A_700 = arith.addi %mul3A_699, %get3A_684 : vector<16xi32>
        %swap3A_701 = arith.constant 32 : index
        %swap3A_702 = tpu.vector_load %arg22[%swap3A_701] {strides = array<i32>} : memref<80xi32, #tpu.memory_space<vmem>>, vector<16xi32>,
        %swap3A_703 = vector.shape_cast %swap3A_702 : vector<16xi32> to vector<16xi32>
        %swap3A_704 = vector.shape_cast %add3A_700 : vector<16xi32> to vector<16xi32>
        tpu.vector_store %arg22[%swap3A_701], %swap3A_704 {strides = array<i32>} : memref<80xi32, #tpu.memory_space<vmem>>, vector<16xi32>,
        %add3A_705 = arith.constant 48 : i32
        %add3A_706 = arith.addi %mul3A_608, %add3A_705 : i32
        %get3A_707 = arith.index_cast %add3A_706 : i32 to index
        %get3A_708 = tpu.vector_load %arg12[%get3A_707] {strides = array<i32>} : memref<2000xi32, #tpu.memory_space<vmem>>, vector<16xi32>,
        %add3A_709 = arith.constant 48 : i32
        %add3A_710 = arith.addi %mul3A_608, %add3A_709 : i32
        %get3A_711 = arith.index_cast %add3A_710 : i32 to index
        %get3A_712 = tpu.vector_load %arg10[%get3A_711] {strides = array<i32>} : memref<2000xi32, #tpu.memory_space<vmem>>, vector<16xi32>,
        %add3A_713 = arith.constant 48 : i32
        %add3A_714 = arith.addi %mul3A_608, %add3A_713 : i32
        %get3A_715 = arith.index_cast %add3A_714 : i32 to index
        %get3A_716 = tpu.vector_load %arg11[%get3A_715] {strides = array<i32>} : memref<2000xi32, #tpu.memory_space<vmem>>, vector<16xi32>,
        %mul3A_717 = arith.constant 10000 : i32
        %mul3A_718 = vector.broadcast %mul3A_717 : i32 to vector<16xi32>
        %mul3A_719 = arith.muli %get3A_708, %mul3A_718 : vector<16xi32>
        %add3A_720 = arith.addi %mul3A_719, %get3A_712 : vector<16xi32>
        %swap3A_721 = arith.constant 48 : index
        %swap3A_722 = tpu.vector_load %arg16[%swap3A_721] {strides = array<i32>} : memref<80xi32, #tpu.memory_space<vmem>>, vector<16xi32>,
        %swap3A_723 = vector.shape_cast %swap3A_722 : vector<16xi32> to vector<16xi32>
        %swap3A_724 = vector.shape_cast %add3A_720 : vector<16xi32> to vector<16xi32>
        tpu.vector_store %arg16[%swap3A_721], %swap3A_724 {strides = array<i32>} : memref<80xi32, #tpu.memory_space<vmem>>, vector<16xi32>,
        %swap3A_725 = arith.constant 48 : index
        %swap3A_726 = tpu.vector_load %arg19[%swap3A_725] {strides = array<i32>} : memref<80xi32, #tpu.memory_space<vmem>>, vector<16xi32>,
        %swap3A_727 = vector.shape_cast %swap3A_726 : vector<16xi32> to vector<16xi32>
        %swap3A_728 = vector.shape_cast %get3A_716 : vector<16xi32> to vector<16xi32>
        tpu.vector_store %arg19[%swap3A_725], %swap3A_728 {strides = array<i32>} : memref<80xi32, #tpu.memory_space<vmem>>, vector<16xi32>,
        %mul3A_729 = arith.constant 10000 : i32
        %mul3A_730 = vector.broadcast %mul3A_729 : i32 to vector<16xi32>
        %mul3A_731 = arith.muli %get3A_708, %mul3A_730 : vector<16xi32>
        %add3A_732 = arith.addi %mul3A_731, %get3A_716 : vector<16xi32>
        %swap3A_733 = arith.constant 48 : index
        %swap3A_734 = tpu.vector_load %arg22[%swap3A_733] {strides = array<i32>} : memref<80xi32, #tpu.memory_space<vmem>>, vector<16xi32>,
        %swap3A_735 = vector.shape_cast %swap3A_734 : vector<16xi32> to vector<16xi32>
        %swap3A_736 = vector.shape_cast %add3A_732 : vector<16xi32> to vector<16xi32>
        tpu.vector_store %arg22[%swap3A_733], %swap3A_736 {strides = array<i32>} : memref<80xi32, #tpu.memory_space<vmem>>, vector<16xi32>,
        %add3A_737 = arith.constant 64 : i32
        %add3A_738 = arith.addi %mul3A_608, %add3A_737 : i32
        %get3A_739 = arith.index_cast %add3A_738 : i32 to index
        %get3A_740 = tpu.vector_load %arg12[%get3A_739] {strides = array<i32>} : memref<2000xi32, #tpu.memory_space<vmem>>, vector<16xi32>,
        %add3A_741 = arith.constant 64 : i32
        %add3A_742 = arith.addi %mul3A_608, %add3A_741 : i32
        %get3A_743 = arith.index_cast %add3A_742 : i32 to index
        %get3A_744 = tpu.vector_load %arg10[%get3A_743] {strides = array<i32>} : memref<2000xi32, #tpu.memory_space<vmem>>, vector<16xi32>,
        %add3A_745 = arith.constant 64 : i32
        %add3A_746 = arith.addi %mul3A_608, %add3A_745 : i32
        %get3A_747 = arith.index_cast %add3A_746 : i32 to index
        %get3A_748 = tpu.vector_load %arg11[%get3A_747] {strides = array<i32>} : memref<2000xi32, #tpu.memory_space<vmem>>, vector<16xi32>,
        %mul3A_749 = arith.constant 10000 : i32
        %mul3A_750 = vector.broadcast %mul3A_749 : i32 to vector<16xi32>
        %mul3A_751 = arith.muli %get3A_740, %mul3A_750 : vector<16xi32>
        %add3A_752 = arith.addi %mul3A_751, %get3A_744 : vector<16xi32>
        %swap3A_753 = arith.constant 64 : index
        %swap3A_754 = tpu.vector_load %arg16[%swap3A_753] {strides = array<i32>} : memref<80xi32, #tpu.memory_space<vmem>>, vector<16xi32>,
        %swap3A_755 = vector.shape_cast %swap3A_754 : vector<16xi32> to vector<16xi32>
        %swap3A_756 = vector.shape_cast %add3A_752 : vector<16xi32> to vector<16xi32>
        tpu.vector_store %arg16[%swap3A_753], %swap3A_756 {strides = array<i32>} : memref<80xi32, #tpu.memory_space<vmem>>, vector<16xi32>,
        %swap3A_757 = arith.constant 64 : index
        %swap3A_758 = tpu.vector_load %arg19[%swap3A_757] {strides = array<i32>} : memref<80xi32, #tpu.memory_space<vmem>>, vector<16xi32>,
        %swap3A_759 = vector.shape_cast %swap3A_758 : vector<16xi32> to vector<16xi32>
        %swap3A_760 = vector.shape_cast %get3A_748 : vector<16xi32> to vector<16xi32>
        tpu.vector_store %arg19[%swap3A_757], %swap3A_760 {strides = array<i32>} : memref<80xi32, #tpu.memory_space<vmem>>, vector<16xi32>,
        %mul3A_761 = arith.constant 10000 : i32
        %mul3A_762 = vector.broadcast %mul3A_761 : i32 to vector<16xi32>
        %mul3A_763 = arith.muli %get3A_740, %mul3A_762 : vector<16xi32>
        %add3A_764 = arith.addi %mul3A_763, %get3A_748 : vector<16xi32>
        %swap3A_765 = arith.constant 64 : index
        %swap3A_766 = tpu.vector_load %arg22[%swap3A_765] {strides = array<i32>} : memref<80xi32, #tpu.memory_space<vmem>>, vector<16xi32>,
        %swap3A_767 = vector.shape_cast %swap3A_766 : vector<16xi32> to vector<16xi32>
        %swap3A_768 = vector.shape_cast %add3A_764 : vector<16xi32> to vector<16xi32>
        tpu.vector_store %arg22[%swap3A_765], %swap3A_768 {strides = array<i32>} : memref<80xi32, #tpu.memory_space<vmem>>, vector<16xi32>,
        %dma_start3A_769 = arith.constant 0 : i32
        %dma_start3A_770 = arith.constant 0 : i32
        %dma_start3A_771 = tpu.memref_slice %arg2[%dma_start3A_769, %dma_start3A_770] : memref<30000x128xf32, #tpu.memory_space<hbm>> -> memref<30000x128xf32, #tpu.memory_space<hbm>>
        tpu.enqueue_indirect_dma source(%dma_start3A_771 : memref<30000x128xf32, #tpu.memory_space<hbm>>) target(%arg29 : memref<80x128xf32, #tpu.memory_space<vmem>>) offsets(%arg16 : memref<80xi32, #tpu.memory_space<vmem>>) semaphore(%arg32 : memref<!tpu.dma_semaphore, #tpu.memory_space<semaphore_mem>>)
        %dma_start3A_772 = arith.constant 0 : i32
        %dma_start3A_773 = tpu.memref_slice %arg7[%dma_start3A_772] : memref<30208xf32, #tpu.memory_space<hbm>> -> memref<30208xf32, #tpu.memory_space<hbm>>
        tpu.enqueue_indirect_dma source(%dma_start3A_773 : memref<30208xf32, #tpu.memory_space<hbm>>) target(%arg25 : memref<80xf32, #tpu.memory_space<vmem>>) offsets(%arg22 : memref<80xi32, #tpu.memory_space<vmem>>) semaphore(%arg35 : memref<!tpu.dma_semaphore, #tpu.memory_space<semaphore_mem>>)
        %add3A_774 = arith.constant 1 : i32
        %add3A_775 = arith.addi %mul3A_539, %add3A_774 : i32
        %mul3A_776 = arith.constant 80 : i32
        %mul3A_777 = arith.muli %add3A_775, %mul3A_776 : i32
        %dma_wait3A_778 = arith.constant 0 : i32
        %dma_wait3A_779 = arith.constant 0 : i32
        %dma_wait3A_780 = tpu.memref_slice %arg2[%dma_wait3A_778, %dma_wait3A_779] : memref<30000x128xf32, #tpu.memory_space<hbm>> -> memref<30000x128xf32, #tpu.memory_space<hbm>>
        tpu.wait_indirect_dma semaphore(%arg31 : memref<!tpu.dma_semaphore, #tpu.memory_space<semaphore_mem>>) src(%dma_wait3A_780 : memref<30000x128xf32, #tpu.memory_space<hbm>>) dst(%arg28 : memref<80x128xf32, #tpu.memory_space<vmem>>)
        %dma_wait3A_781 = arith.constant 0 : i32
        %dma_wait3A_782 = tpu.memref_slice %arg7[%dma_wait3A_781] : memref<30208xf32, #tpu.memory_space<hbm>> -> memref<30208xf32, #tpu.memory_space<hbm>>
        tpu.wait_indirect_dma semaphore(%arg34 : memref<!tpu.dma_semaphore, #tpu.memory_space<semaphore_mem>>) src(%dma_wait3A_782 : memref<30208xf32, #tpu.memory_space<hbm>>) dst(%arg24 : memref<80xf32, #tpu.memory_space<vmem>>)
        %add3A_783 = arith.constant 0 : i32
        %add3A_784 = arith.addi %mul3A_777, %add3A_783 : i32
        %get3A_785 = arith.index_cast %add3A_784 : i32 to index
        %get3A_786 = tpu.vector_load %arg13[%get3A_785] {strides = array<i32>} : memref<2000xf32, #tpu.memory_space<vmem>>, vector<16xf32>,
        %get3A_787 = arith.constant 0 : index
        %get3A_788 = tpu.vector_load %arg24[%get3A_787] {strides = array<i32>} : memref<80xf32, #tpu.memory_space<vmem>>, vector<16xf32>,
        %mul3A_789 = arith.mulf %get3A_786, %get3A_788 : vector<16xf32>
        %swap3A_790 = arith.constant 0 : index
        %swap3A_791 = tpu.vector_load %arg26[%swap3A_790] {strides = array<i32>} : memref<80xf32, #tpu.memory_space<vmem>>, vector<16xf32>,
        tpu.vector_store %arg26[%swap3A_790], %mul3A_789 {strides = array<i32>} : memref<80xf32, #tpu.memory_space<vmem>>, vector<16xf32>,
        %add3A_792 = arith.constant 16 : i32
        %add3A_793 = arith.addi %mul3A_777, %add3A_792 : i32
        %get3A_794 = arith.index_cast %add3A_793 : i32 to index
        %get3A_795 = tpu.vector_load %arg13[%get3A_794] {strides = array<i32>} : memref<2000xf32, #tpu.memory_space<vmem>>, vector<16xf32>,
        %get3A_796 = arith.constant 16 : index
        %get3A_797 = tpu.vector_load %arg24[%get3A_796] {strides = array<i32>} : memref<80xf32, #tpu.memory_space<vmem>>, vector<16xf32>,
        %mul3A_798 = arith.mulf %get3A_795, %get3A_797 : vector<16xf32>
        %swap3A_799 = arith.constant 16 : index
        %swap3A_800 = tpu.vector_load %arg26[%swap3A_799] {strides = array<i32>} : memref<80xf32, #tpu.memory_space<vmem>>, vector<16xf32>,
        tpu.vector_store %arg26[%swap3A_799], %mul3A_798 {strides = array<i32>} : memref<80xf32, #tpu.memory_space<vmem>>, vector<16xf32>,
        %add3A_801 = arith.constant 32 : i32
        %add3A_802 = arith.addi %mul3A_777, %add3A_801 : i32
        %get3A_803 = arith.index_cast %add3A_802 : i32 to index
        %get3A_804 = tpu.vector_load %arg13[%get3A_803] {strides = array<i32>} : memref<2000xf32, #tpu.memory_space<vmem>>, vector<16xf32>,
        %get3A_805 = arith.constant 32 : index
        %get3A_806 = tpu.vector_load %arg24[%get3A_805] {strides = array<i32>} : memref<80xf32, #tpu.memory_space<vmem>>, vector<16xf32>,
        %mul3A_807 = arith.mulf %get3A_804, %get3A_806 : vector<16xf32>
        %swap3A_808 = arith.constant 32 : index
        %swap3A_809 = tpu.vector_load %arg26[%swap3A_808] {strides = array<i32>} : memref<80xf32, #tpu.memory_space<vmem>>, vector<16xf32>,
        tpu.vector_store %arg26[%swap3A_808], %mul3A_807 {strides = array<i32>} : memref<80xf32, #tpu.memory_space<vmem>>, vector<16xf32>,
        %add3A_810 = arith.constant 48 : i32
        %add3A_811 = arith.addi %mul3A_777, %add3A_810 : i32
        %get3A_812 = arith.index_cast %add3A_811 : i32 to index
        %get3A_813 = tpu.vector_load %arg13[%get3A_812] {strides = array<i32>} : memref<2000xf32, #tpu.memory_space<vmem>>, vector<16xf32>,
        %get3A_814 = arith.constant 48 : index
        %get3A_815 = tpu.vector_load %arg24[%get3A_814] {strides = array<i32>} : memref<80xf32, #tpu.memory_space<vmem>>, vector<16xf32>,
        %mul3A_816 = arith.mulf %get3A_813, %get3A_815 : vector<16xf32>
        %swap3A_817 = arith.constant 48 : index
        %swap3A_818 = tpu.vector_load %arg26[%swap3A_817] {strides = array<i32>} : memref<80xf32, #tpu.memory_space<vmem>>, vector<16xf32>,
        tpu.vector_store %arg26[%swap3A_817], %mul3A_816 {strides = array<i32>} : memref<80xf32, #tpu.memory_space<vmem>>, vector<16xf32>,
        %add3A_819 = arith.constant 64 : i32
        %add3A_820 = arith.addi %mul3A_777, %add3A_819 : i32
        %get3A_821 = arith.index_cast %add3A_820 : i32 to index
        %get3A_822 = tpu.vector_load %arg13[%get3A_821] {strides = array<i32>} : memref<2000xf32, #tpu.memory_space<vmem>>, vector<16xf32>,
        %get3A_823 = arith.constant 64 : index
        %get3A_824 = tpu.vector_load %arg24[%get3A_823] {strides = array<i32>} : memref<80xf32, #tpu.memory_space<vmem>>, vector<16xf32>,
        %mul3A_825 = arith.mulf %get3A_822, %get3A_824 : vector<16xf32>
        %swap3A_826 = arith.constant 64 : index
        %swap3A_827 = tpu.vector_load %arg26[%swap3A_826] {strides = array<i32>} : memref<80xf32, #tpu.memory_space<vmem>>, vector<16xf32>,
        tpu.vector_store %arg26[%swap3A_826], %mul3A_825 {strides = array<i32>} : memref<80xf32, #tpu.memory_space<vmem>>, vector<16xf32>,
        %scan3A_828 = arith.constant 0 : i32
        %scan3A_829 = arith.constant 20 : i32
        %scan3A_830 = arith.addi %scan3A_828, %scan3A_829 : i32
        %scan3A_831 = arith.constant 1 : i32
        scf.for %scan3A_1074 = %scan3A_828 to %scan3A_830 step %scan3A_831  : i32 {
          %mul3A_1075 = arith.constant 4 : i32
          %mul3A_1076 = arith.muli %scan3A_1074, %mul3A_1075 : i32
          %add3A_1077 = arith.constant 0 : i32
          %add3A_1078 = arith.addi %mul3A_1076, %add3A_1077 : i32
          %broadcast_in_dim3A_1079 = vector.broadcast %add3A_1078 : i32 to vector<16xi32>
          %gather3A = tpu.vector_load_idx %arg26[%broadcast_in_dim3A_1079] : memref<80xf32, #tpu.memory_space<vmem>>[vector<16xi32>], vector<16xf32>,
          %get3A_1080 = arith.index_cast %add3A_1078 : i32 to index
          %get3A_1081 = arith.constant 0 : index
          %get3A_1082 = tpu.vector_load %arg28[%get3A_1080, %get3A_1081] {strides = array<i32>} : memref<80x128xf32, #tpu.memory_space<vmem>>, vector<16xf32>,
          %mul3A_1083 = arith.mulf %get3A_1082, %gather3A : vector<16xf32>
          %swap3A_1084 = arith.index_cast %add3A_1078 : i32 to index
          %swap3A_1085 = arith.constant 0 : index
          %swap3A_1086 = tpu.vector_load %arg28[%swap3A_1084, %swap3A_1085] {strides = array<i32>} : memref<80x128xf32, #tpu.memory_space<vmem>>, vector<16xf32>,
          tpu.vector_store %arg28[%swap3A_1084, %swap3A_1085], %mul3A_1083 {strides = array<i32>} : memref<80x128xf32, #tpu.memory_space<vmem>>, vector<16xf32>,
          %get3A_1087 = arith.index_cast %add3A_1078 : i32 to index
          %get3A_1088 = arith.constant 16 : index
          %get3A_1089 = tpu.vector_load %arg28[%get3A_1087, %get3A_1088] {strides = array<i32>} : memref<80x128xf32, #tpu.memory_space<vmem>>, vector<16xf32>,
          %mul3A_1090 = arith.mulf %get3A_1089, %gather3A : vector<16xf32>
          %swap3A_1091 = arith.index_cast %add3A_1078 : i32 to index
          %swap3A_1092 = arith.constant 16 : index
          %swap3A_1093 = tpu.vector_load %arg28[%swap3A_1091, %swap3A_1092] {strides = array<i32>} : memref<80x128xf32, #tpu.memory_space<vmem>>, vector<16xf32>,
          tpu.vector_store %arg28[%swap3A_1091, %swap3A_1092], %mul3A_1090 {strides = array<i32>} : memref<80x128xf32, #tpu.memory_space<vmem>>, vector<16xf32>,
          %get3A_1094 = arith.index_cast %add3A_1078 : i32 to index
          %get3A_1095 = arith.constant 32 : index
          %get3A_1096 = tpu.vector_load %arg28[%get3A_1094, %get3A_1095] {strides = array<i32>} : memref<80x128xf32, #tpu.memory_space<vmem>>, vector<16xf32>,
          %mul3A_1097 = arith.mulf %get3A_1096, %gather3A : vector<16xf32>
          %swap3A_1098 = arith.index_cast %add3A_1078 : i32 to index
          %swap3A_1099 = arith.constant 32 : index
          %swap3A_1100 = tpu.vector_load %arg28[%swap3A_1098, %swap3A_1099] {strides = array<i32>} : memref<80x128xf32, #tpu.memory_space<vmem>>, vector<16xf32>,
          tpu.vector_store %arg28[%swap3A_1098, %swap3A_1099], %mul3A_1097 {strides = array<i32>} : memref<80x128xf32, #tpu.memory_space<vmem>>, vector<16xf32>,
          %get3A_1101 = arith.index_cast %add3A_1078 : i32 to index
          %get3A_1102 = arith.constant 48 : index
          %get3A_1103 = tpu.vector_load %arg28[%get3A_1101, %get3A_1102] {strides = array<i32>} : memref<80x128xf32, #tpu.memory_space<vmem>>, vector<16xf32>,
          %mul3A_1104 = arith.mulf %get3A_1103, %gather3A : vector<16xf32>
          %swap3A_1105 = arith.index_cast %add3A_1078 : i32 to index
          %swap3A_1106 = arith.constant 48 : index
          %swap3A_1107 = tpu.vector_load %arg28[%swap3A_1105, %swap3A_1106] {strides = array<i32>} : memref<80x128xf32, #tpu.memory_space<vmem>>, vector<16xf32>,
          tpu.vector_store %arg28[%swap3A_1105, %swap3A_1106], %mul3A_1104 {strides = array<i32>} : memref<80x128xf32, #tpu.memory_space<vmem>>, vector<16xf32>,
          %get3A_1108 = arith.index_cast %add3A_1078 : i32 to index
          %get3A_1109 = arith.constant 64 : index
          %get3A_1110 = tpu.vector_load %arg28[%get3A_1108, %get3A_1109] {strides = array<i32>} : memref<80x128xf32, #tpu.memory_space<vmem>>, vector<16xf32>,
          %mul3A_1111 = arith.mulf %get3A_1110, %gather3A : vector<16xf32>
          %swap3A_1112 = arith.index_cast %add3A_1078 : i32 to index
          %swap3A_1113 = arith.constant 64 : index
          %swap3A_1114 = tpu.vector_load %arg28[%swap3A_1112, %swap3A_1113] {strides = array<i32>} : memref<80x128xf32, #tpu.memory_space<vmem>>, vector<16xf32>,
          tpu.vector_store %arg28[%swap3A_1112, %swap3A_1113], %mul3A_1111 {strides = array<i32>} : memref<80x128xf32, #tpu.memory_space<vmem>>, vector<16xf32>,
          %get3A_1115 = arith.index_cast %add3A_1078 : i32 to index
          %get3A_1116 = arith.constant 80 : index
          %get3A_1117 = tpu.vector_load %arg28[%get3A_1115, %get3A_1116] {strides = array<i32>} : memref<80x128xf32, #tpu.memory_space<vmem>>, vector<16xf32>,
          %mul3A_1118 = arith.mulf %get3A_1117, %gather3A : vector<16xf32>
          %swap3A_1119 = arith.index_cast %add3A_1078 : i32 to index
          %swap3A_1120 = arith.constant 80 : index
          %swap3A_1121 = tpu.vector_load %arg28[%swap3A_1119, %swap3A_1120] {strides = array<i32>} : memref<80x128xf32, #tpu.memory_space<vmem>>, vector<16xf32>,
          tpu.vector_store %arg28[%swap3A_1119, %swap3A_1120], %mul3A_1118 {strides = array<i32>} : memref<80x128xf32, #tpu.memory_space<vmem>>, vector<16xf32>,
          %get3A_1122 = arith.index_cast %add3A_1078 : i32 to index
          %get3A_1123 = arith.constant 96 : index
          %get3A_1124 = tpu.vector_load %arg28[%get3A_1122, %get3A_1123] {strides = array<i32>} : memref<80x128xf32, #tpu.memory_space<vmem>>, vector<16xf32>,
          %mul3A_1125 = arith.mulf %get3A_1124, %gather3A : vector<16xf32>
          %swap3A_1126 = arith.index_cast %add3A_1078 : i32 to index
          %swap3A_1127 = arith.constant 96 : index
          %swap3A_1128 = tpu.vector_load %arg28[%swap3A_1126, %swap3A_1127] {strides = array<i32>} : memref<80x128xf32, #tpu.memory_space<vmem>>, vector<16xf32>,
          tpu.vector_store %arg28[%swap3A_1126, %swap3A_1127], %mul3A_1125 {strides = array<i32>} : memref<80x128xf32, #tpu.memory_space<vmem>>, vector<16xf32>,
          %get3A_1129 = arith.index_cast %add3A_1078 : i32 to index
          %get3A_1130 = arith.constant 112 : index
          %get3A_1131 = tpu.vector_load %arg28[%get3A_1129, %get3A_1130] {strides = array<i32>} : memref<80x128xf32, #tpu.memory_space<vmem>>, vector<16xf32>,
          %mul3A_1132 = arith.mulf %get3A_1131, %gather3A : vector<16xf32>
          %swap3A_1133 = arith.index_cast %add3A_1078 : i32 to index
          %swap3A_1134 = arith.constant 112 : index
          %swap3A_1135 = tpu.vector_load %arg28[%swap3A_1133, %swap3A_1134] {strides = array<i32>} : memref<80x128xf32, #tpu.memory_space<vmem>>, vector<16xf32>,
          tpu.vector_store %arg28[%swap3A_1133, %swap3A_1134], %mul3A_1132 {strides = array<i32>} : memref<80x128xf32, #tpu.memory_space<vmem>>, vector<16xf32>,
          %mul3A_1136 = arith.constant 4 : i32
          %mul3A_1137 = arith.muli %scan3A_1074, %mul3A_1136 : i32
          %add3A_1138 = arith.constant 1 : i32
          %add3A_1139 = arith.addi %mul3A_1137, %add3A_1138 : i32
          %broadcast_in_dim3A_1140 = vector.broadcast %add3A_1139 : i32 to vector<16xi32>
          %gather3A_1141 = tpu.vector_load_idx %arg26[%broadcast_in_dim3A_1140] : memref<80xf32, #tpu.memory_space<vmem>>[vector<16xi32>], vector<16xf32>,
          %get3A_1142 = arith.index_cast %add3A_1139 : i32 to index
          %get3A_1143 = arith.constant 0 : index
          %get3A_1144 = tpu.vector_load %arg28[%get3A_1142, %get3A_1143] {strides = array<i32>} : memref<80x128xf32, #tpu.memory_space<vmem>>, vector<16xf32>,
          %mul3A_1145 = arith.mulf %get3A_1144, %gather3A_1141 : vector<16xf32>
          %swap3A_1146 = arith.index_cast %add3A_1139 : i32 to index
          %swap3A_1147 = arith.constant 0 : index
          %swap3A_1148 = tpu.vector_load %arg28[%swap3A_1146, %swap3A_1147] {strides = array<i32>} : memref<80x128xf32, #tpu.memory_space<vmem>>, vector<16xf32>,
          tpu.vector_store %arg28[%swap3A_1146, %swap3A_1147], %mul3A_1145 {strides = array<i32>} : memref<80x128xf32, #tpu.memory_space<vmem>>, vector<16xf32>,
          %get3A_1149 = arith.index_cast %add3A_1139 : i32 to index
          %get3A_1150 = arith.constant 16 : index
          %get3A_1151 = tpu.vector_load %arg28[%get3A_1149, %get3A_1150] {strides = array<i32>} : memref<80x128xf32, #tpu.memory_space<vmem>>, vector<16xf32>,
          %mul3A_1152 = arith.mulf %get3A_1151, %gather3A_1141 : vector<16xf32>
          %swap3A_1153 = arith.index_cast %add3A_1139 : i32 to index
          %swap3A_1154 = arith.constant 16 : index
          %swap3A_1155 = tpu.vector_load %arg28[%swap3A_1153, %swap3A_1154] {strides = array<i32>} : memref<80x128xf32, #tpu.memory_space<vmem>>, vector<16xf32>,
          tpu.vector_store %arg28[%swap3A_1153, %swap3A_1154], %mul3A_1152 {strides = array<i32>} : memref<80x128xf32, #tpu.memory_space<vmem>>, vector<16xf32>,
          %get3A_1156 = arith.index_cast %add3A_1139 : i32 to index
          %get3A_1157 = arith.constant 32 : index
          %get3A_1158 = tpu.vector_load %arg28[%get3A_1156, %get3A_1157] {strides = array<i32>} : memref<80x128xf32, #tpu.memory_space<vmem>>, vector<16xf32>,
          %mul3A_1159 = arith.mulf %get3A_1158, %gather3A_1141 : vector<16xf32>
          %swap3A_1160 = arith.index_cast %add3A_1139 : i32 to index
          %swap3A_1161 = arith.constant 32 : index
          %swap3A_1162 = tpu.vector_load %arg28[%swap3A_1160, %swap3A_1161] {strides = array<i32>} : memref<80x128xf32, #tpu.memory_space<vmem>>, vector<16xf32>,
          tpu.vector_store %arg28[%swap3A_1160, %swap3A_1161], %mul3A_1159 {strides = array<i32>} : memref<80x128xf32, #tpu.memory_space<vmem>>, vector<16xf32>,
          %get3A_1163 = arith.index_cast %add3A_1139 : i32 to index
          %get3A_1164 = arith.constant 48 : index
          %get3A_1165 = tpu.vector_load %arg28[%get3A_1163, %get3A_1164] {strides = array<i32>} : memref<80x128xf32, #tpu.memory_space<vmem>>, vector<16xf32>,
          %mul3A_1166 = arith.mulf %get3A_1165, %gather3A_1141 : vector<16xf32>
          %swap3A_1167 = arith.index_cast %add3A_1139 : i32 to index
          %swap3A_1168 = arith.constant 48 : index
          %swap3A_1169 = tpu.vector_load %arg28[%swap3A_1167, %swap3A_1168] {strides = array<i32>} : memref<80x128xf32, #tpu.memory_space<vmem>>, vector<16xf32>,
          tpu.vector_store %arg28[%swap3A_1167, %swap3A_1168], %mul3A_1166 {strides = array<i32>} : memref<80x128xf32, #tpu.memory_space<vmem>>, vector<16xf32>,
          %get3A_1170 = arith.index_cast %add3A_1139 : i32 to index
          %get3A_1171 = arith.constant 64 : index
          %get3A_1172 = tpu.vector_load %arg28[%get3A_1170, %get3A_1171] {strides = array<i32>} : memref<80x128xf32, #tpu.memory_space<vmem>>, vector<16xf32>,
          %mul3A_1173 = arith.mulf %get3A_1172, %gather3A_1141 : vector<16xf32>
          %swap3A_1174 = arith.index_cast %add3A_1139 : i32 to index
          %swap3A_1175 = arith.constant 64 : index
          %swap3A_1176 = tpu.vector_load %arg28[%swap3A_1174, %swap3A_1175] {strides = array<i32>} : memref<80x128xf32, #tpu.memory_space<vmem>>, vector<16xf32>,
          tpu.vector_store %arg28[%swap3A_1174, %swap3A_1175], %mul3A_1173 {strides = array<i32>} : memref<80x128xf32, #tpu.memory_space<vmem>>, vector<16xf32>,
          %get3A_1177 = arith.index_cast %add3A_1139 : i32 to index
          %get3A_1178 = arith.constant 80 : index
          %get3A_1179 = tpu.vector_load %arg28[%get3A_1177, %get3A_1178] {strides = array<i32>} : memref<80x128xf32, #tpu.memory_space<vmem>>, vector<16xf32>,
          %mul3A_1180 = arith.mulf %get3A_1179, %gather3A_1141 : vector<16xf32>
          %swap3A_1181 = arith.index_cast %add3A_1139 : i32 to index
          %swap3A_1182 = arith.constant 80 : index
          %swap3A_1183 = tpu.vector_load %arg28[%swap3A_1181, %swap3A_1182] {strides = array<i32>} : memref<80x128xf32, #tpu.memory_space<vmem>>, vector<16xf32>,
          tpu.vector_store %arg28[%swap3A_1181, %swap3A_1182], %mul3A_1180 {strides = array<i32>} : memref<80x128xf32, #tpu.memory_space<vmem>>, vector<16xf32>,
          %get3A_1184 = arith.index_cast %add3A_1139 : i32 to index
          %get3A_1185 = arith.constant 96 : index
          %get3A_1186 = tpu.vector_load %arg28[%get3A_1184, %get3A_1185] {strides = array<i32>} : memref<80x128xf32, #tpu.memory_space<vmem>>, vector<16xf32>,
          %mul3A_1187 = arith.mulf %get3A_1186, %gather3A_1141 : vector<16xf32>
          %swap3A_1188 = arith.index_cast %add3A_1139 : i32 to index
          %swap3A_1189 = arith.constant 96 : index
          %swap3A_1190 = tpu.vector_load %arg28[%swap3A_1188, %swap3A_1189] {strides = array<i32>} : memref<80x128xf32, #tpu.memory_space<vmem>>, vector<16xf32>,
          tpu.vector_store %arg28[%swap3A_1188, %swap3A_1189], %mul3A_1187 {strides = array<i32>} : memref<80x128xf32, #tpu.memory_space<vmem>>, vector<16xf32>,
          %get3A_1191 = arith.index_cast %add3A_1139 : i32 to index
          %get3A_1192 = arith.constant 112 : index
          %get3A_1193 = tpu.vector_load %arg28[%get3A_1191, %get3A_1192] {strides = array<i32>} : memref<80x128xf32, #tpu.memory_space<vmem>>, vector<16xf32>,
          %mul3A_1194 = arith.mulf %get3A_1193, %gather3A_1141 : vector<16xf32>
          %swap3A_1195 = arith.index_cast %add3A_1139 : i32 to index
          %swap3A_1196 = arith.constant 112 : index
          %swap3A_1197 = tpu.vector_load %arg28[%swap3A_1195, %swap3A_1196] {strides = array<i32>} : memref<80x128xf32, #tpu.memory_space<vmem>>, vector<16xf32>,
          tpu.vector_store %arg28[%swap3A_1195, %swap3A_1196], %mul3A_1194 {strides = array<i32>} : memref<80x128xf32, #tpu.memory_space<vmem>>, vector<16xf32>,
          %mul3A_1198 = arith.constant 4 : i32
          %mul3A_1199 = arith.muli %scan3A_1074, %mul3A_1198 : i32
          %add3A_1200 = arith.constant 2 : i32
          %add3A_1201 = arith.addi %mul3A_1199, %add3A_1200 : i32
          %broadcast_in_dim3A_1202 = vector.broadcast %add3A_1201 : i32 to vector<16xi32>
          %gather3A_1203 = tpu.vector_load_idx %arg26[%broadcast_in_dim3A_1202] : memref<80xf32, #tpu.memory_space<vmem>>[vector<16xi32>], vector<16xf32>,
          %get3A_1204 = arith.index_cast %add3A_1201 : i32 to index
          %get3A_1205 = arith.constant 0 : index
          %get3A_1206 = tpu.vector_load %arg28[%get3A_1204, %get3A_1205] {strides = array<i32>} : memref<80x128xf32, #tpu.memory_space<vmem>>, vector<16xf32>,
          %mul3A_1207 = arith.mulf %get3A_1206, %gather3A_1203 : vector<16xf32>
          %swap3A_1208 = arith.index_cast %add3A_1201 : i32 to index
          %swap3A_1209 = arith.constant 0 : index
          %swap3A_1210 = tpu.vector_load %arg28[%swap3A_1208, %swap3A_1209] {strides = array<i32>} : memref<80x128xf32, #tpu.memory_space<vmem>>, vector<16xf32>,
          tpu.vector_store %arg28[%swap3A_1208, %swap3A_1209], %mul3A_1207 {strides = array<i32>} : memref<80x128xf32, #tpu.memory_space<vmem>>, vector<16xf32>,
          %get3A_1211 = arith.index_cast %add3A_1201 : i32 to index
          %get3A_1212 = arith.constant 16 : index
          %get3A_1213 = tpu.vector_load %arg28[%get3A_1211, %get3A_1212] {strides = array<i32>} : memref<80x128xf32, #tpu.memory_space<vmem>>, vector<16xf32>,
          %mul3A_1214 = arith.mulf %get3A_1213, %gather3A_1203 : vector<16xf32>
          %swap3A_1215 = arith.index_cast %add3A_1201 : i32 to index
          %swap3A_1216 = arith.constant 16 : index
          %swap3A_1217 = tpu.vector_load %arg28[%swap3A_1215, %swap3A_1216] {strides = array<i32>} : memref<80x128xf32, #tpu.memory_space<vmem>>, vector<16xf32>,
          tpu.vector_store %arg28[%swap3A_1215, %swap3A_1216], %mul3A_1214 {strides = array<i32>} : memref<80x128xf32, #tpu.memory_space<vmem>>, vector<16xf32>,
          %get3A_1218 = arith.index_cast %add3A_1201 : i32 to index
          %get3A_1219 = arith.constant 32 : index
          %get3A_1220 = tpu.vector_load %arg28[%get3A_1218, %get3A_1219] {strides = array<i32>} : memref<80x128xf32, #tpu.memory_space<vmem>>, vector<16xf32>,
          %mul3A_1221 = arith.mulf %get3A_1220, %gather3A_1203 : vector<16xf32>
          %swap3A_1222 = arith.index_cast %add3A_1201 : i32 to index
          %swap3A_1223 = arith.constant 32 : index
          %swap3A_1224 = tpu.vector_load %arg28[%swap3A_1222, %swap3A_1223] {strides = array<i32>} : memref<80x128xf32, #tpu.memory_space<vmem>>, vector<16xf32>,
          tpu.vector_store %arg28[%swap3A_1222, %swap3A_1223], %mul3A_1221 {strides = array<i32>} : memref<80x128xf32, #tpu.memory_space<vmem>>, vector<16xf32>,
          %get3A_1225 = arith.index_cast %add3A_1201 : i32 to index
          %get3A_1226 = arith.constant 48 : index
          %get3A_1227 = tpu.vector_load %arg28[%get3A_1225, %get3A_1226] {strides = array<i32>} : memref<80x128xf32, #tpu.memory_space<vmem>>, vector<16xf32>,
          %mul3A_1228 = arith.mulf %get3A_1227, %gather3A_1203 : vector<16xf32>
          %swap3A_1229 = arith.index_cast %add3A_1201 : i32 to index
          %swap3A_1230 = arith.constant 48 : index
          %swap3A_1231 = tpu.vector_load %arg28[%swap3A_1229, %swap3A_1230] {strides = array<i32>} : memref<80x128xf32, #tpu.memory_space<vmem>>, vector<16xf32>,
          tpu.vector_store %arg28[%swap3A_1229, %swap3A_1230], %mul3A_1228 {strides = array<i32>} : memref<80x128xf32, #tpu.memory_space<vmem>>, vector<16xf32>,
          %get3A_1232 = arith.index_cast %add3A_1201 : i32 to index
          %get3A_1233 = arith.constant 64 : index
          %get3A_1234 = tpu.vector_load %arg28[%get3A_1232, %get3A_1233] {strides = array<i32>} : memref<80x128xf32, #tpu.memory_space<vmem>>, vector<16xf32>,
          %mul3A_1235 = arith.mulf %get3A_1234, %gather3A_1203 : vector<16xf32>
          %swap3A_1236 = arith.index_cast %add3A_1201 : i32 to index
          %swap3A_1237 = arith.constant 64 : index
          %swap3A_1238 = tpu.vector_load %arg28[%swap3A_1236, %swap3A_1237] {strides = array<i32>} : memref<80x128xf32, #tpu.memory_space<vmem>>, vector<16xf32>,
          tpu.vector_store %arg28[%swap3A_1236, %swap3A_1237], %mul3A_1235 {strides = array<i32>} : memref<80x128xf32, #tpu.memory_space<vmem>>, vector<16xf32>,
          %get3A_1239 = arith.index_cast %add3A_1201 : i32 to index
          %get3A_1240 = arith.constant 80 : index
          %get3A_1241 = tpu.vector_load %arg28[%get3A_1239, %get3A_1240] {strides = array<i32>} : memref<80x128xf32, #tpu.memory_space<vmem>>, vector<16xf32>,
          %mul3A_1242 = arith.mulf %get3A_1241, %gather3A_1203 : vector<16xf32>
          %swap3A_1243 = arith.index_cast %add3A_1201 : i32 to index
          %swap3A_1244 = arith.constant 80 : index
          %swap3A_1245 = tpu.vector_load %arg28[%swap3A_1243, %swap3A_1244] {strides = array<i32>} : memref<80x128xf32, #tpu.memory_space<vmem>>, vector<16xf32>,
          tpu.vector_store %arg28[%swap3A_1243, %swap3A_1244], %mul3A_1242 {strides = array<i32>} : memref<80x128xf32, #tpu.memory_space<vmem>>, vector<16xf32>,
          %get3A_1246 = arith.index_cast %add3A_1201 : i32 to index
          %get3A_1247 = arith.constant 96 : index
          %get3A_1248 = tpu.vector_load %arg28[%get3A_1246, %get3A_1247] {strides = array<i32>} : memref<80x128xf32, #tpu.memory_space<vmem>>, vector<16xf32>,
          %mul3A_1249 = arith.mulf %get3A_1248, %gather3A_1203 : vector<16xf32>
          %swap3A_1250 = arith.index_cast %add3A_1201 : i32 to index
          %swap3A_1251 = arith.constant 96 : index
          %swap3A_1252 = tpu.vector_load %arg28[%swap3A_1250, %swap3A_1251] {strides = array<i32>} : memref<80x128xf32, #tpu.memory_space<vmem>>, vector<16xf32>,
          tpu.vector_store %arg28[%swap3A_1250, %swap3A_1251], %mul3A_1249 {strides = array<i32>} : memref<80x128xf32, #tpu.memory_space<vmem>>, vector<16xf32>,
          %get3A_1253 = arith.index_cast %add3A_1201 : i32 to index
          %get3A_1254 = arith.constant 112 : index
          %get3A_1255 = tpu.vector_load %arg28[%get3A_1253, %get3A_1254] {strides = array<i32>} : memref<80x128xf32, #tpu.memory_space<vmem>>, vector<16xf32>,
          %mul3A_1256 = arith.mulf %get3A_1255, %gather3A_1203 : vector<16xf32>
          %swap3A_1257 = arith.index_cast %add3A_1201 : i32 to index
          %swap3A_1258 = arith.constant 112 : index
          %swap3A_1259 = tpu.vector_load %arg28[%swap3A_1257, %swap3A_1258] {strides = array<i32>} : memref<80x128xf32, #tpu.memory_space<vmem>>, vector<16xf32>,
          tpu.vector_store %arg28[%swap3A_1257, %swap3A_1258], %mul3A_1256 {strides = array<i32>} : memref<80x128xf32, #tpu.memory_space<vmem>>, vector<16xf32>,
          %mul3A_1260 = arith.constant 4 : i32
          %mul3A_1261 = arith.muli %scan3A_1074, %mul3A_1260 : i32
          %add3A_1262 = arith.constant 3 : i32
          %add3A_1263 = arith.addi %mul3A_1261, %add3A_1262 : i32
          %broadcast_in_dim3A_1264 = vector.broadcast %add3A_1263 : i32 to vector<16xi32>
          %gather3A_1265 = tpu.vector_load_idx %arg26[%broadcast_in_dim3A_1264] : memref<80xf32, #tpu.memory_space<vmem>>[vector<16xi32>], vector<16xf32>,
          %get3A_1266 = arith.index_cast %add3A_1263 : i32 to index
          %get3A_1267 = arith.constant 0 : index
          %get3A_1268 = tpu.vector_load %arg28[%get3A_1266, %get3A_1267] {strides = array<i32>} : memref<80x128xf32, #tpu.memory_space<vmem>>, vector<16xf32>,
          %mul3A_1269 = arith.mulf %get3A_1268, %gather3A_1265 : vector<16xf32>
          %swap3A_1270 = arith.index_cast %add3A_1263 : i32 to index
          %swap3A_1271 = arith.constant 0 : index
          %swap3A_1272 = tpu.vector_load %arg28[%swap3A_1270, %swap3A_1271] {strides = array<i32>} : memref<80x128xf32, #tpu.memory_space<vmem>>, vector<16xf32>,
          tpu.vector_store %arg28[%swap3A_1270, %swap3A_1271], %mul3A_1269 {strides = array<i32>} : memref<80x128xf32, #tpu.memory_space<vmem>>, vector<16xf32>,
          %get3A_1273 = arith.index_cast %add3A_1263 : i32 to index
          %get3A_1274 = arith.constant 16 : index
          %get3A_1275 = tpu.vector_load %arg28[%get3A_1273, %get3A_1274] {strides = array<i32>} : memref<80x128xf32, #tpu.memory_space<vmem>>, vector<16xf32>,
          %mul3A_1276 = arith.mulf %get3A_1275, %gather3A_1265 : vector<16xf32>
          %swap3A_1277 = arith.index_cast %add3A_1263 : i32 to index
          %swap3A_1278 = arith.constant 16 : index
          %swap3A_1279 = tpu.vector_load %arg28[%swap3A_1277, %swap3A_1278] {strides = array<i32>} : memref<80x128xf32, #tpu.memory_space<vmem>>, vector<16xf32>,
          tpu.vector_store %arg28[%swap3A_1277, %swap3A_1278], %mul3A_1276 {strides = array<i32>} : memref<80x128xf32, #tpu.memory_space<vmem>>, vector<16xf32>,
          %get3A_1280 = arith.index_cast %add3A_1263 : i32 to index
          %get3A_1281 = arith.constant 32 : index
          %get3A_1282 = tpu.vector_load %arg28[%get3A_1280, %get3A_1281] {strides = array<i32>} : memref<80x128xf32, #tpu.memory_space<vmem>>, vector<16xf32>,
          %mul3A_1283 = arith.mulf %get3A_1282, %gather3A_1265 : vector<16xf32>
          %swap3A_1284 = arith.index_cast %add3A_1263 : i32 to index
          %swap3A_1285 = arith.constant 32 : index
          %swap3A_1286 = tpu.vector_load %arg28[%swap3A_1284, %swap3A_1285] {strides = array<i32>} : memref<80x128xf32, #tpu.memory_space<vmem>>, vector<16xf32>,
          tpu.vector_store %arg28[%swap3A_1284, %swap3A_1285], %mul3A_1283 {strides = array<i32>} : memref<80x128xf32, #tpu.memory_space<vmem>>, vector<16xf32>,
          %get3A_1287 = arith.index_cast %add3A_1263 : i32 to index
          %get3A_1288 = arith.constant 48 : index
          %get3A_1289 = tpu.vector_load %arg28[%get3A_1287, %get3A_1288] {strides = array<i32>} : memref<80x128xf32, #tpu.memory_space<vmem>>, vector<16xf32>,
          %mul3A_1290 = arith.mulf %get3A_1289, %gather3A_1265 : vector<16xf32>
          %swap3A_1291 = arith.index_cast %add3A_1263 : i32 to index
          %swap3A_1292 = arith.constant 48 : index
          %swap3A_1293 = tpu.vector_load %arg28[%swap3A_1291, %swap3A_1292] {strides = array<i32>} : memref<80x128xf32, #tpu.memory_space<vmem>>, vector<16xf32>,
          tpu.vector_store %arg28[%swap3A_1291, %swap3A_1292], %mul3A_1290 {strides = array<i32>} : memref<80x128xf32, #tpu.memory_space<vmem>>, vector<16xf32>,
          %get3A_1294 = arith.index_cast %add3A_1263 : i32 to index
          %get3A_1295 = arith.constant 64 : index
          %get3A_1296 = tpu.vector_load %arg28[%get3A_1294, %get3A_1295] {strides = array<i32>} : memref<80x128xf32, #tpu.memory_space<vmem>>, vector<16xf32>,
          %mul3A_1297 = arith.mulf %get3A_1296, %gather3A_1265 : vector<16xf32>
          %swap3A_1298 = arith.index_cast %add3A_1263 : i32 to index
          %swap3A_1299 = arith.constant 64 : index
          %swap3A_1300 = tpu.vector_load %arg28[%swap3A_1298, %swap3A_1299] {strides = array<i32>} : memref<80x128xf32, #tpu.memory_space<vmem>>, vector<16xf32>,
          tpu.vector_store %arg28[%swap3A_1298, %swap3A_1299], %mul3A_1297 {strides = array<i32>} : memref<80x128xf32, #tpu.memory_space<vmem>>, vector<16xf32>,
          %get3A_1301 = arith.index_cast %add3A_1263 : i32 to index
          %get3A_1302 = arith.constant 80 : index
          %get3A_1303 = tpu.vector_load %arg28[%get3A_1301, %get3A_1302] {strides = array<i32>} : memref<80x128xf32, #tpu.memory_space<vmem>>, vector<16xf32>,
          %mul3A_1304 = arith.mulf %get3A_1303, %gather3A_1265 : vector<16xf32>
          %swap3A_1305 = arith.index_cast %add3A_1263 : i32 to index
          %swap3A_1306 = arith.constant 80 : index
          %swap3A_1307 = tpu.vector_load %arg28[%swap3A_1305, %swap3A_1306] {strides = array<i32>} : memref<80x128xf32, #tpu.memory_space<vmem>>, vector<16xf32>,
          tpu.vector_store %arg28[%swap3A_1305, %swap3A_1306], %mul3A_1304 {strides = array<i32>} : memref<80x128xf32, #tpu.memory_space<vmem>>, vector<16xf32>,
          %get3A_1308 = arith.index_cast %add3A_1263 : i32 to index
          %get3A_1309 = arith.constant 96 : index
          %get3A_1310 = tpu.vector_load %arg28[%get3A_1308, %get3A_1309] {strides = array<i32>} : memref<80x128xf32, #tpu.memory_space<vmem>>, vector<16xf32>,
          %mul3A_1311 = arith.mulf %get3A_1310, %gather3A_1265 : vector<16xf32>
          %swap3A_1312 = arith.index_cast %add3A_1263 : i32 to index
          %swap3A_1313 = arith.constant 96 : index
          %swap3A_1314 = tpu.vector_load %arg28[%swap3A_1312, %swap3A_1313] {strides = array<i32>} : memref<80x128xf32, #tpu.memory_space<vmem>>, vector<16xf32>,
          tpu.vector_store %arg28[%swap3A_1312, %swap3A_1313], %mul3A_1311 {strides = array<i32>} : memref<80x128xf32, #tpu.memory_space<vmem>>, vector<16xf32>,
          %get3A_1315 = arith.index_cast %add3A_1263 : i32 to index
          %get3A_1316 = arith.constant 112 : index
          %get3A_1317 = tpu.vector_load %arg28[%get3A_1315, %get3A_1316] {strides = array<i32>} : memref<80x128xf32, #tpu.memory_space<vmem>>, vector<16xf32>,
          %mul3A_1318 = arith.mulf %get3A_1317, %gather3A_1265 : vector<16xf32>
          %swap3A_1319 = arith.index_cast %add3A_1263 : i32 to index
          %swap3A_1320 = arith.constant 112 : index
          %swap3A_1321 = tpu.vector_load %arg28[%swap3A_1319, %swap3A_1320] {strides = array<i32>} : memref<80x128xf32, #tpu.memory_space<vmem>>, vector<16xf32>,
          tpu.vector_store %arg28[%swap3A_1319, %swap3A_1320], %mul3A_1318 {strides = array<i32>} : memref<80x128xf32, #tpu.memory_space<vmem>>, vector<16xf32>,
        }
        %scan3A_832 = arith.constant 20 : i32
        %dma_start3A_833 = arith.constant 0 : i32
        %dma_start3A_834 = arith.constant 0 : i32
        %dma_start3A_835 = tpu.memref_slice %arg9[%dma_start3A_833, %dma_start3A_834] : memref<10240x128xf32, #tpu.memory_space<vmem_shared>> -> memref<10240x128xf32, #tpu.memory_space<vmem_shared>>
        tpu.enqueue_indirect_dma source(%arg28 : memref<80x128xf32, #tpu.memory_space<vmem>>) target(%dma_start3A_835 : memref<10240x128xf32, #tpu.memory_space<vmem_shared>>) offsets(%arg18 : memref<80xi32, #tpu.memory_space<vmem>>) semaphore(%arg37 : memref<!tpu.dma_semaphore, #tpu.memory_space<semaphore_mem>>) {add = true}
        %add3A_836 = arith.constant 2 : i32
        %add3A_837 = arith.addi %add3A_775, %add3A_836 : i32
        %dma_wait3A_838 = arith.constant 0 : i32
        %dma_wait3A_839 = arith.constant 0 : i32
        %dma_wait3A_840 = tpu.memref_slice %arg9[%dma_wait3A_838, %dma_wait3A_839] : memref<10240x128xf32, #tpu.memory_space<vmem_shared>> -> memref<10240x128xf32, #tpu.memory_space<vmem_shared>>
        tpu.wait_indirect_dma semaphore(%arg36 : memref<!tpu.dma_semaphore, #tpu.memory_space<semaphore_mem>>) src(%arg27 : memref<80x128xf32, #tpu.memory_space<vmem>>) dst(%dma_wait3A_840 : memref<10240x128xf32, #tpu.memory_space<vmem_shared>>)
        %mul3A_841 = arith.constant 80 : i32
        %mul3A_842 = arith.muli %add3A_837, %mul3A_841 : i32
        %add3A_843 = arith.constant 0 : i32
        %add3A_844 = arith.addi %mul3A_842, %add3A_843 : i32
        %get3A_845 = arith.index_cast %add3A_844 : i32 to index
        %get3A_846 = tpu.vector_load %arg12[%get3A_845] {strides = array<i32>} : memref<2000xi32, #tpu.memory_space<vmem>>, vector<16xi32>,
        %add3A_847 = arith.constant 0 : i32
        %add3A_848 = arith.addi %mul3A_842, %add3A_847 : i32
        %get3A_849 = arith.index_cast %add3A_848 : i32 to index
        %get3A_850 = tpu.vector_load %arg10[%get3A_849] {strides = array<i32>} : memref<2000xi32, #tpu.memory_space<vmem>>, vector<16xi32>,
        %add3A_851 = arith.constant 0 : i32
        %add3A_852 = arith.addi %mul3A_842, %add3A_851 : i32
        %get3A_853 = arith.index_cast %add3A_852 : i32 to index
        %get3A_854 = tpu.vector_load %arg11[%get3A_853] {strides = array<i32>} : memref<2000xi32, #tpu.memory_space<vmem>>, vector<16xi32>,
        %mul3A_855 = arith.constant 10000 : i32
        %mul3A_856 = vector.broadcast %mul3A_855 : i32 to vector<16xi32>
        %mul3A_857 = arith.muli %get3A_846, %mul3A_856 : vector<16xi32>
        %add3A_858 = arith.addi %mul3A_857, %get3A_850 : vector<16xi32>
        %swap3A_859 = arith.constant 0 : index
        %swap3A_860 = tpu.vector_load %arg14[%swap3A_859] {strides = array<i32>} : memref<80xi32, #tpu.memory_space<vmem>>, vector<16xi32>,
        %swap3A_861 = vector.shape_cast %swap3A_860 : vector<16xi32> to vector<16xi32>
        %swap3A_862 = vector.shape_cast %add3A_858 : vector<16xi32> to vector<16xi32>
        tpu.vector_store %arg14[%swap3A_859], %swap3A_862 {strides = array<i32>} : memref<80xi32, #tpu.memory_space<vmem>>, vector<16xi32>,
        %swap3A_863 = arith.constant 0 : index
        %swap3A_864 = tpu.vector_load %arg17[%swap3A_863] {strides = array<i32>} : memref<80xi32, #tpu.memory_space<vmem>>, vector<16xi32>,
        %swap3A_865 = vector.shape_cast %swap3A_864 : vector<16xi32> to vector<16xi32>
        %swap3A_866 = vector.shape_cast %get3A_854 : vector<16xi32> to vector<16xi32>
        tpu.vector_store %arg17[%swap3A_863], %swap3A_866 {strides = array<i32>} : memref<80xi32, #tpu.memory_space<vmem>>, vector<16xi32>,
        %mul3A_867 = arith.constant 10000 : i32
        %mul3A_868 = vector.broadcast %mul3A_867 : i32 to vector<16xi32>
        %mul3A_869 = arith.muli %get3A_846, %mul3A_868 : vector<16xi32>
        %add3A_870 = arith.addi %mul3A_869, %get3A_854 : vector<16xi32>
        %swap3A_871 = arith.constant 0 : index
        %swap3A_872 = tpu.vector_load %arg20[%swap3A_871] {strides = array<i32>} : memref<80xi32, #tpu.memory_space<vmem>>, vector<16xi32>,
        %swap3A_873 = vector.shape_cast %swap3A_872 : vector<16xi32> to vector<16xi32>
        %swap3A_874 = vector.shape_cast %add3A_870 : vector<16xi32> to vector<16xi32>
        tpu.vector_store %arg20[%swap3A_871], %swap3A_874 {strides = array<i32>} : memref<80xi32, #tpu.memory_space<vmem>>, vector<16xi32>,
        %add3A_875 = arith.constant 16 : i32
        %add3A_876 = arith.addi %mul3A_842, %add3A_875 : i32
        %get3A_877 = arith.index_cast %add3A_876 : i32 to index
        %get3A_878 = tpu.vector_load %arg12[%get3A_877] {strides = array<i32>} : memref<2000xi32, #tpu.memory_space<vmem>>, vector<16xi32>,
        %add3A_879 = arith.constant 16 : i32
        %add3A_880 = arith.addi %mul3A_842, %add3A_879 : i32
        %get3A_881 = arith.index_cast %add3A_880 : i32 to index
        %get3A_882 = tpu.vector_load %arg10[%get3A_881] {strides = array<i32>} : memref<2000xi32, #tpu.memory_space<vmem>>, vector<16xi32>,
        %add3A_883 = arith.constant 16 : i32
        %add3A_884 = arith.addi %mul3A_842, %add3A_883 : i32
        %get3A_885 = arith.index_cast %add3A_884 : i32 to index
        %get3A_886 = tpu.vector_load %arg11[%get3A_885] {strides = array<i32>} : memref<2000xi32, #tpu.memory_space<vmem>>, vector<16xi32>,
        %mul3A_887 = arith.constant 10000 : i32
        %mul3A_888 = vector.broadcast %mul3A_887 : i32 to vector<16xi32>
        %mul3A_889 = arith.muli %get3A_878, %mul3A_888 : vector<16xi32>
        %add3A_890 = arith.addi %mul3A_889, %get3A_882 : vector<16xi32>
        %swap3A_891 = arith.constant 16 : index
        %swap3A_892 = tpu.vector_load %arg14[%swap3A_891] {strides = array<i32>} : memref<80xi32, #tpu.memory_space<vmem>>, vector<16xi32>,
        %swap3A_893 = vector.shape_cast %swap3A_892 : vector<16xi32> to vector<16xi32>
        %swap3A_894 = vector.shape_cast %add3A_890 : vector<16xi32> to vector<16xi32>
        tpu.vector_store %arg14[%swap3A_891], %swap3A_894 {strides = array<i32>} : memref<80xi32, #tpu.memory_space<vmem>>, vector<16xi32>,
        %swap3A_895 = arith.constant 16 : index
        %swap3A_896 = tpu.vector_load %arg17[%swap3A_895] {strides = array<i32>} : memref<80xi32, #tpu.memory_space<vmem>>, vector<16xi32>,
        %swap3A_897 = vector.shape_cast %swap3A_896 : vector<16xi32> to vector<16xi32>
        %swap3A_898 = vector.shape_cast %get3A_886 : vector<16xi32> to vector<16xi32>
        tpu.vector_store %arg17[%swap3A_895], %swap3A_898 {strides = array<i32>} : memref<80xi32, #tpu.memory_space<vmem>>, vector<16xi32>,
        %mul3A_899 = arith.constant 10000 : i32
        %mul3A_900 = vector.broadcast %mul3A_899 : i32 to vector<16xi32>
        %mul3A_901 = arith.muli %get3A_878, %mul3A_900 : vector<16xi32>
        %add3A_902 = arith.addi %mul3A_901, %get3A_886 : vector<16xi32>
        %swap3A_903 = arith.constant 16 : index
        %swap3A_904 = tpu.vector_load %arg20[%swap3A_903] {strides = array<i32>} : memref<80xi32, #tpu.memory_space<vmem>>, vector<16xi32>,
        %swap3A_905 = vector.shape_cast %swap3A_904 : vector<16xi32> to vector<16xi32>
        %swap3A_906 = vector.shape_cast %add3A_902 : vector<16xi32> to vector<16xi32>
        tpu.vector_store %arg20[%swap3A_903], %swap3A_906 {strides = array<i32>} : memref<80xi32, #tpu.memory_space<vmem>>, vector<16xi32>,
        %add3A_907 = arith.constant 32 : i32
        %add3A_908 = arith.addi %mul3A_842, %add3A_907 : i32
        %get3A_909 = arith.index_cast %add3A_908 : i32 to index
        %get3A_910 = tpu.vector_load %arg12[%get3A_909] {strides = array<i32>} : memref<2000xi32, #tpu.memory_space<vmem>>, vector<16xi32>,
        %add3A_911 = arith.constant 32 : i32
        %add3A_912 = arith.addi %mul3A_842, %add3A_911 : i32
        %get3A_913 = arith.index_cast %add3A_912 : i32 to index
        %get3A_914 = tpu.vector_load %arg10[%get3A_913] {strides = array<i32>} : memref<2000xi32, #tpu.memory_space<vmem>>, vector<16xi32>,
        %add3A_915 = arith.constant 32 : i32
        %add3A_916 = arith.addi %mul3A_842, %add3A_915 : i32
        %get3A_917 = arith.index_cast %add3A_916 : i32 to index
        %get3A_918 = tpu.vector_load %arg11[%get3A_917] {strides = array<i32>} : memref<2000xi32, #tpu.memory_space<vmem>>, vector<16xi32>,
        %mul3A_919 = arith.constant 10000 : i32
        %mul3A_920 = vector.broadcast %mul3A_919 : i32 to vector<16xi32>
        %mul3A_921 = arith.muli %get3A_910, %mul3A_920 : vector<16xi32>
        %add3A_922 = arith.addi %mul3A_921, %get3A_914 : vector<16xi32>
        %swap3A_923 = arith.constant 32 : index
        %swap3A_924 = tpu.vector_load %arg14[%swap3A_923] {strides = array<i32>} : memref<80xi32, #tpu.memory_space<vmem>>, vector<16xi32>,
        %swap3A_925 = vector.shape_cast %swap3A_924 : vector<16xi32> to vector<16xi32>
        %swap3A_926 = vector.shape_cast %add3A_922 : vector<16xi32> to vector<16xi32>
        tpu.vector_store %arg14[%swap3A_923], %swap3A_926 {strides = array<i32>} : memref<80xi32, #tpu.memory_space<vmem>>, vector<16xi32>,
        %swap3A_927 = arith.constant 32 : index
        %swap3A_928 = tpu.vector_load %arg17[%swap3A_927] {strides = array<i32>} : memref<80xi32, #tpu.memory_space<vmem>>, vector<16xi32>,
        %swap3A_929 = vector.shape_cast %swap3A_928 : vector<16xi32> to vector<16xi32>
        %swap3A_930 = vector.shape_cast %get3A_918 : vector<16xi32> to vector<16xi32>
        tpu.vector_store %arg17[%swap3A_927], %swap3A_930 {strides = array<i32>} : memref<80xi32, #tpu.memory_space<vmem>>, vector<16xi32>,
        %mul3A_931 = arith.constant 10000 : i32
        %mul3A_932 = vector.broadcast %mul3A_931 : i32 to vector<16xi32>
        %mul3A_933 = arith.muli %get3A_910, %mul3A_932 : vector<16xi32>
        %add3A_934 = arith.addi %mul3A_933, %get3A_918 : vector<16xi32>
        %swap3A_935 = arith.constant 32 : index
        %swap3A_936 = tpu.vector_load %arg20[%swap3A_935] {strides = array<i32>} : memref<80xi32, #tpu.memory_space<vmem>>, vector<16xi32>,
        %swap3A_937 = vector.shape_cast %swap3A_936 : vector<16xi32> to vector<16xi32>
        %swap3A_938 = vector.shape_cast %add3A_934 : vector<16xi32> to vector<16xi32>
        tpu.vector_store %arg20[%swap3A_935], %swap3A_938 {strides = array<i32>} : memref<80xi32, #tpu.memory_space<vmem>>, vector<16xi32>,
        %add3A_939 = arith.constant 48 : i32
        %add3A_940 = arith.addi %mul3A_842, %add3A_939 : i32
        %get3A_941 = arith.index_cast %add3A_940 : i32 to index
        %get3A_942 = tpu.vector_load %arg12[%get3A_941] {strides = array<i32>} : memref<2000xi32, #tpu.memory_space<vmem>>, vector<16xi32>,
        %add3A_943 = arith.constant 48 : i32
        %add3A_944 = arith.addi %mul3A_842, %add3A_943 : i32
        %get3A_945 = arith.index_cast %add3A_944 : i32 to index
        %get3A_946 = tpu.vector_load %arg10[%get3A_945] {strides = array<i32>} : memref<2000xi32, #tpu.memory_space<vmem>>, vector<16xi32>,
        %add3A_947 = arith.constant 48 : i32
        %add3A_948 = arith.addi %mul3A_842, %add3A_947 : i32
        %get3A_949 = arith.index_cast %add3A_948 : i32 to index
        %get3A_950 = tpu.vector_load %arg11[%get3A_949] {strides = array<i32>} : memref<2000xi32, #tpu.memory_space<vmem>>, vector<16xi32>,
        %mul3A_951 = arith.constant 10000 : i32
        %mul3A_952 = vector.broadcast %mul3A_951 : i32 to vector<16xi32>
        %mul3A_953 = arith.muli %get3A_942, %mul3A_952 : vector<16xi32>
        %add3A_954 = arith.addi %mul3A_953, %get3A_946 : vector<16xi32>
        %swap3A_955 = arith.constant 48 : index
        %swap3A_956 = tpu.vector_load %arg14[%swap3A_955] {strides = array<i32>} : memref<80xi32, #tpu.memory_space<vmem>>, vector<16xi32>,
        %swap3A_957 = vector.shape_cast %swap3A_956 : vector<16xi32> to vector<16xi32>
        %swap3A_958 = vector.shape_cast %add3A_954 : vector<16xi32> to vector<16xi32>
        tpu.vector_store %arg14[%swap3A_955], %swap3A_958 {strides = array<i32>} : memref<80xi32, #tpu.memory_space<vmem>>, vector<16xi32>,
        %swap3A_959 = arith.constant 48 : index
        %swap3A_960 = tpu.vector_load %arg17[%swap3A_959] {strides = array<i32>} : memref<80xi32, #tpu.memory_space<vmem>>, vector<16xi32>,
        %swap3A_961 = vector.shape_cast %swap3A_960 : vector<16xi32> to vector<16xi32>
        %swap3A_962 = vector.shape_cast %get3A_950 : vector<16xi32> to vector<16xi32>
        tpu.vector_store %arg17[%swap3A_959], %swap3A_962 {strides = array<i32>} : memref<80xi32, #tpu.memory_space<vmem>>, vector<16xi32>,
        %mul3A_963 = arith.constant 10000 : i32
        %mul3A_964 = vector.broadcast %mul3A_963 : i32 to vector<16xi32>
        %mul3A_965 = arith.muli %get3A_942, %mul3A_964 : vector<16xi32>
        %add3A_966 = arith.addi %mul3A_965, %get3A_950 : vector<16xi32>
        %swap3A_967 = arith.constant 48 : index
        %swap3A_968 = tpu.vector_load %arg20[%swap3A_967] {strides = array<i32>} : memref<80xi32, #tpu.memory_space<vmem>>, vector<16xi32>,
        %swap3A_969 = vector.shape_cast %swap3A_968 : vector<16xi32> to vector<16xi32>
        %swap3A_970 = vector.shape_cast %add3A_966 : vector<16xi32> to vector<16xi32>
        tpu.vector_store %arg20[%swap3A_967], %swap3A_970 {strides = array<i32>} : memref<80xi32, #tpu.memory_space<vmem>>, vector<16xi32>,
        %add3A_971 = arith.constant 64 : i32
        %add3A_972 = arith.addi %mul3A_842, %add3A_971 : i32
        %get3A_973 = arith.index_cast %add3A_972 : i32 to index
        %get3A_974 = tpu.vector_load %arg12[%get3A_973] {strides = array<i32>} : memref<2000xi32, #tpu.memory_space<vmem>>, vector<16xi32>,
        %add3A_975 = arith.constant 64 : i32
        %add3A_976 = arith.addi %mul3A_842, %add3A_975 : i32
        %get3A_977 = arith.index_cast %add3A_976 : i32 to index
        %get3A_978 = tpu.vector_load %arg10[%get3A_977] {strides = array<i32>} : memref<2000xi32, #tpu.memory_space<vmem>>, vector<16xi32>,
        %add3A_979 = arith.constant 64 : i32
        %add3A_980 = arith.addi %mul3A_842, %add3A_979 : i32
        %get3A_981 = arith.index_cast %add3A_980 : i32 to index
        %get3A_982 = tpu.vector_load %arg11[%get3A_981] {strides = array<i32>} : memref<2000xi32, #tpu.memory_space<vmem>>, vector<16xi32>,
        %mul3A_983 = arith.constant 10000 : i32
        %mul3A_984 = vector.broadcast %mul3A_983 : i32 to vector<16xi32>
        %mul3A_985 = arith.muli %get3A_974, %mul3A_984 : vector<16xi32>
        %add3A_986 = arith.addi %mul3A_985, %get3A_978 : vector<16xi32>
        %swap3A_987 = arith.constant 64 : index
        %swap3A_988 = tpu.vector_load %arg14[%swap3A_987] {strides = array<i32>} : memref<80xi32, #tpu.memory_space<vmem>>, vector<16xi32>,
        %swap3A_989 = vector.shape_cast %swap3A_988 : vector<16xi32> to vector<16xi32>
        %swap3A_990 = vector.shape_cast %add3A_986 : vector<16xi32> to vector<16xi32>
        tpu.vector_store %arg14[%swap3A_987], %swap3A_990 {strides = array<i32>} : memref<80xi32, #tpu.memory_space<vmem>>, vector<16xi32>,
        %swap3A_991 = arith.constant 64 : index
        %swap3A_992 = tpu.vector_load %arg17[%swap3A_991] {strides = array<i32>} : memref<80xi32, #tpu.memory_space<vmem>>, vector<16xi32>,
        %swap3A_993 = vector.shape_cast %swap3A_992 : vector<16xi32> to vector<16xi32>
        %swap3A_994 = vector.shape_cast %get3A_982 : vector<16xi32> to vector<16xi32>
        tpu.vector_store %arg17[%swap3A_991], %swap3A_994 {strides = array<i32>} : memref<80xi32, #tpu.memory_space<vmem>>, vector<16xi32>,
        %mul3A_995 = arith.constant 10000 : i32
        %mul3A_996 = vector.broadcast %mul3A_995 : i32 to vector<16xi32>
        %mul3A_997 = arith.muli %get3A_974, %mul3A_996 : vector<16xi32>
        %add3A_998 = arith.addi %mul3A_997, %get3A_982 : vector<16xi32>
        %swap3A_999 = arith.constant 64 : index
        %swap3A_1000 = tpu.vector_load %arg20[%swap3A_999] {strides = array<i32>} : memref<80xi32, #tpu.memory_space<vmem>>, vector<16xi32>,
        %swap3A_1001 = vector.shape_cast %swap3A_1000 : vector<16xi32> to vector<16xi32>
        %swap3A_1002 = vector.shape_cast %add3A_998 : vector<16xi32> to vector<16xi32>
        tpu.vector_store %arg20[%swap3A_999], %swap3A_1002 {strides = array<i32>} : memref<80xi32, #tpu.memory_space<vmem>>, vector<16xi32>,
        %dma_start3A_1003 = arith.constant 0 : i32
        %dma_start3A_1004 = arith.constant 0 : i32
        %dma_start3A_1005 = tpu.memref_slice %arg2[%dma_start3A_1003, %dma_start3A_1004] : memref<30000x128xf32, #tpu.memory_space<hbm>> -> memref<30000x128xf32, #tpu.memory_space<hbm>>
        tpu.enqueue_indirect_dma source(%dma_start3A_1005 : memref<30000x128xf32, #tpu.memory_space<hbm>>) target(%arg27 : memref<80x128xf32, #tpu.memory_space<vmem>>) offsets(%arg14 : memref<80xi32, #tpu.memory_space<vmem>>) semaphore(%arg30 : memref<!tpu.dma_semaphore, #tpu.memory_space<semaphore_mem>>)
        %dma_start3A_1006 = arith.constant 0 : i32
        %dma_start3A_1007 = tpu.memref_slice %arg7[%dma_start3A_1006] : memref<30208xf32, #tpu.memory_space<hbm>> -> memref<30208xf32, #tpu.memory_space<hbm>>
        tpu.enqueue_indirect_dma source(%dma_start3A_1007 : memref<30208xf32, #tpu.memory_space<hbm>>) target(%arg23 : memref<80xf32, #tpu.memory_space<vmem>>) offsets(%arg20 : memref<80xi32, #tpu.memory_space<vmem>>) semaphore(%arg33 : memref<!tpu.dma_semaphore, #tpu.memory_space<semaphore_mem>>)
        %add3A_1008 = arith.constant 2 : i32
        %add3A_1009 = arith.addi %mul3A_539, %add3A_1008 : i32
        %mul3A_1010 = arith.constant 80 : i32
        %mul3A_1011 = arith.muli %add3A_1009, %mul3A_1010 : i32
        %dma_wait3A_1012 = arith.constant 0 : i32
        %dma_wait3A_1013 = arith.constant 0 : i32
        %dma_wait3A_1014 = tpu.memref_slice %arg2[%dma_wait3A_1012, %dma_wait3A_1013] : memref<30000x128xf32, #tpu.memory_space<hbm>> -> memref<30000x128xf32, #tpu.memory_space<hbm>>
        tpu.wait_indirect_dma semaphore(%arg32 : memref<!tpu.dma_semaphore, #tpu.memory_space<semaphore_mem>>) src(%dma_wait3A_1014 : memref<30000x128xf32, #tpu.memory_space<hbm>>) dst(%arg29 : memref<80x128xf32, #tpu.memory_space<vmem>>)
        %dma_wait3A_1015 = arith.constant 0 : i32
        %dma_wait3A_1016 = tpu.memref_slice %arg7[%dma_wait3A_1015] : memref<30208xf32, #tpu.memory_space<hbm>> -> memref<30208xf32, #tpu.memory_space<hbm>>
        tpu.wait_indirect_dma semaphore(%arg35 : memref<!tpu.dma_semaphore, #tpu.memory_space<semaphore_mem>>) src(%dma_wait3A_1016 : memref<30208xf32, #tpu.memory_space<hbm>>) dst(%arg25 : memref<80xf32, #tpu.memory_space<vmem>>)
        %add3A_1017 = arith.constant 0 : i32
        %add3A_1018 = arith.addi %mul3A_1011, %add3A_1017 : i32
        %get3A_1019 = arith.index_cast %add3A_1018 : i32 to index
        %get3A_1020 = tpu.vector_load %arg13[%get3A_1019] {strides = array<i32>} : memref<2000xf32, #tpu.memory_space<vmem>>, vector<16xf32>,
        %get3A_1021 = arith.constant 0 : index
        %get3A_1022 = tpu.vector_load %arg25[%get3A_1021] {strides = array<i32>} : memref<80xf32, #tpu.memory_space<vmem>>, vector<16xf32>,
        %mul3A_1023 = arith.mulf %get3A_1020, %get3A_1022 : vector<16xf32>
        %swap3A_1024 = arith.constant 0 : index
        %swap3A_1025 = tpu.vector_load %arg26[%swap3A_1024] {strides = array<i32>} : memref<80xf32, #tpu.memory_space<vmem>>, vector<16xf32>,
        tpu.vector_store %arg26[%swap3A_1024], %mul3A_1023 {strides = array<i32>} : memref<80xf32, #tpu.memory_space<vmem>>, vector<16xf32>,
        %add3A_1026 = arith.constant 16 : i32
        %add3A_1027 = arith.addi %mul3A_1011, %add3A_1026 : i32
        %get3A_1028 = arith.index_cast %add3A_1027 : i32 to index
        %get3A_1029 = tpu.vector_load %arg13[%get3A_1028] {strides = array<i32>} : memref<2000xf32, #tpu.memory_space<vmem>>, vector<16xf32>,
        %get3A_1030 = arith.constant 16 : index
        %get3A_1031 = tpu.vector_load %arg25[%get3A_1030] {strides = array<i32>} : memref<80xf32, #tpu.memory_space<vmem>>, vector<16xf32>,
        %mul3A_1032 = arith.mulf %get3A_1029, %get3A_1031 : vector<16xf32>
        %swap3A_1033 = arith.constant 16 : index
        %swap3A_1034 = tpu.vector_load %arg26[%swap3A_1033] {strides = array<i32>} : memref<80xf32, #tpu.memory_space<vmem>>, vector<16xf32>,
        tpu.vector_store %arg26[%swap3A_1033], %mul3A_1032 {strides = array<i32>} : memref<80xf32, #tpu.memory_space<vmem>>, vector<16xf32>,
        %add3A_1035 = arith.constant 32 : i32
        %add3A_1036 = arith.addi %mul3A_1011, %add3A_1035 : i32
        %get3A_1037 = arith.index_cast %add3A_1036 : i32 to index
        %get3A_1038 = tpu.vector_load %arg13[%get3A_1037] {strides = array<i32>} : memref<2000xf32, #tpu.memory_space<vmem>>, vector<16xf32>,
        %get3A_1039 = arith.constant 32 : index
        %get3A_1040 = tpu.vector_load %arg25[%get3A_1039] {strides = array<i32>} : memref<80xf32, #tpu.memory_space<vmem>>, vector<16xf32>,
        %mul3A_1041 = arith.mulf %get3A_1038, %get3A_1040 : vector<16xf32>
        %swap3A_1042 = arith.constant 32 : index
        %swap3A_1043 = tpu.vector_load %arg26[%swap3A_1042] {strides = array<i32>} : memref<80xf32, #tpu.memory_space<vmem>>, vector<16xf32>,
        tpu.vector_store %arg26[%swap3A_1042], %mul3A_1041 {strides = array<i32>} : memref<80xf32, #tpu.memory_space<vmem>>, vector<16xf32>,
        %add3A_1044 = arith.constant 48 : i32
        %add3A_1045 = arith.addi %mul3A_1011, %add3A_1044 : i32
        %get3A_1046 = arith.index_cast %add3A_1045 : i32 to index
        %get3A_1047 = tpu.vector_load %arg13[%get3A_1046] {strides = array<i32>} : memref<2000xf32, #tpu.memory_space<vmem>>, vector<16xf32>,
        %get3A_1048 = arith.constant 48 : index
        %get3A_1049 = tpu.vector_load %arg25[%get3A_1048] {strides = array<i32>} : memref<80xf32, #tpu.memory_space<vmem>>, vector<16xf32>,
        %mul3A_1050 = arith.mulf %get3A_1047, %get3A_1049 : vector<16xf32>
        %swap3A_1051 = arith.constant 48 : index
        %swap3A_1052 = tpu.vector_load %arg26[%swap3A_1051] {strides = array<i32>} : memref<80xf32, #tpu.memory_space<vmem>>, vector<16xf32>,
        tpu.vector_store %arg26[%swap3A_1051], %mul3A_1050 {strides = array<i32>} : memref<80xf32, #tpu.memory_space<vmem>>, vector<16xf32>,
        %add3A_1053 = arith.constant 64 : i32
        %add3A_1054 = arith.addi %mul3A_1011, %add3A_1053 : i32
        %get3A_1055 = arith.index_cast %add3A_1054 : i32 to index
        %get3A_1056 = tpu.vector_load %arg13[%get3A_1055] {strides = array<i32>} : memref<2000xf32, #tpu.memory_space<vmem>>, vector<16xf32>,
        %get3A_1057 = arith.constant 64 : index
        %get3A_1058 = tpu.vector_load %arg25[%get3A_1057] {strides = array<i32>} : memref<80xf32, #tpu.memory_space<vmem>>, vector<16xf32>,
        %mul3A_1059 = arith.mulf %get3A_1056, %get3A_1058 : vector<16xf32>
        %swap3A_1060 = arith.constant 64 : index
        %swap3A_1061 = tpu.vector_load %arg26[%swap3A_1060] {strides = array<i32>} : memref<80xf32, #tpu.memory_space<vmem>>, vector<16xf32>,
        tpu.vector_store %arg26[%swap3A_1060], %mul3A_1059 {strides = array<i32>} : memref<80xf32, #tpu.memory_space<vmem>>, vector<16xf32>,
        %scan3A_1062 = arith.constant 0 : i32
        %scan3A_1063 = arith.constant 20 : i32
        %scan3A_1064 = arith.addi %scan3A_1062, %scan3A_1063 : i32
        %scan3A_1065 = arith.constant 1 : i32
        scf.for %scan3A_1074 = %scan3A_1062 to %scan3A_1064 step %scan3A_1065  : i32 {
          %mul3A_1075 = arith.constant 4 : i32
          %mul3A_1076 = arith.muli %scan3A_1074, %mul3A_1075 : i32
          %add3A_1077 = arith.constant 0 : i32
          %add3A_1078 = arith.addi %mul3A_1076, %add3A_1077 : i32
          %broadcast_in_dim3A_1079 = vector.broadcast %add3A_1078 : i32 to vector<16xi32>
          %gather3A = tpu.vector_load_idx %arg26[%broadcast_in_dim3A_1079] : memref<80xf32, #tpu.memory_space<vmem>>[vector<16xi32>], vector<16xf32>,
          %get3A_1080 = arith.index_cast %add3A_1078 : i32 to index
          %get3A_1081 = arith.constant 0 : index
          %get3A_1082 = tpu.vector_load %arg29[%get3A_1080, %get3A_1081] {strides = array<i32>} : memref<80x128xf32, #tpu.memory_space<vmem>>, vector<16xf32>,
          %mul3A_1083 = arith.mulf %get3A_1082, %gather3A : vector<16xf32>
          %swap3A_1084 = arith.index_cast %add3A_1078 : i32 to index
          %swap3A_1085 = arith.constant 0 : index
          %swap3A_1086 = tpu.vector_load %arg29[%swap3A_1084, %swap3A_1085] {strides = array<i32>} : memref<80x128xf32, #tpu.memory_space<vmem>>, vector<16xf32>,
          tpu.vector_store %arg29[%swap3A_1084, %swap3A_1085], %mul3A_1083 {strides = array<i32>} : memref<80x128xf32, #tpu.memory_space<vmem>>, vector<16xf32>,
          %get3A_1087 = arith.index_cast %add3A_1078 : i32 to index
          %get3A_1088 = arith.constant 16 : index
          %get3A_1089 = tpu.vector_load %arg29[%get3A_1087, %get3A_1088] {strides = array<i32>} : memref<80x128xf32, #tpu.memory_space<vmem>>, vector<16xf32>,
          %mul3A_1090 = arith.mulf %get3A_1089, %gather3A : vector<16xf32>
          %swap3A_1091 = arith.index_cast %add3A_1078 : i32 to index
          %swap3A_1092 = arith.constant 16 : index
          %swap3A_1093 = tpu.vector_load %arg29[%swap3A_1091, %swap3A_1092] {strides = array<i32>} : memref<80x128xf32, #tpu.memory_space<vmem>>, vector<16xf32>,
          tpu.vector_store %arg29[%swap3A_1091, %swap3A_1092], %mul3A_1090 {strides = array<i32>} : memref<80x128xf32, #tpu.memory_space<vmem>>, vector<16xf32>,
          %get3A_1094 = arith.index_cast %add3A_1078 : i32 to index
          %get3A_1095 = arith.constant 32 : index
          %get3A_1096 = tpu.vector_load %arg29[%get3A_1094, %get3A_1095] {strides = array<i32>} : memref<80x128xf32, #tpu.memory_space<vmem>>, vector<16xf32>,
          %mul3A_1097 = arith.mulf %get3A_1096, %gather3A : vector<16xf32>
          %swap3A_1098 = arith.index_cast %add3A_1078 : i32 to index
          %swap3A_1099 = arith.constant 32 : index
          %swap3A_1100 = tpu.vector_load %arg29[%swap3A_1098, %swap3A_1099] {strides = array<i32>} : memref<80x128xf32, #tpu.memory_space<vmem>>, vector<16xf32>,
          tpu.vector_store %arg29[%swap3A_1098, %swap3A_1099], %mul3A_1097 {strides = array<i32>} : memref<80x128xf32, #tpu.memory_space<vmem>>, vector<16xf32>,
          %get3A_1101 = arith.index_cast %add3A_1078 : i32 to index
          %get3A_1102 = arith.constant 48 : index
          %get3A_1103 = tpu.vector_load %arg29[%get3A_1101, %get3A_1102] {strides = array<i32>} : memref<80x128xf32, #tpu.memory_space<vmem>>, vector<16xf32>,
          %mul3A_1104 = arith.mulf %get3A_1103, %gather3A : vector<16xf32>
          %swap3A_1105 = arith.index_cast %add3A_1078 : i32 to index
          %swap3A_1106 = arith.constant 48 : index
          %swap3A_1107 = tpu.vector_load %arg29[%swap3A_1105, %swap3A_1106] {strides = array<i32>} : memref<80x128xf32, #tpu.memory_space<vmem>>, vector<16xf32>,
          tpu.vector_store %arg29[%swap3A_1105, %swap3A_1106], %mul3A_1104 {strides = array<i32>} : memref<80x128xf32, #tpu.memory_space<vmem>>, vector<16xf32>,
          %get3A_1108 = arith.index_cast %add3A_1078 : i32 to index
          %get3A_1109 = arith.constant 64 : index
          %get3A_1110 = tpu.vector_load %arg29[%get3A_1108, %get3A_1109] {strides = array<i32>} : memref<80x128xf32, #tpu.memory_space<vmem>>, vector<16xf32>,
          %mul3A_1111 = arith.mulf %get3A_1110, %gather3A : vector<16xf32>
          %swap3A_1112 = arith.index_cast %add3A_1078 : i32 to index
          %swap3A_1113 = arith.constant 64 : index
          %swap3A_1114 = tpu.vector_load %arg29[%swap3A_1112, %swap3A_1113] {strides = array<i32>} : memref<80x128xf32, #tpu.memory_space<vmem>>, vector<16xf32>,
          tpu.vector_store %arg29[%swap3A_1112, %swap3A_1113], %mul3A_1111 {strides = array<i32>} : memref<80x128xf32, #tpu.memory_space<vmem>>, vector<16xf32>,
          %get3A_1115 = arith.index_cast %add3A_1078 : i32 to index
          %get3A_1116 = arith.constant 80 : index
          %get3A_1117 = tpu.vector_load %arg29[%get3A_1115, %get3A_1116] {strides = array<i32>} : memref<80x128xf32, #tpu.memory_space<vmem>>, vector<16xf32>,
          %mul3A_1118 = arith.mulf %get3A_1117, %gather3A : vector<16xf32>
          %swap3A_1119 = arith.index_cast %add3A_1078 : i32 to index
          %swap3A_1120 = arith.constant 80 : index
          %swap3A_1121 = tpu.vector_load %arg29[%swap3A_1119, %swap3A_1120] {strides = array<i32>} : memref<80x128xf32, #tpu.memory_space<vmem>>, vector<16xf32>,
          tpu.vector_store %arg29[%swap3A_1119, %swap3A_1120], %mul3A_1118 {strides = array<i32>} : memref<80x128xf32, #tpu.memory_space<vmem>>, vector<16xf32>,
          %get3A_1122 = arith.index_cast %add3A_1078 : i32 to index
          %get3A_1123 = arith.constant 96 : index
          %get3A_1124 = tpu.vector_load %arg29[%get3A_1122, %get3A_1123] {strides = array<i32>} : memref<80x128xf32, #tpu.memory_space<vmem>>, vector<16xf32>,
          %mul3A_1125 = arith.mulf %get3A_1124, %gather3A : vector<16xf32>
          %swap3A_1126 = arith.index_cast %add3A_1078 : i32 to index
          %swap3A_1127 = arith.constant 96 : index
          %swap3A_1128 = tpu.vector_load %arg29[%swap3A_1126, %swap3A_1127] {strides = array<i32>} : memref<80x128xf32, #tpu.memory_space<vmem>>, vector<16xf32>,
          tpu.vector_store %arg29[%swap3A_1126, %swap3A_1127], %mul3A_1125 {strides = array<i32>} : memref<80x128xf32, #tpu.memory_space<vmem>>, vector<16xf32>,
          %get3A_1129 = arith.index_cast %add3A_1078 : i32 to index
          %get3A_1130 = arith.constant 112 : index
          %get3A_1131 = tpu.vector_load %arg29[%get3A_1129, %get3A_1130] {strides = array<i32>} : memref<80x128xf32, #tpu.memory_space<vmem>>, vector<16xf32>,
          %mul3A_1132 = arith.mulf %get3A_1131, %gather3A : vector<16xf32>
          %swap3A_1133 = arith.index_cast %add3A_1078 : i32 to index
          %swap3A_1134 = arith.constant 112 : index
          %swap3A_1135 = tpu.vector_load %arg29[%swap3A_1133, %swap3A_1134] {strides = array<i32>} : memref<80x128xf32, #tpu.memory_space<vmem>>, vector<16xf32>,
          tpu.vector_store %arg29[%swap3A_1133, %swap3A_1134], %mul3A_1132 {strides = array<i32>} : memref<80x128xf32, #tpu.memory_space<vmem>>, vector<16xf32>,
          %mul3A_1136 = arith.constant 4 : i32
          %mul3A_1137 = arith.muli %scan3A_1074, %mul3A_1136 : i32
          %add3A_1138 = arith.constant 1 : i32
          %add3A_1139 = arith.addi %mul3A_1137, %add3A_1138 : i32
          %broadcast_in_dim3A_1140 = vector.broadcast %add3A_1139 : i32 to vector<16xi32>
          %gather3A_1141 = tpu.vector_load_idx %arg26[%broadcast_in_dim3A_1140] : memref<80xf32, #tpu.memory_space<vmem>>[vector<16xi32>], vector<16xf32>,
          %get3A_1142 = arith.index_cast %add3A_1139 : i32 to index
          %get3A_1143 = arith.constant 0 : index
          %get3A_1144 = tpu.vector_load %arg29[%get3A_1142, %get3A_1143] {strides = array<i32>} : memref<80x128xf32, #tpu.memory_space<vmem>>, vector<16xf32>,
          %mul3A_1145 = arith.mulf %get3A_1144, %gather3A_1141 : vector<16xf32>
          %swap3A_1146 = arith.index_cast %add3A_1139 : i32 to index
          %swap3A_1147 = arith.constant 0 : index
          %swap3A_1148 = tpu.vector_load %arg29[%swap3A_1146, %swap3A_1147] {strides = array<i32>} : memref<80x128xf32, #tpu.memory_space<vmem>>, vector<16xf32>,
          tpu.vector_store %arg29[%swap3A_1146, %swap3A_1147], %mul3A_1145 {strides = array<i32>} : memref<80x128xf32, #tpu.memory_space<vmem>>, vector<16xf32>,
          %get3A_1149 = arith.index_cast %add3A_1139 : i32 to index
          %get3A_1150 = arith.constant 16 : index
          %get3A_1151 = tpu.vector_load %arg29[%get3A_1149, %get3A_1150] {strides = array<i32>} : memref<80x128xf32, #tpu.memory_space<vmem>>, vector<16xf32>,
          %mul3A_1152 = arith.mulf %get3A_1151, %gather3A_1141 : vector<16xf32>
          %swap3A_1153 = arith.index_cast %add3A_1139 : i32 to index
          %swap3A_1154 = arith.constant 16 : index
          %swap3A_1155 = tpu.vector_load %arg29[%swap3A_1153, %swap3A_1154] {strides = array<i32>} : memref<80x128xf32, #tpu.memory_space<vmem>>, vector<16xf32>,
          tpu.vector_store %arg29[%swap3A_1153, %swap3A_1154], %mul3A_1152 {strides = array<i32>} : memref<80x128xf32, #tpu.memory_space<vmem>>, vector<16xf32>,
          %get3A_1156 = arith.index_cast %add3A_1139 : i32 to index
          %get3A_1157 = arith.constant 32 : index
          %get3A_1158 = tpu.vector_load %arg29[%get3A_1156, %get3A_1157] {strides = array<i32>} : memref<80x128xf32, #tpu.memory_space<vmem>>, vector<16xf32>,
          %mul3A_1159 = arith.mulf %get3A_1158, %gather3A_1141 : vector<16xf32>
          %swap3A_1160 = arith.index_cast %add3A_1139 : i32 to index
          %swap3A_1161 = arith.constant 32 : index
          %swap3A_1162 = tpu.vector_load %arg29[%swap3A_1160, %swap3A_1161] {strides = array<i32>} : memref<80x128xf32, #tpu.memory_space<vmem>>, vector<16xf32>,
          tpu.vector_store %arg29[%swap3A_1160, %swap3A_1161], %mul3A_1159 {strides = array<i32>} : memref<80x128xf32, #tpu.memory_space<vmem>>, vector<16xf32>,
          %get3A_1163 = arith.index_cast %add3A_1139 : i32 to index
          %get3A_1164 = arith.constant 48 : index
          %get3A_1165 = tpu.vector_load %arg29[%get3A_1163, %get3A_1164] {strides = array<i32>} : memref<80x128xf32, #tpu.memory_space<vmem>>, vector<16xf32>,
          %mul3A_1166 = arith.mulf %get3A_1165, %gather3A_1141 : vector<16xf32>
          %swap3A_1167 = arith.index_cast %add3A_1139 : i32 to index
          %swap3A_1168 = arith.constant 48 : index
          %swap3A_1169 = tpu.vector_load %arg29[%swap3A_1167, %swap3A_1168] {strides = array<i32>} : memref<80x128xf32, #tpu.memory_space<vmem>>, vector<16xf32>,
          tpu.vector_store %arg29[%swap3A_1167, %swap3A_1168], %mul3A_1166 {strides = array<i32>} : memref<80x128xf32, #tpu.memory_space<vmem>>, vector<16xf32>,
          %get3A_1170 = arith.index_cast %add3A_1139 : i32 to index
          %get3A_1171 = arith.constant 64 : index
          %get3A_1172 = tpu.vector_load %arg29[%get3A_1170, %get3A_1171] {strides = array<i32>} : memref<80x128xf32, #tpu.memory_space<vmem>>, vector<16xf32>,
          %mul3A_1173 = arith.mulf %get3A_1172, %gather3A_1141 : vector<16xf32>
          %swap3A_1174 = arith.index_cast %add3A_1139 : i32 to index
          %swap3A_1175 = arith.constant 64 : index
          %swap3A_1176 = tpu.vector_load %arg29[%swap3A_1174, %swap3A_1175] {strides = array<i32>} : memref<80x128xf32, #tpu.memory_space<vmem>>, vector<16xf32>,
          tpu.vector_store %arg29[%swap3A_1174, %swap3A_1175], %mul3A_1173 {strides = array<i32>} : memref<80x128xf32, #tpu.memory_space<vmem>>, vector<16xf32>,
          %get3A_1177 = arith.index_cast %add3A_1139 : i32 to index
          %get3A_1178 = arith.constant 80 : index
          %get3A_1179 = tpu.vector_load %arg29[%get3A_1177, %get3A_1178] {strides = array<i32>} : memref<80x128xf32, #tpu.memory_space<vmem>>, vector<16xf32>,
          %mul3A_1180 = arith.mulf %get3A_1179, %gather3A_1141 : vector<16xf32>
          %swap3A_1181 = arith.index_cast %add3A_1139 : i32 to index
          %swap3A_1182 = arith.constant 80 : index
          %swap3A_1183 = tpu.vector_load %arg29[%swap3A_1181, %swap3A_1182] {strides = array<i32>} : memref<80x128xf32, #tpu.memory_space<vmem>>, vector<16xf32>,
          tpu.vector_store %arg29[%swap3A_1181, %swap3A_1182], %mul3A_1180 {strides = array<i32>} : memref<80x128xf32, #tpu.memory_space<vmem>>, vector<16xf32>,
          %get3A_1184 = arith.index_cast %add3A_1139 : i32 to index
          %get3A_1185 = arith.constant 96 : index
          %get3A_1186 = tpu.vector_load %arg29[%get3A_1184, %get3A_1185] {strides = array<i32>} : memref<80x128xf32, #tpu.memory_space<vmem>>, vector<16xf32>,
          %mul3A_1187 = arith.mulf %get3A_1186, %gather3A_1141 : vector<16xf32>
          %swap3A_1188 = arith.index_cast %add3A_1139 : i32 to index
          %swap3A_1189 = arith.constant 96 : index
          %swap3A_1190 = tpu.vector_load %arg29[%swap3A_1188, %swap3A_1189] {strides = array<i32>} : memref<80x128xf32, #tpu.memory_space<vmem>>, vector<16xf32>,
          tpu.vector_store %arg29[%swap3A_1188, %swap3A_1189], %mul3A_1187 {strides = array<i32>} : memref<80x128xf32, #tpu.memory_space<vmem>>, vector<16xf32>,
          %get3A_1191 = arith.index_cast %add3A_1139 : i32 to index
          %get3A_1192 = arith.constant 112 : index
          %get3A_1193 = tpu.vector_load %arg29[%get3A_1191, %get3A_1192] {strides = array<i32>} : memref<80x128xf32, #tpu.memory_space<vmem>>, vector<16xf32>,
          %mul3A_1194 = arith.mulf %get3A_1193, %gather3A_1141 : vector<16xf32>
          %swap3A_1195 = arith.index_cast %add3A_1139 : i32 to index
          %swap3A_1196 = arith.constant 112 : index
          %swap3A_1197 = tpu.vector_load %arg29[%swap3A_1195, %swap3A_1196] {strides = array<i32>} : memref<80x128xf32, #tpu.memory_space<vmem>>, vector<16xf32>,
          tpu.vector_store %arg29[%swap3A_1195, %swap3A_1196], %mul3A_1194 {strides = array<i32>} : memref<80x128xf32, #tpu.memory_space<vmem>>, vector<16xf32>,
          %mul3A_1198 = arith.constant 4 : i32
          %mul3A_1199 = arith.muli %scan3A_1074, %mul3A_1198 : i32
          %add3A_1200 = arith.constant 2 : i32
          %add3A_1201 = arith.addi %mul3A_1199, %add3A_1200 : i32
          %broadcast_in_dim3A_1202 = vector.broadcast %add3A_1201 : i32 to vector<16xi32>
          %gather3A_1203 = tpu.vector_load_idx %arg26[%broadcast_in_dim3A_1202] : memref<80xf32, #tpu.memory_space<vmem>>[vector<16xi32>], vector<16xf32>,
          %get3A_1204 = arith.index_cast %add3A_1201 : i32 to index
          %get3A_1205 = arith.constant 0 : index
          %get3A_1206 = tpu.vector_load %arg29[%get3A_1204, %get3A_1205] {strides = array<i32>} : memref<80x128xf32, #tpu.memory_space<vmem>>, vector<16xf32>,
          %mul3A_1207 = arith.mulf %get3A_1206, %gather3A_1203 : vector<16xf32>
          %swap3A_1208 = arith.index_cast %add3A_1201 : i32 to index
          %swap3A_1209 = arith.constant 0 : index
          %swap3A_1210 = tpu.vector_load %arg29[%swap3A_1208, %swap3A_1209] {strides = array<i32>} : memref<80x128xf32, #tpu.memory_space<vmem>>, vector<16xf32>,
          tpu.vector_store %arg29[%swap3A_1208, %swap3A_1209], %mul3A_1207 {strides = array<i32>} : memref<80x128xf32, #tpu.memory_space<vmem>>, vector<16xf32>,
          %get3A_1211 = arith.index_cast %add3A_1201 : i32 to index
          %get3A_1212 = arith.constant 16 : index
          %get3A_1213 = tpu.vector_load %arg29[%get3A_1211, %get3A_1212] {strides = array<i32>} : memref<80x128xf32, #tpu.memory_space<vmem>>, vector<16xf32>,
          %mul3A_1214 = arith.mulf %get3A_1213, %gather3A_1203 : vector<16xf32>
          %swap3A_1215 = arith.index_cast %add3A_1201 : i32 to index
          %swap3A_1216 = arith.constant 16 : index
          %swap3A_1217 = tpu.vector_load %arg29[%swap3A_1215, %swap3A_1216] {strides = array<i32>} : memref<80x128xf32, #tpu.memory_space<vmem>>, vector<16xf32>,
          tpu.vector_store %arg29[%swap3A_1215, %swap3A_1216], %mul3A_1214 {strides = array<i32>} : memref<80x128xf32, #tpu.memory_space<vmem>>, vector<16xf32>,
          %get3A_1218 = arith.index_cast %add3A_1201 : i32 to index
          %get3A_1219 = arith.constant 32 : index
          %get3A_1220 = tpu.vector_load %arg29[%get3A_1218, %get3A_1219] {strides = array<i32>} : memref<80x128xf32, #tpu.memory_space<vmem>>, vector<16xf32>,
          %mul3A_1221 = arith.mulf %get3A_1220, %gather3A_1203 : vector<16xf32>
          %swap3A_1222 = arith.index_cast %add3A_1201 : i32 to index
          %swap3A_1223 = arith.constant 32 : index
          %swap3A_1224 = tpu.vector_load %arg29[%swap3A_1222, %swap3A_1223] {strides = array<i32>} : memref<80x128xf32, #tpu.memory_space<vmem>>, vector<16xf32>,
          tpu.vector_store %arg29[%swap3A_1222, %swap3A_1223], %mul3A_1221 {strides = array<i32>} : memref<80x128xf32, #tpu.memory_space<vmem>>, vector<16xf32>,
          %get3A_1225 = arith.index_cast %add3A_1201 : i32 to index
          %get3A_1226 = arith.constant 48 : index
          %get3A_1227 = tpu.vector_load %arg29[%get3A_1225, %get3A_1226] {strides = array<i32>} : memref<80x128xf32, #tpu.memory_space<vmem>>, vector<16xf32>,
          %mul3A_1228 = arith.mulf %get3A_1227, %gather3A_1203 : vector<16xf32>
          %swap3A_1229 = arith.index_cast %add3A_1201 : i32 to index
          %swap3A_1230 = arith.constant 48 : index
          %swap3A_1231 = tpu.vector_load %arg29[%swap3A_1229, %swap3A_1230] {strides = array<i32>} : memref<80x128xf32, #tpu.memory_space<vmem>>, vector<16xf32>,
          tpu.vector_store %arg29[%swap3A_1229, %swap3A_1230], %mul3A_1228 {strides = array<i32>} : memref<80x128xf32, #tpu.memory_space<vmem>>, vector<16xf32>,
          %get3A_1232 = arith.index_cast %add3A_1201 : i32 to index
          %get3A_1233 = arith.constant 64 : index
          %get3A_1234 = tpu.vector_load %arg29[%get3A_1232, %get3A_1233] {strides = array<i32>} : memref<80x128xf32, #tpu.memory_space<vmem>>, vector<16xf32>,
          %mul3A_1235 = arith.mulf %get3A_1234, %gather3A_1203 : vector<16xf32>
          %swap3A_1236 = arith.index_cast %add3A_1201 : i32 to index
          %swap3A_1237 = arith.constant 64 : index
          %swap3A_1238 = tpu.vector_load %arg29[%swap3A_1236, %swap3A_1237] {strides = array<i32>} : memref<80x128xf32, #tpu.memory_space<vmem>>, vector<16xf32>,
          tpu.vector_store %arg29[%swap3A_1236, %swap3A_1237], %mul3A_1235 {strides = array<i32>} : memref<80x128xf32, #tpu.memory_space<vmem>>, vector<16xf32>,
          %get3A_1239 = arith.index_cast %add3A_1201 : i32 to index
          %get3A_1240 = arith.constant 80 : index
          %get3A_1241 = tpu.vector_load %arg29[%get3A_1239, %get3A_1240] {strides = array<i32>} : memref<80x128xf32, #tpu.memory_space<vmem>>, vector<16xf32>,
          %mul3A_1242 = arith.mulf %get3A_1241, %gather3A_1203 : vector<16xf32>
          %swap3A_1243 = arith.index_cast %add3A_1201 : i32 to index
          %swap3A_1244 = arith.constant 80 : index
          %swap3A_1245 = tpu.vector_load %arg29[%swap3A_1243, %swap3A_1244] {strides = array<i32>} : memref<80x128xf32, #tpu.memory_space<vmem>>, vector<16xf32>,
          tpu.vector_store %arg29[%swap3A_1243, %swap3A_1244], %mul3A_1242 {strides = array<i32>} : memref<80x128xf32, #tpu.memory_space<vmem>>, vector<16xf32>,
          %get3A_1246 = arith.index_cast %add3A_1201 : i32 to index
          %get3A_1247 = arith.constant 96 : index
          %get3A_1248 = tpu.vector_load %arg29[%get3A_1246, %get3A_1247] {strides = array<i32>} : memref<80x128xf32, #tpu.memory_space<vmem>>, vector<16xf32>,
          %mul3A_1249 = arith.mulf %get3A_1248, %gather3A_1203 : vector<16xf32>
          %swap3A_1250 = arith.index_cast %add3A_1201 : i32 to index
          %swap3A_1251 = arith.constant 96 : index
          %swap3A_1252 = tpu.vector_load %arg29[%swap3A_1250, %swap3A_1251] {strides = array<i32>} : memref<80x128xf32, #tpu.memory_space<vmem>>, vector<16xf32>,
          tpu.vector_store %arg29[%swap3A_1250, %swap3A_1251], %mul3A_1249 {strides = array<i32>} : memref<80x128xf32, #tpu.memory_space<vmem>>, vector<16xf32>,
          %get3A_1253 = arith.index_cast %add3A_1201 : i32 to index
          %get3A_1254 = arith.constant 112 : index
          %get3A_1255 = tpu.vector_load %arg29[%get3A_1253, %get3A_1254] {strides = array<i32>} : memref<80x128xf32, #tpu.memory_space<vmem>>, vector<16xf32>,
          %mul3A_1256 = arith.mulf %get3A_1255, %gather3A_1203 : vector<16xf32>
          %swap3A_1257 = arith.index_cast %add3A_1201 : i32 to index
          %swap3A_1258 = arith.constant 112 : index
          %swap3A_1259 = tpu.vector_load %arg29[%swap3A_1257, %swap3A_1258] {strides = array<i32>} : memref<80x128xf32, #tpu.memory_space<vmem>>, vector<16xf32>,
          tpu.vector_store %arg29[%swap3A_1257, %swap3A_1258], %mul3A_1256 {strides = array<i32>} : memref<80x128xf32, #tpu.memory_space<vmem>>, vector<16xf32>,
          %mul3A_1260 = arith.constant 4 : i32
          %mul3A_1261 = arith.muli %scan3A_1074, %mul3A_1260 : i32
          %add3A_1262 = arith.constant 3 : i32
          %add3A_1263 = arith.addi %mul3A_1261, %add3A_1262 : i32
          %broadcast_in_dim3A_1264 = vector.broadcast %add3A_1263 : i32 to vector<16xi32>
          %gather3A_1265 = tpu.vector_load_idx %arg26[%broadcast_in_dim3A_1264] : memref<80xf32, #tpu.memory_space<vmem>>[vector<16xi32>], vector<16xf32>,
          %get3A_1266 = arith.index_cast %add3A_1263 : i32 to index
          %get3A_1267 = arith.constant 0 : index
          %get3A_1268 = tpu.vector_load %arg29[%get3A_1266, %get3A_1267] {strides = array<i32>} : memref<80x128xf32, #tpu.memory_space<vmem>>, vector<16xf32>,
          %mul3A_1269 = arith.mulf %get3A_1268, %gather3A_1265 : vector<16xf32>
          %swap3A_1270 = arith.index_cast %add3A_1263 : i32 to index
          %swap3A_1271 = arith.constant 0 : index
          %swap3A_1272 = tpu.vector_load %arg29[%swap3A_1270, %swap3A_1271] {strides = array<i32>} : memref<80x128xf32, #tpu.memory_space<vmem>>, vector<16xf32>,
          tpu.vector_store %arg29[%swap3A_1270, %swap3A_1271], %mul3A_1269 {strides = array<i32>} : memref<80x128xf32, #tpu.memory_space<vmem>>, vector<16xf32>,
          %get3A_1273 = arith.index_cast %add3A_1263 : i32 to index
          %get3A_1274 = arith.constant 16 : index
          %get3A_1275 = tpu.vector_load %arg29[%get3A_1273, %get3A_1274] {strides = array<i32>} : memref<80x128xf32, #tpu.memory_space<vmem>>, vector<16xf32>,
          %mul3A_1276 = arith.mulf %get3A_1275, %gather3A_1265 : vector<16xf32>
          %swap3A_1277 = arith.index_cast %add3A_1263 : i32 to index
          %swap3A_1278 = arith.constant 16 : index
          %swap3A_1279 = tpu.vector_load %arg29[%swap3A_1277, %swap3A_1278] {strides = array<i32>} : memref<80x128xf32, #tpu.memory_space<vmem>>, vector<16xf32>,
          tpu.vector_store %arg29[%swap3A_1277, %swap3A_1278], %mul3A_1276 {strides = array<i32>} : memref<80x128xf32, #tpu.memory_space<vmem>>, vector<16xf32>,
          %get3A_1280 = arith.index_cast %add3A_1263 : i32 to index
          %get3A_1281 = arith.constant 32 : index
          %get3A_1282 = tpu.vector_load %arg29[%get3A_1280, %get3A_1281] {strides = array<i32>} : memref<80x128xf32, #tpu.memory_space<vmem>>, vector<16xf32>,
          %mul3A_1283 = arith.mulf %get3A_1282, %gather3A_1265 : vector<16xf32>
          %swap3A_1284 = arith.index_cast %add3A_1263 : i32 to index
          %swap3A_1285 = arith.constant 32 : index
          %swap3A_1286 = tpu.vector_load %arg29[%swap3A_1284, %swap3A_1285] {strides = array<i32>} : memref<80x128xf32, #tpu.memory_space<vmem>>, vector<16xf32>,
          tpu.vector_store %arg29[%swap3A_1284, %swap3A_1285], %mul3A_1283 {strides = array<i32>} : memref<80x128xf32, #tpu.memory_space<vmem>>, vector<16xf32>,
          %get3A_1287 = arith.index_cast %add3A_1263 : i32 to index
          %get3A_1288 = arith.constant 48 : index
          %get3A_1289 = tpu.vector_load %arg29[%get3A_1287, %get3A_1288] {strides = array<i32>} : memref<80x128xf32, #tpu.memory_space<vmem>>, vector<16xf32>,
          %mul3A_1290 = arith.mulf %get3A_1289, %gather3A_1265 : vector<16xf32>
          %swap3A_1291 = arith.index_cast %add3A_1263 : i32 to index
          %swap3A_1292 = arith.constant 48 : index
          %swap3A_1293 = tpu.vector_load %arg29[%swap3A_1291, %swap3A_1292] {strides = array<i32>} : memref<80x128xf32, #tpu.memory_space<vmem>>, vector<16xf32>,
          tpu.vector_store %arg29[%swap3A_1291, %swap3A_1292], %mul3A_1290 {strides = array<i32>} : memref<80x128xf32, #tpu.memory_space<vmem>>, vector<16xf32>,
          %get3A_1294 = arith.index_cast %add3A_1263 : i32 to index
          %get3A_1295 = arith.constant 64 : index
          %get3A_1296 = tpu.vector_load %arg29[%get3A_1294, %get3A_1295] {strides = array<i32>} : memref<80x128xf32, #tpu.memory_space<vmem>>, vector<16xf32>,
          %mul3A_1297 = arith.mulf %get3A_1296, %gather3A_1265 : vector<16xf32>
          %swap3A_1298 = arith.index_cast %add3A_1263 : i32 to index
          %swap3A_1299 = arith.constant 64 : index
          %swap3A_1300 = tpu.vector_load %arg29[%swap3A_1298, %swap3A_1299] {strides = array<i32>} : memref<80x128xf32, #tpu.memory_space<vmem>>, vector<16xf32>,
          tpu.vector_store %arg29[%swap3A_1298, %swap3A_1299], %mul3A_1297 {strides = array<i32>} : memref<80x128xf32, #tpu.memory_space<vmem>>, vector<16xf32>,
          %get3A_1301 = arith.index_cast %add3A_1263 : i32 to index
          %get3A_1302 = arith.constant 80 : index
          %get3A_1303 = tpu.vector_load %arg29[%get3A_1301, %get3A_1302] {strides = array<i32>} : memref<80x128xf32, #tpu.memory_space<vmem>>, vector<16xf32>,
          %mul3A_1304 = arith.mulf %get3A_1303, %gather3A_1265 : vector<16xf32>
          %swap3A_1305 = arith.index_cast %add3A_1263 : i32 to index
          %swap3A_1306 = arith.constant 80 : index
          %swap3A_1307 = tpu.vector_load %arg29[%swap3A_1305, %swap3A_1306] {strides = array<i32>} : memref<80x128xf32, #tpu.memory_space<vmem>>, vector<16xf32>,
          tpu.vector_store %arg29[%swap3A_1305, %swap3A_1306], %mul3A_1304 {strides = array<i32>} : memref<80x128xf32, #tpu.memory_space<vmem>>, vector<16xf32>,
          %get3A_1308 = arith.index_cast %add3A_1263 : i32 to index
          %get3A_1309 = arith.constant 96 : index
          %get3A_1310 = tpu.vector_load %arg29[%get3A_1308, %get3A_1309] {strides = array<i32>} : memref<80x128xf32, #tpu.memory_space<vmem>>, vector<16xf32>,
          %mul3A_1311 = arith.mulf %get3A_1310, %gather3A_1265 : vector<16xf32>
          %swap3A_1312 = arith.index_cast %add3A_1263 : i32 to index
          %swap3A_1313 = arith.constant 96 : index
          %swap3A_1314 = tpu.vector_load %arg29[%swap3A_1312, %swap3A_1313] {strides = array<i32>} : memref<80x128xf32, #tpu.memory_space<vmem>>, vector<16xf32>,
          tpu.vector_store %arg29[%swap3A_1312, %swap3A_1313], %mul3A_1311 {strides = array<i32>} : memref<80x128xf32, #tpu.memory_space<vmem>>, vector<16xf32>,
          %get3A_1315 = arith.index_cast %add3A_1263 : i32 to index
          %get3A_1316 = arith.constant 112 : index
          %get3A_1317 = tpu.vector_load %arg29[%get3A_1315, %get3A_1316] {strides = array<i32>} : memref<80x128xf32, #tpu.memory_space<vmem>>, vector<16xf32>,
          %mul3A_1318 = arith.mulf %get3A_1317, %gather3A_1265 : vector<16xf32>
          %swap3A_1319 = arith.index_cast %add3A_1263 : i32 to index
          %swap3A_1320 = arith.constant 112 : index
          %swap3A_1321 = tpu.vector_load %arg29[%swap3A_1319, %swap3A_1320] {strides = array<i32>} : memref<80x128xf32, #tpu.memory_space<vmem>>, vector<16xf32>,
          tpu.vector_store %arg29[%swap3A_1319, %swap3A_1320], %mul3A_1318 {strides = array<i32>} : memref<80x128xf32, #tpu.memory_space<vmem>>, vector<16xf32>,
        }
        %scan3A_1066 = arith.constant 20 : i32
        %dma_start3A_1067 = arith.constant 0 : i32
        %dma_start3A_1068 = arith.constant 0 : i32
        %dma_start3A_1069 = tpu.memref_slice %arg9[%dma_start3A_1067, %dma_start3A_1068] : memref<10240x128xf32, #tpu.memory_space<vmem_shared>> -> memref<10240x128xf32, #tpu.memory_space<vmem_shared>>
        tpu.enqueue_indirect_dma source(%arg29 : memref<80x128xf32, #tpu.memory_space<vmem>>) target(%dma_start3A_1069 : memref<10240x128xf32, #tpu.memory_space<vmem_shared>>) offsets(%arg19 : memref<80xi32, #tpu.memory_space<vmem>>) semaphore(%arg38 : memref<!tpu.dma_semaphore, #tpu.memory_space<semaphore_mem>>) {add = true}
        %add3A_1070 = arith.constant 2 : i32
        %add3A_1071 = arith.addi %add3A_1009, %add3A_1070 : i32
        %lt3A = arith.constant 25 : i32
        %lt3A_1072 = arith.cmpi slt, %add3A_1071, %lt3A : i32
        %convert_element_type3A = arith.extui %lt3A_1072 : i1 to i32
        %cond3A = arith.constant 0 : i32
        %cond3A_1073 = arith.cmpi ne, %convert_element_type3A, %cond3A : i32
        scf.if %cond3A_1073 {
          %dma_wait3A_1074 = arith.constant 0 : i32
          %dma_wait3A_1075 = arith.constant 0 : i32
          %dma_wait3A_1076 = tpu.memref_slice %arg9[%dma_wait3A_1074, %dma_wait3A_1075] : memref<10240x128xf32, #tpu.memory_space<vmem_shared>> -> memref<10240x128xf32, #tpu.memory_space<vmem_shared>>
          tpu.wait_indirect_dma semaphore(%arg37 : memref<!tpu.dma_semaphore, #tpu.memory_space<semaphore_mem>>) src(%arg28 : memref<80x128xf32, #tpu.memory_space<vmem>>) dst(%dma_wait3A_1076 : memref<10240x128xf32, #tpu.memory_space<vmem_shared>>)
          %mul3A_1077 = arith.constant 80 : i32
          %mul3A_1078 = arith.muli %add3A_1071, %mul3A_1077 : i32
          %add3A_1079 = arith.constant 0 : i32
          %add3A_1080 = arith.addi %mul3A_1078, %add3A_1079 : i32
          %get3A_1081 = arith.index_cast %add3A_1080 : i32 to index
          %get3A_1082 = tpu.vector_load %arg12[%get3A_1081] {strides = array<i32>} : memref<2000xi32, #tpu.memory_space<vmem>>, vector<16xi32>,
          %add3A_1083 = arith.constant 0 : i32
          %add3A_1084 = arith.addi %mul3A_1078, %add3A_1083 : i32
          %get3A_1085 = arith.index_cast %add3A_1084 : i32 to index
          %get3A_1086 = tpu.vector_load %arg10[%get3A_1085] {strides = array<i32>} : memref<2000xi32, #tpu.memory_space<vmem>>, vector<16xi32>,
          %add3A_1087 = arith.constant 0 : i32
          %add3A_1088 = arith.addi %mul3A_1078, %add3A_1087 : i32
          %get3A_1089 = arith.index_cast %add3A_1088 : i32 to index
          %get3A_1090 = tpu.vector_load %arg11[%get3A_1089] {strides = array<i32>} : memref<2000xi32, #tpu.memory_space<vmem>>, vector<16xi32>,
          %mul3A_1091 = arith.constant 10000 : i32
          %mul3A_1092 = vector.broadcast %mul3A_1091 : i32 to vector<16xi32>
          %mul3A_1093 = arith.muli %get3A_1082, %mul3A_1092 : vector<16xi32>
          %add3A_1094 = arith.addi %mul3A_1093, %get3A_1086 : vector<16xi32>
          %swap3A_1095 = arith.constant 0 : index
          %swap3A_1096 = tpu.vector_load %arg15[%swap3A_1095] {strides = array<i32>} : memref<80xi32, #tpu.memory_space<vmem>>, vector<16xi32>,
          %swap3A_1097 = vector.shape_cast %swap3A_1096 : vector<16xi32> to vector<16xi32>
          %swap3A_1098 = vector.shape_cast %add3A_1094 : vector<16xi32> to vector<16xi32>
          tpu.vector_store %arg15[%swap3A_1095], %swap3A_1098 {strides = array<i32>} : memref<80xi32, #tpu.memory_space<vmem>>, vector<16xi32>,
          %swap3A_1099 = arith.constant 0 : index
          %swap3A_1100 = tpu.vector_load %arg18[%swap3A_1099] {strides = array<i32>} : memref<80xi32, #tpu.memory_space<vmem>>, vector<16xi32>,
          %swap3A_1101 = vector.shape_cast %swap3A_1100 : vector<16xi32> to vector<16xi32>
          %swap3A_1102 = vector.shape_cast %get3A_1090 : vector<16xi32> to vector<16xi32>
          tpu.vector_store %arg18[%swap3A_1099], %swap3A_1102 {strides = array<i32>} : memref<80xi32, #tpu.memory_space<vmem>>, vector<16xi32>,
          %mul3A_1103 = arith.constant 10000 : i32
          %mul3A_1104 = vector.broadcast %mul3A_1103 : i32 to vector<16xi32>
          %mul3A_1105 = arith.muli %get3A_1082, %mul3A_1104 : vector<16xi32>
          %add3A_1106 = arith.addi %mul3A_1105, %get3A_1090 : vector<16xi32>
          %swap3A_1107 = arith.constant 0 : index
          %swap3A_1108 = tpu.vector_load %arg21[%swap3A_1107] {strides = array<i32>} : memref<80xi32, #tpu.memory_space<vmem>>, vector<16xi32>,
          %swap3A_1109 = vector.shape_cast %swap3A_1108 : vector<16xi32> to vector<16xi32>
          %swap3A_1110 = vector.shape_cast %add3A_1106 : vector<16xi32> to vector<16xi32>
          tpu.vector_store %arg21[%swap3A_1107], %swap3A_1110 {strides = array<i32>} : memref<80xi32, #tpu.memory_space<vmem>>, vector<16xi32>,
          %add3A_1111 = arith.constant 16 : i32
          %add3A_1112 = arith.addi %mul3A_1078, %add3A_1111 : i32
          %get3A_1113 = arith.index_cast %add3A_1112 : i32 to index
          %get3A_1114 = tpu.vector_load %arg12[%get3A_1113] {strides = array<i32>} : memref<2000xi32, #tpu.memory_space<vmem>>, vector<16xi32>,
          %add3A_1115 = arith.constant 16 : i32
          %add3A_1116 = arith.addi %mul3A_1078, %add3A_1115 : i32
          %get3A_1117 = arith.index_cast %add3A_1116 : i32 to index
          %get3A_1118 = tpu.vector_load %arg10[%get3A_1117] {strides = array<i32>} : memref<2000xi32, #tpu.memory_space<vmem>>, vector<16xi32>,
          %add3A_1119 = arith.constant 16 : i32
          %add3A_1120 = arith.addi %mul3A_1078, %add3A_1119 : i32
          %get3A_1121 = arith.index_cast %add3A_1120 : i32 to index
          %get3A_1122 = tpu.vector_load %arg11[%get3A_1121] {strides = array<i32>} : memref<2000xi32, #tpu.memory_space<vmem>>, vector<16xi32>,
          %mul3A_1123 = arith.constant 10000 : i32
          %mul3A_1124 = vector.broadcast %mul3A_1123 : i32 to vector<16xi32>
          %mul3A_1125 = arith.muli %get3A_1114, %mul3A_1124 : vector<16xi32>
          %add3A_1126 = arith.addi %mul3A_1125, %get3A_1118 : vector<16xi32>
          %swap3A_1127 = arith.constant 16 : index
          %swap3A_1128 = tpu.vector_load %arg15[%swap3A_1127] {strides = array<i32>} : memref<80xi32, #tpu.memory_space<vmem>>, vector<16xi32>,
          %swap3A_1129 = vector.shape_cast %swap3A_1128 : vector<16xi32> to vector<16xi32>
          %swap3A_1130 = vector.shape_cast %add3A_1126 : vector<16xi32> to vector<16xi32>
          tpu.vector_store %arg15[%swap3A_1127], %swap3A_1130 {strides = array<i32>} : memref<80xi32, #tpu.memory_space<vmem>>, vector<16xi32>,
          %swap3A_1131 = arith.constant 16 : index
          %swap3A_1132 = tpu.vector_load %arg18[%swap3A_1131] {strides = array<i32>} : memref<80xi32, #tpu.memory_space<vmem>>, vector<16xi32>,
          %swap3A_1133 = vector.shape_cast %swap3A_1132 : vector<16xi32> to vector<16xi32>
          %swap3A_1134 = vector.shape_cast %get3A_1122 : vector<16xi32> to vector<16xi32>
          tpu.vector_store %arg18[%swap3A_1131], %swap3A_1134 {strides = array<i32>} : memref<80xi32, #tpu.memory_space<vmem>>, vector<16xi32>,
          %mul3A_1135 = arith.constant 10000 : i32
          %mul3A_1136 = vector.broadcast %mul3A_1135 : i32 to vector<16xi32>
          %mul3A_1137 = arith.muli %get3A_1114, %mul3A_1136 : vector<16xi32>
          %add3A_1138 = arith.addi %mul3A_1137, %get3A_1122 : vector<16xi32>
          %swap3A_1139 = arith.constant 16 : index
          %swap3A_1140 = tpu.vector_load %arg21[%swap3A_1139] {strides = array<i32>} : memref<80xi32, #tpu.memory_space<vmem>>, vector<16xi32>,
          %swap3A_1141 = vector.shape_cast %swap3A_1140 : vector<16xi32> to vector<16xi32>
          %swap3A_1142 = vector.shape_cast %add3A_1138 : vector<16xi32> to vector<16xi32>
          tpu.vector_store %arg21[%swap3A_1139], %swap3A_1142 {strides = array<i32>} : memref<80xi32, #tpu.memory_space<vmem>>, vector<16xi32>,
          %add3A_1143 = arith.constant 32 : i32
          %add3A_1144 = arith.addi %mul3A_1078, %add3A_1143 : i32
          %get3A_1145 = arith.index_cast %add3A_1144 : i32 to index
          %get3A_1146 = tpu.vector_load %arg12[%get3A_1145] {strides = array<i32>} : memref<2000xi32, #tpu.memory_space<vmem>>, vector<16xi32>,
          %add3A_1147 = arith.constant 32 : i32
          %add3A_1148 = arith.addi %mul3A_1078, %add3A_1147 : i32
          %get3A_1149 = arith.index_cast %add3A_1148 : i32 to index
          %get3A_1150 = tpu.vector_load %arg10[%get3A_1149] {strides = array<i32>} : memref<2000xi32, #tpu.memory_space<vmem>>, vector<16xi32>,
          %add3A_1151 = arith.constant 32 : i32
          %add3A_1152 = arith.addi %mul3A_1078, %add3A_1151 : i32
          %get3A_1153 = arith.index_cast %add3A_1152 : i32 to index
          %get3A_1154 = tpu.vector_load %arg11[%get3A_1153] {strides = array<i32>} : memref<2000xi32, #tpu.memory_space<vmem>>, vector<16xi32>,
          %mul3A_1155 = arith.constant 10000 : i32
          %mul3A_1156 = vector.broadcast %mul3A_1155 : i32 to vector<16xi32>
          %mul3A_1157 = arith.muli %get3A_1146, %mul3A_1156 : vector<16xi32>
          %add3A_1158 = arith.addi %mul3A_1157, %get3A_1150 : vector<16xi32>
          %swap3A_1159 = arith.constant 32 : index
          %swap3A_1160 = tpu.vector_load %arg15[%swap3A_1159] {strides = array<i32>} : memref<80xi32, #tpu.memory_space<vmem>>, vector<16xi32>,
          %swap3A_1161 = vector.shape_cast %swap3A_1160 : vector<16xi32> to vector<16xi32>
          %swap3A_1162 = vector.shape_cast %add3A_1158 : vector<16xi32> to vector<16xi32>
          tpu.vector_store %arg15[%swap3A_1159], %swap3A_1162 {strides = array<i32>} : memref<80xi32, #tpu.memory_space<vmem>>, vector<16xi32>,
          %swap3A_1163 = arith.constant 32 : index
          %swap3A_1164 = tpu.vector_load %arg18[%swap3A_1163] {strides = array<i32>} : memref<80xi32, #tpu.memory_space<vmem>>, vector<16xi32>,
          %swap3A_1165 = vector.shape_cast %swap3A_1164 : vector<16xi32> to vector<16xi32>
          %swap3A_1166 = vector.shape_cast %get3A_1154 : vector<16xi32> to vector<16xi32>
          tpu.vector_store %arg18[%swap3A_1163], %swap3A_1166 {strides = array<i32>} : memref<80xi32, #tpu.memory_space<vmem>>, vector<16xi32>,
          %mul3A_1167 = arith.constant 10000 : i32
          %mul3A_1168 = vector.broadcast %mul3A_1167 : i32 to vector<16xi32>
          %mul3A_1169 = arith.muli %get3A_1146, %mul3A_1168 : vector<16xi32>
          %add3A_1170 = arith.addi %mul3A_1169, %get3A_1154 : vector<16xi32>
          %swap3A_1171 = arith.constant 32 : index
          %swap3A_1172 = tpu.vector_load %arg21[%swap3A_1171] {strides = array<i32>} : memref<80xi32, #tpu.memory_space<vmem>>, vector<16xi32>,
          %swap3A_1173 = vector.shape_cast %swap3A_1172 : vector<16xi32> to vector<16xi32>
          %swap3A_1174 = vector.shape_cast %add3A_1170 : vector<16xi32> to vector<16xi32>
          tpu.vector_store %arg21[%swap3A_1171], %swap3A_1174 {strides = array<i32>} : memref<80xi32, #tpu.memory_space<vmem>>, vector<16xi32>,
          %add3A_1175 = arith.constant 48 : i32
          %add3A_1176 = arith.addi %mul3A_1078, %add3A_1175 : i32
          %get3A_1177 = arith.index_cast %add3A_1176 : i32 to index
          %get3A_1178 = tpu.vector_load %arg12[%get3A_1177] {strides = array<i32>} : memref<2000xi32, #tpu.memory_space<vmem>>, vector<16xi32>,
          %add3A_1179 = arith.constant 48 : i32
          %add3A_1180 = arith.addi %mul3A_1078, %add3A_1179 : i32
          %get3A_1181 = arith.index_cast %add3A_1180 : i32 to index
          %get3A_1182 = tpu.vector_load %arg10[%get3A_1181] {strides = array<i32>} : memref<2000xi32, #tpu.memory_space<vmem>>, vector<16xi32>,
          %add3A_1183 = arith.constant 48 : i32
          %add3A_1184 = arith.addi %mul3A_1078, %add3A_1183 : i32
          %get3A_1185 = arith.index_cast %add3A_1184 : i32 to index
          %get3A_1186 = tpu.vector_load %arg11[%get3A_1185] {strides = array<i32>} : memref<2000xi32, #tpu.memory_space<vmem>>, vector<16xi32>,
          %mul3A_1187 = arith.constant 10000 : i32
          %mul3A_1188 = vector.broadcast %mul3A_1187 : i32 to vector<16xi32>
          %mul3A_1189 = arith.muli %get3A_1178, %mul3A_1188 : vector<16xi32>
          %add3A_1190 = arith.addi %mul3A_1189, %get3A_1182 : vector<16xi32>
          %swap3A_1191 = arith.constant 48 : index
          %swap3A_1192 = tpu.vector_load %arg15[%swap3A_1191] {strides = array<i32>} : memref<80xi32, #tpu.memory_space<vmem>>, vector<16xi32>,
          %swap3A_1193 = vector.shape_cast %swap3A_1192 : vector<16xi32> to vector<16xi32>
          %swap3A_1194 = vector.shape_cast %add3A_1190 : vector<16xi32> to vector<16xi32>
          tpu.vector_store %arg15[%swap3A_1191], %swap3A_1194 {strides = array<i32>} : memref<80xi32, #tpu.memory_space<vmem>>, vector<16xi32>,
          %swap3A_1195 = arith.constant 48 : index
          %swap3A_1196 = tpu.vector_load %arg18[%swap3A_1195] {strides = array<i32>} : memref<80xi32, #tpu.memory_space<vmem>>, vector<16xi32>,
          %swap3A_1197 = vector.shape_cast %swap3A_1196 : vector<16xi32> to vector<16xi32>
          %swap3A_1198 = vector.shape_cast %get3A_1186 : vector<16xi32> to vector<16xi32>
          tpu.vector_store %arg18[%swap3A_1195], %swap3A_1198 {strides = array<i32>} : memref<80xi32, #tpu.memory_space<vmem>>, vector<16xi32>,
          %mul3A_1199 = arith.constant 10000 : i32
          %mul3A_1200 = vector.broadcast %mul3A_1199 : i32 to vector<16xi32>
          %mul3A_1201 = arith.muli %get3A_1178, %mul3A_1200 : vector<16xi32>
          %add3A_1202 = arith.addi %mul3A_1201, %get3A_1186 : vector<16xi32>
          %swap3A_1203 = arith.constant 48 : index
          %swap3A_1204 = tpu.vector_load %arg21[%swap3A_1203] {strides = array<i32>} : memref<80xi32, #tpu.memory_space<vmem>>, vector<16xi32>,
          %swap3A_1205 = vector.shape_cast %swap3A_1204 : vector<16xi32> to vector<16xi32>
          %swap3A_1206 = vector.shape_cast %add3A_1202 : vector<16xi32> to vector<16xi32>
          tpu.vector_store %arg21[%swap3A_1203], %swap3A_1206 {strides = array<i32>} : memref<80xi32, #tpu.memory_space<vmem>>, vector<16xi32>,
          %add3A_1207 = arith.constant 64 : i32
          %add3A_1208 = arith.addi %mul3A_1078, %add3A_1207 : i32
          %get3A_1209 = arith.index_cast %add3A_1208 : i32 to index
          %get3A_1210 = tpu.vector_load %arg12[%get3A_1209] {strides = array<i32>} : memref<2000xi32, #tpu.memory_space<vmem>>, vector<16xi32>,
          %add3A_1211 = arith.constant 64 : i32
          %add3A_1212 = arith.addi %mul3A_1078, %add3A_1211 : i32
          %get3A_1213 = arith.index_cast %add3A_1212 : i32 to index
          %get3A_1214 = tpu.vector_load %arg10[%get3A_1213] {strides = array<i32>} : memref<2000xi32, #tpu.memory_space<vmem>>, vector<16xi32>,
          %add3A_1215 = arith.constant 64 : i32
          %add3A_1216 = arith.addi %mul3A_1078, %add3A_1215 : i32
          %get3A_1217 = arith.index_cast %add3A_1216 : i32 to index
          %get3A_1218 = tpu.vector_load %arg11[%get3A_1217] {strides = array<i32>} : memref<2000xi32, #tpu.memory_space<vmem>>, vector<16xi32>,
          %mul3A_1219 = arith.constant 10000 : i32
          %mul3A_1220 = vector.broadcast %mul3A_1219 : i32 to vector<16xi32>
          %mul3A_1221 = arith.muli %get3A_1210, %mul3A_1220 : vector<16xi32>
          %add3A_1222 = arith.addi %mul3A_1221, %get3A_1214 : vector<16xi32>
          %swap3A_1223 = arith.constant 64 : index
          %swap3A_1224 = tpu.vector_load %arg15[%swap3A_1223] {strides = array<i32>} : memref<80xi32, #tpu.memory_space<vmem>>, vector<16xi32>,
          %swap3A_1225 = vector.shape_cast %swap3A_1224 : vector<16xi32> to vector<16xi32>
          %swap3A_1226 = vector.shape_cast %add3A_1222 : vector<16xi32> to vector<16xi32>
          tpu.vector_store %arg15[%swap3A_1223], %swap3A_1226 {strides = array<i32>} : memref<80xi32, #tpu.memory_space<vmem>>, vector<16xi32>,
          %swap3A_1227 = arith.constant 64 : index
          %swap3A_1228 = tpu.vector_load %arg18[%swap3A_1227] {strides = array<i32>} : memref<80xi32, #tpu.memory_space<vmem>>, vector<16xi32>,
          %swap3A_1229 = vector.shape_cast %swap3A_1228 : vector<16xi32> to vector<16xi32>
          %swap3A_1230 = vector.shape_cast %get3A_1218 : vector<16xi32> to vector<16xi32>
          tpu.vector_store %arg18[%swap3A_1227], %swap3A_1230 {strides = array<i32>} : memref<80xi32, #tpu.memory_space<vmem>>, vector<16xi32>,
          %mul3A_1231 = arith.constant 10000 : i32
          %mul3A_1232 = vector.broadcast %mul3A_1231 : i32 to vector<16xi32>
          %mul3A_1233 = arith.muli %get3A_1210, %mul3A_1232 : vector<16xi32>
          %add3A_1234 = arith.addi %mul3A_1233, %get3A_1218 : vector<16xi32>
          %swap3A_1235 = arith.constant 64 : index
          %swap3A_1236 = tpu.vector_load %arg21[%swap3A_1235] {strides = array<i32>} : memref<80xi32, #tpu.memory_space<vmem>>, vector<16xi32>,
          %swap3A_1237 = vector.shape_cast %swap3A_1236 : vector<16xi32> to vector<16xi32>
          %swap3A_1238 = vector.shape_cast %add3A_1234 : vector<16xi32> to vector<16xi32>
          tpu.vector_store %arg21[%swap3A_1235], %swap3A_1238 {strides = array<i32>} : memref<80xi32, #tpu.memory_space<vmem>>, vector<16xi32>,
          %dma_start3A_1239 = arith.constant 0 : i32
          %dma_start3A_1240 = arith.constant 0 : i32
          %dma_start3A_1241 = tpu.memref_slice %arg2[%dma_start3A_1239, %dma_start3A_1240] : memref<30000x128xf32, #tpu.memory_space<hbm>> -> memref<30000x128xf32, #tpu.memory_space<hbm>>
          tpu.enqueue_indirect_dma source(%dma_start3A_1241 : memref<30000x128xf32, #tpu.memory_space<hbm>>) target(%arg28 : memref<80x128xf32, #tpu.memory_space<vmem>>) offsets(%arg15 : memref<80xi32, #tpu.memory_space<vmem>>) semaphore(%arg31 : memref<!tpu.dma_semaphore, #tpu.memory_space<semaphore_mem>>)
          %dma_start3A_1242 = arith.constant 0 : i32
          %dma_start3A_1243 = tpu.memref_slice %arg7[%dma_start3A_1242] : memref<30208xf32, #tpu.memory_space<hbm>> -> memref<30208xf32, #tpu.memory_space<hbm>>
          tpu.enqueue_indirect_dma source(%dma_start3A_1243 : memref<30208xf32, #tpu.memory_space<hbm>>) target(%arg24 : memref<80xf32, #tpu.memory_space<vmem>>) offsets(%arg21 : memref<80xi32, #tpu.memory_space<vmem>>) semaphore(%arg34 : memref<!tpu.dma_semaphore, #tpu.memory_space<semaphore_mem>>)
        } else {
        }
      }
      %scan3A_488 = arith.constant 8 : i32
      %dma_wait3A_489 = arith.constant 0 : i32
      %dma_wait3A_490 = arith.constant 0 : i32
      %dma_wait3A_491 = tpu.memref_slice %arg2[%dma_wait3A_489, %dma_wait3A_490] : memref<30000x128xf32, #tpu.memory_space<hbm>> -> memref<30000x128xf32, #tpu.memory_space<hbm>>
      tpu.wait_indirect_dma semaphore(%arg30 : memref<!tpu.dma_semaphore, #tpu.memory_space<semaphore_mem>>) src(%dma_wait3A_491 : memref<30000x128xf32, #tpu.memory_space<hbm>>) dst(%arg27 : memref<80x128xf32, #tpu.memory_space<vmem>>)
      %dma_wait3A_492 = arith.constant 0 : i32
      %dma_wait3A_493 = tpu.memref_slice %arg7[%dma_wait3A_492] : memref<30208xf32, #tpu.memory_space<hbm>> -> memref<30208xf32, #tpu.memory_space<hbm>>
      tpu.wait_indirect_dma semaphore(%arg33 : memref<!tpu.dma_semaphore, #tpu.memory_space<semaphore_mem>>) src(%dma_wait3A_493 : memref<30208xf32, #tpu.memory_space<hbm>>) dst(%arg23 : memref<80xf32, #tpu.memory_space<vmem>>)
      %get3A_494 = arith.constant 1920 : index
      %get3A_495 = tpu.vector_load %arg13[%get3A_494] {strides = array<i32>} : memref<2000xf32, #tpu.memory_space<vmem>>, vector<16xf32>,
      %get3A_496 = arith.constant 0 : index
      %get3A_497 = tpu.vector_load %arg23[%get3A_496] {strides = array<i32>} : memref<80xf32, #tpu.memory_space<vmem>>, vector<16xf32>,
      %mul3A_498 = arith.mulf %get3A_495, %get3A_497 : vector<16xf32>
      %swap3A_499 = arith.constant 0 : index
      %swap3A_500 = tpu.vector_load %arg26[%swap3A_499] {strides = array<i32>} : memref<80xf32, #tpu.memory_space<vmem>>, vector<16xf32>,
      tpu.vector_store %arg26[%swap3A_499], %mul3A_498 {strides = array<i32>} : memref<80xf32, #tpu.memory_space<vmem>>, vector<16xf32>,
      %get3A_501 = arith.constant 1936 : index
      %get3A_502 = tpu.vector_load %arg13[%get3A_501] {strides = array<i32>} : memref<2000xf32, #tpu.memory_space<vmem>>, vector<16xf32>,
      %get3A_503 = arith.constant 16 : index
      %get3A_504 = tpu.vector_load %arg23[%get3A_503] {strides = array<i32>} : memref<80xf32, #tpu.memory_space<vmem>>, vector<16xf32>,
      %mul3A_505 = arith.mulf %get3A_502, %get3A_504 : vector<16xf32>
      %swap3A_506 = arith.constant 16 : index
      %swap3A_507 = tpu.vector_load %arg26[%swap3A_506] {strides = array<i32>} : memref<80xf32, #tpu.memory_space<vmem>>, vector<16xf32>,
      tpu.vector_store %arg26[%swap3A_506], %mul3A_505 {strides = array<i32>} : memref<80xf32, #tpu.memory_space<vmem>>, vector<16xf32>,
      %get3A_508 = arith.constant 1952 : index
      %get3A_509 = tpu.vector_load %arg13[%get3A_508] {strides = array<i32>} : memref<2000xf32, #tpu.memory_space<vmem>>, vector<16xf32>,
      %get3A_510 = arith.constant 32 : index
      %get3A_511 = tpu.vector_load %arg23[%get3A_510] {strides = array<i32>} : memref<80xf32, #tpu.memory_space<vmem>>, vector<16xf32>,
      %mul3A_512 = arith.mulf %get3A_509, %get3A_511 : vector<16xf32>
      %swap3A_513 = arith.constant 32 : index
      %swap3A_514 = tpu.vector_load %arg26[%swap3A_513] {strides = array<i32>} : memref<80xf32, #tpu.memory_space<vmem>>, vector<16xf32>,
      tpu.vector_store %arg26[%swap3A_513], %mul3A_512 {strides = array<i32>} : memref<80xf32, #tpu.memory_space<vmem>>, vector<16xf32>,
      %get3A_515 = arith.constant 1968 : index
      %get3A_516 = tpu.vector_load %arg13[%get3A_515] {strides = array<i32>} : memref<2000xf32, #tpu.memory_space<vmem>>, vector<16xf32>,
      %get3A_517 = arith.constant 48 : index
      %get3A_518 = tpu.vector_load %arg23[%get3A_517] {strides = array<i32>} : memref<80xf32, #tpu.memory_space<vmem>>, vector<16xf32>,
      %mul3A_519 = arith.mulf %get3A_516, %get3A_518 : vector<16xf32>
      %swap3A_520 = arith.constant 48 : index
      %swap3A_521 = tpu.vector_load %arg26[%swap3A_520] {strides = array<i32>} : memref<80xf32, #tpu.memory_space<vmem>>, vector<16xf32>,
      tpu.vector_store %arg26[%swap3A_520], %mul3A_519 {strides = array<i32>} : memref<80xf32, #tpu.memory_space<vmem>>, vector<16xf32>,
      %get3A_522 = arith.constant 1984 : index
      %get3A_523 = tpu.vector_load %arg13[%get3A_522] {strides = array<i32>} : memref<2000xf32, #tpu.memory_space<vmem>>, vector<16xf32>,
      %get3A_524 = arith.constant 64 : index
      %get3A_525 = tpu.vector_load %arg23[%get3A_524] {strides = array<i32>} : memref<80xf32, #tpu.memory_space<vmem>>, vector<16xf32>,
      %mul3A_526 = arith.mulf %get3A_523, %get3A_525 : vector<16xf32>
      %swap3A_527 = arith.constant 64 : index
      %swap3A_528 = tpu.vector_load %arg26[%swap3A_527] {strides = array<i32>} : memref<80xf32, #tpu.memory_space<vmem>>, vector<16xf32>,
      tpu.vector_store %arg26[%swap3A_527], %mul3A_526 {strides = array<i32>} : memref<80xf32, #tpu.memory_space<vmem>>, vector<16xf32>,
      %scan3A_529 = arith.constant 0 : i32
      %scan3A_530 = arith.constant 20 : i32
      %scan3A_531 = arith.addi %scan3A_529, %scan3A_530 : i32
      %scan3A_532 = arith.constant 1 : i32
      scf.for %scan3A_537 = %scan3A_529 to %scan3A_531 step %scan3A_532  : i32 {
        %mul3A_538 = arith.constant 4 : i32
        %mul3A_539 = arith.muli %scan3A_537, %mul3A_538 : i32
        %add3A_540 = arith.constant 0 : i32
        %add3A_541 = arith.addi %mul3A_539, %add3A_540 : i32
        %broadcast_in_dim3A_542 = vector.broadcast %add3A_541 : i32 to vector<16xi32>
        %gather3A = tpu.vector_load_idx %arg26[%broadcast_in_dim3A_542] : memref<80xf32, #tpu.memory_space<vmem>>[vector<16xi32>], vector<16xf32>,
        %get3A_543 = arith.index_cast %add3A_541 : i32 to index
        %get3A_544 = arith.constant 0 : index
        %get3A_545 = tpu.vector_load %arg27[%get3A_543, %get3A_544] {strides = array<i32>} : memref<80x128xf32, #tpu.memory_space<vmem>>, vector<16xf32>,
        %mul3A_546 = arith.mulf %get3A_545, %gather3A : vector<16xf32>
        %swap3A_547 = arith.index_cast %add3A_541 : i32 to index
        %swap3A_548 = arith.constant 0 : index
        %swap3A_549 = tpu.vector_load %arg27[%swap3A_547, %swap3A_548] {strides = array<i32>} : memref<80x128xf32, #tpu.memory_space<vmem>>, vector<16xf32>,
        tpu.vector_store %arg27[%swap3A_547, %swap3A_548], %mul3A_546 {strides = array<i32>} : memref<80x128xf32, #tpu.memory_space<vmem>>, vector<16xf32>,
        %get3A_550 = arith.index_cast %add3A_541 : i32 to index
        %get3A_551 = arith.constant 16 : index
        %get3A_552 = tpu.vector_load %arg27[%get3A_550, %get3A_551] {strides = array<i32>} : memref<80x128xf32, #tpu.memory_space<vmem>>, vector<16xf32>,
        %mul3A_553 = arith.mulf %get3A_552, %gather3A : vector<16xf32>
        %swap3A_554 = arith.index_cast %add3A_541 : i32 to index
        %swap3A_555 = arith.constant 16 : index
        %swap3A_556 = tpu.vector_load %arg27[%swap3A_554, %swap3A_555] {strides = array<i32>} : memref<80x128xf32, #tpu.memory_space<vmem>>, vector<16xf32>,
        tpu.vector_store %arg27[%swap3A_554, %swap3A_555], %mul3A_553 {strides = array<i32>} : memref<80x128xf32, #tpu.memory_space<vmem>>, vector<16xf32>,
        %get3A_557 = arith.index_cast %add3A_541 : i32 to index
        %get3A_558 = arith.constant 32 : index
        %get3A_559 = tpu.vector_load %arg27[%get3A_557, %get3A_558] {strides = array<i32>} : memref<80x128xf32, #tpu.memory_space<vmem>>, vector<16xf32>,
        %mul3A_560 = arith.mulf %get3A_559, %gather3A : vector<16xf32>
        %swap3A_561 = arith.index_cast %add3A_541 : i32 to index
        %swap3A_562 = arith.constant 32 : index
        %swap3A_563 = tpu.vector_load %arg27[%swap3A_561, %swap3A_562] {strides = array<i32>} : memref<80x128xf32, #tpu.memory_space<vmem>>, vector<16xf32>,
        tpu.vector_store %arg27[%swap3A_561, %swap3A_562], %mul3A_560 {strides = array<i32>} : memref<80x128xf32, #tpu.memory_space<vmem>>, vector<16xf32>,
        %get3A_564 = arith.index_cast %add3A_541 : i32 to index
        %get3A_565 = arith.constant 48 : index
        %get3A_566 = tpu.vector_load %arg27[%get3A_564, %get3A_565] {strides = array<i32>} : memref<80x128xf32, #tpu.memory_space<vmem>>, vector<16xf32>,
        %mul3A_567 = arith.mulf %get3A_566, %gather3A : vector<16xf32>
        %swap3A_568 = arith.index_cast %add3A_541 : i32 to index
        %swap3A_569 = arith.constant 48 : index
        %swap3A_570 = tpu.vector_load %arg27[%swap3A_568, %swap3A_569] {strides = array<i32>} : memref<80x128xf32, #tpu.memory_space<vmem>>, vector<16xf32>,
        tpu.vector_store %arg27[%swap3A_568, %swap3A_569], %mul3A_567 {strides = array<i32>} : memref<80x128xf32, #tpu.memory_space<vmem>>, vector<16xf32>,
        %get3A_571 = arith.index_cast %add3A_541 : i32 to index
        %get3A_572 = arith.constant 64 : index
        %get3A_573 = tpu.vector_load %arg27[%get3A_571, %get3A_572] {strides = array<i32>} : memref<80x128xf32, #tpu.memory_space<vmem>>, vector<16xf32>,
        %mul3A_574 = arith.mulf %get3A_573, %gather3A : vector<16xf32>
        %swap3A_575 = arith.index_cast %add3A_541 : i32 to index
        %swap3A_576 = arith.constant 64 : index
        %swap3A_577 = tpu.vector_load %arg27[%swap3A_575, %swap3A_576] {strides = array<i32>} : memref<80x128xf32, #tpu.memory_space<vmem>>, vector<16xf32>,
        tpu.vector_store %arg27[%swap3A_575, %swap3A_576], %mul3A_574 {strides = array<i32>} : memref<80x128xf32, #tpu.memory_space<vmem>>, vector<16xf32>,
        %get3A_578 = arith.index_cast %add3A_541 : i32 to index
        %get3A_579 = arith.constant 80 : index
        %get3A_580 = tpu.vector_load %arg27[%get3A_578, %get3A_579] {strides = array<i32>} : memref<80x128xf32, #tpu.memory_space<vmem>>, vector<16xf32>,
        %mul3A_581 = arith.mulf %get3A_580, %gather3A : vector<16xf32>
        %swap3A_582 = arith.index_cast %add3A_541 : i32 to index
        %swap3A_583 = arith.constant 80 : index
        %swap3A_584 = tpu.vector_load %arg27[%swap3A_582, %swap3A_583] {strides = array<i32>} : memref<80x128xf32, #tpu.memory_space<vmem>>, vector<16xf32>,
        tpu.vector_store %arg27[%swap3A_582, %swap3A_583], %mul3A_581 {strides = array<i32>} : memref<80x128xf32, #tpu.memory_space<vmem>>, vector<16xf32>,
        %get3A_585 = arith.index_cast %add3A_541 : i32 to index
        %get3A_586 = arith.constant 96 : index
        %get3A_587 = tpu.vector_load %arg27[%get3A_585, %get3A_586] {strides = array<i32>} : memref<80x128xf32, #tpu.memory_space<vmem>>, vector<16xf32>,
        %mul3A_588 = arith.mulf %get3A_587, %gather3A : vector<16xf32>
        %swap3A_589 = arith.index_cast %add3A_541 : i32 to index
        %swap3A_590 = arith.constant 96 : index
        %swap3A_591 = tpu.vector_load %arg27[%swap3A_589, %swap3A_590] {strides = array<i32>} : memref<80x128xf32, #tpu.memory_space<vmem>>, vector<16xf32>,
        tpu.vector_store %arg27[%swap3A_589, %swap3A_590], %mul3A_588 {strides = array<i32>} : memref<80x128xf32, #tpu.memory_space<vmem>>, vector<16xf32>,
        %get3A_592 = arith.index_cast %add3A_541 : i32 to index
        %get3A_593 = arith.constant 112 : index
        %get3A_594 = tpu.vector_load %arg27[%get3A_592, %get3A_593] {strides = array<i32>} : memref<80x128xf32, #tpu.memory_space<vmem>>, vector<16xf32>,
        %mul3A_595 = arith.mulf %get3A_594, %gather3A : vector<16xf32>
        %swap3A_596 = arith.index_cast %add3A_541 : i32 to index
        %swap3A_597 = arith.constant 112 : index
        %swap3A_598 = tpu.vector_load %arg27[%swap3A_596, %swap3A_597] {strides = array<i32>} : memref<80x128xf32, #tpu.memory_space<vmem>>, vector<16xf32>,
        tpu.vector_store %arg27[%swap3A_596, %swap3A_597], %mul3A_595 {strides = array<i32>} : memref<80x128xf32, #tpu.memory_space<vmem>>, vector<16xf32>,
        %mul3A_599 = arith.constant 4 : i32
        %mul3A_600 = arith.muli %scan3A_537, %mul3A_599 : i32
        %add3A_601 = arith.constant 1 : i32
        %add3A_602 = arith.addi %mul3A_600, %add3A_601 : i32
        %broadcast_in_dim3A_603 = vector.broadcast %add3A_602 : i32 to vector<16xi32>
        %gather3A_604 = tpu.vector_load_idx %arg26[%broadcast_in_dim3A_603] : memref<80xf32, #tpu.memory_space<vmem>>[vector<16xi32>], vector<16xf32>,
        %get3A_605 = arith.index_cast %add3A_602 : i32 to index
        %get3A_606 = arith.constant 0 : index
        %get3A_607 = tpu.vector_load %arg27[%get3A_605, %get3A_606] {strides = array<i32>} : memref<80x128xf32, #tpu.memory_space<vmem>>, vector<16xf32>,
        %mul3A_608 = arith.mulf %get3A_607, %gather3A_604 : vector<16xf32>
        %swap3A_609 = arith.index_cast %add3A_602 : i32 to index
        %swap3A_610 = arith.constant 0 : index
        %swap3A_611 = tpu.vector_load %arg27[%swap3A_609, %swap3A_610] {strides = array<i32>} : memref<80x128xf32, #tpu.memory_space<vmem>>, vector<16xf32>,
        tpu.vector_store %arg27[%swap3A_609, %swap3A_610], %mul3A_608 {strides = array<i32>} : memref<80x128xf32, #tpu.memory_space<vmem>>, vector<16xf32>,
        %get3A_612 = arith.index_cast %add3A_602 : i32 to index
        %get3A_613 = arith.constant 16 : index
        %get3A_614 = tpu.vector_load %arg27[%get3A_612, %get3A_613] {strides = array<i32>} : memref<80x128xf32, #tpu.memory_space<vmem>>, vector<16xf32>,
        %mul3A_615 = arith.mulf %get3A_614, %gather3A_604 : vector<16xf32>
        %swap3A_616 = arith.index_cast %add3A_602 : i32 to index
        %swap3A_617 = arith.constant 16 : index
        %swap3A_618 = tpu.vector_load %arg27[%swap3A_616, %swap3A_617] {strides = array<i32>} : memref<80x128xf32, #tpu.memory_space<vmem>>, vector<16xf32>,
        tpu.vector_store %arg27[%swap3A_616, %swap3A_617], %mul3A_615 {strides = array<i32>} : memref<80x128xf32, #tpu.memory_space<vmem>>, vector<16xf32>,
        %get3A_619 = arith.index_cast %add3A_602 : i32 to index
        %get3A_620 = arith.constant 32 : index
        %get3A_621 = tpu.vector_load %arg27[%get3A_619, %get3A_620] {strides = array<i32>} : memref<80x128xf32, #tpu.memory_space<vmem>>, vector<16xf32>,
        %mul3A_622 = arith.mulf %get3A_621, %gather3A_604 : vector<16xf32>
        %swap3A_623 = arith.index_cast %add3A_602 : i32 to index
        %swap3A_624 = arith.constant 32 : index
        %swap3A_625 = tpu.vector_load %arg27[%swap3A_623, %swap3A_624] {strides = array<i32>} : memref<80x128xf32, #tpu.memory_space<vmem>>, vector<16xf32>,
        tpu.vector_store %arg27[%swap3A_623, %swap3A_624], %mul3A_622 {strides = array<i32>} : memref<80x128xf32, #tpu.memory_space<vmem>>, vector<16xf32>,
        %get3A_626 = arith.index_cast %add3A_602 : i32 to index
        %get3A_627 = arith.constant 48 : index
        %get3A_628 = tpu.vector_load %arg27[%get3A_626, %get3A_627] {strides = array<i32>} : memref<80x128xf32, #tpu.memory_space<vmem>>, vector<16xf32>,
        %mul3A_629 = arith.mulf %get3A_628, %gather3A_604 : vector<16xf32>
        %swap3A_630 = arith.index_cast %add3A_602 : i32 to index
        %swap3A_631 = arith.constant 48 : index
        %swap3A_632 = tpu.vector_load %arg27[%swap3A_630, %swap3A_631] {strides = array<i32>} : memref<80x128xf32, #tpu.memory_space<vmem>>, vector<16xf32>,
        tpu.vector_store %arg27[%swap3A_630, %swap3A_631], %mul3A_629 {strides = array<i32>} : memref<80x128xf32, #tpu.memory_space<vmem>>, vector<16xf32>,
        %get3A_633 = arith.index_cast %add3A_602 : i32 to index
        %get3A_634 = arith.constant 64 : index
        %get3A_635 = tpu.vector_load %arg27[%get3A_633, %get3A_634] {strides = array<i32>} : memref<80x128xf32, #tpu.memory_space<vmem>>, vector<16xf32>,
        %mul3A_636 = arith.mulf %get3A_635, %gather3A_604 : vector<16xf32>
        %swap3A_637 = arith.index_cast %add3A_602 : i32 to index
        %swap3A_638 = arith.constant 64 : index
        %swap3A_639 = tpu.vector_load %arg27[%swap3A_637, %swap3A_638] {strides = array<i32>} : memref<80x128xf32, #tpu.memory_space<vmem>>, vector<16xf32>,
        tpu.vector_store %arg27[%swap3A_637, %swap3A_638], %mul3A_636 {strides = array<i32>} : memref<80x128xf32, #tpu.memory_space<vmem>>, vector<16xf32>,
        %get3A_640 = arith.index_cast %add3A_602 : i32 to index
        %get3A_641 = arith.constant 80 : index
        %get3A_642 = tpu.vector_load %arg27[%get3A_640, %get3A_641] {strides = array<i32>} : memref<80x128xf32, #tpu.memory_space<vmem>>, vector<16xf32>,
        %mul3A_643 = arith.mulf %get3A_642, %gather3A_604 : vector<16xf32>
        %swap3A_644 = arith.index_cast %add3A_602 : i32 to index
        %swap3A_645 = arith.constant 80 : index
        %swap3A_646 = tpu.vector_load %arg27[%swap3A_644, %swap3A_645] {strides = array<i32>} : memref<80x128xf32, #tpu.memory_space<vmem>>, vector<16xf32>,
        tpu.vector_store %arg27[%swap3A_644, %swap3A_645], %mul3A_643 {strides = array<i32>} : memref<80x128xf32, #tpu.memory_space<vmem>>, vector<16xf32>,
        %get3A_647 = arith.index_cast %add3A_602 : i32 to index
        %get3A_648 = arith.constant 96 : index
        %get3A_649 = tpu.vector_load %arg27[%get3A_647, %get3A_648] {strides = array<i32>} : memref<80x128xf32, #tpu.memory_space<vmem>>, vector<16xf32>,
        %mul3A_650 = arith.mulf %get3A_649, %gather3A_604 : vector<16xf32>
        %swap3A_651 = arith.index_cast %add3A_602 : i32 to index
        %swap3A_652 = arith.constant 96 : index
        %swap3A_653 = tpu.vector_load %arg27[%swap3A_651, %swap3A_652] {strides = array<i32>} : memref<80x128xf32, #tpu.memory_space<vmem>>, vector<16xf32>,
        tpu.vector_store %arg27[%swap3A_651, %swap3A_652], %mul3A_650 {strides = array<i32>} : memref<80x128xf32, #tpu.memory_space<vmem>>, vector<16xf32>,
        %get3A_654 = arith.index_cast %add3A_602 : i32 to index
        %get3A_655 = arith.constant 112 : index
        %get3A_656 = tpu.vector_load %arg27[%get3A_654, %get3A_655] {strides = array<i32>} : memref<80x128xf32, #tpu.memory_space<vmem>>, vector<16xf32>,
        %mul3A_657 = arith.mulf %get3A_656, %gather3A_604 : vector<16xf32>
        %swap3A_658 = arith.index_cast %add3A_602 : i32 to index
        %swap3A_659 = arith.constant 112 : index
        %swap3A_660 = tpu.vector_load %arg27[%swap3A_658, %swap3A_659] {strides = array<i32>} : memref<80x128xf32, #tpu.memory_space<vmem>>, vector<16xf32>,
        tpu.vector_store %arg27[%swap3A_658, %swap3A_659], %mul3A_657 {strides = array<i32>} : memref<80x128xf32, #tpu.memory_space<vmem>>, vector<16xf32>,
        %mul3A_661 = arith.constant 4 : i32
        %mul3A_662 = arith.muli %scan3A_537, %mul3A_661 : i32
        %add3A_663 = arith.constant 2 : i32
        %add3A_664 = arith.addi %mul3A_662, %add3A_663 : i32
        %broadcast_in_dim3A_665 = vector.broadcast %add3A_664 : i32 to vector<16xi32>
        %gather3A_666 = tpu.vector_load_idx %arg26[%broadcast_in_dim3A_665] : memref<80xf32, #tpu.memory_space<vmem>>[vector<16xi32>], vector<16xf32>,
        %get3A_667 = arith.index_cast %add3A_664 : i32 to index
        %get3A_668 = arith.constant 0 : index
        %get3A_669 = tpu.vector_load %arg27[%get3A_667, %get3A_668] {strides = array<i32>} : memref<80x128xf32, #tpu.memory_space<vmem>>, vector<16xf32>,
        %mul3A_670 = arith.mulf %get3A_669, %gather3A_666 : vector<16xf32>
        %swap3A_671 = arith.index_cast %add3A_664 : i32 to index
        %swap3A_672 = arith.constant 0 : index
        %swap3A_673 = tpu.vector_load %arg27[%swap3A_671, %swap3A_672] {strides = array<i32>} : memref<80x128xf32, #tpu.memory_space<vmem>>, vector<16xf32>,
        tpu.vector_store %arg27[%swap3A_671, %swap3A_672], %mul3A_670 {strides = array<i32>} : memref<80x128xf32, #tpu.memory_space<vmem>>, vector<16xf32>,
        %get3A_674 = arith.index_cast %add3A_664 : i32 to index
        %get3A_675 = arith.constant 16 : index
        %get3A_676 = tpu.vector_load %arg27[%get3A_674, %get3A_675] {strides = array<i32>} : memref<80x128xf32, #tpu.memory_space<vmem>>, vector<16xf32>,
        %mul3A_677 = arith.mulf %get3A_676, %gather3A_666 : vector<16xf32>
        %swap3A_678 = arith.index_cast %add3A_664 : i32 to index
        %swap3A_679 = arith.constant 16 : index
        %swap3A_680 = tpu.vector_load %arg27[%swap3A_678, %swap3A_679] {strides = array<i32>} : memref<80x128xf32, #tpu.memory_space<vmem>>, vector<16xf32>,
        tpu.vector_store %arg27[%swap3A_678, %swap3A_679], %mul3A_677 {strides = array<i32>} : memref<80x128xf32, #tpu.memory_space<vmem>>, vector<16xf32>,
        %get3A_681 = arith.index_cast %add3A_664 : i32 to index
        %get3A_682 = arith.constant 32 : index
        %get3A_683 = tpu.vector_load %arg27[%get3A_681, %get3A_682] {strides = array<i32>} : memref<80x128xf32, #tpu.memory_space<vmem>>, vector<16xf32>,
        %mul3A_684 = arith.mulf %get3A_683, %gather3A_666 : vector<16xf32>
        %swap3A_685 = arith.index_cast %add3A_664 : i32 to index
        %swap3A_686 = arith.constant 32 : index
        %swap3A_687 = tpu.vector_load %arg27[%swap3A_685, %swap3A_686] {strides = array<i32>} : memref<80x128xf32, #tpu.memory_space<vmem>>, vector<16xf32>,
        tpu.vector_store %arg27[%swap3A_685, %swap3A_686], %mul3A_684 {strides = array<i32>} : memref<80x128xf32, #tpu.memory_space<vmem>>, vector<16xf32>,
        %get3A_688 = arith.index_cast %add3A_664 : i32 to index
        %get3A_689 = arith.constant 48 : index
        %get3A_690 = tpu.vector_load %arg27[%get3A_688, %get3A_689] {strides = array<i32>} : memref<80x128xf32, #tpu.memory_space<vmem>>, vector<16xf32>,
        %mul3A_691 = arith.mulf %get3A_690, %gather3A_666 : vector<16xf32>
        %swap3A_692 = arith.index_cast %add3A_664 : i32 to index
        %swap3A_693 = arith.constant 48 : index
        %swap3A_694 = tpu.vector_load %arg27[%swap3A_692, %swap3A_693] {strides = array<i32>} : memref<80x128xf32, #tpu.memory_space<vmem>>, vector<16xf32>,
        tpu.vector_store %arg27[%swap3A_692, %swap3A_693], %mul3A_691 {strides = array<i32>} : memref<80x128xf32, #tpu.memory_space<vmem>>, vector<16xf32>,
        %get3A_695 = arith.index_cast %add3A_664 : i32 to index
        %get3A_696 = arith.constant 64 : index
        %get3A_697 = tpu.vector_load %arg27[%get3A_695, %get3A_696] {strides = array<i32>} : memref<80x128xf32, #tpu.memory_space<vmem>>, vector<16xf32>,
        %mul3A_698 = arith.mulf %get3A_697, %gather3A_666 : vector<16xf32>
        %swap3A_699 = arith.index_cast %add3A_664 : i32 to index
        %swap3A_700 = arith.constant 64 : index
        %swap3A_701 = tpu.vector_load %arg27[%swap3A_699, %swap3A_700] {strides = array<i32>} : memref<80x128xf32, #tpu.memory_space<vmem>>, vector<16xf32>,
        tpu.vector_store %arg27[%swap3A_699, %swap3A_700], %mul3A_698 {strides = array<i32>} : memref<80x128xf32, #tpu.memory_space<vmem>>, vector<16xf32>,
        %get3A_702 = arith.index_cast %add3A_664 : i32 to index
        %get3A_703 = arith.constant 80 : index
        %get3A_704 = tpu.vector_load %arg27[%get3A_702, %get3A_703] {strides = array<i32>} : memref<80x128xf32, #tpu.memory_space<vmem>>, vector<16xf32>,
        %mul3A_705 = arith.mulf %get3A_704, %gather3A_666 : vector<16xf32>
        %swap3A_706 = arith.index_cast %add3A_664 : i32 to index
        %swap3A_707 = arith.constant 80 : index
        %swap3A_708 = tpu.vector_load %arg27[%swap3A_706, %swap3A_707] {strides = array<i32>} : memref<80x128xf32, #tpu.memory_space<vmem>>, vector<16xf32>,
        tpu.vector_store %arg27[%swap3A_706, %swap3A_707], %mul3A_705 {strides = array<i32>} : memref<80x128xf32, #tpu.memory_space<vmem>>, vector<16xf32>,
        %get3A_709 = arith.index_cast %add3A_664 : i32 to index
        %get3A_710 = arith.constant 96 : index
        %get3A_711 = tpu.vector_load %arg27[%get3A_709, %get3A_710] {strides = array<i32>} : memref<80x128xf32, #tpu.memory_space<vmem>>, vector<16xf32>,
        %mul3A_712 = arith.mulf %get3A_711, %gather3A_666 : vector<16xf32>
        %swap3A_713 = arith.index_cast %add3A_664 : i32 to index
        %swap3A_714 = arith.constant 96 : index
        %swap3A_715 = tpu.vector_load %arg27[%swap3A_713, %swap3A_714] {strides = array<i32>} : memref<80x128xf32, #tpu.memory_space<vmem>>, vector<16xf32>,
        tpu.vector_store %arg27[%swap3A_713, %swap3A_714], %mul3A_712 {strides = array<i32>} : memref<80x128xf32, #tpu.memory_space<vmem>>, vector<16xf32>,
        %get3A_716 = arith.index_cast %add3A_664 : i32 to index
        %get3A_717 = arith.constant 112 : index
        %get3A_718 = tpu.vector_load %arg27[%get3A_716, %get3A_717] {strides = array<i32>} : memref<80x128xf32, #tpu.memory_space<vmem>>, vector<16xf32>,
        %mul3A_719 = arith.mulf %get3A_718, %gather3A_666 : vector<16xf32>
        %swap3A_720 = arith.index_cast %add3A_664 : i32 to index
        %swap3A_721 = arith.constant 112 : index
        %swap3A_722 = tpu.vector_load %arg27[%swap3A_720, %swap3A_721] {strides = array<i32>} : memref<80x128xf32, #tpu.memory_space<vmem>>, vector<16xf32>,
        tpu.vector_store %arg27[%swap3A_720, %swap3A_721], %mul3A_719 {strides = array<i32>} : memref<80x128xf32, #tpu.memory_space<vmem>>, vector<16xf32>,
        %mul3A_723 = arith.constant 4 : i32
        %mul3A_724 = arith.muli %scan3A_537, %mul3A_723 : i32
        %add3A_725 = arith.constant 3 : i32
        %add3A_726 = arith.addi %mul3A_724, %add3A_725 : i32
        %broadcast_in_dim3A_727 = vector.broadcast %add3A_726 : i32 to vector<16xi32>
        %gather3A_728 = tpu.vector_load_idx %arg26[%broadcast_in_dim3A_727] : memref<80xf32, #tpu.memory_space<vmem>>[vector<16xi32>], vector<16xf32>,
        %get3A_729 = arith.index_cast %add3A_726 : i32 to index
        %get3A_730 = arith.constant 0 : index
        %get3A_731 = tpu.vector_load %arg27[%get3A_729, %get3A_730] {strides = array<i32>} : memref<80x128xf32, #tpu.memory_space<vmem>>, vector<16xf32>,
        %mul3A_732 = arith.mulf %get3A_731, %gather3A_728 : vector<16xf32>
        %swap3A_733 = arith.index_cast %add3A_726 : i32 to index
        %swap3A_734 = arith.constant 0 : index
        %swap3A_735 = tpu.vector_load %arg27[%swap3A_733, %swap3A_734] {strides = array<i32>} : memref<80x128xf32, #tpu.memory_space<vmem>>, vector<16xf32>,
        tpu.vector_store %arg27[%swap3A_733, %swap3A_734], %mul3A_732 {strides = array<i32>} : memref<80x128xf32, #tpu.memory_space<vmem>>, vector<16xf32>,
        %get3A_736 = arith.index_cast %add3A_726 : i32 to index
        %get3A_737 = arith.constant 16 : index
        %get3A_738 = tpu.vector_load %arg27[%get3A_736, %get3A_737] {strides = array<i32>} : memref<80x128xf32, #tpu.memory_space<vmem>>, vector<16xf32>,
        %mul3A_739 = arith.mulf %get3A_738, %gather3A_728 : vector<16xf32>
        %swap3A_740 = arith.index_cast %add3A_726 : i32 to index
        %swap3A_741 = arith.constant 16 : index
        %swap3A_742 = tpu.vector_load %arg27[%swap3A_740, %swap3A_741] {strides = array<i32>} : memref<80x128xf32, #tpu.memory_space<vmem>>, vector<16xf32>,
        tpu.vector_store %arg27[%swap3A_740, %swap3A_741], %mul3A_739 {strides = array<i32>} : memref<80x128xf32, #tpu.memory_space<vmem>>, vector<16xf32>,
        %get3A_743 = arith.index_cast %add3A_726 : i32 to index
        %get3A_744 = arith.constant 32 : index
        %get3A_745 = tpu.vector_load %arg27[%get3A_743, %get3A_744] {strides = array<i32>} : memref<80x128xf32, #tpu.memory_space<vmem>>, vector<16xf32>,
        %mul3A_746 = arith.mulf %get3A_745, %gather3A_728 : vector<16xf32>
        %swap3A_747 = arith.index_cast %add3A_726 : i32 to index
        %swap3A_748 = arith.constant 32 : index
        %swap3A_749 = tpu.vector_load %arg27[%swap3A_747, %swap3A_748] {strides = array<i32>} : memref<80x128xf32, #tpu.memory_space<vmem>>, vector<16xf32>,
        tpu.vector_store %arg27[%swap3A_747, %swap3A_748], %mul3A_746 {strides = array<i32>} : memref<80x128xf32, #tpu.memory_space<vmem>>, vector<16xf32>,
        %get3A_750 = arith.index_cast %add3A_726 : i32 to index
        %get3A_751 = arith.constant 48 : index
        %get3A_752 = tpu.vector_load %arg27[%get3A_750, %get3A_751] {strides = array<i32>} : memref<80x128xf32, #tpu.memory_space<vmem>>, vector<16xf32>,
        %mul3A_753 = arith.mulf %get3A_752, %gather3A_728 : vector<16xf32>
        %swap3A_754 = arith.index_cast %add3A_726 : i32 to index
        %swap3A_755 = arith.constant 48 : index
        %swap3A_756 = tpu.vector_load %arg27[%swap3A_754, %swap3A_755] {strides = array<i32>} : memref<80x128xf32, #tpu.memory_space<vmem>>, vector<16xf32>,
        tpu.vector_store %arg27[%swap3A_754, %swap3A_755], %mul3A_753 {strides = array<i32>} : memref<80x128xf32, #tpu.memory_space<vmem>>, vector<16xf32>,
        %get3A_757 = arith.index_cast %add3A_726 : i32 to index
        %get3A_758 = arith.constant 64 : index
        %get3A_759 = tpu.vector_load %arg27[%get3A_757, %get3A_758] {strides = array<i32>} : memref<80x128xf32, #tpu.memory_space<vmem>>, vector<16xf32>,
        %mul3A_760 = arith.mulf %get3A_759, %gather3A_728 : vector<16xf32>
        %swap3A_761 = arith.index_cast %add3A_726 : i32 to index
        %swap3A_762 = arith.constant 64 : index
        %swap3A_763 = tpu.vector_load %arg27[%swap3A_761, %swap3A_762] {strides = array<i32>} : memref<80x128xf32, #tpu.memory_space<vmem>>, vector<16xf32>,
        tpu.vector_store %arg27[%swap3A_761, %swap3A_762], %mul3A_760 {strides = array<i32>} : memref<80x128xf32, #tpu.memory_space<vmem>>, vector<16xf32>,
        %get3A_764 = arith.index_cast %add3A_726 : i32 to index
        %get3A_765 = arith.constant 80 : index
        %get3A_766 = tpu.vector_load %arg27[%get3A_764, %get3A_765] {strides = array<i32>} : memref<80x128xf32, #tpu.memory_space<vmem>>, vector<16xf32>,
        %mul3A_767 = arith.mulf %get3A_766, %gather3A_728 : vector<16xf32>
        %swap3A_768 = arith.index_cast %add3A_726 : i32 to index
        %swap3A_769 = arith.constant 80 : index
        %swap3A_770 = tpu.vector_load %arg27[%swap3A_768, %swap3A_769] {strides = array<i32>} : memref<80x128xf32, #tpu.memory_space<vmem>>, vector<16xf32>,
        tpu.vector_store %arg27[%swap3A_768, %swap3A_769], %mul3A_767 {strides = array<i32>} : memref<80x128xf32, #tpu.memory_space<vmem>>, vector<16xf32>,
        %get3A_771 = arith.index_cast %add3A_726 : i32 to index
        %get3A_772 = arith.constant 96 : index
        %get3A_773 = tpu.vector_load %arg27[%get3A_771, %get3A_772] {strides = array<i32>} : memref<80x128xf32, #tpu.memory_space<vmem>>, vector<16xf32>,
        %mul3A_774 = arith.mulf %get3A_773, %gather3A_728 : vector<16xf32>
        %swap3A_775 = arith.index_cast %add3A_726 : i32 to index
        %swap3A_776 = arith.constant 96 : index
        %swap3A_777 = tpu.vector_load %arg27[%swap3A_775, %swap3A_776] {strides = array<i32>} : memref<80x128xf32, #tpu.memory_space<vmem>>, vector<16xf32>,
        tpu.vector_store %arg27[%swap3A_775, %swap3A_776], %mul3A_774 {strides = array<i32>} : memref<80x128xf32, #tpu.memory_space<vmem>>, vector<16xf32>,
        %get3A_778 = arith.index_cast %add3A_726 : i32 to index
        %get3A_779 = arith.constant 112 : index
        %get3A_780 = tpu.vector_load %arg27[%get3A_778, %get3A_779] {strides = array<i32>} : memref<80x128xf32, #tpu.memory_space<vmem>>, vector<16xf32>,
        %mul3A_781 = arith.mulf %get3A_780, %gather3A_728 : vector<16xf32>
        %swap3A_782 = arith.index_cast %add3A_726 : i32 to index
        %swap3A_783 = arith.constant 112 : index
        %swap3A_784 = tpu.vector_load %arg27[%swap3A_782, %swap3A_783] {strides = array<i32>} : memref<80x128xf32, #tpu.memory_space<vmem>>, vector<16xf32>,
        tpu.vector_store %arg27[%swap3A_782, %swap3A_783], %mul3A_781 {strides = array<i32>} : memref<80x128xf32, #tpu.memory_space<vmem>>, vector<16xf32>,
      }
      %scan3A_533 = arith.constant 20 : i32
      %dma_start3A_534 = arith.constant 0 : i32
      %dma_start3A_535 = arith.constant 0 : i32
      %dma_start3A_536 = tpu.memref_slice %arg9[%dma_start3A_534, %dma_start3A_535] : memref<10240x128xf32, #tpu.memory_space<vmem_shared>> -> memref<10240x128xf32, #tpu.memory_space<vmem_shared>>
      tpu.enqueue_indirect_dma source(%arg27 : memref<80x128xf32, #tpu.memory_space<vmem>>) target(%dma_start3A_536 : memref<10240x128xf32, #tpu.memory_space<vmem_shared>>) offsets(%arg17 : memref<80xi32, #tpu.memory_space<vmem>>) semaphore(%arg36 : memref<!tpu.dma_semaphore, #tpu.memory_space<semaphore_mem>>) {add = true}
    }
    %scan3A_137 = arith.constant 5 : i32
    %dma_wait3A = arith.constant 0 : i32
    %dma_wait3A_138 = arith.constant 0 : i32
    %dma_wait3A_139 = tpu.memref_slice %arg9[%dma_wait3A, %dma_wait3A_138] : memref<10240x128xf32, #tpu.memory_space<vmem_shared>> -> memref<10240x128xf32, #tpu.memory_space<vmem_shared>>
    tpu.wait_indirect_dma semaphore(%arg36 : memref<!tpu.dma_semaphore, #tpu.memory_space<semaphore_mem>>) src(%arg27 : memref<80x128xf32, #tpu.memory_space<vmem>>) dst(%dma_wait3A_139 : memref<10240x128xf32, #tpu.memory_space<vmem_shared>>)
    %dma_wait3A_140 = arith.constant 0 : i32
    %dma_wait3A_141 = arith.constant 0 : i32
    %dma_wait3A_142 = tpu.memref_slice %arg9[%dma_wait3A_140, %dma_wait3A_141] : memref<10240x128xf32, #tpu.memory_space<vmem_shared>> -> memref<10240x128xf32, #tpu.memory_space<vmem_shared>>
    tpu.wait_indirect_dma semaphore(%arg37 : memref<!tpu.dma_semaphore, #tpu.memory_space<semaphore_mem>>) src(%arg28 : memref<80x128xf32, #tpu.memory_space<vmem>>) dst(%dma_wait3A_142 : memref<10240x128xf32, #tpu.memory_space<vmem_shared>>)
    %dma_wait3A_143 = arith.constant 0 : i32
    %dma_wait3A_144 = arith.constant 0 : i32
    %dma_wait3A_145 = tpu.memref_slice %arg9[%dma_wait3A_143, %dma_wait3A_144] : memref<10240x128xf32, #tpu.memory_space<vmem_shared>> -> memref<10240x128xf32, #tpu.memory_space<vmem_shared>>
    tpu.wait_indirect_dma semaphore(%arg38 : memref<!tpu.dma_semaphore, #tpu.memory_space<semaphore_mem>>) src(%arg29 : memref<80x128xf32, #tpu.memory_space<vmem>>) dst(%dma_wait3A_145 : memref<10240x128xf32, #tpu.memory_space<vmem_shared>>)
    %barrier3A_146 = arith.constant 0 : index
    tpu.barrier barrier_id(%barrier3A_146)
    %mul3A_147 = arith.constant 640 : i32
    %mul3A_148 = arith.muli %arg1, %mul3A_147 : i32
    %add3A_149 = arith.constant 0 : i32
    %add3A_150 = arith.addi %mul3A_148, %add3A_149 : i32
    "tpu.region"() ({
      %run_scoped3A = tpu.sem_alloc : memref<!tpu.dma_semaphore, #tpu.memory_space<semaphore_mem>>
      %dma_start3A_203 = arith.constant 0 : i32
      %dma_start3A_204 = tpu.memref_slice %arg9[%add3A_150, %dma_start3A_203] : memref<10240x128xf32, #tpu.memory_space<vmem_shared>> -> memref<80x128xf32, #tpu.memory_space<vmem_shared>>
      %dma_start3A_205 = arith.constant 0 : i32
      %dma_start3A_206 = tpu.memref_slice %arg9[%add3A_150, %dma_start3A_205] : memref<10240x128xf32, #tpu.memory_space<vmem_shared>> -> memref<80x128xf32, #tpu.memory_space<vmem_shared>>
      tpu.enqueue_dma source(%dma_start3A_206 : memref<80x128xf32, #tpu.memory_space<vmem_shared>>) target(%arg27 : memref<80x128xf32, #tpu.memory_space<vmem>>) target_semaphore(%run_scoped3A : memref<!tpu.dma_semaphore, #tpu.memory_space<semaphore_mem>>)
      %dma_wait3A_207 = arith.constant 0 : i32
      %dma_wait3A_208 = tpu.memref_slice %arg9[%add3A_150, %dma_wait3A_207] : memref<10240x128xf32, #tpu.memory_space<vmem_shared>> -> memref<80x128xf32, #tpu.memory_space<vmem_shared>>
      %dma_wait3A_209 = arith.constant 0 : i32
      %dma_wait3A_210 = tpu.memref_slice %arg9[%add3A_150, %dma_wait3A_209] : memref<10240x128xf32, #tpu.memory_space<vmem_shared>> -> memref<80x128xf32, #tpu.memory_space<vmem_shared>>
      tpu.wait_dma2 semaphore(%run_scoped3A : memref<!tpu.dma_semaphore, #tpu.memory_space<semaphore_mem>>) src(%dma_wait3A_210 : memref<80x128xf32, #tpu.memory_space<vmem_shared>>) dst(%arg27 : memref<80x128xf32, #tpu.memory_space<vmem>>)
      tpu.yield
    }) : () -> ()
    %mul3A_151 = arith.constant 10240 : i32
    %mul3A_152 = arith.muli %arg0, %mul3A_151 : i32
    %add3A_153 = arith.addi %mul3A_152, %add3A_150 : i32
    "tpu.region"() ({
      %run_scoped3A = tpu.sem_alloc : memref<!tpu.dma_semaphore, #tpu.memory_space<semaphore_mem>>
      %dma_start3A_203 = arith.constant 0 : i32
      %dma_start3A_204 = tpu.memref_slice %arg8[%add3A_153, %dma_start3A_203] : memref<20480x128xf32, #tpu.memory_space<hbm>> -> memref<80x128xf32, #tpu.memory_space<hbm>>
      %dma_start3A_205 = arith.constant 0 : i32
      %dma_start3A_206 = tpu.memref_slice %arg8[%add3A_153, %dma_start3A_205] : memref<20480x128xf32, #tpu.memory_space<hbm>> -> memref<80x128xf32, #tpu.memory_space<hbm>>
      tpu.enqueue_dma source(%arg27 : memref<80x128xf32, #tpu.memory_space<vmem>>) target(%dma_start3A_206 : memref<80x128xf32, #tpu.memory_space<hbm>>) target_semaphore(%run_scoped3A : memref<!tpu.dma_semaphore, #tpu.memory_space<semaphore_mem>>)
      %dma_wait3A_207 = arith.constant 0 : i32
      %dma_wait3A_208 = tpu.memref_slice %arg8[%add3A_153, %dma_wait3A_207] : memref<20480x128xf32, #tpu.memory_space<hbm>> -> memref<80x128xf32, #tpu.memory_space<hbm>>
      %dma_wait3A_209 = arith.constant 0 : i32
      %dma_wait3A_210 = tpu.memref_slice %arg8[%add3A_153, %dma_wait3A_209] : memref<20480x128xf32, #tpu.memory_space<hbm>> -> memref<80x128xf32, #tpu.memory_space<hbm>>
      tpu.wait_dma2 semaphore(%run_scoped3A : memref<!tpu.dma_semaphore, #tpu.memory_space<semaphore_mem>>) src(%arg27 : memref<80x128xf32, #tpu.memory_space<vmem>>) dst(%dma_wait3A_210 : memref<80x128xf32, #tpu.memory_space<hbm>>)
      tpu.yield
    }) : () -> ()
    %mul3A_154 = arith.constant 640 : i32
    %mul3A_155 = arith.muli %arg1, %mul3A_154 : i32
    %add3A_156 = arith.constant 80 : i32
    %add3A_157 = arith.addi %mul3A_155, %add3A_156 : i32
    "tpu.region"() ({
      %run_scoped3A = tpu.sem_alloc : memref<!tpu.dma_semaphore, #tpu.memory_space<semaphore_mem>>
      %dma_start3A_203 = arith.constant 0 : i32
      %dma_start3A_204 = tpu.memref_slice %arg9[%add3A_157, %dma_start3A_203] : memref<10240x128xf32, #tpu.memory_space<vmem_shared>> -> memref<80x128xf32, #tpu.memory_space<vmem_shared>>
      %dma_start3A_205 = arith.constant 0 : i32
      %dma_start3A_206 = tpu.memref_slice %arg9[%add3A_157, %dma_start3A_205] : memref<10240x128xf32, #tpu.memory_space<vmem_shared>> -> memref<80x128xf32, #tpu.memory_space<vmem_shared>>
      tpu.enqueue_dma source(%dma_start3A_206 : memref<80x128xf32, #tpu.memory_space<vmem_shared>>) target(%arg27 : memref<80x128xf32, #tpu.memory_space<vmem>>) target_semaphore(%run_scoped3A : memref<!tpu.dma_semaphore, #tpu.memory_space<semaphore_mem>>)
      %dma_wait3A_207 = arith.constant 0 : i32
      %dma_wait3A_208 = tpu.memref_slice %arg9[%add3A_157, %dma_wait3A_207] : memref<10240x128xf32, #tpu.memory_space<vmem_shared>> -> memref<80x128xf32, #tpu.memory_space<vmem_shared>>
      %dma_wait3A_209 = arith.constant 0 : i32
      %dma_wait3A_210 = tpu.memref_slice %arg9[%add3A_157, %dma_wait3A_209] : memref<10240x128xf32, #tpu.memory_space<vmem_shared>> -> memref<80x128xf32, #tpu.memory_space<vmem_shared>>
      tpu.wait_dma2 semaphore(%run_scoped3A : memref<!tpu.dma_semaphore, #tpu.memory_space<semaphore_mem>>) src(%dma_wait3A_210 : memref<80x128xf32, #tpu.memory_space<vmem_shared>>) dst(%arg27 : memref<80x128xf32, #tpu.memory_space<vmem>>)
      tpu.yield
    }) : () -> ()
    %mul3A_158 = arith.constant 10240 : i32
    %mul3A_159 = arith.muli %arg0, %mul3A_158 : i32
    %add3A_160 = arith.addi %mul3A_159, %add3A_157 : i32
    "tpu.region"() ({
      %run_scoped3A = tpu.sem_alloc : memref<!tpu.dma_semaphore, #tpu.memory_space<semaphore_mem>>
      %dma_start3A_203 = arith.constant 0 : i32
      %dma_start3A_204 = tpu.memref_slice %arg8[%add3A_160, %dma_start3A_203] : memref<20480x128xf32, #tpu.memory_space<hbm>> -> memref<80x128xf32, #tpu.memory_space<hbm>>
      %dma_start3A_205 = arith.constant 0 : i32
      %dma_start3A_206 = tpu.memref_slice %arg8[%add3A_160, %dma_start3A_205] : memref<20480x128xf32, #tpu.memory_space<hbm>> -> memref<80x128xf32, #tpu.memory_space<hbm>>
      tpu.enqueue_dma source(%arg27 : memref<80x128xf32, #tpu.memory_space<vmem>>) target(%dma_start3A_206 : memref<80x128xf32, #tpu.memory_space<hbm>>) target_semaphore(%run_scoped3A : memref<!tpu.dma_semaphore, #tpu.memory_space<semaphore_mem>>)
      %dma_wait3A_207 = arith.constant 0 : i32
      %dma_wait3A_208 = tpu.memref_slice %arg8[%add3A_160, %dma_wait3A_207] : memref<20480x128xf32, #tpu.memory_space<hbm>> -> memref<80x128xf32, #tpu.memory_space<hbm>>
      %dma_wait3A_209 = arith.constant 0 : i32
      %dma_wait3A_210 = tpu.memref_slice %arg8[%add3A_160, %dma_wait3A_209] : memref<20480x128xf32, #tpu.memory_space<hbm>> -> memref<80x128xf32, #tpu.memory_space<hbm>>
      tpu.wait_dma2 semaphore(%run_scoped3A : memref<!tpu.dma_semaphore, #tpu.memory_space<semaphore_mem>>) src(%arg27 : memref<80x128xf32, #tpu.memory_space<vmem>>) dst(%dma_wait3A_210 : memref<80x128xf32, #tpu.memory_space<hbm>>)
      tpu.yield
    }) : () -> ()
    %mul3A_161 = arith.constant 640 : i32
    %mul3A_162 = arith.muli %arg1, %mul3A_161 : i32
    %add3A_163 = arith.constant 160 : i32
    %add3A_164 = arith.addi %mul3A_162, %add3A_163 : i32
    "tpu.region"() ({
      %run_scoped3A = tpu.sem_alloc : memref<!tpu.dma_semaphore, #tpu.memory_space<semaphore_mem>>
      %dma_start3A_203 = arith.constant 0 : i32
      %dma_start3A_204 = tpu.memref_slice %arg9[%add3A_164, %dma_start3A_203] : memref<10240x128xf32, #tpu.memory_space<vmem_shared>> -> memref<80x128xf32, #tpu.memory_space<vmem_shared>>
      %dma_start3A_205 = arith.constant 0 : i32
      %dma_start3A_206 = tpu.memref_slice %arg9[%add3A_164, %dma_start3A_205] : memref<10240x128xf32, #tpu.memory_space<vmem_shared>> -> memref<80x128xf32, #tpu.memory_space<vmem_shared>>
      tpu.enqueue_dma source(%dma_start3A_206 : memref<80x128xf32, #tpu.memory_space<vmem_shared>>) target(%arg27 : memref<80x128xf32, #tpu.memory_space<vmem>>) target_semaphore(%run_scoped3A : memref<!tpu.dma_semaphore, #tpu.memory_space<semaphore_mem>>)
      %dma_wait3A_207 = arith.constant 0 : i32
      %dma_wait3A_208 = tpu.memref_slice %arg9[%add3A_164, %dma_wait3A_207] : memref<10240x128xf32, #tpu.memory_space<vmem_shared>> -> memref<80x128xf32, #tpu.memory_space<vmem_shared>>
      %dma_wait3A_209 = arith.constant 0 : i32
      %dma_wait3A_210 = tpu.memref_slice %arg9[%add3A_164, %dma_wait3A_209] : memref<10240x128xf32, #tpu.memory_space<vmem_shared>> -> memref<80x128xf32, #tpu.memory_space<vmem_shared>>
      tpu.wait_dma2 semaphore(%run_scoped3A : memref<!tpu.dma_semaphore, #tpu.memory_space<semaphore_mem>>) src(%dma_wait3A_210 : memref<80x128xf32, #tpu.memory_space<vmem_shared>>) dst(%arg27 : memref<80x128xf32, #tpu.memory_space<vmem>>)
      tpu.yield
    }) : () -> ()
    %mul3A_165 = arith.constant 10240 : i32
    %mul3A_166 = arith.muli %arg0, %mul3A_165 : i32
    %add3A_167 = arith.addi %mul3A_166, %add3A_164 : i32
    "tpu.region"() ({
      %run_scoped3A = tpu.sem_alloc : memref<!tpu.dma_semaphore, #tpu.memory_space<semaphore_mem>>
      %dma_start3A_203 = arith.constant 0 : i32
      %dma_start3A_204 = tpu.memref_slice %arg8[%add3A_167, %dma_start3A_203] : memref<20480x128xf32, #tpu.memory_space<hbm>> -> memref<80x128xf32, #tpu.memory_space<hbm>>
      %dma_start3A_205 = arith.constant 0 : i32
      %dma_start3A_206 = tpu.memref_slice %arg8[%add3A_167, %dma_start3A_205] : memref<20480x128xf32, #tpu.memory_space<hbm>> -> memref<80x128xf32, #tpu.memory_space<hbm>>
      tpu.enqueue_dma source(%arg27 : memref<80x128xf32, #tpu.memory_space<vmem>>) target(%dma_start3A_206 : memref<80x128xf32, #tpu.memory_space<hbm>>) target_semaphore(%run_scoped3A : memref<!tpu.dma_semaphore, #tpu.memory_space<semaphore_mem>>)
      %dma_wait3A_207 = arith.constant 0 : i32
      %dma_wait3A_208 = tpu.memref_slice %arg8[%add3A_167, %dma_wait3A_207] : memref<20480x128xf32, #tpu.memory_space<hbm>> -> memref<80x128xf32, #tpu.memory_space<hbm>>
      %dma_wait3A_209 = arith.constant 0 : i32
      %dma_wait3A_210 = tpu.memref_slice %arg8[%add3A_167, %dma_wait3A_209] : memref<20480x128xf32, #tpu.memory_space<hbm>> -> memref<80x128xf32, #tpu.memory_space<hbm>>
      tpu.wait_dma2 semaphore(%run_scoped3A : memref<!tpu.dma_semaphore, #tpu.memory_space<semaphore_mem>>) src(%arg27 : memref<80x128xf32, #tpu.memory_space<vmem>>) dst(%dma_wait3A_210 : memref<80x128xf32, #tpu.memory_space<hbm>>)
      tpu.yield
    }) : () -> ()
    %mul3A_168 = arith.constant 640 : i32
    %mul3A_169 = arith.muli %arg1, %mul3A_168 : i32
    %add3A_170 = arith.constant 240 : i32
    %add3A_171 = arith.addi %mul3A_169, %add3A_170 : i32
    "tpu.region"() ({
      %run_scoped3A = tpu.sem_alloc : memref<!tpu.dma_semaphore, #tpu.memory_space<semaphore_mem>>
      %dma_start3A_203 = arith.constant 0 : i32
      %dma_start3A_204 = tpu.memref_slice %arg9[%add3A_171, %dma_start3A_203] : memref<10240x128xf32, #tpu.memory_space<vmem_shared>> -> memref<80x128xf32, #tpu.memory_space<vmem_shared>>
      %dma_start3A_205 = arith.constant 0 : i32
      %dma_start3A_206 = tpu.memref_slice %arg9[%add3A_171, %dma_start3A_205] : memref<10240x128xf32, #tpu.memory_space<vmem_shared>> -> memref<80x128xf32, #tpu.memory_space<vmem_shared>>
      tpu.enqueue_dma source(%dma_start3A_206 : memref<80x128xf32, #tpu.memory_space<vmem_shared>>) target(%arg27 : memref<80x128xf32, #tpu.memory_space<vmem>>) target_semaphore(%run_scoped3A : memref<!tpu.dma_semaphore, #tpu.memory_space<semaphore_mem>>)
      %dma_wait3A_207 = arith.constant 0 : i32
      %dma_wait3A_208 = tpu.memref_slice %arg9[%add3A_171, %dma_wait3A_207] : memref<10240x128xf32, #tpu.memory_space<vmem_shared>> -> memref<80x128xf32, #tpu.memory_space<vmem_shared>>
      %dma_wait3A_209 = arith.constant 0 : i32
      %dma_wait3A_210 = tpu.memref_slice %arg9[%add3A_171, %dma_wait3A_209] : memref<10240x128xf32, #tpu.memory_space<vmem_shared>> -> memref<80x128xf32, #tpu.memory_space<vmem_shared>>
      tpu.wait_dma2 semaphore(%run_scoped3A : memref<!tpu.dma_semaphore, #tpu.memory_space<semaphore_mem>>) src(%dma_wait3A_210 : memref<80x128xf32, #tpu.memory_space<vmem_shared>>) dst(%arg27 : memref<80x128xf32, #tpu.memory_space<vmem>>)
      tpu.yield
    }) : () -> ()
    %mul3A_172 = arith.constant 10240 : i32
    %mul3A_173 = arith.muli %arg0, %mul3A_172 : i32
    %add3A_174 = arith.addi %mul3A_173, %add3A_171 : i32
    "tpu.region"() ({
      %run_scoped3A = tpu.sem_alloc : memref<!tpu.dma_semaphore, #tpu.memory_space<semaphore_mem>>
      %dma_start3A_203 = arith.constant 0 : i32
      %dma_start3A_204 = tpu.memref_slice %arg8[%add3A_174, %dma_start3A_203] : memref<20480x128xf32, #tpu.memory_space<hbm>> -> memref<80x128xf32, #tpu.memory_space<hbm>>
      %dma_start3A_205 = arith.constant 0 : i32
      %dma_start3A_206 = tpu.memref_slice %arg8[%add3A_174, %dma_start3A_205] : memref<20480x128xf32, #tpu.memory_space<hbm>> -> memref<80x128xf32, #tpu.memory_space<hbm>>
      tpu.enqueue_dma source(%arg27 : memref<80x128xf32, #tpu.memory_space<vmem>>) target(%dma_start3A_206 : memref<80x128xf32, #tpu.memory_space<hbm>>) target_semaphore(%run_scoped3A : memref<!tpu.dma_semaphore, #tpu.memory_space<semaphore_mem>>)
      %dma_wait3A_207 = arith.constant 0 : i32
      %dma_wait3A_208 = tpu.memref_slice %arg8[%add3A_174, %dma_wait3A_207] : memref<20480x128xf32, #tpu.memory_space<hbm>> -> memref<80x128xf32, #tpu.memory_space<hbm>>
      %dma_wait3A_209 = arith.constant 0 : i32
      %dma_wait3A_210 = tpu.memref_slice %arg8[%add3A_174, %dma_wait3A_209] : memref<20480x128xf32, #tpu.memory_space<hbm>> -> memref<80x128xf32, #tpu.memory_space<hbm>>
      tpu.wait_dma2 semaphore(%run_scoped3A : memref<!tpu.dma_semaphore, #tpu.memory_space<semaphore_mem>>) src(%arg27 : memref<80x128xf32, #tpu.memory_space<vmem>>) dst(%dma_wait3A_210 : memref<80x128xf32, #tpu.memory_space<hbm>>)
      tpu.yield
    }) : () -> ()
    %mul3A_175 = arith.constant 640 : i32
    %mul3A_176 = arith.muli %arg1, %mul3A_175 : i32
    %add3A_177 = arith.constant 320 : i32
    %add3A_178 = arith.addi %mul3A_176, %add3A_177 : i32
    "tpu.region"() ({
      %run_scoped3A = tpu.sem_alloc : memref<!tpu.dma_semaphore, #tpu.memory_space<semaphore_mem>>
      %dma_start3A_203 = arith.constant 0 : i32
      %dma_start3A_204 = tpu.memref_slice %arg9[%add3A_178, %dma_start3A_203] : memref<10240x128xf32, #tpu.memory_space<vmem_shared>> -> memref<80x128xf32, #tpu.memory_space<vmem_shared>>
      %dma_start3A_205 = arith.constant 0 : i32
      %dma_start3A_206 = tpu.memref_slice %arg9[%add3A_178, %dma_start3A_205] : memref<10240x128xf32, #tpu.memory_space<vmem_shared>> -> memref<80x128xf32, #tpu.memory_space<vmem_shared>>
      tpu.enqueue_dma source(%dma_start3A_206 : memref<80x128xf32, #tpu.memory_space<vmem_shared>>) target(%arg27 : memref<80x128xf32, #tpu.memory_space<vmem>>) target_semaphore(%run_scoped3A : memref<!tpu.dma_semaphore, #tpu.memory_space<semaphore_mem>>)
      %dma_wait3A_207 = arith.constant 0 : i32
      %dma_wait3A_208 = tpu.memref_slice %arg9[%add3A_178, %dma_wait3A_207] : memref<10240x128xf32, #tpu.memory_space<vmem_shared>> -> memref<80x128xf32, #tpu.memory_space<vmem_shared>>
      %dma_wait3A_209 = arith.constant 0 : i32
      %dma_wait3A_210 = tpu.memref_slice %arg9[%add3A_178, %dma_wait3A_209] : memref<10240x128xf32, #tpu.memory_space<vmem_shared>> -> memref<80x128xf32, #tpu.memory_space<vmem_shared>>
      tpu.wait_dma2 semaphore(%run_scoped3A : memref<!tpu.dma_semaphore, #tpu.memory_space<semaphore_mem>>) src(%dma_wait3A_210 : memref<80x128xf32, #tpu.memory_space<vmem_shared>>) dst(%arg27 : memref<80x128xf32, #tpu.memory_space<vmem>>)
      tpu.yield
    }) : () -> ()
    %mul3A_179 = arith.constant 10240 : i32
    %mul3A_180 = arith.muli %arg0, %mul3A_179 : i32
    %add3A_181 = arith.addi %mul3A_180, %add3A_178 : i32
    "tpu.region"() ({
      %run_scoped3A = tpu.sem_alloc : memref<!tpu.dma_semaphore, #tpu.memory_space<semaphore_mem>>
      %dma_start3A_203 = arith.constant 0 : i32
      %dma_start3A_204 = tpu.memref_slice %arg8[%add3A_181, %dma_start3A_203] : memref<20480x128xf32, #tpu.memory_space<hbm>> -> memref<80x128xf32, #tpu.memory_space<hbm>>
      %dma_start3A_205 = arith.constant 0 : i32
      %dma_start3A_206 = tpu.memref_slice %arg8[%add3A_181, %dma_start3A_205] : memref<20480x128xf32, #tpu.memory_space<hbm>> -> memref<80x128xf32, #tpu.memory_space<hbm>>
      tpu.enqueue_dma source(%arg27 : memref<80x128xf32, #tpu.memory_space<vmem>>) target(%dma_start3A_206 : memref<80x128xf32, #tpu.memory_space<hbm>>) target_semaphore(%run_scoped3A : memref<!tpu.dma_semaphore, #tpu.memory_space<semaphore_mem>>)
      %dma_wait3A_207 = arith.constant 0 : i32
      %dma_wait3A_208 = tpu.memref_slice %arg8[%add3A_181, %dma_wait3A_207] : memref<20480x128xf32, #tpu.memory_space<hbm>> -> memref<80x128xf32, #tpu.memory_space<hbm>>
      %dma_wait3A_209 = arith.constant 0 : i32
      %dma_wait3A_210 = tpu.memref_slice %arg8[%add3A_181, %dma_wait3A_209] : memref<20480x128xf32, #tpu.memory_space<hbm>> -> memref<80x128xf32, #tpu.memory_space<hbm>>
      tpu.wait_dma2 semaphore(%run_scoped3A : memref<!tpu.dma_semaphore, #tpu.memory_space<semaphore_mem>>) src(%arg27 : memref<80x128xf32, #tpu.memory_space<vmem>>) dst(%dma_wait3A_210 : memref<80x128xf32, #tpu.memory_space<hbm>>)
      tpu.yield
    }) : () -> ()
    %mul3A_182 = arith.constant 640 : i32
    %mul3A_183 = arith.muli %arg1, %mul3A_182 : i32
    %add3A_184 = arith.constant 400 : i32
    %add3A_185 = arith.addi %mul3A_183, %add3A_184 : i32
    "tpu.region"() ({
      %run_scoped3A = tpu.sem_alloc : memref<!tpu.dma_semaphore, #tpu.memory_space<semaphore_mem>>
      %dma_start3A_203 = arith.constant 0 : i32
      %dma_start3A_204 = tpu.memref_slice %arg9[%add3A_185, %dma_start3A_203] : memref<10240x128xf32, #tpu.memory_space<vmem_shared>> -> memref<80x128xf32, #tpu.memory_space<vmem_shared>>
      %dma_start3A_205 = arith.constant 0 : i32
      %dma_start3A_206 = tpu.memref_slice %arg9[%add3A_185, %dma_start3A_205] : memref<10240x128xf32, #tpu.memory_space<vmem_shared>> -> memref<80x128xf32, #tpu.memory_space<vmem_shared>>
      tpu.enqueue_dma source(%dma_start3A_206 : memref<80x128xf32, #tpu.memory_space<vmem_shared>>) target(%arg27 : memref<80x128xf32, #tpu.memory_space<vmem>>) target_semaphore(%run_scoped3A : memref<!tpu.dma_semaphore, #tpu.memory_space<semaphore_mem>>)
      %dma_wait3A_207 = arith.constant 0 : i32
      %dma_wait3A_208 = tpu.memref_slice %arg9[%add3A_185, %dma_wait3A_207] : memref<10240x128xf32, #tpu.memory_space<vmem_shared>> -> memref<80x128xf32, #tpu.memory_space<vmem_shared>>
      %dma_wait3A_209 = arith.constant 0 : i32
      %dma_wait3A_210 = tpu.memref_slice %arg9[%add3A_185, %dma_wait3A_209] : memref<10240x128xf32, #tpu.memory_space<vmem_shared>> -> memref<80x128xf32, #tpu.memory_space<vmem_shared>>
      tpu.wait_dma2 semaphore(%run_scoped3A : memref<!tpu.dma_semaphore, #tpu.memory_space<semaphore_mem>>) src(%dma_wait3A_210 : memref<80x128xf32, #tpu.memory_space<vmem_shared>>) dst(%arg27 : memref<80x128xf32, #tpu.memory_space<vmem>>)
      tpu.yield
    }) : () -> ()
    %mul3A_186 = arith.constant 10240 : i32
    %mul3A_187 = arith.muli %arg0, %mul3A_186 : i32
    %add3A_188 = arith.addi %mul3A_187, %add3A_185 : i32
    "tpu.region"() ({
      %run_scoped3A = tpu.sem_alloc : memref<!tpu.dma_semaphore, #tpu.memory_space<semaphore_mem>>
      %dma_start3A_203 = arith.constant 0 : i32
      %dma_start3A_204 = tpu.memref_slice %arg8[%add3A_188, %dma_start3A_203] : memref<20480x128xf32, #tpu.memory_space<hbm>> -> memref<80x128xf32, #tpu.memory_space<hbm>>
      %dma_start3A_205 = arith.constant 0 : i32
      %dma_start3A_206 = tpu.memref_slice %arg8[%add3A_188, %dma_start3A_205] : memref<20480x128xf32, #tpu.memory_space<hbm>> -> memref<80x128xf32, #tpu.memory_space<hbm>>
      tpu.enqueue_dma source(%arg27 : memref<80x128xf32, #tpu.memory_space<vmem>>) target(%dma_start3A_206 : memref<80x128xf32, #tpu.memory_space<hbm>>) target_semaphore(%run_scoped3A : memref<!tpu.dma_semaphore, #tpu.memory_space<semaphore_mem>>)
      %dma_wait3A_207 = arith.constant 0 : i32
      %dma_wait3A_208 = tpu.memref_slice %arg8[%add3A_188, %dma_wait3A_207] : memref<20480x128xf32, #tpu.memory_space<hbm>> -> memref<80x128xf32, #tpu.memory_space<hbm>>
      %dma_wait3A_209 = arith.constant 0 : i32
      %dma_wait3A_210 = tpu.memref_slice %arg8[%add3A_188, %dma_wait3A_209] : memref<20480x128xf32, #tpu.memory_space<hbm>> -> memref<80x128xf32, #tpu.memory_space<hbm>>
      tpu.wait_dma2 semaphore(%run_scoped3A : memref<!tpu.dma_semaphore, #tpu.memory_space<semaphore_mem>>) src(%arg27 : memref<80x128xf32, #tpu.memory_space<vmem>>) dst(%dma_wait3A_210 : memref<80x128xf32, #tpu.memory_space<hbm>>)
      tpu.yield
    }) : () -> ()
    %mul3A_189 = arith.constant 640 : i32
    %mul3A_190 = arith.muli %arg1, %mul3A_189 : i32
    %add3A_191 = arith.constant 480 : i32
    %add3A_192 = arith.addi %mul3A_190, %add3A_191 : i32
    "tpu.region"() ({
      %run_scoped3A = tpu.sem_alloc : memref<!tpu.dma_semaphore, #tpu.memory_space<semaphore_mem>>
      %dma_start3A_203 = arith.constant 0 : i32
      %dma_start3A_204 = tpu.memref_slice %arg9[%add3A_192, %dma_start3A_203] : memref<10240x128xf32, #tpu.memory_space<vmem_shared>> -> memref<80x128xf32, #tpu.memory_space<vmem_shared>>
      %dma_start3A_205 = arith.constant 0 : i32
      %dma_start3A_206 = tpu.memref_slice %arg9[%add3A_192, %dma_start3A_205] : memref<10240x128xf32, #tpu.memory_space<vmem_shared>> -> memref<80x128xf32, #tpu.memory_space<vmem_shared>>
      tpu.enqueue_dma source(%dma_start3A_206 : memref<80x128xf32, #tpu.memory_space<vmem_shared>>) target(%arg27 : memref<80x128xf32, #tpu.memory_space<vmem>>) target_semaphore(%run_scoped3A : memref<!tpu.dma_semaphore, #tpu.memory_space<semaphore_mem>>)
      %dma_wait3A_207 = arith.constant 0 : i32
      %dma_wait3A_208 = tpu.memref_slice %arg9[%add3A_192, %dma_wait3A_207] : memref<10240x128xf32, #tpu.memory_space<vmem_shared>> -> memref<80x128xf32, #tpu.memory_space<vmem_shared>>
      %dma_wait3A_209 = arith.constant 0 : i32
      %dma_wait3A_210 = tpu.memref_slice %arg9[%add3A_192, %dma_wait3A_209] : memref<10240x128xf32, #tpu.memory_space<vmem_shared>> -> memref<80x128xf32, #tpu.memory_space<vmem_shared>>
      tpu.wait_dma2 semaphore(%run_scoped3A : memref<!tpu.dma_semaphore, #tpu.memory_space<semaphore_mem>>) src(%dma_wait3A_210 : memref<80x128xf32, #tpu.memory_space<vmem_shared>>) dst(%arg27 : memref<80x128xf32, #tpu.memory_space<vmem>>)
      tpu.yield
    }) : () -> ()
    %mul3A_193 = arith.constant 10240 : i32
    %mul3A_194 = arith.muli %arg0, %mul3A_193 : i32
    %add3A_195 = arith.addi %mul3A_194, %add3A_192 : i32
    "tpu.region"() ({
      %run_scoped3A = tpu.sem_alloc : memref<!tpu.dma_semaphore, #tpu.memory_space<semaphore_mem>>
      %dma_start3A_203 = arith.constant 0 : i32
      %dma_start3A_204 = tpu.memref_slice %arg8[%add3A_195, %dma_start3A_203] : memref<20480x128xf32, #tpu.memory_space<hbm>> -> memref<80x128xf32, #tpu.memory_space<hbm>>
      %dma_start3A_205 = arith.constant 0 : i32
      %dma_start3A_206 = tpu.memref_slice %arg8[%add3A_195, %dma_start3A_205] : memref<20480x128xf32, #tpu.memory_space<hbm>> -> memref<80x128xf32, #tpu.memory_space<hbm>>
      tpu.enqueue_dma source(%arg27 : memref<80x128xf32, #tpu.memory_space<vmem>>) target(%dma_start3A_206 : memref<80x128xf32, #tpu.memory_space<hbm>>) target_semaphore(%run_scoped3A : memref<!tpu.dma_semaphore, #tpu.memory_space<semaphore_mem>>)
      %dma_wait3A_207 = arith.constant 0 : i32
      %dma_wait3A_208 = tpu.memref_slice %arg8[%add3A_195, %dma_wait3A_207] : memref<20480x128xf32, #tpu.memory_space<hbm>> -> memref<80x128xf32, #tpu.memory_space<hbm>>
      %dma_wait3A_209 = arith.constant 0 : i32
      %dma_wait3A_210 = tpu.memref_slice %arg8[%add3A_195, %dma_wait3A_209] : memref<20480x128xf32, #tpu.memory_space<hbm>> -> memref<80x128xf32, #tpu.memory_space<hbm>>
      tpu.wait_dma2 semaphore(%run_scoped3A : memref<!tpu.dma_semaphore, #tpu.memory_space<semaphore_mem>>) src(%arg27 : memref<80x128xf32, #tpu.memory_space<vmem>>) dst(%dma_wait3A_210 : memref<80x128xf32, #tpu.memory_space<hbm>>)
      tpu.yield
    }) : () -> ()
    %mul3A_196 = arith.constant 640 : i32
    %mul3A_197 = arith.muli %arg1, %mul3A_196 : i32
    %add3A_198 = arith.constant 560 : i32
    %add3A_199 = arith.addi %mul3A_197, %add3A_198 : i32
    "tpu.region"() ({
      %run_scoped3A = tpu.sem_alloc : memref<!tpu.dma_semaphore, #tpu.memory_space<semaphore_mem>>
      %dma_start3A_203 = arith.constant 0 : i32
      %dma_start3A_204 = tpu.memref_slice %arg9[%add3A_199, %dma_start3A_203] : memref<10240x128xf32, #tpu.memory_space<vmem_shared>> -> memref<80x128xf32, #tpu.memory_space<vmem_shared>>
      %dma_start3A_205 = arith.constant 0 : i32
      %dma_start3A_206 = tpu.memref_slice %arg9[%add3A_199, %dma_start3A_205] : memref<10240x128xf32, #tpu.memory_space<vmem_shared>> -> memref<80x128xf32, #tpu.memory_space<vmem_shared>>
      tpu.enqueue_dma source(%dma_start3A_206 : memref<80x128xf32, #tpu.memory_space<vmem_shared>>) target(%arg27 : memref<80x128xf32, #tpu.memory_space<vmem>>) target_semaphore(%run_scoped3A : memref<!tpu.dma_semaphore, #tpu.memory_space<semaphore_mem>>)
      %dma_wait3A_207 = arith.constant 0 : i32
      %dma_wait3A_208 = tpu.memref_slice %arg9[%add3A_199, %dma_wait3A_207] : memref<10240x128xf32, #tpu.memory_space<vmem_shared>> -> memref<80x128xf32, #tpu.memory_space<vmem_shared>>
      %dma_wait3A_209 = arith.constant 0 : i32
      %dma_wait3A_210 = tpu.memref_slice %arg9[%add3A_199, %dma_wait3A_209] : memref<10240x128xf32, #tpu.memory_space<vmem_shared>> -> memref<80x128xf32, #tpu.memory_space<vmem_shared>>
      tpu.wait_dma2 semaphore(%run_scoped3A : memref<!tpu.dma_semaphore, #tpu.memory_space<semaphore_mem>>) src(%dma_wait3A_210 : memref<80x128xf32, #tpu.memory_space<vmem_shared>>) dst(%arg27 : memref<80x128xf32, #tpu.memory_space<vmem>>)
      tpu.yield
    }) : () -> ()
    %mul3A_200 = arith.constant 10240 : i32
    %mul3A_201 = arith.muli %arg0, %mul3A_200 : i32
    %add3A_202 = arith.addi %mul3A_201, %add3A_199 : i32
    "tpu.region"() ({
      %run_scoped3A = tpu.sem_alloc : memref<!tpu.dma_semaphore, #tpu.memory_space<semaphore_mem>>
      %dma_start3A_203 = arith.constant 0 : i32
      %dma_start3A_204 = tpu.memref_slice %arg8[%add3A_202, %dma_start3A_203] : memref<20480x128xf32, #tpu.memory_space<hbm>> -> memref<80x128xf32, #tpu.memory_space<hbm>>
      %dma_start3A_205 = arith.constant 0 : i32
      %dma_start3A_206 = tpu.memref_slice %arg8[%add3A_202, %dma_start3A_205] : memref<20480x128xf32, #tpu.memory_space<hbm>> -> memref<80x128xf32, #tpu.memory_space<hbm>>
      tpu.enqueue_dma source(%arg27 : memref<80x128xf32, #tpu.memory_space<vmem>>) target(%dma_start3A_206 : memref<80x128xf32, #tpu.memory_space<hbm>>) target_semaphore(%run_scoped3A : memref<!tpu.dma_semaphore, #tpu.memory_space<semaphore_mem>>)
      %dma_wait3A_207 = arith.constant 0 : i32
      %dma_wait3A_208 = tpu.memref_slice %arg8[%add3A_202, %dma_wait3A_207] : memref<20480x128xf32, #tpu.memory_space<hbm>> -> memref<80x128xf32, #tpu.memory_space<hbm>>
      %dma_wait3A_209 = arith.constant 0 : i32
      %dma_wait3A_210 = tpu.memref_slice %arg8[%add3A_202, %dma_wait3A_209] : memref<20480x128xf32, #tpu.memory_space<hbm>> -> memref<80x128xf32, #tpu.memory_space<hbm>>
      tpu.wait_dma2 semaphore(%run_scoped3A : memref<!tpu.dma_semaphore, #tpu.memory_space<semaphore_mem>>) src(%arg27 : memref<80x128xf32, #tpu.memory_space<vmem>>) dst(%dma_wait3A_210 : memref<80x128xf32, #tpu.memory_space<hbm>>)
      tpu.yield
    }) : () -> ()
    return
  }
}

module attributes {stable_mosaic.version = 14 : i64} {
  func.func @body(%arg0: memref<2x236x128xf32, #tpu.memory_space<vmem>>, %arg1: memref<236x128xf32, #tpu.memory_space<vmem>>) attributes {dimension_semantics = [], scalar_prefetch = 0 : i64, scratch_operands = 0 : i64, tpu.core_type = #tpu.core_type<tc>} {
    %get3A = arith.constant 0 : index
    %get3A_0 = arith.constant 0 : index
    %get3A_1 = arith.constant 0 : index
    %get3A_2 = vector.load %arg0[%get3A, %get3A_0, %get3A_1] : memref<2x236x128xf32, #tpu.memory_space<vmem>>, vector<1x236x128xf32>
    %get3A_3 = vector.shape_cast %get3A_2 : vector<1x236x128xf32> to vector<236x128xf32>
    %get3A_4 = arith.constant 1 : index
    %get3A_5 = arith.constant 0 : index
    %get3A_6 = arith.constant 0 : index
    %get3A_7 = vector.load %arg0[%get3A_4, %get3A_5, %get3A_6] : memref<2x236x128xf32, #tpu.memory_space<vmem>>, vector<1x236x128xf32>
    %get3A_8 = vector.shape_cast %get3A_7 : vector<1x236x128xf32> to vector<236x128xf32>
    %add3A = arith.addf %get3A_3, %get3A_8 : vector<236x128xf32>
    %max3A = arith.constant 9.99999993E-9 : f32
    %max3A_9 = vector.broadcast %max3A : f32 to vector<236x128xf32>
    %max3A_10 = arith.maximumf %add3A, %max3A_9 : vector<236x128xf32>
    %div3A = arith.constant 1.000000e+00 : f32
    %div3A_11 = vector.broadcast %div3A : f32 to vector<236x128xf32>
    %div3A_12 = arith.divf %div3A_11, %max3A_10 : vector<236x128xf32>
    %swap3A = arith.constant 0 : index
    %swap3A_13 = arith.constant 0 : index
    %swap3A_14 = vector.load %arg1[%swap3A, %swap3A_13] : memref<236x128xf32, #tpu.memory_space<vmem>>, vector<236x128xf32>
    tpu.vector_store %arg1[%swap3A, %swap3A_13], %div3A_12 {strides = array<i32>} : memref<236x128xf32, #tpu.memory_space<vmem>>, vector<236x128xf32>,
    return
  }
}

module attributes {stable_mosaic.version = 14 : i64} {
  func.func @body(%arg0: i32, %arg1: memref<1000x128xf32, #tpu.memory_space<vmem>>, %arg2: memref<1000x128xf32, #tpu.memory_space<vmem>>, %arg3: memref<128x128xf32, #tpu.memory_space<vmem>>, %arg4: memref<128x128xf32, #tpu.memory_space<vmem>>, %arg5: memref<3x128x128xf32, #tpu.memory_space<vmem>>, %arg6: memref<1000x128xf32, #tpu.memory_space<vmem>>, %arg7: memref<3x1000x128xf32, #tpu.memory_space<vmem>>) attributes {dimension_semantics = [#tpu.dimension_semantics<arbitrary>], iteration_bounds = array<i64: 10>, scalar_prefetch = 0 : i64, scratch_operands = 0 : i64, tpu.core_type = #tpu.core_type<tc>, window_params = [{transform_indices = @transform_0, window_bounds = array<i64: 1000, 128>}, {transform_indices = @transform_1, window_bounds = array<i64: 1000, 128>}, {pipeline_mode = #tpu.pipeline_mode<synchronous>, transform_indices = @transform_2, window_bounds = array<i64: 128, 128>}, {pipeline_mode = #tpu.pipeline_mode<synchronous>, transform_indices = @transform_3, window_bounds = array<i64: 128, 128>}, {pipeline_mode = #tpu.pipeline_mode<synchronous>, transform_indices = @transform_4, window_bounds = array<i64: 3, 128, 128>}, {transform_indices = @transform_5, window_bounds = array<i64: 1000, 128>}, {transform_indices = @transform_6, window_bounds = array<i64: 3, 1000, 128>}]} {
    %get3A = arith.constant 0 : index
    %get3A_0 = arith.constant 0 : index
    %get3A_1 = vector.load %arg1[%get3A, %get3A_0] : memref<1000x128xf32, #tpu.memory_space<vmem>>, vector<1000x128xf32>
    %get3A_2 = arith.constant 0 : index
    %get3A_3 = arith.constant 0 : index
    %get3A_4 = vector.load %arg3[%get3A_2, %get3A_3] : memref<128x128xf32, #tpu.memory_space<vmem>>, vector<128x128xf32>
    %dot_general3A = arith.constant dense<0.000000e+00> : vector<1000x128xf32>
    %dot_general3A_5 = tpu.matmul %get3A_1, %get3A_4, %dot_general3A {dimension_numbers = #tpu.dot_dimension_numbers<[1], [1], [0], [0], [0, 0, 1, 0], [], []>, transpose_lhs_hint = false} : vector<1000x128xf32>, vector<128x128xf32>, vector<1000x128xf32> -> vector<1000x128xf32>
    %get3A_6 = arith.constant 0 : index
    %get3A_7 = arith.constant 0 : index
    %get3A_8 = vector.load %arg2[%get3A_6, %get3A_7] : memref<1000x128xf32, #tpu.memory_space<vmem>>, vector<1000x128xf32>
    %get3A_9 = arith.constant 0 : index
    %get3A_10 = arith.constant 0 : index
    %get3A_11 = vector.load %arg4[%get3A_9, %get3A_10] : memref<128x128xf32, #tpu.memory_space<vmem>>, vector<128x128xf32>
    %dot_general3A_12 = arith.constant dense<0.000000e+00> : vector<1000x128xf32>
    %dot_general3A_13 = tpu.matmul %get3A_8, %get3A_11, %dot_general3A_12 {dimension_numbers = #tpu.dot_dimension_numbers<[1], [1], [0], [0], [0, 0, 1, 0], [], []>, transpose_lhs_hint = false} : vector<1000x128xf32>, vector<128x128xf32>, vector<1000x128xf32> -> vector<1000x128xf32>
    %add3A = arith.addf %dot_general3A_5, %dot_general3A_13 : vector<1000x128xf32>
    %mul3A = arith.constant 5.000000e-01 : f32
    %mul3A_14 = vector.broadcast %mul3A : f32 to vector<1000x128xf32>
    %mul3A_15 = arith.mulf %add3A, %mul3A_14 : vector<1000x128xf32>
    %iota3A = tpu.iota {dimensions = array<i32: 0>} : vector<1000x128xi32>
    %mul3A_16 = arith.constant 1000 : i32
    %mul3A_17 = arith.muli %arg0, %mul3A_16 : i32
    %add3A_18 = vector.broadcast %mul3A_17 : i32 to vector<1000x128xi32>
    %add3A_19 = arith.addi %iota3A, %add3A_18 : vector<1000x128xi32>
    %eq3A = arith.constant 0 : i32
    %eq3A_20 = vector.broadcast %eq3A : i32 to vector<1000x128xi32>
    %eq3A_21 = arith.cmpi eq, %add3A_19, %eq3A_20 : vector<1000x128xi32>
    %jit3A = arith.constant 0.000000e+00 : f32
    %broadcast_in_dim3A = vector.broadcast %jit3A : f32 to vector<1000x128xf32>
    %select_n3A = arith.select %eq3A_21, %broadcast_in_dim3A, %mul3A_15 : vector<1000x128xi1>, vector<1000x128xf32>
    %swap3A = arith.constant 0 : index
    %swap3A_22 = arith.constant 0 : index
    %swap3A_23 = vector.load %arg6[%swap3A, %swap3A_22] : memref<1000x128xf32, #tpu.memory_space<vmem>>, vector<1000x128xf32>
    tpu.vector_store %arg6[%swap3A, %swap3A_22], %select_n3A {strides = array<i32>} : memref<1000x128xf32, #tpu.memory_space<vmem>>, vector<1000x128xf32>,
    %get3A_24 = arith.constant 0 : index
    %get3A_25 = arith.constant 0 : index
    %get3A_26 = arith.constant 0 : index
    %get3A_27 = vector.load %arg5[%get3A_24, %get3A_25, %get3A_26] : memref<3x128x128xf32, #tpu.memory_space<vmem>>, vector<1x128x128xf32>
    %get3A_28 = vector.shape_cast %get3A_27 : vector<1x128x128xf32> to vector<128x128xf32>
    %dot_general3A_29 = arith.constant dense<0.000000e+00> : vector<1000x128xf32>
    %dot_general3A_30 = tpu.matmul %select_n3A, %get3A_28, %dot_general3A_29 {dimension_numbers = #tpu.dot_dimension_numbers<[1], [1], [0], [0], [0, 0, 1, 0], [], []>, transpose_lhs_hint = false} : vector<1000x128xf32>, vector<128x128xf32>, vector<1000x128xf32> -> vector<1000x128xf32>
    %swap3A_31 = arith.constant 0 : index
    %swap3A_32 = arith.constant 0 : index
    %swap3A_33 = arith.constant 0 : index
    %swap3A_34 = vector.load %arg7[%swap3A_31, %swap3A_32, %swap3A_33] : memref<3x1000x128xf32, #tpu.memory_space<vmem>>, vector<1x1000x128xf32>
    %swap3A_35 = vector.shape_cast %swap3A_34 : vector<1x1000x128xf32> to vector<1000x128xf32>
    %swap3A_36 = vector.shape_cast %dot_general3A_30 : vector<1000x128xf32> to vector<1x1000x128xf32>
    tpu.vector_store %arg7[%swap3A_31, %swap3A_32, %swap3A_33], %swap3A_36 {strides = array<i32>} : memref<3x1000x128xf32, #tpu.memory_space<vmem>>, vector<1x1000x128xf32>,
    %get3A_37 = arith.constant 1 : index
    %get3A_38 = arith.constant 0 : index
    %get3A_39 = arith.constant 0 : index
    %get3A_40 = vector.load %arg5[%get3A_37, %get3A_38, %get3A_39] : memref<3x128x128xf32, #tpu.memory_space<vmem>>, vector<1x128x128xf32>
    %get3A_41 = vector.shape_cast %get3A_40 : vector<1x128x128xf32> to vector<128x128xf32>
    %dot_general3A_42 = arith.constant dense<0.000000e+00> : vector<1000x128xf32>
    %dot_general3A_43 = tpu.matmul %select_n3A, %get3A_41, %dot_general3A_42 {dimension_numbers = #tpu.dot_dimension_numbers<[1], [1], [0], [0], [0, 0, 1, 0], [], []>, transpose_lhs_hint = false} : vector<1000x128xf32>, vector<128x128xf32>, vector<1000x128xf32> -> vector<1000x128xf32>
    %swap3A_44 = arith.constant 1 : index
    %swap3A_45 = arith.constant 0 : index
    %swap3A_46 = arith.constant 0 : index
    %swap3A_47 = vector.load %arg7[%swap3A_44, %swap3A_45, %swap3A_46] : memref<3x1000x128xf32, #tpu.memory_space<vmem>>, vector<1x1000x128xf32>
    %swap3A_48 = vector.shape_cast %swap3A_47 : vector<1x1000x128xf32> to vector<1000x128xf32>
    %swap3A_49 = vector.shape_cast %dot_general3A_43 : vector<1000x128xf32> to vector<1x1000x128xf32>
    tpu.vector_store %arg7[%swap3A_44, %swap3A_45, %swap3A_46], %swap3A_49 {strides = array<i32>} : memref<3x1000x128xf32, #tpu.memory_space<vmem>>, vector<1x1000x128xf32>,
    %get3A_50 = arith.constant 2 : index
    %get3A_51 = arith.constant 0 : index
    %get3A_52 = arith.constant 0 : index
    %get3A_53 = vector.load %arg5[%get3A_50, %get3A_51, %get3A_52] : memref<3x128x128xf32, #tpu.memory_space<vmem>>, vector<1x128x128xf32>
    %get3A_54 = vector.shape_cast %get3A_53 : vector<1x128x128xf32> to vector<128x128xf32>
    %dot_general3A_55 = arith.constant dense<0.000000e+00> : vector<1000x128xf32>
    %dot_general3A_56 = tpu.matmul %select_n3A, %get3A_54, %dot_general3A_55 {dimension_numbers = #tpu.dot_dimension_numbers<[1], [1], [0], [0], [0, 0, 1, 0], [], []>, transpose_lhs_hint = false} : vector<1000x128xf32>, vector<128x128xf32>, vector<1000x128xf32> -> vector<1000x128xf32>
    %swap3A_57 = arith.constant 2 : index
    %swap3A_58 = arith.constant 0 : index
    %swap3A_59 = arith.constant 0 : index
    %swap3A_60 = vector.load %arg7[%swap3A_57, %swap3A_58, %swap3A_59] : memref<3x1000x128xf32, #tpu.memory_space<vmem>>, vector<1x1000x128xf32>
    %swap3A_61 = vector.shape_cast %swap3A_60 : vector<1x1000x128xf32> to vector<1000x128xf32>
    %swap3A_62 = vector.shape_cast %dot_general3A_56 : vector<1000x128xf32> to vector<1x1000x128xf32>
    tpu.vector_store %arg7[%swap3A_57, %swap3A_58, %swap3A_59], %swap3A_62 {strides = array<i32>} : memref<3x1000x128xf32, #tpu.memory_space<vmem>>, vector<1x1000x128xf32>,
    return
  }
  func.func @transform_0(%arg0: i32) -> (i32, i32) {
    %c0_i32 = arith.constant 0 : i32
    %c0_i32_0 = arith.constant 0 : i32
    return %arg0, %c0_i32 : i32, i32
  }
  func.func @transform_1(%arg0: i32) -> (i32, i32) {
    %c0_i32 = arith.constant 0 : i32
    %c0_i32_0 = arith.constant 0 : i32
    return %arg0, %c0_i32 : i32, i32
  }
  func.func @transform_2(%arg0: i32) -> (i32, i32) {
    %c0_i32 = arith.constant 0 : i32
    %c0_i32_0 = arith.constant 0 : i32
    %c0_i32_1 = arith.constant 0 : i32
    return %c0_i32, %c0_i32_0 : i32, i32
  }
  func.func @transform_3(%arg0: i32) -> (i32, i32) {
    %c0_i32 = arith.constant 0 : i32
    %c0_i32_0 = arith.constant 0 : i32
    %c0_i32_1 = arith.constant 0 : i32
    return %c0_i32, %c0_i32_0 : i32, i32
  }
  func.func @transform_4(%arg0: i32) -> (i32, i32, i32) {
    %c0_i32 = arith.constant 0 : i32
    %c0_i32_0 = arith.constant 0 : i32
    %c0_i32_1 = arith.constant 0 : i32
    %c0_i32_2 = arith.constant 0 : i32
    return %c0_i32, %c0_i32_0, %c0_i32_1 : i32, i32, i32
  }
  func.func @transform_5(%arg0: i32) -> (i32, i32) {
    %c0_i32 = arith.constant 0 : i32
    %c0_i32_0 = arith.constant 0 : i32
    return %arg0, %c0_i32 : i32, i32
  }
  func.func @transform_6(%arg0: i32) -> (i32, i32, i32) {
    %c0_i32 = arith.constant 0 : i32
    %c0_i32_0 = arith.constant 0 : i32
    %c0_i32_1 = arith.constant 0 : i32
    return %c0_i32, %arg0, %c0_i32_0 : i32, i32, i32
  }
}

module attributes {stable_mosaic.version = 14 : i64} {
  func.func @body(%arg0: i32, %arg1: memref<1000x128xf32, #tpu.memory_space<vmem>>, %arg2: memref<1000x128xf32, #tpu.memory_space<vmem>>, %arg3: memref<1000x128xf32, #tpu.memory_space<vmem>>, %arg4: memref<1x128xf32, #tpu.memory_space<vmem>>, %arg5: memref<1x128xf32, #tpu.memory_space<vmem>>, %arg6: memref<1000x128xf32, #tpu.memory_space<vmem>>) attributes {dimension_semantics = [#tpu.dimension_semantics<arbitrary>], iteration_bounds = array<i64: 10>, scalar_prefetch = 0 : i64, scratch_operands = 0 : i64, tpu.core_type = #tpu.core_type<tc>, window_params = [{transform_indices = @transform_0, window_bounds = array<i64: 1000, 128>}, {transform_indices = @transform_1, window_bounds = array<i64: 1000, 128>}, {transform_indices = @transform_2, window_bounds = array<i64: 1000, 128>}, {pipeline_mode = #tpu.pipeline_mode<synchronous>, transform_indices = @transform_3, window_bounds = array<i64: 1, 128>}, {pipeline_mode = #tpu.pipeline_mode<synchronous>, transform_indices = @transform_4, window_bounds = array<i64: 1, 128>}, {transform_indices = @transform_5, window_bounds = array<i64: 1000, 128>}]} {
    %get3A = arith.constant 0 : index
    %get3A_0 = arith.constant 0 : index
    %get3A_1 = vector.load %arg1[%get3A, %get3A_0] : memref<1000x128xf32, #tpu.memory_space<vmem>>, vector<1000x128xf32>
    %get3A_2 = arith.constant 0 : index
    %get3A_3 = arith.constant 0 : index
    %get3A_4 = vector.load %arg2[%get3A_2, %get3A_3] : memref<1000x128xf32, #tpu.memory_space<vmem>>, vector<1000x128xf32>
    %add3A = arith.addf %get3A_1, %get3A_4 : vector<1000x128xf32>
    %get3A_5 = arith.constant 0 : index
    %get3A_6 = arith.constant 0 : index
    %get3A_7 = vector.load %arg3[%get3A_5, %get3A_6] : memref<1000x128xf32, #tpu.memory_space<vmem>>, vector<1000x128xf32>
    %add3A_8 = arith.addf %add3A, %get3A_7 : vector<1000x128xf32>
    %reduce_sum3A = arith.constant dense<0.000000e+00> : vector<1000xf32>
    %reduce_sum3A_9 = vector.multi_reduction <add>, %add3A_8, %reduce_sum3A [1] : vector<1000x128xf32> to vector<1000xf32>
    %broadcast_in_dim3A = vector.shape_cast %reduce_sum3A_9 : vector<1000xf32> to vector<1000x1xf32>
    %div3A = arith.constant 1.280000e+02 : f32
    %div3A_10 = vector.broadcast %div3A : f32 to vector<1000x1xf32>
    %div3A_11 = arith.divf %broadcast_in_dim3A, %div3A_10 : vector<1000x1xf32>
    %sub3A = vector.broadcast %div3A_11 : vector<1000x1xf32> to vector<1000x128xf32>
    %sub3A_12 = arith.subf %add3A_8, %sub3A : vector<1000x128xf32>
    %mul3A = arith.mulf %sub3A_12, %sub3A_12 : vector<1000x128xf32>
    %reduce_sum3A_13 = arith.constant dense<0.000000e+00> : vector<1000xf32>
    %reduce_sum3A_14 = vector.multi_reduction <add>, %mul3A, %reduce_sum3A_13 [1] : vector<1000x128xf32> to vector<1000xf32>
    %broadcast_in_dim3A_15 = vector.shape_cast %reduce_sum3A_14 : vector<1000xf32> to vector<1000x1xf32>
    %div3A_16 = arith.constant 1.280000e+02 : f32
    %div3A_17 = vector.broadcast %div3A_16 : f32 to vector<1000x1xf32>
    %div3A_18 = arith.divf %broadcast_in_dim3A_15, %div3A_17 : vector<1000x1xf32>
    %add3A_19 = arith.constant 9.99999974E-6 : f32
    %add3A_20 = vector.broadcast %add3A_19 : f32 to vector<1000x1xf32>
    %add3A_21 = arith.addf %div3A_18, %add3A_20 : vector<1000x1xf32>
    %rsqrt3A = math.rsqrt %add3A_21 : vector<1000x1xf32>
    %mul3A_22 = vector.broadcast %rsqrt3A : vector<1000x1xf32> to vector<1000x128xf32>
    %mul3A_23 = arith.mulf %sub3A_12, %mul3A_22 : vector<1000x128xf32>
    %get3A_24 = arith.constant 0 : index
    %get3A_25 = arith.constant 0 : index
    %get3A_26 = vector.load %arg4[%get3A_24, %get3A_25] : memref<1x128xf32, #tpu.memory_space<vmem>>, vector<1x128xf32>
    %mul3A_27 = vector.broadcast %get3A_26 : vector<1x128xf32> to vector<1000x128xf32>
    %mul3A_28 = arith.mulf %mul3A_23, %mul3A_27 : vector<1000x128xf32>
    %get3A_29 = arith.constant 0 : index
    %get3A_30 = arith.constant 0 : index
    %get3A_31 = vector.load %arg5[%get3A_29, %get3A_30] : memref<1x128xf32, #tpu.memory_space<vmem>>, vector<1x128xf32>
    %add3A_32 = vector.broadcast %get3A_31 : vector<1x128xf32> to vector<1000x128xf32>
    %add3A_33 = arith.addf %mul3A_28, %add3A_32 : vector<1000x128xf32>
    %iota3A = tpu.iota {dimensions = array<i32: 0>} : vector<1000x128xi32>
    %mul3A_34 = arith.constant 1000 : i32
    %mul3A_35 = arith.muli %arg0, %mul3A_34 : i32
    %add3A_36 = vector.broadcast %mul3A_35 : i32 to vector<1000x128xi32>
    %add3A_37 = arith.addi %iota3A, %add3A_36 : vector<1000x128xi32>
    %eq3A = arith.constant 0 : i32
    %eq3A_38 = vector.broadcast %eq3A : i32 to vector<1000x128xi32>
    %eq3A_39 = arith.cmpi eq, %add3A_37, %eq3A_38 : vector<1000x128xi32>
    %jit3A = arith.constant 0.000000e+00 : f32
    %broadcast_in_dim3A_40 = vector.broadcast %jit3A : f32 to vector<1000x128xf32>
    %select_n3A = arith.select %eq3A_39, %broadcast_in_dim3A_40, %add3A_33 : vector<1000x128xi1>, vector<1000x128xf32>
    %swap3A = arith.constant 0 : index
    %swap3A_41 = arith.constant 0 : index
    %swap3A_42 = vector.load %arg6[%swap3A, %swap3A_41] : memref<1000x128xf32, #tpu.memory_space<vmem>>, vector<1000x128xf32>
    tpu.vector_store %arg6[%swap3A, %swap3A_41], %select_n3A {strides = array<i32>} : memref<1000x128xf32, #tpu.memory_space<vmem>>, vector<1000x128xf32>,
    return
  }
  func.func @transform_0(%arg0: i32) -> (i32, i32) {
    %c0_i32 = arith.constant 0 : i32
    %c0_i32_0 = arith.constant 0 : i32
    return %arg0, %c0_i32 : i32, i32
  }
  func.func @transform_1(%arg0: i32) -> (i32, i32) {
    %c0_i32 = arith.constant 0 : i32
    %c0_i32_0 = arith.constant 0 : i32
    return %arg0, %c0_i32 : i32, i32
  }
  func.func @transform_2(%arg0: i32) -> (i32, i32) {
    %c0_i32 = arith.constant 0 : i32
    %c0_i32_0 = arith.constant 0 : i32
    return %arg0, %c0_i32 : i32, i32
  }
  func.func @transform_3(%arg0: i32) -> (i32, i32) {
    %c0_i32 = arith.constant 0 : i32
    %c0_i32_0 = arith.constant 0 : i32
    %c0_i32_1 = arith.constant 0 : i32
    return %c0_i32, %c0_i32_0 : i32, i32
  }
  func.func @transform_4(%arg0: i32) -> (i32, i32) {
    %c0_i32 = arith.constant 0 : i32
    %c0_i32_0 = arith.constant 0 : i32
    %c0_i32_1 = arith.constant 0 : i32
    return %c0_i32, %c0_i32_0 : i32, i32
  }
  func.func @transform_5(%arg0: i32) -> (i32, i32) {
    %c0_i32 = arith.constant 0 : i32
    %c0_i32_0 = arith.constant 0 : i32
    return %arg0, %c0_i32 : i32, i32
  }
}

</mosaic_0001>

<sc_bundles>
// kernel: kernel.10.cloned.1.call-start
scs
__scs_entry_jumppad:
0x0: {  	(pc) =	sbr.rel $0x88, $3  }
0x1: {  	(tag) =	ssettag $0x0;
	lr =	simm.s32 $0x1  }
0x2: {  	[smem:$0x3F97] =	sst lr;
	_ =	strace $0xD0000000  }
0x3: {  	_ = 	snop  }
0x4: {  	_ = 	snop  }
0x5: {  	_ = 	snop  }
0x6: {  	_ = 	snop  }
0x7: {  	_ = 	snop  }
__scs_overlays_trampoline_lowered:
0x8: {  	[smem:$0x3FA6] =	sst s0  }
0x9: {  	[smem:$0x3FA7] =	sst s1  }
0xa: {  	[smem:$0x3FA8] =	sst s2  }
0xb: {  	[smem:$0x3FA9] =	sst s3  }
0xc: {  	[smem:$0x3FAA] =	sst s4  }
0xd: {  	[smem:$0x3FAB] =	sst s5  }
0xe: {  	[smem:$0x3FAC] =	sst s6  }
0xf: {  	[smem:$0x3FAD] =	sst s7  }
0x10: {  	[smem:$0x3FAE] =	sst s8  }
0x11: {  	[smem:$0x3FAF] =	sst s9;
	s0 =	simm.s32 @!p0 $0x0  }
0x12: {  	s1 =	sld [smem:$0x3F95];
	s0 =	simm.s32 @p0 $0x1  }
0x13: {  	[smem:$0x3FB0] =	sst s0;
	s0 =	simm.s32 @!p1 $0x0  }
0x14: {  	s2 =	sld [smem:$0x3F94];
	s0 =	simm.s32 @p1 $0x1  }
0x15: {  	[smem:$0x3FB1] =	sst s0;
	s0 =	simm.s32 @!p2 $0x0  }
0x16: {  	s3 =	sld [smem:$0x3FDB];
	s0 =	simm.s32 @p2 $0x1  }
0x17: {  	s4 =	simm.s32 $0x1BF5;
	[smem:$0x3FB3] =	sst s0  }
0x18: {  	s0 =	sld [smem:$0x3F96];
	_ =	swait.ge [sflag:s4], $0x0  }
0x19: {  	s7 =	sld [smem:$0x3F97]  }
0x1a: {  	s8 =	sadd.s32 $0xFFFFE003, lr  }
0x1b: {  	s9 =	sadd.s32 $0xFFFFFEF7, lr;
	s5 =	simm.s32 $0xFFFFFFFF;
	p2 =	slt.u32 s8, $0xFFFFF086  }
0x1c: {  	p1 =	slt.u32 s9, $0xF7A;
	s5 =	simm.s32 @!p2 $0x0  }
0x1d: {  	s5 =	simm.s32 @p1 $0x1;
	p0 =	seq.s32 s7, s2  }
0x1e: {  	s7 =	smul.u32 @!p0 $0xF7A, s2;
	p2 =	seq.s32 @!p0 s5, $0x0  }
0x1f: {  	s9 =	smul.u32 $0xF7A, s1;
	s8 =	simm.s32 @!p0 $0x1BF5;
	p2 =	por !p2, p0  }
0x20: {  	[sflag:s8] =	ssyncset.s32 @!p0 $0xFFFFF086;
	s6 =	sadd.s32 @!p0 s3, s7;
	s7 =	simm.s32 @!p0 $0x108  }
0x21: {  	s3 =	sadd.s32 s3, s9;
	s6 =	sadd.s32 @!p0 $0x88, s6;
	s7 =	simm.s32 @p2 $0x1082  }
0x22: {  	[simem:s7], [sflag:s8] =	dma.local @!p0 [hbm:s6], $0xF7A  }
0x23: {  	s9 =	sor.u32 $0xD0000000, s2;
	s6 =	simm.s32 $0x108;
	_ =	swait.ge @!p0 [sflag:s8], $0x0  }
0x24: {  	s3 =	sadd.s32 $0x88, s3;
	s6 =	simm.s32 @!p1 $0x1082;
	[sflag:s4] =	ssyncset.s32 $0xFFFFF086  }
0x25: {  	[simem:s6], [sflag:s4] =	dma.local [hbm:s3], $0xF7A  }
0x26: {  	[smem:$0x3F97] =	sst s1;
	(tag) =	ssettag s2;
	_ =	strace s9  }
0x27: {  	s1 =	sld [smem:$0x3FA7]  }
0x28: {  	s2 =	sld [smem:$0x3FA8]  }
0x29: {  	s4 =	sld [smem:$0x3FAA]  }
0x2a: {  	p0 =	seq.s32 s5, $0x0;
	s5 =	sld [smem:$0x3FAB]  }
0x2b: {  	s6 =	sld [smem:$0x3FAC]  }
0x2c: {  	s7 =	sld [smem:$0x3FAD]  }
0x2d: {  	s3 =	simm.s32 $0x108;
	s8 =	sld [smem:$0x3FAE]  }
0x2e: {  	s3 =	simm.s32 @!p0 $0x1082;
	s9 =	sld [smem:$0x3FAF]  }
0x2f: {  	lr =	sadd.s32 s0, s3;
	s0 =	sld [smem:$0x3FA6]  }
0x30: {  	s3 =	sld [smem:$0x3FA9]  }
0x31: {  	[smem:$0x3FB2] =	sst s10  }
0x32: {  	s10 =	sld [smem:$0x3FB0];
	_ =	sdelay $0x3  }
0x33: {  	p0 =	seq.s32 s10, $0x1;
	s10 =	sld [smem:$0x3FB2];
	_ =	sdelay $0x3  }
0x34: {  	[smem:$0x3FB2] =	sst s10  }
0x35: {  	s10 =	sld [smem:$0x3FB1];
	_ =	sdelay $0x3  }
0x36: {  	p1 =	seq.s32 s10, $0x1;
	s10 =	sld [smem:$0x3FB2];
	_ =	sdelay $0x3  }
0x37: {  	[smem:$0x3FB2] =	sst s10  }
0x38: {  	s10 =	sld [smem:$0x3FB3]  }
0x39: {  	_ = 	snop;
	(pc) =	sbr.ind lr, $3  }
0x3a: {  	_ = 	snop  }
0x3b: {  	_ = 	snop  }
0x3c: {  	p2 =	seq.s32 s10, $0x1;
	s10 =	sld [smem:$0x3FB2]  }
0x3d: {  	_ =	shalt  }
0x3e: {  	_ =	shalt  }
0x3f: {  	_ =	shalt  }
0x40: {  	_ =	shalt  }
0x41: {  	_ =	shalt  }
0x42: {  	_ =	shalt  }
0x43: {  	_ =	shalt  }
0x44: {  	_ =	shalt  }
0x45: {  	_ =	shalt  }
0x46: {  	_ =	shalt  }
0x47: {  	_ =	shalt  }
0x48: {  	_ =	shalt  }
0x49: {  	_ =	shalt  }
0x4a: {  	_ =	shalt  }
0x4b: {  	_ =	shalt  }
0x4c: {  	_ =	shalt  }
0x4d: {  	_ =	shalt  }
0x4e: {  	_ =	shalt  }
0x4f: {  	_ =	shalt  }
0x50: {  	_ =	shalt  }
0x51: {  	_ =	shalt  }
0x52: {  	_ =	shalt  }
0x53: {  	_ =	shalt  }
0x54: {  	_ =	shalt  }
0x55: {  	_ =	shalt  }
0x56: {  	_ =	shalt  }
0x57: {  	_ =	shalt  }
0x58: {  	_ =	shalt  }
0x59: {  	_ =	shalt  }
0x5a: {  	_ =	shalt  }
0x5b: {  	_ =	shalt  }
0x5c: {  	_ =	shalt  }
0x5d: {  	_ =	shalt  }
0x5e: {  	_ =	shalt  }
0x5f: {  	_ =	shalt  }
0x60: {  	_ =	shalt  }
0x61: {  	_ =	shalt  }
0x62: {  	_ =	shalt  }
0x63: {  	_ =	shalt  }
0x64: {  	_ =	shalt  }
0x65: {  	_ =	shalt  }
0x66: {  	_ =	shalt  }
0x67: {  	_ =	shalt  }
0x68: {  	_ =	shalt  }
0x69: {  	_ =	shalt  }
0x6a: {  	_ =	shalt  }
0x6b: {  	_ =	shalt  }
0x6c: {  	_ =	shalt  }
0x6d: {  	_ =	shalt  }
0x6e: {  	_ =	shalt  }
0x6f: {  	_ =	shalt  }
0x70: {  	_ =	shalt  }
0x71: {  	_ =	shalt  }
0x72: {  	_ =	shalt  }
0x73: {  	_ =	shalt  }
0x74: {  	_ =	shalt  }
0x75: {  	_ =	shalt  }
0x76: {  	_ =	shalt  }
0x77: {  	_ =	shalt  }
0x78: {  	_ =	shalt  }
0x79: {  	_ =	shalt  }
0x7a: {  	_ =	shalt  }
0x7b: {  	_ =	shalt  }
0x7c: {  	_ =	shalt  }
0x7d: {  	_ =	shalt  }
0x7e: {  	_ =	shalt  }
0x7f: {  	_ =	shalt  }
0x80: {  	_ =	shalt  }
0x81: {  	_ =	shalt  }
0x82: {  	_ =	shalt  }
0x83: {  	_ =	shalt  }
0x84: {  	_ =	shalt  }
0x85: {  	_ =	shalt  }
0x86: {  	_ =	shalt  }
0x87: {  	_ =	shalt  }
.Lfunc_end0:
.L_simem_size_0:
called_computation.1_lowered:
.L_overlay_start_0:
0x88: {  	s2 =	sld [smem:$0x3FD9]  }
0x89: {  	s3 =	sld [smem:$0x3FFE];
	_ =	sdelay $0x1  }
0x8a: {  	s1 =	srdreg.scid  }
0x8b: {  	s0 =	sand.u32 $0x1, s1  }
0x8c: {  	s17 =	sshll.u32 s0, $0xA;
	s2 =	sadd.s32 s3, s2  }
0x8d: {  	s2 =	sadd.s32 s2, s17  }
0x8e: {  	[smem:$0x3FBE] =	sst s2  }
0x8f: {  	_ = 	snop  }
0x90: {  	s2 =	sld [smem:$0x3FC7]  }
0x91: {  	s18 =	sld [smem:$0x3FC0]  }
0x92: {  	s4 =	sld [smem:$0x3FD0];
	(tm) =	ssettm $0x1  }
0x93: {  	s5 =	sld [smem:$0x3FFB];
	_ =	sdelay $0x3  }
0x94: {  	_ =	strace s5  }
0x95: {  	s5 =	sld [smem:$0x3FFC];
	_ =	sdelay $0x3  }
0x96: {  	_ =	strace s5  }
0x97: {  	s5 =	sld [smem:$0x3FFD];
	_ =	sdelay $0x3  }
0x98: {  	_ =	strace s5  }
0x99: {  	_ =	strace $0x8FFFFFFF  }
0x9a: {  	s19 =	sld [smem:$0x3FDB];
	_ =	sdelay $0x1  }
0x9b: {  	s6 =	simm.s32 $_scs_section_size  }
0x9c: {  	s7 =	simm.s32 $_size__tile_overlayer_lowered;
	s8 =	simm.s32 $_tile_overlayer_lowered  }
0x9d: {  	s22 =	simm.s32 $0x1BFF;
	s21 =	sshll.u32 s8, $0x1;
	s5 =	sadd.s32 s6, s19  }
0x9e: {  	s9 =	simm.s32 $0x0;
	s20 =	sshll.u32 s7, $0x1;
	s7 =	sadd.s32 s21, s5  }
0x9f: {  	[timem:s9], [sflag:s22] =	dma.local [hbm:s7], s20  }
0xa0: {  	_ =	swait.ge [sflag:s22], s20  }
0xa1: {  	s6 =	ssub.s32 $0x0, s20;
	[sflag:s22] =	ssyncset.done $0x0  }
0xa2: {  	[sflag:s22] =	ssyncadd.s32 s6;
	_ =	sdelay $0x1  }
0xa3: {  	s23 =	simm.s32 $0x1B8B  }
0xa4: {  	_ =	swait.ge [sflag:s23], $0x1  }
0xa5: {  	[sflag:s23] =	ssyncset.done $0x0  }
0xa6: {  	s25 =	simm.s32 $0x1B8E;
	s24 =	sld [smem:$0x3FFE];
	[sflag:s23] =	ssyncadd.s32 $0xFFFFFFFF  }
0xa7: {  	s26 =	simm.s32 $execute0_lowered;
	[smem:$0x3FD2] =	sst s25  }
0xa8: {  	s7 =	sshll.u32 s26, $0x1;
	_ =	strace $0x80000049;
	[dreg:$0x1] =	wrdreg $0xFFFFFFFF  }
0xa9: {  	s28 =	simm.s32 $_size_execute0_lowered;
	s5 =	sadd.s32 s5, s7;
	[dreg:$0x0] =	wrdreg $0x0  }
0xaa: {  	s7 =	sshll.u32 s28, $0x1;
	[dreg:$0x2] =	wrdreg s5  }
0xab: {  	[dreg:$0x3] =	wrdreg s7  }
0xac: {  	[dreg:$0x4] =	wrdreg $0xC0  }
0xad: {  	_ =	task [dreg:s9], $0x5FFFF  }
0xae: {  	[dreg:$0x1] =	wrdreg $0xFFFFFFFF  }
0xaf: {  	[dreg:$0x0] =	wrdreg $0x60  }
0xb0: {  	[dreg:$0x2] =	wrdreg s24  }
0xb1: {  	[dreg:$0x3] =	wrdreg s4  }
0xb2: {  	[dreg:$0x4] =	wrdreg s18  }
0xb3: {  	[dreg:$0x5] =	wrdreg s2  }
0xb4: {  	[dreg:$0x6] =	wrdreg $0x0  }
0xb5: {  	[dreg:$0x7] =	wrdreg $0x9  }
0xb6: {  	_ =	task.clear_ibuf [dreg:s9], $0x8FFFF;
	_ =	strace $0x90000049  }
0xb7: {  	s29 =	simm.s32 $0x9;
	_ =	strace $0x8000004B  }
0xb8: {  	_ =	swait.ge [sflag:s29], $0x1  }
0xb9: {  	[sflag:s29] =	ssyncadd.s32 $0xFFFFFFFF  }
0xba: {  	_ =	strace $0x9000004B  }
0xbb: {  	_ =	sfence  }
0xbc: {  	s30 =	sld [smem:$0x0];
	_ =	sdelay $0x2  }
0xbd: {  	s31 =	sshll.u32 s1, $0xD;
	s1 =	sshrl.u32 s1, $0x2  }
0xbe: {  	s3 =	sand.u32 $0x4000, s31;
	s1 =	sadd.s32 s1, s30  }
0xbf: {  	s0 =	sor.u32 s3, s0;
	s1 =	sshll.u32 s1, $0x11  }
0xc0: {  	s0 =	sor.u32 s1, s0  }
0xc1: {  	s0 =	sadd.s32 $0x8F2B, s0  }
0xc2: {  	[sflag:s0] =	ssyncadd.remote.s32 $0x1  }
0xc3: {  	_ =	sfence.sel $0xFFFF  }
0xc4: {  	[dreg:$0x0] =	wrdreg $0xFFFFFFFF;
	(pc) =	sbr.abs _section_cstart, $3  }
0xc5: {  	[dreg:$0x1] =	wrdreg $0xFFFFFFFF  }
0xc6: {  	_ =	task.clear_ibuf [dreg:s9], $0x2FFFF;
	_ =	strace $0x9FFFFFFF  }
0xc7: {  	(tm) =	ssettm $0x7FFFFFFF  }
tec
execute0_lowered:
.L_overlay_start_1:
0x0: {  	(tag) =	ssettag $0x1  }
0x1: {  	s0 =	rddreg [dreg:$0x0]  }
0x2: {  	s4 =	rddreg [dreg:$0x4]  }
0x3: {  	s1 =	srdreg.scid;
	s3 =	simm.s32 $0x0;
	s16 =	stileid.u32  }
0x4: {  	s29 =	simm.s32 $0x16680;
	s31 =	simm.s32 $0x50;
	s1 =	sand.u32 $0x1, s1  }
0x5: {  	[smem:$0x7FF] =	sst s3;
	s5 =	smul.u32 $0x280, s16;
	s6 =	sadd.s32 $0x83000, s0  }
0x6: {  	s30 =	smul.u32 $0x50000, s16;
	s17 =	sadd.s32 $0xBE00, s0;
	s2 =	ssub.s32 $0x2, s1  }
0x7: {  	_ =	strace $0x8000004A;
	s8 =	smul.u32 $0x2800, s1;
	s18 =	sshrl.u32 s2, $0x1  }
0x8: {  	s3 =	sor.u32 $0x50, s5;
	s7 =	sadd.s32 $0xA0, s5;
	s9 =	sadd.s32 $0xF0, s5  }
0x9: {  	s10 =	sadd.s32 $0x140, s5;
	s11 =	sadd.s32 $0x190, s5;
	s12 =	sadd.s32 $0x1E0, s5  }
0xa: {  	s2 =	ssub.s32 s2, s18;
	s13 =	sadd.s32 s5, s8;
	s14 =	sadd.s32 s8, s3  }
0xb: {  	s5 =	sadd.s32 $0x230, s5;
	s20 =	sadd.s32 s8, s7;
	s21 =	sadd.s32 s8, s9  }
0xc: {  	s15 =	sadd.s32 s8, s10;
	s25 =	sadd.s32 s8, s11;
	s26 =	sadd.s32 s8, s12  }
0xd: {  	s18 =	sshrl.u32 s30, $0x2;
	s3 =	sshll.u32 s3, $0x7;
	s13 =	sshll.u32 s13, $0x4  }
0xe: {  	s14 =	sshll.u32 s14, $0x4;
	s22 =	sshll.u32 s21, $0x4;
	s23 =	sshll.u32 s15, $0x4  }
0xf: {  	s8 =	sadd.s32 s8, s5;
	s28 =	sshll.u32 s26, $0x4;
	s15 =	sadd.s32 $0xDC00, s0  }
0x10: {  	s21 =	sshll.u32 s10, $0x7;
	s5 =	sshll.u32 s5, $0x7;
	s30 =	smax.u32 s2, $0x1  }
0x11: {  	s13 =	sadd.s32 s6, s13;
	s19 =	sadd.s32 s6, s14;
	[dreg:$0x18] =	wrdreg s30  }
0x12: {  	s24 =	sadd.s32 s6, s23;
	s8 =	sshll.u32 s8, $0x4;
	[dreg:$0x6] =	wrdreg s13  }
0x13: {  	s14 =	sshll.u32 s1, $0x4;
	s23 =	sadd.s32 s21, s4;
	[dreg:$0x7] =	wrdreg s19  }
0x14: {  	s13 =	sshll.u32 s20, $0x4;
	[dreg:$0xa] =	wrdreg s24;
	s19 =	sshll.u32 s7, $0x7  }
0x15: {  	s20 =	sshll.u32 s9, $0x7;
	[dreg:$0x13] =	wrdreg s23;
	s24 =	sshll.u32 s11, $0x7  }
0x16: {  	s7 =	simm.s32 $0x18E80;
	s9 =	simm.s32 $0x1B680;
	s13 =	sadd.s32 s6, s13  }
0x17: {  	s11 =	simm.s32 $0x2;
	s1 =	sadd.s32 s19, s4;
	[dreg:$0x8] =	wrdreg s13  }
0x18: {  	s19 =	simm.s32 $0x16480;
	s13 =	sadd.s32 s6, s22;
	[dreg:$0x11] =	wrdreg s1  }
0x19: {  	s22 =	sadd.s32 s20, s4;
	s1 =	sadd.s32 s24, s4;
	[dreg:$0x9] =	wrdreg s13  }
0x1a: {  	s20 =	simm.s32 $0x8;
	s13 =	sshll.u32 s25, $0x4;
	[dreg:$0x12] =	wrdreg s22  }
0x1b: {  	s25 =	sshll.u32 s12, $0x7;
	[dreg:$0x14] =	wrdreg s1;
	s13 =	sadd.s32 s6, s13  }
0x1c: {  	s24 =	simm.s32 $0x1;
	s26 =	sadd.s32 s25, s4;
	[dreg:$0xb] =	wrdreg s13  }
0x1d: {  	s1 =	simm.s32 $0x9;
	s13 =	sadd.s32 s6, s28;
	[dreg:$0x15] =	wrdreg s26  }
0x1e: {  	s12 =	simm.s32 $0x5;
	s6 =	sadd.s32 s6, s8;
	[dreg:$0xc] =	wrdreg s13  }
0x1f: {  	s25 =	simm.s32 $0x4;
	s28 =	sadd.s32 s5, s4;
	[dreg:$0xd] =	wrdreg s6  }
0x20: {  	s8 =	sadd.s32 s18, s4;
	s5 =	simm.s32 $0x0;
	[dreg:$0x16] =	wrdreg s28  }
0x21: {  	s13 =	sadd.s32 $0x2000, s0;
	s0 =	sor.u32 s16, s14;
	[dreg:$0xf] =	wrdreg s8  }
0x22: {  	s16 =	sadd.s32 s3, s4;
	[dreg:$0xe] =	wrdreg s13;
	s0 =	smul.u32 $0x2710, s0  }
0x23: {  	s14 =	simm.s32 $0x7;
	s6 =	simm.s32 $0x16600;
	[dreg:$0x10] =	wrdreg s16  }
0x24: {  	v0 =	vimm.f32 $0.0e+00;
	v1 =	vimm.s32 $0x2710;
	s13 =	simm.s32 $0x6;
	[dreg:$0x17] =	wrdreg s0;
	s0 =	simm.s32 $0x0  }
.LBB2_1:
0x25: {  	s0 =	sand.u32 $0xFE00, s0;
	s2 =	simm.s32 $0x0  }
0x26: {  	[dreg:$0x19] =	wrdreg s5;
	s2 =	sand.u32 $0x70, s2;
	s3 =	sshrl.u32 s0, $0x2  }
0x27: {  	s0 =	simm.s32 $0x40;
	s3 =	sor.u32 s2, s3;
	s2 =	simm.s32 $0x0  }
.LBB2_2:
0x28: {  	p0 =	sne.s32 s0, $0x9FC0  }
0x29: {  	[tilespmem:s3+$0x16680] =	vst v0;
	s2 =	sadd.s32 $0x10, s2;
	s3 =	smov.u32 s0;
	s0 =	sadd.s32 $0x40, s0  }
.Ltmp0:
0x2a: {  	(pc) =	sbr.rel @p0 .LBB2_2-.Ltmp0, $4  }
0x2b: {  	_ = 	snop  }
0x2c: {  	s3 =	sand.u32 $0xFE00, s3  }
0x2d: {  	s5 =	sand.u32 $0x70, s2;
	s3 =	sshrl.u32 s3, $0x2  }
0x2e: {  	s3 =	sor.u32 s5, s3  }
0x2f: {  	[tilespmem:s3+$0x16680] =	vst v0;
	s2 =	simm.s32 $0xA  }
0x30: {  	[spmem:s8] =	stream.linear.scatter [tilespmem:s29], [sflag:$0xA], $0x2800, $0x38;
	[tilespmem:$0x1DE80] =	vst v63  }
0x31: {  	_ =	swait.ge [sflag:s2], $0x2800  }
0x32: {  	[sflag:s2] =	ssyncset.done $0x0  }
0x33: {  	[sflag:s2] =	ssyncadd.s32 $0xFFFFD800  }
0x34: {  	[spmem:s16] =	stream.linear.scatter [tilespmem:s29], [sflag:$0xA], $0x2800, $0x38;
	[tilespmem:$0x1DE80] =	vst v63  }
0x35: {  	_ =	swait.ge [sflag:s2], $0x2800  }
0x36: {  	[sflag:s2] =	ssyncset.done $0x0  }
0x37: {  	s0 =	rddreg [dreg:$0x11];
	[sflag:s2] =	ssyncadd.s32 $0xFFFFD800  }
0x38: {  	[spmem:s0] =	stream.linear.scatter [tilespmem:s29], [sflag:$0xA], $0x2800, $0x38;
	[tilespmem:$0x1DE80] =	vst v63  }
0x39: {  	_ =	swait.ge [sflag:s2], $0x2800  }
0x3a: {  	[sflag:s2] =	ssyncset.done $0x0  }
0x3b: {  	s16 =	rddreg [dreg:$0x12];
	[sflag:s2] =	ssyncadd.s32 $0xFFFFD800  }
0x3c: {  	[spmem:s16] =	stream.linear.scatter [tilespmem:s29], [sflag:$0xA], $0x2800, $0x38;
	[tilespmem:$0x1DE80] =	vst v63  }
0x3d: {  	_ =	swait.ge [sflag:s2], $0x2800  }
0x3e: {  	[sflag:s2] =	ssyncset.done $0x0  }
0x3f: {  	s18 =	rddreg [dreg:$0x13];
	[sflag:s2] =	ssyncadd.s32 $0xFFFFD800  }
0x40: {  	[spmem:s18] =	stream.linear.scatter [tilespmem:s29], [sflag:$0xA], $0x2800, $0x38;
	[tilespmem:$0x1DE80] =	vst v63  }
0x41: {  	_ =	swait.ge [sflag:s2], $0x2800  }
0x42: {  	[sflag:s2] =	ssyncset.done $0x0  }
0x43: {  	s21 =	rddreg [dreg:$0x14];
	[sflag:s2] =	ssyncadd.s32 $0xFFFFD800  }
0x44: {  	[spmem:s21] =	stream.linear.scatter [tilespmem:s29], [sflag:$0xA], $0x2800, $0x38;
	[tilespmem:$0x1DE80] =	vst v63  }
0x45: {  	_ =	swait.ge [sflag:s2], $0x2800  }
0x46: {  	[sflag:s2] =	ssyncset.done $0x0  }
0x47: {  	s22 =	rddreg [dreg:$0x15];
	[sflag:s2] =	ssyncadd.s32 $0xFFFFD800  }
0x48: {  	[spmem:s22] =	stream.linear.scatter [tilespmem:s29], [sflag:$0xA], $0x2800, $0x38;
	[tilespmem:$0x1DE80] =	vst v63  }
0x49: {  	_ =	swait.ge [sflag:s2], $0x2800  }
0x4a: {  	[sflag:s2] =	ssyncset.done $0x0  }
0x4b: {  	s23 =	rddreg [dreg:$0x16];
	[sflag:s2] =	ssyncadd.s32 $0xFFFFD800  }
0x4c: {  	[spmem:s23] =	stream.linear.scatter [tilespmem:s29], [sflag:$0xA], $0x2800, $0x38;
	[tilespmem:$0x1DE80] =	vst v63  }
0x4d: {  	_ =	swait.ge [sflag:s2], $0x2800  }
0x4e: {  	[sflag:s2] =	ssyncset.done $0x0  }
0x4f: {  	[sflag:s2] =	ssyncadd.s32 $0xFFFFD800  }
0x50: {  	[bflag:$0x0] =	sbarrier.arrive $0xFFFF  }
0x51: {  	[tilespmem:$0x16180] =	vst v1  }
0x52: {  	[tilespmem:$0x16190] =	vst v1  }
0x53: {  	[tilespmem:$0x161A0] =	vst v1  }
0x54: {  	[tilespmem:$0x161B0] =	vst v1  }
0x55: {  	s26 =	simm.s32 $0x16180;
	[tilespmem:$0x161C0] =	vst v1  }
0x56: {  	[spmem:s4] =	stream.indirect.scatter.add.f32 [tilespmem:s29], [sflag:$0x7], $0x80, s26, s31, $0xb8;
	[tilespmem:$0x1DE80] =	vst v63  }
0x57: {  	[tilespmem:$0x16200] =	vst v1  }
0x58: {  	[tilespmem:$0x16210] =	vst v1  }
0x59: {  	[tilespmem:$0x16220] =	vst v1  }
0x5a: {  	[tilespmem:$0x16230] =	vst v1  }
0x5b: {  	s28 =	simm.s32 $0x16200;
	[tilespmem:$0x16240] =	vst v1  }
0x5c: {  	[spmem:s4] =	stream.indirect.scatter.add.f32 [tilespmem:s7], [sflag:$0x8], $0x80, s28, s31, $0xb8;
	[tilespmem:$0x1DE80] =	vst v63  }
0x5d: {  	[tilespmem:$0x16280] =	vst v1  }
0x5e: {  	[tilespmem:$0x16290] =	vst v1  }
0x5f: {  	[tilespmem:$0x162A0] =	vst v1  }
0x60: {  	[tilespmem:$0x162B0] =	vst v1  }
0x61: {  	s30 =	simm.s32 $0x16280;
	s0 =	simm.s32 $0x0;
	[tilespmem:$0x162C0] =	vst v1  }
0x62: {  	[spmem:s4] =	stream.indirect.scatter.add.f32 [tilespmem:s9], [sflag:$0x9], $0x80, s30, s31, $0xb8;
	[tilespmem:$0x1DE80] =	vst v63  }
.LBB2_4:
0x63: {  	s26 =	smul.u32 $0x7D0, s0  }
0x64: {  	s2 =	rddreg [dreg:$0x17]  }
0x65: {  	[dreg:$0x1a] =	wrdreg s0;
	s0 =	sadd.s32 s2, s26  }
0x66: {  	s28 =	rddreg [dreg:$0xe];
	s3 =	simm.s32 $0x14000;
	s0 =	sshrl.u32 s0, $0x3  }
0x67: {  	s8 =	simm.s32 $0x0;
	s30 =	simm.s32 $0xA;
	s2 =	sadd.s32 s28, s0  }
0x68: {  	[tilespmem:s3], [sflag:$0xA] =	stream.linear.gather [hbm4b:s2+s8], $0x7D0, $0x38;
	[tilespmem:$0x1DE80] =	vst v63  }
0x69: {  	_ =	swait.ge [sflag:s30], $0x7D0  }
0x6a: {  	[sflag:s30] =	ssyncset.done $0x0  }
0x6b: {  	[sflag:s30] =	ssyncadd.s32 $0xFFFFF830  }
0x6c: {  	s5 =	rddreg [dreg:$0x1]  }
0x6d: {  	s2 =	sadd.s32 s5, s0;
	s5 =	simm.s32 $0x14800  }
0x6e: {  	[tilespmem:s5], [sflag:$0xA] =	stream.linear.gather [hbm4b:s2+s8], $0x7D0, $0x38;
	[tilespmem:$0x1DE80] =	vst v63  }
0x6f: {  	_ =	swait.ge [sflag:s30], $0x7D0  }
0x70: {  	[sflag:s30] =	ssyncset.done $0x0  }
0x71: {  	[sflag:s30] =	ssyncadd.s32 $0xFFFFF830  }
0x72: {  	s10 =	rddreg [dreg:$0x2]  }
0x73: {  	s16 =	simm.s32 $0x15000;
	s2 =	sadd.s32 s10, s0  }
0x74: {  	[tilespmem:s16], [sflag:$0xA] =	stream.linear.gather [hbm4b:s2+s8], $0x7D0, $0x38;
	[tilespmem:$0x1DE80] =	vst v63  }
0x75: {  	_ =	swait.ge [sflag:s30], $0x7D0  }
0x76: {  	[sflag:s30] =	ssyncset.done $0x0  }
0x77: {  	[sflag:s30] =	ssyncadd.s32 $0xFFFFF830  }
0x78: {  	s18 =	rddreg [dreg:$0x3]  }
0x79: {  	s21 =	simm.s32 $0x15800;
	s0 =	sadd.s32 s18, s0  }
0x7a: {  	[tilespmem:s21], [sflag:$0xA] =	stream.linear.gather [hbm4b:s0+s8], $0x7D0, $0x38;
	[tilespmem:$0x1DE80] =	vst v63  }
0x7b: {  	_ =	swait.ge [sflag:s30], $0x7D0  }
0x7c: {  	[sflag:s30] =	ssyncset.done $0x0  }
0x7d: {  	[sflag:s30] =	ssyncadd.s32 $0xFFFFF830  }
0x7e: {  	_ =	swait.ge [sflag:s14], $0x2800  }
0x7f: {  	[sflag:s14] =	ssyncset.done $0x0  }
0x80: {  	[sflag:s14] =	ssyncadd.s32 $0xFFFFD800  }
0x81: {  	v2 =	vld [tilespmem:$0x15000]  }
0x82: {  	v3 =	vld [tilespmem:$0x14000]  }
0x83: {  	v5 =	vld [tilespmem:$0x14800]  }
0x84: {  	v4 =	vld [tilespmem:$0x15010]  }
0x85: {  	v8 =	vld [tilespmem:$0x14810]  }
0x86: {  	v6 =	vld [tilespmem:$0x14010];
	v2 =	vmul.u32 $0x2710, v2  }
0x87: {  	v7 =	vld [tilespmem:$0x15020]  }
0x88: {  	v45 =	vld [tilespmem:$0x14820];
	[tilespmem:$0x16180] =	vst v5;
	v3 =	vadd.s32 v3, v2  }
0x89: {  	v43 =	vld [tilespmem:$0x14020];
	[tilespmem:$0x16000] =	vst v3;
	v3 =	vmul.u32 $0x2710, v4  }
0x8a: {  	v44 =	vld [tilespmem:$0x15030];
	[tilespmem:$0x16190] =	vst v8;
	v2 =	vadd.s32 v2, v5  }
0x8b: {  	v48 =	vld [tilespmem:$0x14830];
	[tilespmem:$0x16300] =	vst v2;
	v2 =	vadd.s32 v6, v3  }
0x8c: {  	v46 =	vld [tilespmem:$0x14030];
	[tilespmem:$0x16010] =	vst v2;
	v2 =	vmul.u32 $0x2710, v7  }
0x8d: {  	v47 =	vld [tilespmem:$0x15040];
	[tilespmem:$0x161A0] =	vst v45;
	v3 =	vadd.s32 v3, v8  }
0x8e: {  	v50 =	vld [tilespmem:$0x14840];
	[tilespmem:$0x16310] =	vst v3;
	v3 =	vadd.s32 v43, v2  }
0x8f: {  	v49 =	vld [tilespmem:$0x14040];
	[tilespmem:$0x16020] =	vst v3;
	v3 =	vmul.u32 $0x2710, v44  }
0x90: {  	[tilespmem:$0x161B0] =	vst v48;
	v2 =	vadd.s32 v2, v45  }
0x91: {  	[tilespmem:$0x16320] =	vst v2;
	v2 =	vadd.s32 v46, v3  }
0x92: {  	[tilespmem:$0x16030] =	vst v2;
	v2 =	vmul.u32 $0x2710, v47  }
0x93: {  	[tilespmem:$0x161C0] =	vst v50;
	v3 =	vadd.s32 v3, v48  }
0x94: {  	[tilespmem:$0x16330] =	vst v3;
	v3 =	vadd.s32 v49, v2  }
0x95: {  	v2 =	vadd.s32 v2, v50;
	[tilespmem:$0x16040] =	vst v3  }
0x96: {  	s22 =	simm.s32 $0x16000;
	[tilespmem:$0x16340] =	vst v2  }
0x97: {  	[tilespmem:s29], [sflag:$0x1] =	stream.indirect.gather [hbm4b:s15+s31], $0x80, s22, s31, $0xb8;
	[tilespmem:$0x1DE80] =	vst v63  }
0x98: {  	s23 =	simm.s32 $0x16300  }
0x99: {  	[tilespmem:s19], [sflag:$0x4] =	stream.indirect.gather [hbm4b:s17+s31], $0x1, s23, s31, $0xb8;
	[tilespmem:$0x1DE80] =	vst v63  }
0x9a: {  	_ =	swait.ge [sflag:s20], $0x2800  }
0x9b: {  	[sflag:s20] =	ssyncset.done $0x0  }
0x9c: {  	[sflag:s20] =	ssyncadd.s32 $0xFFFFD800  }
0x9d: {  	v2 =	vld [tilespmem:$0x15050]  }
0x9e: {  	v3 =	vld [tilespmem:$0x14050]  }
0x9f: {  	v52 =	vld [tilespmem:$0x14850]  }
0xa0: {  	v51 =	vld [tilespmem:$0x15060]  }
0xa1: {  	v55 =	vld [tilespmem:$0x14860]  }
0xa2: {  	v53 =	vld [tilespmem:$0x14060];
	v2 =	vmul.u32 $0x2710, v2  }
0xa3: {  	v54 =	vld [tilespmem:$0x15070]  }
0xa4: {  	v58 =	vld [tilespmem:$0x14870];
	[tilespmem:$0x16200] =	vst v52;
	v3 =	vadd.s32 v3, v2  }
0xa5: {  	v56 =	vld [tilespmem:$0x14070];
	[tilespmem:$0x16080] =	vst v3;
	v3 =	vmul.u32 $0x2710, v51  }
0xa6: {  	v57 =	vld [tilespmem:$0x15080];
	[tilespmem:$0x16210] =	vst v55;
	v2 =	vadd.s32 v2, v52  }
0xa7: {  	v61 =	vld [tilespmem:$0x14880];
	[tilespmem:$0x16380] =	vst v2;
	v2 =	vadd.s32 v53, v3  }
0xa8: {  	v59 =	vld [tilespmem:$0x14080];
	[tilespmem:$0x16090] =	vst v2;
	v2 =	vmul.u32 $0x2710, v54  }
0xa9: {  	v60 =	vld [tilespmem:$0x15090];
	[tilespmem:$0x16220] =	vst v58;
	v3 =	vadd.s32 v3, v55  }
0xaa: {  	v63 =	vld [tilespmem:$0x14890];
	[tilespmem:$0x16390] =	vst v3;
	v3 =	vadd.s32 v56, v2  }
0xab: {  	v62 =	vld [tilespmem:$0x14090];
	[tilespmem:$0x160A0] =	vst v3;
	v3 =	vmul.u32 $0x2710, v57  }
0xac: {  	[tilespmem:$0x16230] =	vst v61;
	v2 =	vadd.s32 v2, v58  }
0xad: {  	[tilespmem:$0x163A0] =	vst v2;
	v2 =	vadd.s32 v59, v3  }
0xae: {  	[tilespmem:$0x160B0] =	vst v2;
	v2 =	vmul.u32 $0x2710, v60  }
0xaf: {  	[tilespmem:$0x16240] =	vst v63;
	v3 =	vadd.s32 v3, v61  }
0xb0: {  	[tilespmem:$0x163B0] =	vst v3;
	v3 =	vadd.s32 v62, v2  }
0xb1: {  	v2 =	vadd.s32 v2, v63;
	[tilespmem:$0x160C0] =	vst v3  }
0xb2: {  	s26 =	simm.s32 $0x16080;
	[tilespmem:$0x163C0] =	vst v2  }
0xb3: {  	[tilespmem:s7], [sflag:$0x2] =	stream.indirect.gather [hbm4b:s15+s31], $0x80, s26, s31, $0xb8;
	[tilespmem:$0x1DE80] =	vst v63  }
0xb4: {  	s28 =	simm.s32 $0x16380;
	s16 =	simm.s32 $0x0;
	s30 =	simm.s32 $0x16500  }
0xb5: {  	[tilespmem:s30], [sflag:$0x5] =	stream.indirect.gather [hbm4b:s17+s31], $0x1, s28, s31, $0xb8;
	[tilespmem:$0x1DE80] =	vst v63  }
.LBB2_5:
0xb6: {  	_ =	swait.ge [sflag:s24], $0x2800  }
0xb7: {  	[sflag:s24] =	ssyncset.done $0x0  }
0xb8: {  	[sflag:s24] =	ssyncadd.s32 $0xFFFFD800  }
0xb9: {  	_ =	swait.ge [sflag:s25], $0x50  }
0xba: {  	s30 =	smul.u32 $0xF0, s16;
	[sflag:s25] =	ssyncset.done $0x0  }
0xbb: {  	[sflag:s25] =	ssyncadd.s32 $0xFFFFFFB0  }
0xbc: {  	v2 =	vld [tilespmem:s30+$0x15800]  }
0xbd: {  	v3 =	vld [tilespmem:$0x16480];
	_ =	sdelay $0x4  }
0xbe: {  	v2 =	vmul.f32 v3, v2;
	_ =	sdelay $0x1  }
0xbf: {  	v3 =	vld [tilespmem:$0x16490];
	[tilespmem:$0x16600] =	vst v2  }
0xc0: {  	v2 =	vld [tilespmem:s30+$0x15810];
	_ =	sdelay $0x4  }
0xc1: {  	v2 =	vmul.f32 v3, v2;
	_ =	sdelay $0x1  }
0xc2: {  	v3 =	vld [tilespmem:$0x164A0];
	[tilespmem:$0x16610] =	vst v2  }
0xc3: {  	v2 =	vld [tilespmem:s30+$0x15820];
	_ =	sdelay $0x4  }
0xc4: {  	v2 =	vmul.f32 v3, v2;
	_ =	sdelay $0x1  }
0xc5: {  	v3 =	vld [tilespmem:$0x164B0];
	[tilespmem:$0x16620] =	vst v2  }
0xc6: {  	v2 =	vld [tilespmem:s30+$0x15830];
	_ =	sdelay $0x4  }
0xc7: {  	v2 =	vmul.f32 v3, v2;
	_ =	sdelay $0x1  }
0xc8: {  	v3 =	vld [tilespmem:$0x164C0];
	[tilespmem:$0x16630] =	vst v2  }
0xc9: {  	s0 =	simm.s32 $0x0;
	v2 =	vld [tilespmem:s30+$0x15840]  }
0xca: {  	v4 =	vmov s0  }
0xcb: {  	v4 =	vand.u32 $0xFFFFFFFC, v4  }
0xcc: {  	v4 =	vbroadcast v4, $0x0;
	_ =	sdelay $0x1  }
0xcd: {  	v2 =	vmul.f32 v3, v2;
	_ =	sdelay $0x1  }
0xce: {  	s2 =	simm.s32 $0x16780;
	[tilespmem:$0x16640] =	vst v2  }
0xcf: {  	v3 =	vld [tilespmem:s2+$0xFFFFFF70]  }
0xd0: {  	v4 =	vld.idx.msk [tilespmem:v4+s6+$0x0], $0xffff  }
0xd1: {  	v5 =	vld [tilespmem:s2+$0xFFFFFF00]  }
0xd2: {  	v6 =	vld [tilespmem:s2+$0xFFFFFF20]  }
0xd3: {  	v7 =	vld [tilespmem:s2+$0xFFFFFF30]  }
0xd4: {  	v2 =	vld [tilespmem:s2+$0xFFFFFF50]  }
0xd5: {  	v9 =	vld [tilespmem:s2+$0xFFFFFF10];
	v3 =	vmul.f32 v3, v4  }
0xd6: {  	s26 =	simm.s32 $0x1;
	v8 =	vld [tilespmem:s2+$0xFFFFFF60];
	v5 =	vmul.f32 v5, v4  }
0xd7: {  	v10 =	vld [tilespmem:s2+$0xFFFFFF40];
	v6 =	vmul.f32 v6, v4;
	[tilespmem:s2+$0xFFFFFF70] =	vst v3;
	v3 =	vmov s26  }
0xd8: {  	v7 =	vmul.f32 v7, v4;
	[tilespmem:s2+$0xFFFFFF00] =	vst v5;
	v3 =	vand.u32 $0xFFFFFFFD, v3  }
0xd9: {  	v2 =	vmul.f32 v2, v4;
	[tilespmem:s2+$0xFFFFFF20] =	vst v6;
	v3 =	vbroadcast v3, $0x0  }
0xda: {  	v5 =	vmul.f32 v9, v4;
	[tilespmem:s2+$0xFFFFFF30] =	vst v7  }
0xdb: {  	v6 =	vmul.f32 v8, v4;
	[tilespmem:s2+$0xFFFFFF50] =	vst v2  }
0xdc: {  	v2 =	vmul.f32 v10, v4;
	[tilespmem:s2+$0xFFFFFF10] =	vst v5  }
0xdd: {  	[tilespmem:s2+$0xFFFFFF60] =	vst v6  }
0xde: {  	[tilespmem:s2+$0xFFFFFF40] =	vst v2;
	v2 =	vld [tilespmem:s2+$0xFFFFFF80]  }
0xdf: {  	v4 =	vld.idx.msk [tilespmem:v3+s6+$0x0], $0xffff  }
0xe0: {  	v3 =	vld [tilespmem:s2+$0xFFFFFFA0]  }
0xe1: {  	v5 =	vld [tilespmem:s2+$0xFFFFFF90]  }
0xe2: {  	v6 =	vld [tilespmem:s2+$0xFFFFFFD0]  }
0xe3: {  	v7 =	vld [tilespmem:s2+$0xFFFFFFE0]  }
0xe4: {  	v8 =	vld [tilespmem:s2+$0xFFFFFFF0];
	v2 =	vmul.f32 v2, v4  }
0xe5: {  	s28 =	simm.s32 $0x2;
	v9 =	vld [tilespmem:s2+$0xFFFFFFB0];
	v3 =	vmul.f32 v3, v4  }
0xe6: {  	v10 =	vld [tilespmem:s2+$0xFFFFFFC0];
	v5 =	vmul.f32 v5, v4;
	[tilespmem:s2+$0xFFFFFF80] =	vst v2;
	v2 =	vmov s28  }
0xe7: {  	v6 =	vmul.f32 v6, v4;
	[tilespmem:s2+$0xFFFFFFA0] =	vst v3;
	v2 =	vand.u32 $0xFFFFFFFE, v2  }
0xe8: {  	v3 =	vmul.f32 v7, v4;
	[tilespmem:s2+$0xFFFFFF90] =	vst v5;
	v5 =	vbroadcast v2, $0x0  }
0xe9: {  	v7 =	vmul.f32 v8, v4;
	[tilespmem:s2+$0xFFFFFFD0] =	vst v6;
	v8 =	vld [tilespmem:s2+$0x30]  }
0xea: {  	v6 =	vmul.f32 v9, v4;
	v2 =	vld [tilespmem:s2+$0x40];
	[tilespmem:s2+$0xFFFFFFE0] =	vst v3  }
0xeb: {  	v4 =	vmul.f32 v10, v4;
	v3 =	vld [tilespmem:s2+$0x70];
	[tilespmem:s2+$0xFFFFFFF0] =	vst v7  }
0xec: {  	[tilespmem:s2+$0xFFFFFFB0] =	vst v6;
	v6 =	vld [tilespmem:s2+$0x20]  }
0xed: {  	[tilespmem:s2+$0xFFFFFFC0] =	vst v4;
	v7 =	vld [tilespmem:s2+$0x0]  }
0xee: {  	v4 =	vld.idx.msk [tilespmem:v5+s6+$0x0], $0xffff  }
0xef: {  	s3 =	simm.s32 $0x3;
	s5 =	simm.s32 $0x7;
	s0 =	simm.s32 $0x16780;
	v5 =	vld [tilespmem:s2+$0x10]  }
.LBB2_6:
0xf0: {  	p0 =	sne.s32 s5, $0x4F  }
0xf1: {  	v9 =	vld [tilespmem:s2+$0x50];
	s0 =	sadd.s32 $0x200, s0;
	s8 =	smov.u32 s5;
	s5 =	sadd.s32 $0x4, s5  }
0xf2: {  	v10 =	vld [tilespmem:s2+$0x60];
	_ =	sdelay $0x1  }
0xf3: {  	v7 =	vmul.f32 v7, v4;
	v5 =	vmul.f32 v5, v4  }
0xf4: {  	v6 =	vmul.f32 v6, v4;
	v8 =	vmul.f32 v8, v4  }
0xf5: {  	v2 =	vmul.f32 v2, v4;
	v3 =	vmul.f32 v3, v4;
	[tilespmem:s2+$0x0] =	vst v7  }
0xf6: {  	[tilespmem:s2+$0x20] =	vst v6;
	v6 =	vmul.f32 v9, v4;
	v4 =	vmul.f32 v10, v4  }
0xf7: {  	[tilespmem:s2+$0x30] =	vst v8;
	v7 =	vld [tilespmem:s2+$0x80]  }
0xf8: {  	[tilespmem:s2+$0x60] =	vst v4;
	v4 =	vmov s3;
	v8 =	vld [tilespmem:s2+$0xD0];
	s3 =	smov.u32 s8  }
0xf9: {  	[tilespmem:s2+$0x50] =	vst v6;
	v6 =	vld [tilespmem:s2+$0xE0]  }
0xfa: {  	[tilespmem:s2+$0x40] =	vst v2;
	v9 =	vld [tilespmem:s2+$0xB0]  }
0xfb: {  	v2 =	vld [tilespmem:s0+$0x40];
	[tilespmem:s2+$0x70] =	vst v3  }
0xfc: {  	v3 =	vld [tilespmem:s0+$0x70];
	[tilespmem:s2+$0x10] =	vst v5  }
0xfd: {  	v4 =	vld.idx.msk [tilespmem:v4+s6+$0x0], $0xffff  }
0xfe: {  	v5 =	vld [tilespmem:s2+$0x90]  }
0xff: {  	v10 =	vld [tilespmem:s2+$0xA0]  }
0x100: {  	v11 =	vld [tilespmem:s2+$0xC0]  }
0x101: {  	v12 =	vld [tilespmem:s2+$0xF0];
	_ =	sdelay $0x1  }
0x102: {  	v7 =	vmul.f32 v7, v4;
	v5 =	vmul.f32 v5, v4  }
0x103: {  	s8 =	sadd.s32 $0xFFFFFFFD, s3;
	v9 =	vmul.f32 v9, v4;
	v10 =	vmul.f32 v10, v4  }
0x104: {  	v13 =	vmov s8;
	v8 =	vmul.f32 v8, v4;
	[tilespmem:s2+$0x80] =	vst v7;
	v7 =	vmul.f32 v11, v4  }
0x105: {  	v11 =	vand.u32 $0xFFFFFFFC, v13;
	[tilespmem:s2+$0x90] =	vst v5;
	v5 =	vmul.f32 v6, v4;
	v4 =	vmul.f32 v12, v4  }
0x106: {  	v6 =	vbroadcast v11, $0x0;
	[tilespmem:s2+$0xA0] =	vst v10  }
0x107: {  	[tilespmem:s2+$0xD0] =	vst v8  }
0x108: {  	v8 =	vld [tilespmem:s0+$0xFFFFFF50];
	[tilespmem:s2+$0xB0] =	vst v9  }
0x109: {  	v9 =	vld [tilespmem:s0+$0xFFFFFF30];
	[tilespmem:s2+$0xC0] =	vst v7  }
0x10a: {  	v7 =	vld [tilespmem:s0+$0xFFFFFF60];
	[tilespmem:s2+$0xE0] =	vst v5  }
0x10b: {  	v5 =	vld [tilespmem:s0+$0xFFFFFF70];
	[tilespmem:s2+$0xF0] =	vst v4;
	s2 =	smov.u32 s0  }
0x10c: {  	v4 =	vld.idx.msk [tilespmem:v6+s6+$0x0], $0xffff  }
0x10d: {  	v6 =	vld [tilespmem:s0+$0xFFFFFF00]  }
0x10e: {  	v10 =	vld [tilespmem:s0+$0xFFFFFF20]  }
0x10f: {  	v11 =	vld [tilespmem:s0+$0xFFFFFF10]  }
0x110: {  	v12 =	vld [tilespmem:s0+$0xFFFFFF40];
	_ =	sdelay $0x1  }
0x111: {  	v5 =	vmul.f32 v5, v4;
	v6 =	vmul.f32 v6, v4  }
0x112: {  	s8 =	sadd.s32 $0xFFFFFFFE, s3;
	v7 =	vmul.f32 v7, v4;
	v10 =	vmul.f32 v10, v4  }
0x113: {  	v9 =	vmul.f32 v9, v4;
	v11 =	vmul.f32 v11, v4;
	[tilespmem:s0+$0xFFFFFF70] =	vst v5;
	v5 =	vmov s8  }
0x114: {  	[tilespmem:s0+$0xFFFFFF00] =	vst v6;
	v6 =	vmul.f32 v12, v4;
	v4 =	vmul.f32 v8, v4;
	v5 =	vand.u32 $0xFFFFFFFD, v5  }
0x115: {  	[tilespmem:s0+$0xFFFFFF20] =	vst v10;
	v5 =	vbroadcast v5, $0x0  }
0x116: {  	[tilespmem:s0+$0xFFFFFF30] =	vst v9  }
0x117: {  	[tilespmem:s0+$0xFFFFFF50] =	vst v4;
	v4 =	vld [tilespmem:s0+$0xFFFFFFF0]  }
0x118: {  	[tilespmem:s0+$0xFFFFFF10] =	vst v11;
	v8 =	vld [tilespmem:s0+$0xFFFFFFD0]  }
0x119: {  	[tilespmem:s0+$0xFFFFFF60] =	vst v7;
	v7 =	vld [tilespmem:s0+$0xFFFFFFB0]  }
0x11a: {  	[tilespmem:s0+$0xFFFFFF40] =	vst v6;
	v6 =	vld [tilespmem:s0+$0xFFFFFF90]  }
0x11b: {  	v5 =	vld.idx.msk [tilespmem:v5+s6+$0x0], $0xffff  }
0x11c: {  	v9 =	vld [tilespmem:s0+$0xFFFFFF80]  }
0x11d: {  	v10 =	vld [tilespmem:s0+$0xFFFFFFA0]  }
0x11e: {  	v11 =	vld [tilespmem:s0+$0xFFFFFFC0]  }
0x11f: {  	v12 =	vld [tilespmem:s0+$0xFFFFFFE0];
	_ =	sdelay $0x1  }
0x120: {  	v6 =	vmul.f32 v6, v5;
	v9 =	vmul.f32 v9, v5  }
0x121: {  	s8 =	sadd.s32 $0xFFFFFFFF, s3;
	v7 =	vmul.f32 v7, v5;
	v10 =	vmul.f32 v10, v5  }
0x122: {  	v8 =	vmul.f32 v8, v5;
	[tilespmem:s0+$0xFFFFFF80] =	vst v9;
	v9 =	vmul.f32 v11, v5;
	v11 =	vmov s8  }
0x123: {  	v4 =	vmul.f32 v4, v5;
	[tilespmem:s0+$0xFFFFFFA0] =	vst v10;
	v10 =	vmul.f32 v12, v5;
	v5 =	vand.u32 $0xFFFFFFFE, v11  }
0x124: {  	[tilespmem:s0+$0xFFFFFF90] =	vst v6;
	v5 =	vbroadcast v5, $0x0  }
0x125: {  	[tilespmem:s0+$0xFFFFFFD0] =	vst v8  }
0x126: {  	[tilespmem:s0+$0xFFFFFFE0] =	vst v10  }
0x127: {  	[tilespmem:s0+$0xFFFFFFB0] =	vst v7  }
.Ltmp1:
0x128: {  	[tilespmem:s0+$0xFFFFFFF0] =	vst v4;
	v6 =	vld [tilespmem:s0+$0x20];
	(pc) =	sbr.rel @p0 .LBB2_6-.Ltmp1, $4  }
0x129: {  	[tilespmem:s0+$0xFFFFFFC0] =	vst v9;
	v7 =	vld [tilespmem:s0+$0x0]  }
0x12a: {  	v4 =	vld.idx.msk [tilespmem:v5+s6+$0x0], $0xffff  }
0x12b: {  	v5 =	vld [tilespmem:s0+$0x10]  }
0x12c: {  	v8 =	vld [tilespmem:s0+$0x30]  }
0x12d: {  	v9 =	vld [tilespmem:s2+$0x60];
	_ =	sdelay $0x1  }
0x12e: {  	v7 =	vmul.f32 v7, v4  }
0x12f: {  	v10 =	vld [tilespmem:s2+$0x50];
	v6 =	vmul.f32 v6, v4  }
0x130: {  	v2 =	vmul.f32 v2, v4;
	[tilespmem:s2+$0x0] =	vst v7  }
0x131: {  	[tilespmem:s2+$0x20] =	vst v6;
	v6 =	vmul.f32 v9, v4  }
0x132: {  	v3 =	vmul.f32 v3, v4;
	[tilespmem:s2+$0x40] =	vst v2  }
0x133: {  	v8 =	vmul.f32 v8, v4;
	[tilespmem:s2+$0x60] =	vst v6;
	v6 =	vmov s3  }
0x134: {  	[tilespmem:s2+$0x70] =	vst v3;
	v7 =	vmul.f32 v10, v4  }
0x135: {  	v4 =	vmul.f32 v5, v4;
	[tilespmem:s2+$0x30] =	vst v8  }
0x136: {  	[tilespmem:s2+$0x50] =	vst v7  }
0x137: {  	v8 =	vld [tilespmem:s2+$0x80];
	[tilespmem:s2+$0x10] =	vst v4  }
0x138: {  	v2 =	vld.idx.msk [tilespmem:v6+s6+$0x0], $0xffff  }
0x139: {  	v3 =	vld [tilespmem:s2+$0x90]  }
0x13a: {  	v4 =	vld [tilespmem:s2+$0xA0]  }
0x13b: {  	v5 =	vld [tilespmem:s2+$0xD0]  }
0x13c: {  	v6 =	vld [tilespmem:s2+$0xB0]  }
0x13d: {  	v7 =	vld [tilespmem:s2+$0xC0];
	v8 =	vmul.f32 v8, v2  }
0x13e: {  	v9 =	vld [tilespmem:s2+$0xE0];
	v3 =	vmul.f32 v3, v2  }
0x13f: {  	v10 =	vld [tilespmem:s2+$0xF0];
	v4 =	vmul.f32 v4, v2;
	[tilespmem:s2+$0x80] =	vst v8  }
0x140: {  	v5 =	vmul.f32 v5, v2;
	[tilespmem:s2+$0x90] =	vst v3  }
0x141: {  	v3 =	vmul.f32 v6, v2;
	[tilespmem:s2+$0xA0] =	vst v4  }
0x142: {  	v4 =	vmul.f32 v7, v2;
	[tilespmem:s2+$0xD0] =	vst v5  }
0x143: {  	v5 =	vmul.f32 v9, v2;
	[tilespmem:s2+$0xB0] =	vst v3  }
0x144: {  	v2 =	vmul.f32 v10, v2;
	[tilespmem:s2+$0xC0] =	vst v4  }
0x145: {  	[tilespmem:s2+$0xE0] =	vst v5  }
0x146: {  	s0 =	simm.s32 $0x16180;
	[tilespmem:s2+$0xF0] =	vst v2  }
0x147: {  	[spmem:s4] =	stream.indirect.scatter.add.f32 [tilespmem:s29], [sflag:$0x7], $0x80, s0, s31, $0xb8;
	[tilespmem:$0x1DE80] =	vst v63  }
0x148: {  	_ =	swait.ge [sflag:s1], $0x2800  }
0x149: {  	[sflag:s1] =	ssyncset.done $0x0  }
0x14a: {  	[sflag:s1] =	ssyncadd.s32 $0xFFFFD800  }
0x14b: {  	v2 =	vld [tilespmem:s30+$0x150A0]  }
0x14c: {  	v3 =	vld [tilespmem:s30+$0x140A0]  }
0x14d: {  	v4 =	vld [tilespmem:s30+$0x148A0];
	_ =	sdelay $0x2  }
0x14e: {  	v2 =	vmul.u32 $0x2710, v2;
	_ =	sdelay $0x1  }
0x14f: {  	[tilespmem:$0x16280] =	vst v4;
	v3 =	vadd.s32 v3, v2  }
0x150: {  	v2 =	vadd.s32 v2, v4;
	[tilespmem:$0x16100] =	vst v3  }
0x151: {  	[tilespmem:$0x16400] =	vst v2  }
0x152: {  	v2 =	vld [tilespmem:s30+$0x150B0]  }
0x153: {  	v3 =	vld [tilespmem:s30+$0x140B0]  }
0x154: {  	v4 =	vld [tilespmem:s30+$0x148B0];
	_ =	sdelay $0x2  }
0x155: {  	v2 =	vmul.u32 $0x2710, v2;
	_ =	sdelay $0x1  }
0x156: {  	[tilespmem:$0x16290] =	vst v4;
	v3 =	vadd.s32 v3, v2  }
0x157: {  	v2 =	vadd.s32 v2, v4;
	[tilespmem:$0x16110] =	vst v3  }
0x158: {  	[tilespmem:$0x16410] =	vst v2  }
0x159: {  	v2 =	vld [tilespmem:s30+$0x150C0]  }
0x15a: {  	v3 =	vld [tilespmem:s30+$0x140C0]  }
0x15b: {  	v4 =	vld [tilespmem:s30+$0x148C0];
	_ =	sdelay $0x2  }
0x15c: {  	v2 =	vmul.u32 $0x2710, v2;
	_ =	sdelay $0x1  }
0x15d: {  	[tilespmem:$0x162A0] =	vst v4;
	v3 =	vadd.s32 v3, v2  }
0x15e: {  	v2 =	vadd.s32 v2, v4;
	[tilespmem:$0x16120] =	vst v3  }
0x15f: {  	[tilespmem:$0x16420] =	vst v2  }
0x160: {  	v2 =	vld [tilespmem:s30+$0x150D0]  }
0x161: {  	v3 =	vld [tilespmem:s30+$0x140D0]  }
0x162: {  	v4 =	vld [tilespmem:s30+$0x148D0];
	_ =	sdelay $0x2  }
0x163: {  	v2 =	vmul.u32 $0x2710, v2;
	_ =	sdelay $0x1  }
0x164: {  	[tilespmem:$0x162B0] =	vst v4;
	v3 =	vadd.s32 v3, v2  }
0x165: {  	v2 =	vadd.s32 v2, v4;
	[tilespmem:$0x16130] =	vst v3  }
0x166: {  	[tilespmem:$0x16430] =	vst v2  }
0x167: {  	v2 =	vld [tilespmem:s30+$0x150E0]  }
0x168: {  	v3 =	vld [tilespmem:s30+$0x140E0]  }
0x169: {  	v4 =	vld [tilespmem:s30+$0x148E0];
	_ =	sdelay $0x2  }
0x16a: {  	v2 =	vmul.u32 $0x2710, v2;
	_ =	sdelay $0x1  }
0x16b: {  	[tilespmem:$0x162C0] =	vst v4;
	v3 =	vadd.s32 v3, v2  }
0x16c: {  	v2 =	vadd.s32 v2, v4;
	[tilespmem:$0x16140] =	vst v3  }
0x16d: {  	s5 =	simm.s32 $0x16100;
	[tilespmem:$0x16440] =	vst v2  }
0x16e: {  	[tilespmem:s9], [sflag:$0x3] =	stream.indirect.gather [hbm4b:s15+s31], $0x80, s5, s31, $0xb8;
	[tilespmem:$0x1DE80] =	vst v63  }
0x16f: {  	s8 =	simm.s32 $0x16400;
	s10 =	simm.s32 $0x16580  }
0x170: {  	[tilespmem:s10], [sflag:$0x6] =	stream.indirect.gather [hbm4b:s17+s31], $0x1, s8, s31, $0xb8;
	[tilespmem:$0x1DE80] =	vst v63  }
0x171: {  	_ =	swait.ge [sflag:s11], $0x2800  }
0x172: {  	[sflag:s11] =	ssyncset.done $0x0  }
0x173: {  	[sflag:s11] =	ssyncadd.s32 $0xFFFFD800  }
0x174: {  	_ =	swait.ge [sflag:s12], $0x50  }
0x175: {  	[sflag:s12] =	ssyncset.done $0x0  }
0x176: {  	[sflag:s12] =	ssyncadd.s32 $0xFFFFFFB0  }
0x177: {  	v2 =	vld [tilespmem:s30+$0x15850]  }
0x178: {  	v3 =	vld [tilespmem:$0x16500];
	_ =	sdelay $0x4  }
0x179: {  	v2 =	vmul.f32 v3, v2;
	_ =	sdelay $0x1  }
0x17a: {  	v3 =	vld [tilespmem:$0x16510];
	[tilespmem:$0x16600] =	vst v2  }
0x17b: {  	v2 =	vld [tilespmem:s30+$0x15860];
	_ =	sdelay $0x4  }
0x17c: {  	v2 =	vmul.f32 v3, v2;
	_ =	sdelay $0x1  }
0x17d: {  	v3 =	vld [tilespmem:$0x16520];
	[tilespmem:$0x16610] =	vst v2  }
0x17e: {  	v2 =	vld [tilespmem:s30+$0x15870];
	_ =	sdelay $0x4  }
0x17f: {  	v2 =	vmul.f32 v3, v2  }
0x180: {  	s26 =	sand.u32 $0x780, s30;
	s5 =	sand.u32 $0x70, s30  }
0x181: {  	s18 =	sor.u32 s5, s26;
	v3 =	vld [tilespmem:$0x16530];
	[tilespmem:$0x16620] =	vst v2  }
0x182: {  	v2 =	vld [tilespmem:s18+$0x15880];
	_ =	sdelay $0x4  }
0x183: {  	v2 =	vmul.f32 v3, v2;
	_ =	sdelay $0x1  }
0x184: {  	v3 =	vld [tilespmem:$0x16540];
	[tilespmem:$0x16630] =	vst v2  }
0x185: {  	s21 =	simm.s32 $0x0;
	v2 =	vld [tilespmem:s30+$0x15890]  }
0x186: {  	v4 =	vmov s21  }
0x187: {  	v4 =	vand.u32 $0xFFFFFFFC, v4  }
0x188: {  	v4 =	vbroadcast v4, $0x0;
	_ =	sdelay $0x1  }
0x189: {  	v2 =	vmul.f32 v3, v2;
	_ =	sdelay $0x1  }
0x18a: {  	s2 =	simm.s32 $0x18F80;
	[tilespmem:$0x16640] =	vst v2  }
0x18b: {  	v3 =	vld [tilespmem:s2+$0xFFFFFF70]  }
0x18c: {  	v4 =	vld.idx.msk [tilespmem:v4+s6+$0x0], $0xffff  }
0x18d: {  	v5 =	vld [tilespmem:s2+$0xFFFFFF00]  }
0x18e: {  	v6 =	vld [tilespmem:s2+$0xFFFFFF20]  }
0x18f: {  	v7 =	vld [tilespmem:s2+$0xFFFFFF30]  }
0x190: {  	v2 =	vld [tilespmem:s2+$0xFFFFFF50]  }
0x191: {  	v9 =	vld [tilespmem:s2+$0xFFFFFF10];
	v3 =	vmul.f32 v3, v4  }
0x192: {  	s22 =	simm.s32 $0x1;
	v8 =	vld [tilespmem:s2+$0xFFFFFF60];
	v5 =	vmul.f32 v5, v4  }
0x193: {  	v10 =	vld [tilespmem:s2+$0xFFFFFF40];
	v6 =	vmul.f32 v6, v4;
	[tilespmem:s2+$0xFFFFFF70] =	vst v3;
	v3 =	vmov s22  }
0x194: {  	v7 =	vmul.f32 v7, v4;
	[tilespmem:s2+$0xFFFFFF00] =	vst v5;
	v3 =	vand.u32 $0xFFFFFFFD, v3  }
0x195: {  	v2 =	vmul.f32 v2, v4;
	[tilespmem:s2+$0xFFFFFF20] =	vst v6;
	v3 =	vbroadcast v3, $0x0  }
0x196: {  	v5 =	vmul.f32 v9, v4;
	[tilespmem:s2+$0xFFFFFF30] =	vst v7  }
0x197: {  	v6 =	vmul.f32 v8, v4;
	[tilespmem:s2+$0xFFFFFF50] =	vst v2  }
0x198: {  	v2 =	vmul.f32 v10, v4;
	[tilespmem:s2+$0xFFFFFF10] =	vst v5  }
0x199: {  	[tilespmem:s2+$0xFFFFFF60] =	vst v6  }
0x19a: {  	[tilespmem:s2+$0xFFFFFF40] =	vst v2;
	v2 =	vld [tilespmem:s2+$0xFFFFFF80]  }
0x19b: {  	v4 =	vld.idx.msk [tilespmem:v3+s6+$0x0], $0xffff  }
0x19c: {  	v3 =	vld [tilespmem:s2+$0xFFFFFFA0]  }
0x19d: {  	v5 =	vld [tilespmem:s2+$0xFFFFFF90]  }
0x19e: {  	v6 =	vld [tilespmem:s2+$0xFFFFFFD0]  }
0x19f: {  	v7 =	vld [tilespmem:s2+$0xFFFFFFE0]  }
0x1a0: {  	v8 =	vld [tilespmem:s2+$0xFFFFFFF0];
	v2 =	vmul.f32 v2, v4  }
0x1a1: {  	s23 =	simm.s32 $0x2;
	v9 =	vld [tilespmem:s2+$0xFFFFFFB0];
	v3 =	vmul.f32 v3, v4  }
0x1a2: {  	v10 =	vld [tilespmem:s2+$0xFFFFFFC0];
	v5 =	vmul.f32 v5, v4;
	[tilespmem:s2+$0xFFFFFF80] =	vst v2;
	v2 =	vmov s23  }
0x1a3: {  	v6 =	vmul.f32 v6, v4;
	[tilespmem:s2+$0xFFFFFFA0] =	vst v3;
	v2 =	vand.u32 $0xFFFFFFFE, v2  }
0x1a4: {  	v3 =	vmul.f32 v7, v4;
	[tilespmem:s2+$0xFFFFFF90] =	vst v5;
	v7 =	vld [tilespmem:s2+$0x0];
	v11 =	vbroadcast v2, $0x0  }
0x1a5: {  	v5 =	vmul.f32 v8, v4;
	[tilespmem:s2+$0xFFFFFFD0] =	vst v6;
	v8 =	vld [tilespmem:s2+$0x30]  }
0x1a6: {  	v6 =	vmul.f32 v9, v4;
	v2 =	vld [tilespmem:s2+$0x40];
	[tilespmem:s2+$0xFFFFFFE0] =	vst v3  }
0x1a7: {  	v4 =	vmul.f32 v10, v4;
	v3 =	vld [tilespmem:s2+$0x70];
	[tilespmem:s2+$0xFFFFFFF0] =	vst v5  }
0x1a8: {  	s28 =	simm.s32 $0x18F80;
	s3 =	sadd.s32 $0xA0, s30;
	[tilespmem:s2+$0xFFFFFFB0] =	vst v6;
	v5 =	vld [tilespmem:s2+$0x20]  }
0x1a9: {  	s0 =	simm.s32 $0x7;
	s21 =	sadd.s32 $0xD0, s30;
	s8 =	sadd.s32 $0xE0, s30;
	[tilespmem:s2+$0xFFFFFFC0] =	vst v4;
	v6 =	vld [tilespmem:s2+$0x10]  }
0x1aa: {  	s10 =	simm.s32 $0x3;
	s22 =	sadd.s32 $0xC0, s30;
	s23 =	sadd.s32 $0xB0, s30;
	v4 =	vld.idx.msk [tilespmem:v11+s6+$0x0], $0xffff  }
.LBB2_8:
0x1ab: {  	p0 =	sne.s32 s0, $0x4F  }
0x1ac: {  	v9 =	vld [tilespmem:s2+$0x50];
	s28 =	sadd.s32 $0x200, s28;
	s18 =	smov.u32 s0;
	s0 =	sadd.s32 $0x4, s0  }
0x1ad: {  	v10 =	vld [tilespmem:s2+$0x60];
	_ =	sdelay $0x1  }
0x1ae: {  	v7 =	vmul.f32 v7, v4;
	v6 =	vmul.f32 v6, v4  }
0x1af: {  	v5 =	vmul.f32 v5, v4;
	v8 =	vmul.f32 v8, v4  }
0x1b0: {  	v2 =	vmul.f32 v2, v4;
	v3 =	vmul.f32 v3, v4;
	[tilespmem:s2+$0x0] =	vst v7  }
0x1b1: {  	[tilespmem:s2+$0x20] =	vst v5;
	v5 =	vmul.f32 v9, v4;
	v4 =	vmul.f32 v10, v4  }
0x1b2: {  	[tilespmem:s2+$0x30] =	vst v8;
	v7 =	vld [tilespmem:s2+$0x80]  }
0x1b3: {  	[tilespmem:s2+$0x60] =	vst v4;
	v4 =	vmov s10;
	v8 =	vld [tilespmem:s2+$0xD0];
	s10 =	smov.u32 s18  }
0x1b4: {  	[tilespmem:s2+$0x50] =	vst v5;
	v5 =	vld [tilespmem:s2+$0xE0]  }
0x1b5: {  	[tilespmem:s2+$0x40] =	vst v2;
	v9 =	vld [tilespmem:s2+$0xB0]  }
0x1b6: {  	v2 =	vld [tilespmem:s28+$0x40];
	[tilespmem:s2+$0x70] =	vst v3  }
0x1b7: {  	v3 =	vld [tilespmem:s28+$0x70];
	[tilespmem:s2+$0x10] =	vst v6  }
0x1b8: {  	v4 =	vld.idx.msk [tilespmem:v4+s6+$0x0], $0xffff  }
0x1b9: {  	v6 =	vld [tilespmem:s2+$0x90]  }
0x1ba: {  	v10 =	vld [tilespmem:s2+$0xA0]  }
0x1bb: {  	v11 =	vld [tilespmem:s2+$0xC0]  }
0x1bc: {  	v12 =	vld [tilespmem:s2+$0xF0];
	_ =	sdelay $0x1  }
0x1bd: {  	v7 =	vmul.f32 v7, v4;
	v6 =	vmul.f32 v6, v4  }
0x1be: {  	s18 =	sadd.s32 $0xFFFFFFFD, s10;
	v9 =	vmul.f32 v9, v4;
	v10 =	vmul.f32 v10, v4  }
0x1bf: {  	v13 =	vmov s18;
	v8 =	vmul.f32 v8, v4;
	[tilespmem:s2+$0x80] =	vst v7;
	v7 =	vmul.f32 v11, v4  }
0x1c0: {  	v5 =	vmul.f32 v5, v4;
	v11 =	vand.u32 $0xFFFFFFFC, v13;
	[tilespmem:s2+$0x90] =	vst v6;
	v4 =	vmul.f32 v12, v4  }
0x1c1: {  	v6 =	vbroadcast v11, $0x0;
	[tilespmem:s2+$0xA0] =	vst v10  }
0x1c2: {  	[tilespmem:s2+$0xD0] =	vst v8  }
0x1c3: {  	v8 =	vld [tilespmem:s28+$0xFFFFFF50];
	[tilespmem:s2+$0xB0] =	vst v9  }
0x1c4: {  	v9 =	vld [tilespmem:s28+$0xFFFFFF30];
	[tilespmem:s2+$0xC0] =	vst v7  }
0x1c5: {  	v7 =	vld [tilespmem:s28+$0xFFFFFF60];
	[tilespmem:s2+$0xE0] =	vst v5  }
0x1c6: {  	v5 =	vld [tilespmem:s28+$0xFFFFFF70];
	[tilespmem:s2+$0xF0] =	vst v4;
	s2 =	smov.u32 s28  }
0x1c7: {  	v4 =	vld.idx.msk [tilespmem:v6+s6+$0x0], $0xffff  }
0x1c8: {  	v6 =	vld [tilespmem:s28+$0xFFFFFF00]  }
0x1c9: {  	v10 =	vld [tilespmem:s28+$0xFFFFFF20]  }
0x1ca: {  	v11 =	vld [tilespmem:s28+$0xFFFFFF10]  }
0x1cb: {  	v12 =	vld [tilespmem:s28+$0xFFFFFF40];
	_ =	sdelay $0x1  }
0x1cc: {  	v5 =	vmul.f32 v5, v4;
	v6 =	vmul.f32 v6, v4  }
0x1cd: {  	s18 =	sadd.s32 $0xFFFFFFFE, s10;
	v7 =	vmul.f32 v7, v4;
	v10 =	vmul.f32 v10, v4  }
0x1ce: {  	v9 =	vmul.f32 v9, v4;
	v11 =	vmul.f32 v11, v4;
	[tilespmem:s28+$0xFFFFFF70] =	vst v5;
	v5 =	vmov s18  }
0x1cf: {  	[tilespmem:s28+$0xFFFFFF00] =	vst v6;
	v6 =	vmul.f32 v12, v4;
	v4 =	vmul.f32 v8, v4;
	v5 =	vand.u32 $0xFFFFFFFD, v5  }
0x1d0: {  	[tilespmem:s28+$0xFFFFFF20] =	vst v10;
	v5 =	vbroadcast v5, $0x0  }
0x1d1: {  	[tilespmem:s28+$0xFFFFFF30] =	vst v9  }
0x1d2: {  	[tilespmem:s28+$0xFFFFFF50] =	vst v4;
	v4 =	vld [tilespmem:s28+$0xFFFFFFF0]  }
0x1d3: {  	[tilespmem:s28+$0xFFFFFF10] =	vst v11;
	v8 =	vld [tilespmem:s28+$0xFFFFFFD0]  }
0x1d4: {  	[tilespmem:s28+$0xFFFFFF60] =	vst v7;
	v7 =	vld [tilespmem:s28+$0xFFFFFFB0]  }
0x1d5: {  	[tilespmem:s28+$0xFFFFFF40] =	vst v6;
	v6 =	vld [tilespmem:s28+$0xFFFFFF90]  }
0x1d6: {  	v5 =	vld.idx.msk [tilespmem:v5+s6+$0x0], $0xffff  }
0x1d7: {  	v9 =	vld [tilespmem:s28+$0xFFFFFF80]  }
0x1d8: {  	v10 =	vld [tilespmem:s28+$0xFFFFFFA0]  }
0x1d9: {  	v11 =	vld [tilespmem:s28+$0xFFFFFFC0]  }
0x1da: {  	v12 =	vld [tilespmem:s28+$0xFFFFFFE0];
	_ =	sdelay $0x1  }
0x1db: {  	v6 =	vmul.f32 v6, v5;
	v9 =	vmul.f32 v9, v5  }
0x1dc: {  	s18 =	sadd.s32 $0xFFFFFFFF, s10;
	v7 =	vmul.f32 v7, v5;
	v10 =	vmul.f32 v10, v5  }
0x1dd: {  	v8 =	vmul.f32 v8, v5;
	[tilespmem:s28+$0xFFFFFF80] =	vst v9;
	v9 =	vmul.f32 v11, v5;
	v11 =	vmov s18  }
0x1de: {  	v4 =	vmul.f32 v4, v5;
	[tilespmem:s28+$0xFFFFFFA0] =	vst v10;
	v10 =	vmul.f32 v12, v5;
	v5 =	vand.u32 $0xFFFFFFFE, v11  }
0x1df: {  	[tilespmem:s28+$0xFFFFFF90] =	vst v6;
	v6 =	vbroadcast v5, $0x0  }
0x1e0: {  	[tilespmem:s28+$0xFFFFFFD0] =	vst v8  }
0x1e1: {  	[tilespmem:s28+$0xFFFFFFE0] =	vst v10  }
0x1e2: {  	[tilespmem:s28+$0xFFFFFFB0] =	vst v7  }
.Ltmp2:
0x1e3: {  	[tilespmem:s28+$0xFFFFFFF0] =	vst v4;
	v5 =	vld [tilespmem:s28+$0x20];
	(pc) =	sbr.rel @p0 .LBB2_8-.Ltmp2, $4  }
0x1e4: {  	[tilespmem:s28+$0xFFFFFFC0] =	vst v9;
	v7 =	vld [tilespmem:s28+$0x0]  }
0x1e5: {  	v4 =	vld.idx.msk [tilespmem:v6+s6+$0x0], $0xffff  }
0x1e6: {  	v6 =	vld [tilespmem:s28+$0x10]  }
0x1e7: {  	v8 =	vld [tilespmem:s28+$0x30]  }
0x1e8: {  	v9 =	vld [tilespmem:s2+$0x60];
	_ =	sdelay $0x1  }
0x1e9: {  	v7 =	vmul.f32 v7, v4  }
0x1ea: {  	v10 =	vld [tilespmem:s2+$0x50];
	v5 =	vmul.f32 v5, v4  }
0x1eb: {  	v2 =	vmul.f32 v2, v4;
	[tilespmem:s2+$0x0] =	vst v7  }
0x1ec: {  	[tilespmem:s2+$0x20] =	vst v5;
	v5 =	vmul.f32 v9, v4  }
0x1ed: {  	v3 =	vmul.f32 v3, v4;
	[tilespmem:s2+$0x40] =	vst v2  }
0x1ee: {  	v8 =	vmul.f32 v8, v4;
	[tilespmem:s2+$0x60] =	vst v5;
	v5 =	vmov s10  }
0x1ef: {  	[tilespmem:s2+$0x70] =	vst v3;
	v7 =	vmul.f32 v10, v4  }
0x1f0: {  	v4 =	vmul.f32 v6, v4;
	[tilespmem:s2+$0x30] =	vst v8  }
0x1f1: {  	[tilespmem:s2+$0x50] =	vst v7  }
0x1f2: {  	v8 =	vld [tilespmem:s2+$0x80];
	[tilespmem:s2+$0x10] =	vst v4  }
0x1f3: {  	v2 =	vld.idx.msk [tilespmem:v5+s6+$0x0], $0xffff  }
0x1f4: {  	v3 =	vld [tilespmem:s2+$0x90]  }
0x1f5: {  	v4 =	vld [tilespmem:s2+$0xA0]  }
0x1f6: {  	v5 =	vld [tilespmem:s2+$0xD0]  }
0x1f7: {  	v6 =	vld [tilespmem:s2+$0xB0]  }
0x1f8: {  	v7 =	vld [tilespmem:s2+$0xC0];
	v8 =	vmul.f32 v8, v2  }
0x1f9: {  	v9 =	vld [tilespmem:s2+$0xE0];
	v3 =	vmul.f32 v3, v2  }
0x1fa: {  	v10 =	vld [tilespmem:s2+$0xF0];
	v4 =	vmul.f32 v4, v2;
	[tilespmem:s2+$0x80] =	vst v8  }
0x1fb: {  	v5 =	vmul.f32 v5, v2;
	[tilespmem:s2+$0x90] =	vst v3  }
0x1fc: {  	v3 =	vmul.f32 v6, v2;
	[tilespmem:s2+$0xA0] =	vst v4  }
0x1fd: {  	v4 =	vmul.f32 v7, v2;
	[tilespmem:s2+$0xD0] =	vst v5  }
0x1fe: {  	v5 =	vmul.f32 v9, v2;
	[tilespmem:s2+$0xB0] =	vst v3  }
0x1ff: {  	v2 =	vmul.f32 v10, v2;
	[tilespmem:s2+$0xC0] =	vst v4  }
0x200: {  	[tilespmem:s2+$0xE0] =	vst v5  }
0x201: {  	s0 =	simm.s32 $0x16200;
	[tilespmem:s2+$0xF0] =	vst v2  }
0x202: {  	[spmem:s4] =	stream.indirect.scatter.add.f32 [tilespmem:s7], [sflag:$0x8], $0x80, s0, s31, $0xb8;
	[tilespmem:$0x1DE80] =	vst v63  }
0x203: {  	_ =	swait.ge [sflag:s14], $0x2800  }
0x204: {  	[sflag:s14] =	ssyncset.done $0x0  }
0x205: {  	[sflag:s14] =	ssyncadd.s32 $0xFFFFD800  }
0x206: {  	v2 =	vld [tilespmem:s30+$0x150F0]  }
0x207: {  	v3 =	vld [tilespmem:s30+$0x140F0]  }
0x208: {  	v4 =	vld [tilespmem:s30+$0x148F0];
	_ =	sdelay $0x2  }
0x209: {  	v2 =	vmul.u32 $0x2710, v2;
	_ =	sdelay $0x1  }
0x20a: {  	[tilespmem:$0x16180] =	vst v4;
	v3 =	vadd.s32 v3, v2  }
0x20b: {  	v2 =	vadd.s32 v2, v4;
	[tilespmem:$0x16000] =	vst v3  }
0x20c: {  	s5 =	sadd.s32 s5, s26;
	[tilespmem:$0x16300] =	vst v2  }
0x20d: {  	v2 =	vld [tilespmem:s5+$0x15100]  }
0x20e: {  	v3 =	vld [tilespmem:s5+$0x14100]  }
0x20f: {  	v4 =	vld [tilespmem:s5+$0x14900];
	_ =	sdelay $0x2  }
0x210: {  	v2 =	vmul.u32 $0x2710, v2;
	_ =	sdelay $0x1  }
0x211: {  	[tilespmem:$0x16190] =	vst v4;
	v3 =	vadd.s32 v3, v2  }
0x212: {  	v2 =	vadd.s32 v2, v4;
	[tilespmem:$0x16010] =	vst v3  }
0x213: {  	[tilespmem:$0x16310] =	vst v2  }
0x214: {  	v2 =	vld [tilespmem:s30+$0x15110]  }
0x215: {  	v3 =	vld [tilespmem:s30+$0x14110]  }
0x216: {  	v4 =	vld [tilespmem:s30+$0x14910];
	_ =	sdelay $0x2  }
0x217: {  	v2 =	vmul.u32 $0x2710, v2;
	_ =	sdelay $0x1  }
0x218: {  	[tilespmem:$0x161A0] =	vst v4;
	v3 =	vadd.s32 v3, v2  }
0x219: {  	v2 =	vadd.s32 v2, v4;
	[tilespmem:$0x16020] =	vst v3  }
0x21a: {  	[tilespmem:$0x16320] =	vst v2  }
0x21b: {  	v2 =	vld [tilespmem:s30+$0x15120]  }
0x21c: {  	v3 =	vld [tilespmem:s30+$0x14120]  }
0x21d: {  	v4 =	vld [tilespmem:s30+$0x14920];
	_ =	sdelay $0x2  }
0x21e: {  	v2 =	vmul.u32 $0x2710, v2;
	_ =	sdelay $0x1  }
0x21f: {  	[tilespmem:$0x161B0] =	vst v4;
	v3 =	vadd.s32 v3, v2  }
0x220: {  	v2 =	vadd.s32 v2, v4;
	[tilespmem:$0x16030] =	vst v3  }
0x221: {  	[tilespmem:$0x16330] =	vst v2  }
0x222: {  	v2 =	vld [tilespmem:s30+$0x15130]  }
0x223: {  	v3 =	vld [tilespmem:s30+$0x14130]  }
0x224: {  	v4 =	vld [tilespmem:s30+$0x14930];
	_ =	sdelay $0x2  }
0x225: {  	v2 =	vmul.u32 $0x2710, v2;
	_ =	sdelay $0x1  }
0x226: {  	[tilespmem:$0x161C0] =	vst v4;
	v3 =	vadd.s32 v3, v2  }
0x227: {  	v2 =	vadd.s32 v2, v4;
	[tilespmem:$0x16040] =	vst v3  }
0x228: {  	s10 =	simm.s32 $0x16000;
	[tilespmem:$0x16340] =	vst v2  }
0x229: {  	[tilespmem:s29], [sflag:$0x1] =	stream.indirect.gather [hbm4b:s15+s31], $0x80, s10, s31, $0xb8;
	[tilespmem:$0x1DE80] =	vst v63  }
0x22a: {  	s18 =	simm.s32 $0x16300;
	s5 =	simm.s32 $0x3  }
0x22b: {  	[tilespmem:s19], [sflag:$0x4] =	stream.indirect.gather [hbm4b:s17+s31], $0x1, s18, s31, $0xb8;
	[tilespmem:$0x1DE80] =	vst v63  }
0x22c: {  	_ =	swait.ge [sflag:s5], $0x2800  }
0x22d: {  	[sflag:s5] =	ssyncset.done $0x0  }
0x22e: {  	[sflag:s5] =	ssyncadd.s32 $0xFFFFD800  }
0x22f: {  	_ =	swait.ge [sflag:s13], $0x50  }
0x230: {  	[sflag:s13] =	ssyncset.done $0x0  }
0x231: {  	[sflag:s13] =	ssyncadd.s32 $0xFFFFFFB0  }
0x232: {  	v2 =	vld [tilespmem:s3+$0x15800]  }
0x233: {  	v3 =	vld [tilespmem:$0x16580];
	_ =	sdelay $0x4  }
0x234: {  	v2 =	vmul.f32 v3, v2;
	_ =	sdelay $0x1  }
0x235: {  	v3 =	vld [tilespmem:$0x16590];
	[tilespmem:$0x16600] =	vst v2  }
0x236: {  	v2 =	vld [tilespmem:s23+$0x15800];
	_ =	sdelay $0x4  }
0x237: {  	v2 =	vmul.f32 v3, v2;
	_ =	sdelay $0x1  }
0x238: {  	v3 =	vld [tilespmem:$0x165A0];
	[tilespmem:$0x16610] =	vst v2  }
0x239: {  	v2 =	vld [tilespmem:s22+$0x15800];
	_ =	sdelay $0x4  }
0x23a: {  	v2 =	vmul.f32 v3, v2;
	_ =	sdelay $0x1  }
0x23b: {  	v3 =	vld [tilespmem:$0x165B0];
	[tilespmem:$0x16620] =	vst v2  }
0x23c: {  	v2 =	vld [tilespmem:s21+$0x15800];
	_ =	sdelay $0x4  }
0x23d: {  	v2 =	vmul.f32 v3, v2;
	_ =	sdelay $0x1  }
0x23e: {  	v3 =	vld [tilespmem:$0x165C0];
	[tilespmem:$0x16630] =	vst v2  }
0x23f: {  	s23 =	simm.s32 $0x0;
	v2 =	vld [tilespmem:s8+$0x15800]  }
0x240: {  	v4 =	vmov s23  }
0x241: {  	v4 =	vand.u32 $0xFFFFFFFC, v4  }
0x242: {  	v4 =	vbroadcast v4, $0x0;
	_ =	sdelay $0x1  }
0x243: {  	v2 =	vmul.f32 v3, v2;
	_ =	sdelay $0x1  }
0x244: {  	s2 =	simm.s32 $0x1B780;
	[tilespmem:$0x16640] =	vst v2  }
0x245: {  	v3 =	vld [tilespmem:s2+$0xFFFFFF70]  }
0x246: {  	v4 =	vld.idx.msk [tilespmem:v4+s6+$0x0], $0xffff  }
0x247: {  	v5 =	vld [tilespmem:s2+$0xFFFFFF00]  }
0x248: {  	v6 =	vld [tilespmem:s2+$0xFFFFFF20]  }
0x249: {  	v7 =	vld [tilespmem:s2+$0xFFFFFF30]  }
0x24a: {  	v2 =	vld [tilespmem:s2+$0xFFFFFF50]  }
0x24b: {  	v9 =	vld [tilespmem:s2+$0xFFFFFF10];
	v3 =	vmul.f32 v3, v4  }
0x24c: {  	s26 =	simm.s32 $0x1;
	v8 =	vld [tilespmem:s2+$0xFFFFFF60];
	v5 =	vmul.f32 v5, v4  }
0x24d: {  	v10 =	vld [tilespmem:s2+$0xFFFFFF40];
	v6 =	vmul.f32 v6, v4;
	[tilespmem:s2+$0xFFFFFF70] =	vst v3;
	v3 =	vmov s26  }
0x24e: {  	v7 =	vmul.f32 v7, v4;
	[tilespmem:s2+$0xFFFFFF00] =	vst v5;
	v3 =	vand.u32 $0xFFFFFFFD, v3  }
0x24f: {  	v2 =	vmul.f32 v2, v4;
	[tilespmem:s2+$0xFFFFFF20] =	vst v6;
	v3 =	vbroadcast v3, $0x0  }
0x250: {  	v5 =	vmul.f32 v9, v4;
	[tilespmem:s2+$0xFFFFFF30] =	vst v7  }
0x251: {  	v6 =	vmul.f32 v8, v4;
	[tilespmem:s2+$0xFFFFFF50] =	vst v2  }
0x252: {  	v2 =	vmul.f32 v10, v4;
	[tilespmem:s2+$0xFFFFFF10] =	vst v5  }
0x253: {  	[tilespmem:s2+$0xFFFFFF60] =	vst v6  }
0x254: {  	[tilespmem:s2+$0xFFFFFF40] =	vst v2;
	v2 =	vld [tilespmem:s2+$0xFFFFFF80]  }
0x255: {  	v4 =	vld.idx.msk [tilespmem:v3+s6+$0x0], $0xffff  }
0x256: {  	v3 =	vld [tilespmem:s2+$0xFFFFFFA0]  }
0x257: {  	v5 =	vld [tilespmem:s2+$0xFFFFFF90]  }
0x258: {  	v6 =	vld [tilespmem:s2+$0xFFFFFFD0]  }
0x259: {  	v7 =	vld [tilespmem:s2+$0xFFFFFFE0]  }
0x25a: {  	v8 =	vld [tilespmem:s2+$0xFFFFFFF0];
	v2 =	vmul.f32 v2, v4  }
0x25b: {  	s28 =	simm.s32 $0x2;
	v9 =	vld [tilespmem:s2+$0xFFFFFFB0];
	v3 =	vmul.f32 v3, v4  }
0x25c: {  	v10 =	vld [tilespmem:s2+$0xFFFFFFC0];
	v5 =	vmul.f32 v5, v4;
	[tilespmem:s2+$0xFFFFFF80] =	vst v2;
	v2 =	vmov s28  }
0x25d: {  	v6 =	vmul.f32 v6, v4;
	[tilespmem:s2+$0xFFFFFFA0] =	vst v3;
	v2 =	vand.u32 $0xFFFFFFFE, v2  }
0x25e: {  	v3 =	vmul.f32 v7, v4;
	[tilespmem:s2+$0xFFFFFF90] =	vst v5;
	v5 =	vbroadcast v2, $0x0  }
0x25f: {  	v7 =	vmul.f32 v8, v4;
	[tilespmem:s2+$0xFFFFFFD0] =	vst v6;
	v8 =	vld [tilespmem:s2+$0x30]  }
0x260: {  	v6 =	vmul.f32 v9, v4;
	v2 =	vld [tilespmem:s2+$0x40];
	[tilespmem:s2+$0xFFFFFFE0] =	vst v3  }
0x261: {  	v4 =	vmul.f32 v10, v4;
	v3 =	vld [tilespmem:s2+$0x70];
	[tilespmem:s2+$0xFFFFFFF0] =	vst v7  }
0x262: {  	[tilespmem:s2+$0xFFFFFFB0] =	vst v6;
	v6 =	vld [tilespmem:s2+$0x20]  }
0x263: {  	[tilespmem:s2+$0xFFFFFFC0] =	vst v4;
	v7 =	vld [tilespmem:s2+$0x0]  }
0x264: {  	v4 =	vld.idx.msk [tilespmem:v5+s6+$0x0], $0xffff  }
0x265: {  	s0 =	simm.s32 $0x7;
	s3 =	simm.s32 $0x1B780;
	v5 =	vld [tilespmem:s2+$0x10]  }
.LBB2_10:
0x266: {  	p0 =	sne.s32 s0, $0x4F  }
0x267: {  	v9 =	vld [tilespmem:s2+$0x50];
	s3 =	sadd.s32 $0x200, s3;
	s8 =	smov.u32 s0;
	s0 =	sadd.s32 $0x4, s0  }
0x268: {  	v10 =	vld [tilespmem:s2+$0x60];
	_ =	sdelay $0x1  }
0x269: {  	v7 =	vmul.f32 v7, v4;
	v5 =	vmul.f32 v5, v4  }
0x26a: {  	v6 =	vmul.f32 v6, v4;
	v8 =	vmul.f32 v8, v4  }
0x26b: {  	v2 =	vmul.f32 v2, v4;
	v3 =	vmul.f32 v3, v4;
	[tilespmem:s2+$0x0] =	vst v7  }
0x26c: {  	[tilespmem:s2+$0x20] =	vst v6;
	v6 =	vmul.f32 v9, v4;
	v4 =	vmul.f32 v10, v4  }
0x26d: {  	[tilespmem:s2+$0x30] =	vst v8;
	v7 =	vld [tilespmem:s2+$0x80]  }
0x26e: {  	[tilespmem:s2+$0x60] =	vst v4;
	v4 =	vmov s5;
	v8 =	vld [tilespmem:s2+$0xD0];
	s5 =	smov.u32 s8  }
0x26f: {  	[tilespmem:s2+$0x50] =	vst v6;
	v6 =	vld [tilespmem:s2+$0xE0]  }
0x270: {  	[tilespmem:s2+$0x40] =	vst v2;
	v9 =	vld [tilespmem:s2+$0xB0]  }
0x271: {  	v2 =	vld [tilespmem:s3+$0x40];
	[tilespmem:s2+$0x70] =	vst v3  }
0x272: {  	v3 =	vld [tilespmem:s3+$0x70];
	[tilespmem:s2+$0x10] =	vst v5  }
0x273: {  	v4 =	vld.idx.msk [tilespmem:v4+s6+$0x0], $0xffff  }
0x274: {  	v5 =	vld [tilespmem:s2+$0x90]  }
0x275: {  	v10 =	vld [tilespmem:s2+$0xA0]  }
0x276: {  	v11 =	vld [tilespmem:s2+$0xC0]  }
0x277: {  	v12 =	vld [tilespmem:s2+$0xF0];
	_ =	sdelay $0x1  }
0x278: {  	v7 =	vmul.f32 v7, v4;
	v5 =	vmul.f32 v5, v4  }
0x279: {  	s8 =	sadd.s32 $0xFFFFFFFD, s5;
	v9 =	vmul.f32 v9, v4;
	v10 =	vmul.f32 v10, v4  }
0x27a: {  	v13 =	vmov s8;
	v8 =	vmul.f32 v8, v4;
	[tilespmem:s2+$0x80] =	vst v7;
	v7 =	vmul.f32 v11, v4  }
0x27b: {  	v11 =	vand.u32 $0xFFFFFFFC, v13;
	[tilespmem:s2+$0x90] =	vst v5;
	v5 =	vmul.f32 v6, v4;
	v4 =	vmul.f32 v12, v4  }
0x27c: {  	v6 =	vbroadcast v11, $0x0;
	[tilespmem:s2+$0xA0] =	vst v10  }
0x27d: {  	[tilespmem:s2+$0xD0] =	vst v8  }
0x27e: {  	v8 =	vld [tilespmem:s3+$0xFFFFFF50];
	[tilespmem:s2+$0xB0] =	vst v9  }
0x27f: {  	v9 =	vld [tilespmem:s3+$0xFFFFFF30];
	[tilespmem:s2+$0xC0] =	vst v7  }
0x280: {  	v7 =	vld [tilespmem:s3+$0xFFFFFF60];
	[tilespmem:s2+$0xE0] =	vst v5  }
0x281: {  	v5 =	vld [tilespmem:s3+$0xFFFFFF70];
	[tilespmem:s2+$0xF0] =	vst v4;
	s2 =	smov.u32 s3  }
0x282: {  	v4 =	vld.idx.msk [tilespmem:v6+s6+$0x0], $0xffff  }
0x283: {  	v6 =	vld [tilespmem:s3+$0xFFFFFF00]  }
0x284: {  	v10 =	vld [tilespmem:s3+$0xFFFFFF20]  }
0x285: {  	v11 =	vld [tilespmem:s3+$0xFFFFFF10]  }
0x286: {  	v12 =	vld [tilespmem:s3+$0xFFFFFF40];
	_ =	sdelay $0x1  }
0x287: {  	v5 =	vmul.f32 v5, v4;
	v6 =	vmul.f32 v6, v4  }
0x288: {  	s8 =	sadd.s32 $0xFFFFFFFE, s5;
	v7 =	vmul.f32 v7, v4;
	v10 =	vmul.f32 v10, v4  }
0x289: {  	v9 =	vmul.f32 v9, v4;
	v11 =	vmul.f32 v11, v4;
	[tilespmem:s3+$0xFFFFFF70] =	vst v5;
	v5 =	vmov s8  }
0x28a: {  	[tilespmem:s3+$0xFFFFFF00] =	vst v6;
	v6 =	vmul.f32 v12, v4;
	v4 =	vmul.f32 v8, v4;
	v5 =	vand.u32 $0xFFFFFFFD, v5  }
0x28b: {  	[tilespmem:s3+$0xFFFFFF20] =	vst v10;
	v5 =	vbroadcast v5, $0x0  }
0x28c: {  	[tilespmem:s3+$0xFFFFFF30] =	vst v9  }
0x28d: {  	[tilespmem:s3+$0xFFFFFF50] =	vst v4;
	v4 =	vld [tilespmem:s3+$0xFFFFFFF0]  }
0x28e: {  	[tilespmem:s3+$0xFFFFFF10] =	vst v11;
	v8 =	vld [tilespmem:s3+$0xFFFFFFD0]  }
0x28f: {  	[tilespmem:s3+$0xFFFFFF60] =	vst v7;
	v7 =	vld [tilespmem:s3+$0xFFFFFFB0]  }
0x290: {  	[tilespmem:s3+$0xFFFFFF40] =	vst v6;
	v6 =	vld [tilespmem:s3+$0xFFFFFF90]  }
0x291: {  	v5 =	vld.idx.msk [tilespmem:v5+s6+$0x0], $0xffff  }
0x292: {  	v9 =	vld [tilespmem:s3+$0xFFFFFF80]  }
0x293: {  	v10 =	vld [tilespmem:s3+$0xFFFFFFA0]  }
0x294: {  	v11 =	vld [tilespmem:s3+$0xFFFFFFC0]  }
0x295: {  	v12 =	vld [tilespmem:s3+$0xFFFFFFE0];
	_ =	sdelay $0x1  }
0x296: {  	v6 =	vmul.f32 v6, v5;
	v9 =	vmul.f32 v9, v5  }
0x297: {  	s8 =	sadd.s32 $0xFFFFFFFF, s5;
	v7 =	vmul.f32 v7, v5;
	v10 =	vmul.f32 v10, v5  }
0x298: {  	v8 =	vmul.f32 v8, v5;
	[tilespmem:s3+$0xFFFFFF80] =	vst v9;
	v9 =	vmul.f32 v11, v5;
	v11 =	vmov s8  }
0x299: {  	v4 =	vmul.f32 v4, v5;
	[tilespmem:s3+$0xFFFFFFA0] =	vst v10;
	v10 =	vmul.f32 v12, v5;
	v5 =	vand.u32 $0xFFFFFFFE, v11  }
0x29a: {  	[tilespmem:s3+$0xFFFFFF90] =	vst v6;
	v5 =	vbroadcast v5, $0x0  }
0x29b: {  	[tilespmem:s3+$0xFFFFFFD0] =	vst v8  }
0x29c: {  	[tilespmem:s3+$0xFFFFFFE0] =	vst v10  }
0x29d: {  	[tilespmem:s3+$0xFFFFFFB0] =	vst v7  }
.Ltmp3:
0x29e: {  	[tilespmem:s3+$0xFFFFFFF0] =	vst v4;
	v6 =	vld [tilespmem:s3+$0x20];
	(pc) =	sbr.rel @p0 .LBB2_10-.Ltmp3, $4  }
0x29f: {  	[tilespmem:s3+$0xFFFFFFC0] =	vst v9;
	v7 =	vld [tilespmem:s3+$0x0]  }
0x2a0: {  	v4 =	vld.idx.msk [tilespmem:v5+s6+$0x0], $0xffff  }
0x2a1: {  	v5 =	vld [tilespmem:s3+$0x10]  }
0x2a2: {  	v8 =	vld [tilespmem:s3+$0x30]  }
0x2a3: {  	_ =	sdelay $0x1  }
0x2a4: {  	v7 =	vmul.f32 v7, v4  }
0x2a5: {  	v9 =	vld [tilespmem:s2+$0x60];
	v6 =	vmul.f32 v6, v4  }
0x2a6: {  	v10 =	vld [tilespmem:s2+$0x50];
	v2 =	vmul.f32 v2, v4;
	[tilespmem:s2+$0x0] =	vst v7  }
0x2a7: {  	v3 =	vmul.f32 v3, v4;
	[tilespmem:s2+$0x20] =	vst v6  }
0x2a8: {  	v55 =	vmul.f32 v5, v4;
	[tilespmem:s2+$0x40] =	vst v2  }
0x2a9: {  	v54 =	vmov s5;
	v8 =	vmul.f32 v8, v4;
	[tilespmem:s2+$0x70] =	vst v3  }
0x2aa: {  	v51 =	vmul.f32 v9, v4;
	[tilespmem:s2+$0x10] =	vst v55  }
0x2ab: {  	v52 =	vmul.f32 v10, v4;
	[tilespmem:s2+$0x30] =	vst v8  }
0x2ac: {  	[tilespmem:s2+$0x60] =	vst v51  }
0x2ad: {  	v53 =	vld [tilespmem:s2+$0x80];
	[tilespmem:s2+$0x50] =	vst v52  }
0x2ae: {  	v2 =	vld.idx.msk [tilespmem:v54+s6+$0x0], $0xffff  }
0x2af: {  	v3 =	vld [tilespmem:s2+$0x90]  }
0x2b0: {  	v56 =	vld [tilespmem:s2+$0xA0]  }
0x2b1: {  	v57 =	vld [tilespmem:s2+$0xD0]  }
0x2b2: {  	v59 =	vld [tilespmem:s2+$0xC0]  }
0x2b3: {  	v60 =	vld [tilespmem:s2+$0xE0];
	v8 =	vmul.f32 v53, v2  }
0x2b4: {  	v58 =	vld [tilespmem:s2+$0xB0];
	v3 =	vmul.f32 v3, v2  }
0x2b5: {  	v61 =	vld [tilespmem:s2+$0xF0];
	v4 =	vmul.f32 v56, v2;
	[tilespmem:s2+$0x80] =	vst v8  }
0x2b6: {  	v5 =	vmul.f32 v57, v2;
	[tilespmem:s2+$0x90] =	vst v3  }
0x2b7: {  	v62 =	vmul.f32 v59, v2;
	[tilespmem:s2+$0xA0] =	vst v4  }
0x2b8: {  	p0 =	seq.s32 s16, $0x7;
	v63 =	vmul.f32 v60, v2;
	[tilespmem:s2+$0xD0] =	vst v5  }
.Ltmp4:
0x2b9: {  	v3 =	vmul.f32 v58, v2;
	[tilespmem:s2+$0xC0] =	vst v62;
	(pc) =	sbr.rel @p0 .LBB2_13-.Ltmp4, $4  }
0x2ba: {  	v2 =	vmul.f32 v61, v2;
	[tilespmem:s2+$0xE0] =	vst v63  }
0x2bb: {  	[tilespmem:s2+$0xB0] =	vst v3  }
0x2bc: {  	s0 =	simm.s32 $0x16280;
	[tilespmem:s2+$0xF0] =	vst v2  }
0x2bd: {  	[spmem:s4] =	stream.indirect.scatter.add.f32 [tilespmem:s9], [sflag:$0x9], $0x80, s0, s31, $0xb8;
	[tilespmem:$0x1DE80] =	vst v63  }
0x2be: {  	_ =	swait.ge [sflag:s20], $0x2800  }
0x2bf: {  	[sflag:s20] =	ssyncset.done $0x0  }
0x2c0: {  	[sflag:s20] =	ssyncadd.s32 $0xFFFFD800  }
0x2c1: {  	v2 =	vld [tilespmem:s30+$0x15140]  }
0x2c2: {  	v3 =	vld [tilespmem:s30+$0x14140]  }
0x2c3: {  	v4 =	vld [tilespmem:s30+$0x14940];
	_ =	sdelay $0x2  }
0x2c4: {  	v2 =	vmul.u32 $0x2710, v2;
	_ =	sdelay $0x1  }
0x2c5: {  	[tilespmem:$0x16200] =	vst v4;
	v3 =	vadd.s32 v3, v2  }
0x2c6: {  	v2 =	vadd.s32 v2, v4;
	[tilespmem:$0x16080] =	vst v3  }
0x2c7: {  	[tilespmem:$0x16380] =	vst v2  }
0x2c8: {  	v2 =	vld [tilespmem:s30+$0x15150]  }
0x2c9: {  	v3 =	vld [tilespmem:s30+$0x14150]  }
0x2ca: {  	v60 =	vld [tilespmem:s30+$0x14950];
	_ =	sdelay $0x2  }
0x2cb: {  	v2 =	vmul.u32 $0x2710, v2;
	_ =	sdelay $0x1  }
0x2cc: {  	[tilespmem:$0x16210] =	vst v60;
	v3 =	vadd.s32 v3, v2  }
0x2cd: {  	v2 =	vadd.s32 v2, v60;
	[tilespmem:$0x16090] =	vst v3  }
0x2ce: {  	[tilespmem:$0x16390] =	vst v2  }
0x2cf: {  	v2 =	vld [tilespmem:s30+$0x15160]  }
0x2d0: {  	v3 =	vld [tilespmem:s30+$0x14160]  }
0x2d1: {  	v61 =	vld [tilespmem:s30+$0x14960];
	_ =	sdelay $0x2  }
0x2d2: {  	v2 =	vmul.u32 $0x2710, v2;
	_ =	sdelay $0x1  }
0x2d3: {  	[tilespmem:$0x16220] =	vst v61;
	v3 =	vadd.s32 v3, v2  }
0x2d4: {  	v2 =	vadd.s32 v2, v61;
	[tilespmem:$0x160A0] =	vst v3  }
0x2d5: {  	[tilespmem:$0x163A0] =	vst v2  }
0x2d6: {  	v2 =	vld [tilespmem:s30+$0x15170]  }
0x2d7: {  	v3 =	vld [tilespmem:s30+$0x14170]  }
0x2d8: {  	v62 =	vld [tilespmem:s30+$0x14970];
	_ =	sdelay $0x2  }
0x2d9: {  	v2 =	vmul.u32 $0x2710, v2;
	_ =	sdelay $0x1  }
0x2da: {  	[tilespmem:$0x16230] =	vst v62;
	v3 =	vadd.s32 v3, v2  }
0x2db: {  	v2 =	vadd.s32 v2, v62;
	[tilespmem:$0x160B0] =	vst v3  }
0x2dc: {  	[tilespmem:$0x163B0] =	vst v2  }
0x2dd: {  	v2 =	vld [tilespmem:s30+$0x15180]  }
0x2de: {  	v3 =	vld [tilespmem:s30+$0x14180]  }
0x2df: {  	v63 =	vld [tilespmem:s30+$0x14980];
	_ =	sdelay $0x2  }
0x2e0: {  	v2 =	vmul.u32 $0x2710, v2;
	_ =	sdelay $0x1  }
0x2e1: {  	[tilespmem:$0x16240] =	vst v63;
	v3 =	vadd.s32 v3, v2  }
.Ltmp5:
0x2e2: {  	v2 =	vadd.s32 v2, v63;
	[tilespmem:$0x160C0] =	vst v3;
	(pc) =	sbr.rel .LBB2_5-.Ltmp5, $4  }
0x2e3: {  	s0 =	simm.s32 $0x16080;
	[tilespmem:$0x163C0] =	vst v2  }
0x2e4: {  	[tilespmem:s7], [sflag:$0x2] =	stream.indirect.gather [hbm4b:s15+s31], $0x80, s0, s31, $0xb8;
	[tilespmem:$0x1DE80] =	vst v63  }
0x2e5: {  	s2 =	simm.s32 $0x16500;
	s16 =	sadd.s32 $0x1, s16;
	s30 =	simm.s32 $0x16380  }
0x2e6: {  	[tilespmem:s2], [sflag:$0x5] =	stream.indirect.gather [hbm4b:s17+s31], $0x1, s30, s31, $0xb8;
	[tilespmem:$0x1DE80] =	vst v63  }
.LBB2_13:
0x2e7: {  	_ =	swait.ge [sflag:s24], $0x2800  }
0x2e8: {  	[sflag:s24] =	ssyncset.done $0x0  }
0x2e9: {  	[sflag:s24] =	ssyncadd.s32 $0xFFFFD800  }
0x2ea: {  	_ =	swait.ge [sflag:s25], $0x50  }
0x2eb: {  	[sflag:s25] =	ssyncset.done $0x0  }
0x2ec: {  	[sflag:s25] =	ssyncadd.s32 $0xFFFFFFB0  }
0x2ed: {  	v2 =	vld [tilespmem:$0x15F80]  }
0x2ee: {  	v3 =	vld [tilespmem:$0x16480]  }
0x2ef: {  	v4 =	vld [tilespmem:$0x15F90]  }
0x2f0: {  	v5 =	vld [tilespmem:$0x16490]  }
0x2f1: {  	v6 =	vld [tilespmem:$0x15FA0]  }
0x2f2: {  	v7 =	vld [tilespmem:$0x164A0]  }
0x2f3: {  	v8 =	vld [tilespmem:$0x15FB0]  }
0x2f4: {  	v9 =	vld [tilespmem:$0x164B0]  }
0x2f5: {  	v10 =	vld [tilespmem:$0x15FC0]  }
0x2f6: {  	s0 =	simm.s32 $0x0;
	v11 =	vld [tilespmem:$0x164C0]  }
0x2f7: {  	v2 =	vmul.f32 v3, v2;
	v3 =	vmul.f32 v5, v4;
	v4 =	vmov s0  }
0x2f8: {  	v4 =	vand.u32 $0xFFFFFFFC, v4  }
0x2f9: {  	[tilespmem:$0x16600] =	vst v2;
	v2 =	vmul.f32 v7, v6;
	v4 =	vbroadcast v4, $0x0  }
0x2fa: {  	[tilespmem:$0x16610] =	vst v3;
	v3 =	vmul.f32 v9, v8  }
0x2fb: {  	[tilespmem:$0x16620] =	vst v2;
	v2 =	vmul.f32 v11, v10  }
0x2fc: {  	[tilespmem:$0x16630] =	vst v3  }
0x2fd: {  	s2 =	simm.s32 $0x16780;
	[tilespmem:$0x16640] =	vst v2  }
0x2fe: {  	v3 =	vld [tilespmem:s2+$0xFFFFFF70]  }
0x2ff: {  	v4 =	vld.idx.msk [tilespmem:v4+s6+$0x0], $0xffff  }
0x300: {  	v5 =	vld [tilespmem:s2+$0xFFFFFF00]  }
0x301: {  	v6 =	vld [tilespmem:s2+$0xFFFFFF20]  }
0x302: {  	v7 =	vld [tilespmem:s2+$0xFFFFFF30]  }
0x303: {  	v2 =	vld [tilespmem:s2+$0xFFFFFF50]  }
0x304: {  	v9 =	vld [tilespmem:s2+$0xFFFFFF10];
	v3 =	vmul.f32 v3, v4  }
0x305: {  	s28 =	simm.s32 $0x1;
	v8 =	vld [tilespmem:s2+$0xFFFFFF60];
	v5 =	vmul.f32 v5, v4  }
0x306: {  	v10 =	vld [tilespmem:s2+$0xFFFFFF40];
	v6 =	vmul.f32 v6, v4;
	[tilespmem:s2+$0xFFFFFF70] =	vst v3;
	v3 =	vmov s28  }
0x307: {  	v7 =	vmul.f32 v7, v4;
	[tilespmem:s2+$0xFFFFFF00] =	vst v5;
	v3 =	vand.u32 $0xFFFFFFFD, v3  }
0x308: {  	v2 =	vmul.f32 v2, v4;
	[tilespmem:s2+$0xFFFFFF20] =	vst v6;
	v3 =	vbroadcast v3, $0x0  }
0x309: {  	v5 =	vmul.f32 v9, v4;
	[tilespmem:s2+$0xFFFFFF30] =	vst v7  }
0x30a: {  	v6 =	vmul.f32 v8, v4;
	[tilespmem:s2+$0xFFFFFF50] =	vst v2  }
0x30b: {  	v2 =	vmul.f32 v10, v4;
	[tilespmem:s2+$0xFFFFFF10] =	vst v5  }
0x30c: {  	[tilespmem:s2+$0xFFFFFF60] =	vst v6  }
0x30d: {  	[tilespmem:s2+$0xFFFFFF40] =	vst v2;
	v2 =	vld [tilespmem:s2+$0xFFFFFF80]  }
0x30e: {  	v4 =	vld.idx.msk [tilespmem:v3+s6+$0x0], $0xffff  }
0x30f: {  	v3 =	vld [tilespmem:s2+$0xFFFFFFA0]  }
0x310: {  	v5 =	vld [tilespmem:s2+$0xFFFFFF90]  }
0x311: {  	v6 =	vld [tilespmem:s2+$0xFFFFFFD0]  }
0x312: {  	v7 =	vld [tilespmem:s2+$0xFFFFFFE0]  }
0x313: {  	v8 =	vld [tilespmem:s2+$0xFFFFFFF0];
	v2 =	vmul.f32 v2, v4  }
0x314: {  	s30 =	simm.s32 $0x2;
	v9 =	vld [tilespmem:s2+$0xFFFFFFB0];
	v3 =	vmul.f32 v3, v4  }
0x315: {  	v10 =	vld [tilespmem:s2+$0xFFFFFFC0];
	v5 =	vmul.f32 v5, v4;
	[tilespmem:s2+$0xFFFFFF80] =	vst v2;
	v2 =	vmov s30  }
0x316: {  	v6 =	vmul.f32 v6, v4;
	[tilespmem:s2+$0xFFFFFFA0] =	vst v3;
	v2 =	vand.u32 $0xFFFFFFFE, v2  }
0x317: {  	v3 =	vmul.f32 v7, v4;
	[tilespmem:s2+$0xFFFFFF90] =	vst v5;
	v5 =	vbroadcast v2, $0x0  }
0x318: {  	v7 =	vmul.f32 v8, v4;
	[tilespmem:s2+$0xFFFFFFD0] =	vst v6;
	v8 =	vld [tilespmem:s2+$0x30]  }
0x319: {  	v6 =	vmul.f32 v9, v4;
	v2 =	vld [tilespmem:s2+$0x40];
	[tilespmem:s2+$0xFFFFFFE0] =	vst v3  }
0x31a: {  	v4 =	vmul.f32 v10, v4;
	v3 =	vld [tilespmem:s2+$0x70];
	[tilespmem:s2+$0xFFFFFFF0] =	vst v7  }
0x31b: {  	[tilespmem:s2+$0xFFFFFFB0] =	vst v6;
	v6 =	vld [tilespmem:s2+$0x20]  }
0x31c: {  	[tilespmem:s2+$0xFFFFFFC0] =	vst v4;
	v7 =	vld [tilespmem:s2+$0x0]  }
0x31d: {  	v4 =	vld.idx.msk [tilespmem:v5+s6+$0x0], $0xffff  }
0x31e: {  	s3 =	simm.s32 $0x3;
	s5 =	simm.s32 $0x16780;
	s0 =	simm.s32 $0x7;
	v5 =	vld [tilespmem:s2+$0x10]  }
.LBB2_14:
0x31f: {  	p0 =	sne.s32 s0, $0x4F  }
0x320: {  	v9 =	vld [tilespmem:s2+$0x50];
	s5 =	sadd.s32 $0x200, s5;
	s8 =	smov.u32 s0;
	s0 =	sadd.s32 $0x4, s0  }
0x321: {  	v10 =	vld [tilespmem:s2+$0x60];
	_ =	sdelay $0x1  }
0x322: {  	v7 =	vmul.f32 v7, v4;
	v5 =	vmul.f32 v5, v4  }
0x323: {  	v6 =	vmul.f32 v6, v4;
	v8 =	vmul.f32 v8, v4  }
0x324: {  	v2 =	vmul.f32 v2, v4;
	v3 =	vmul.f32 v3, v4;
	[tilespmem:s2+$0x0] =	vst v7  }
0x325: {  	[tilespmem:s2+$0x20] =	vst v6;
	v6 =	vmul.f32 v9, v4;
	v4 =	vmul.f32 v10, v4  }
0x326: {  	[tilespmem:s2+$0x30] =	vst v8;
	v7 =	vld [tilespmem:s2+$0x80]  }
0x327: {  	[tilespmem:s2+$0x60] =	vst v4;
	v4 =	vmov s3;
	v8 =	vld [tilespmem:s2+$0xD0];
	s3 =	smov.u32 s8  }
0x328: {  	[tilespmem:s2+$0x50] =	vst v6;
	v6 =	vld [tilespmem:s2+$0xE0]  }
0x329: {  	[tilespmem:s2+$0x40] =	vst v2;
	v9 =	vld [tilespmem:s2+$0xB0]  }
0x32a: {  	v2 =	vld [tilespmem:s5+$0x40];
	[tilespmem:s2+$0x70] =	vst v3  }
0x32b: {  	v3 =	vld [tilespmem:s5+$0x70];
	[tilespmem:s2+$0x10] =	vst v5  }
0x32c: {  	v4 =	vld.idx.msk [tilespmem:v4+s6+$0x0], $0xffff  }
0x32d: {  	v5 =	vld [tilespmem:s2+$0x90]  }
0x32e: {  	v10 =	vld [tilespmem:s2+$0xA0]  }
0x32f: {  	v11 =	vld [tilespmem:s2+$0xC0]  }
0x330: {  	v12 =	vld [tilespmem:s2+$0xF0];
	_ =	sdelay $0x1  }
0x331: {  	v7 =	vmul.f32 v7, v4;
	v5 =	vmul.f32 v5, v4  }
0x332: {  	s8 =	sadd.s32 $0xFFFFFFFD, s3;
	v9 =	vmul.f32 v9, v4;
	v10 =	vmul.f32 v10, v4  }
0x333: {  	v13 =	vmov s8;
	v8 =	vmul.f32 v8, v4;
	[tilespmem:s2+$0x80] =	vst v7;
	v7 =	vmul.f32 v11, v4  }
0x334: {  	v11 =	vand.u32 $0xFFFFFFFC, v13;
	[tilespmem:s2+$0x90] =	vst v5;
	v5 =	vmul.f32 v6, v4;
	v4 =	vmul.f32 v12, v4  }
0x335: {  	v6 =	vbroadcast v11, $0x0;
	[tilespmem:s2+$0xA0] =	vst v10  }
0x336: {  	[tilespmem:s2+$0xD0] =	vst v8  }
0x337: {  	v8 =	vld [tilespmem:s5+$0xFFFFFF50];
	[tilespmem:s2+$0xB0] =	vst v9  }
0x338: {  	v9 =	vld [tilespmem:s5+$0xFFFFFF30];
	[tilespmem:s2+$0xC0] =	vst v7  }
0x339: {  	v7 =	vld [tilespmem:s5+$0xFFFFFF60];
	[tilespmem:s2+$0xE0] =	vst v5  }
0x33a: {  	v5 =	vld [tilespmem:s5+$0xFFFFFF70];
	[tilespmem:s2+$0xF0] =	vst v4;
	s2 =	smov.u32 s5  }
0x33b: {  	v4 =	vld.idx.msk [tilespmem:v6+s6+$0x0], $0xffff  }
0x33c: {  	v6 =	vld [tilespmem:s5+$0xFFFFFF00]  }
0x33d: {  	v10 =	vld [tilespmem:s5+$0xFFFFFF20]  }
0x33e: {  	v11 =	vld [tilespmem:s5+$0xFFFFFF10]  }
0x33f: {  	v12 =	vld [tilespmem:s5+$0xFFFFFF40];
	_ =	sdelay $0x1  }
0x340: {  	v5 =	vmul.f32 v5, v4;
	v6 =	vmul.f32 v6, v4  }
0x341: {  	s8 =	sadd.s32 $0xFFFFFFFE, s3;
	v7 =	vmul.f32 v7, v4;
	v10 =	vmul.f32 v10, v4  }
0x342: {  	v9 =	vmul.f32 v9, v4;
	v11 =	vmul.f32 v11, v4;
	[tilespmem:s5+$0xFFFFFF70] =	vst v5;
	v5 =	vmov s8  }
0x343: {  	[tilespmem:s5+$0xFFFFFF00] =	vst v6;
	v6 =	vmul.f32 v12, v4;
	v4 =	vmul.f32 v8, v4;
	v5 =	vand.u32 $0xFFFFFFFD, v5  }
0x344: {  	[tilespmem:s5+$0xFFFFFF20] =	vst v10;
	v5 =	vbroadcast v5, $0x0  }
0x345: {  	[tilespmem:s5+$0xFFFFFF30] =	vst v9  }
0x346: {  	[tilespmem:s5+$0xFFFFFF50] =	vst v4;
	v4 =	vld [tilespmem:s5+$0xFFFFFFF0]  }
0x347: {  	[tilespmem:s5+$0xFFFFFF10] =	vst v11;
	v8 =	vld [tilespmem:s5+$0xFFFFFFD0]  }
0x348: {  	[tilespmem:s5+$0xFFFFFF60] =	vst v7;
	v7 =	vld [tilespmem:s5+$0xFFFFFFB0]  }
0x349: {  	[tilespmem:s5+$0xFFFFFF40] =	vst v6;
	v6 =	vld [tilespmem:s5+$0xFFFFFF90]  }
0x34a: {  	v5 =	vld.idx.msk [tilespmem:v5+s6+$0x0], $0xffff  }
0x34b: {  	v9 =	vld [tilespmem:s5+$0xFFFFFF80]  }
0x34c: {  	v10 =	vld [tilespmem:s5+$0xFFFFFFA0]  }
0x34d: {  	v11 =	vld [tilespmem:s5+$0xFFFFFFC0]  }
0x34e: {  	v12 =	vld [tilespmem:s5+$0xFFFFFFE0];
	_ =	sdelay $0x1  }
0x34f: {  	v6 =	vmul.f32 v6, v5;
	v9 =	vmul.f32 v9, v5  }
0x350: {  	s8 =	sadd.s32 $0xFFFFFFFF, s3;
	v7 =	vmul.f32 v7, v5;
	v10 =	vmul.f32 v10, v5  }
0x351: {  	v8 =	vmul.f32 v8, v5;
	[tilespmem:s5+$0xFFFFFF80] =	vst v9;
	v9 =	vmul.f32 v11, v5;
	v11 =	vmov s8  }
0x352: {  	v4 =	vmul.f32 v4, v5;
	[tilespmem:s5+$0xFFFFFFA0] =	vst v10;
	v10 =	vmul.f32 v12, v5;
	v5 =	vand.u32 $0xFFFFFFFE, v11  }
0x353: {  	[tilespmem:s5+$0xFFFFFF90] =	vst v6;
	v5 =	vbroadcast v5, $0x0  }
0x354: {  	[tilespmem:s5+$0xFFFFFFD0] =	vst v8  }
0x355: {  	[tilespmem:s5+$0xFFFFFFE0] =	vst v10  }
0x356: {  	[tilespmem:s5+$0xFFFFFFB0] =	vst v7  }
.Ltmp6:
0x357: {  	[tilespmem:s5+$0xFFFFFFF0] =	vst v4;
	v6 =	vld [tilespmem:s5+$0x20];
	(pc) =	sbr.rel @p0 .LBB2_14-.Ltmp6, $4  }
0x358: {  	[tilespmem:s5+$0xFFFFFFC0] =	vst v9;
	v7 =	vld [tilespmem:s5+$0x0]  }
0x359: {  	v4 =	vld.idx.msk [tilespmem:v5+s6+$0x0], $0xffff  }
0x35a: {  	v5 =	vld [tilespmem:s5+$0x10]  }
0x35b: {  	v8 =	vld [tilespmem:s5+$0x30]  }
0x35c: {  	_ =	sdelay $0x1  }
0x35d: {  	v7 =	vmul.f32 v7, v4  }
0x35e: {  	v9 =	vld [tilespmem:s2+$0x60];
	v6 =	vmul.f32 v6, v4  }
0x35f: {  	v10 =	vld [tilespmem:s2+$0x50];
	v2 =	vmul.f32 v2, v4;
	[tilespmem:s2+$0x0] =	vst v7  }
0x360: {  	v3 =	vmul.f32 v3, v4;
	[tilespmem:s2+$0x20] =	vst v6  }
0x361: {  	v55 =	vmul.f32 v5, v4;
	[tilespmem:s2+$0x40] =	vst v2  }
0x362: {  	v54 =	vmov s3;
	v8 =	vmul.f32 v8, v4;
	[tilespmem:s2+$0x70] =	vst v3  }
0x363: {  	v51 =	vmul.f32 v9, v4;
	[tilespmem:s2+$0x10] =	vst v55  }
0x364: {  	v52 =	vmul.f32 v10, v4;
	[tilespmem:s2+$0x30] =	vst v8  }
0x365: {  	[tilespmem:s2+$0x60] =	vst v51  }
0x366: {  	v53 =	vld [tilespmem:s2+$0x80];
	[tilespmem:s2+$0x50] =	vst v52  }
0x367: {  	v2 =	vld.idx.msk [tilespmem:v54+s6+$0x0], $0xffff  }
0x368: {  	v3 =	vld [tilespmem:s2+$0x90]  }
0x369: {  	v56 =	vld [tilespmem:s2+$0xA0]  }
0x36a: {  	v57 =	vld [tilespmem:s2+$0xD0]  }
0x36b: {  	v59 =	vld [tilespmem:s2+$0xC0]  }
0x36c: {  	v60 =	vld [tilespmem:s2+$0xE0];
	v8 =	vmul.f32 v53, v2  }
0x36d: {  	v58 =	vld [tilespmem:s2+$0xB0];
	v3 =	vmul.f32 v3, v2  }
0x36e: {  	v61 =	vld [tilespmem:s2+$0xF0];
	v4 =	vmul.f32 v56, v2;
	[tilespmem:s2+$0x80] =	vst v8  }
0x36f: {  	v5 =	vmul.f32 v57, v2;
	[tilespmem:s2+$0x90] =	vst v3  }
0x370: {  	v62 =	vmul.f32 v59, v2;
	[tilespmem:s2+$0xA0] =	vst v4  }
0x371: {  	v63 =	vmul.f32 v60, v2;
	[tilespmem:s2+$0xD0] =	vst v5  }
0x372: {  	v3 =	vmul.f32 v58, v2;
	[tilespmem:s2+$0xC0] =	vst v62  }
0x373: {  	v2 =	vmul.f32 v61, v2;
	[tilespmem:s2+$0xE0] =	vst v63  }
0x374: {  	[tilespmem:s2+$0xB0] =	vst v3  }
0x375: {  	s0 =	simm.s32 $0x16180;
	s30 =	rddreg [dreg:$0x1a];
	[tilespmem:s2+$0xF0] =	vst v2  }
0x376: {  	[spmem:s4] =	stream.indirect.scatter.add.f32 [tilespmem:s29], [sflag:$0x7], $0x80, s0, s31, $0xb8;
	[tilespmem:$0x1DE80] =	vst v63  }
0x377: {  	s0 =	sadd.s32 $0x1, s30  }
0x378: {  	p0 =	sne.s32 s0, $0x5  }
.Ltmp7:
0x379: {  	_ = 	snop;
	(pc) =	sbr.rel @p0 .LBB2_4-.Ltmp7, $1  }
0x37a: {  	_ =	sdelay $0x3  }
0x37b: {  	_ =	swait.ge [sflag:s14], $0x2800  }
0x37c: {  	[sflag:s14] =	ssyncset.done $0x0  }
0x37d: {  	[sflag:s14] =	ssyncadd.s32 $0xFFFFD800  }
0x37e: {  	_ =	swait.ge [sflag:s20], $0x2800  }
0x37f: {  	[sflag:s20] =	ssyncset.done $0x0  }
0x380: {  	[sflag:s20] =	ssyncadd.s32 $0xFFFFD800  }
0x381: {  	_ =	swait.ge [sflag:s1], $0x2800  }
0x382: {  	[sflag:s1] =	ssyncset.done $0x0  }
0x383: {  	[sflag:s1] =	ssyncadd.s32 $0xFFFFD800  }
0x384: {  	[bflag:$0x0] =	sbarrier.arrive $0xFFFF  }
0x385: {  	s3 =	simm.s32 $0xA;
	s8 =	rddreg [dreg:$0xf]  }
0x386: {  	[tilespmem:s29], [sflag:$0xA] =	stream.linear.gather [spmem:s8], $0x2800, $0x38;
	[tilespmem:$0x1DE80] =	vst v63  }
0x387: {  	_ =	swait.ge [sflag:s3], $0x2800  }
0x388: {  	[sflag:s3] =	ssyncset.done $0x0  }
0x389: {  	s0 =	simm.s32 $0x0;
	s2 =	rddreg [dreg:$0x6];
	[sflag:s3] =	ssyncadd.s32 $0xFFFFD800  }
0x38a: {  	[hbm4b:s2+s0] =	stream.linear.scatter [tilespmem:s29], [sflag:$0xA], $0x2800, $0x38;
	[tilespmem:$0x1DE80] =	vst v63  }
0x38b: {  	_ =	swait.ge [sflag:s3], $0x2800  }
0x38c: {  	[sflag:s3] =	ssyncset.done $0x0  }
0x38d: {  	s16 =	rddreg [dreg:$0x10];
	[sflag:s3] =	ssyncadd.s32 $0xFFFFD800  }
0x38e: {  	[tilespmem:s29], [sflag:$0xA] =	stream.linear.gather [spmem:s16], $0x2800, $0x38;
	[tilespmem:$0x1DE80] =	vst v63  }
0x38f: {  	_ =	swait.ge [sflag:s3], $0x2800  }
0x390: {  	[sflag:s3] =	ssyncset.done $0x0  }
0x391: {  	s22 =	rddreg [dreg:$0x7];
	[sflag:s3] =	ssyncadd.s32 $0xFFFFD800  }
0x392: {  	[hbm4b:s22+s0] =	stream.linear.scatter [tilespmem:s29], [sflag:$0xA], $0x2800, $0x38;
	[tilespmem:$0x1DE80] =	vst v63  }
0x393: {  	_ =	swait.ge [sflag:s3], $0x2800  }
0x394: {  	[sflag:s3] =	ssyncset.done $0x0  }
0x395: {  	s23 =	rddreg [dreg:$0x11];
	[sflag:s3] =	ssyncadd.s32 $0xFFFFD800  }
0x396: {  	[tilespmem:s29], [sflag:$0xA] =	stream.linear.gather [spmem:s23], $0x2800, $0x38;
	[tilespmem:$0x1DE80] =	vst v63  }
0x397: {  	_ =	swait.ge [sflag:s3], $0x2800  }
0x398: {  	[sflag:s3] =	ssyncset.done $0x0  }
0x399: {  	s26 =	rddreg [dreg:$0x8];
	[sflag:s3] =	ssyncadd.s32 $0xFFFFD800  }
0x39a: {  	[hbm4b:s26+s0] =	stream.linear.scatter [tilespmem:s29], [sflag:$0xA], $0x2800, $0x38;
	[tilespmem:$0x1DE80] =	vst v63  }
0x39b: {  	_ =	swait.ge [sflag:s3], $0x2800  }
0x39c: {  	[sflag:s3] =	ssyncset.done $0x0  }
0x39d: {  	s28 =	rddreg [dreg:$0x12];
	[sflag:s3] =	ssyncadd.s32 $0xFFFFD800  }
0x39e: {  	[tilespmem:s29], [sflag:$0xA] =	stream.linear.gather [spmem:s28], $0x2800, $0x38;
	[tilespmem:$0x1DE80] =	vst v63  }
0x39f: {  	_ =	swait.ge [sflag:s3], $0x2800  }
0x3a0: {  	[sflag:s3] =	ssyncset.done $0x0  }
0x3a1: {  	s30 =	rddreg [dreg:$0x9];
	[sflag:s3] =	ssyncadd.s32 $0xFFFFD800  }
0x3a2: {  	[hbm4b:s30+s0] =	stream.linear.scatter [tilespmem:s29], [sflag:$0xA], $0x2800, $0x38;
	[tilespmem:$0x1DE80] =	vst v63  }
0x3a3: {  	_ =	swait.ge [sflag:s3], $0x2800  }
0x3a4: {  	[sflag:s3] =	ssyncset.done $0x0  }
0x3a5: {  	s5 =	rddreg [dreg:$0x13];
	[sflag:s3] =	ssyncadd.s32 $0xFFFFD800  }
0x3a6: {  	[tilespmem:s29], [sflag:$0xA] =	stream.linear.gather [spmem:s5], $0x2800, $0x38;
	[tilespmem:$0x1DE80] =	vst v63  }
0x3a7: {  	_ =	swait.ge [sflag:s3], $0x2800  }
0x3a8: {  	[sflag:s3] =	ssyncset.done $0x0  }
0x3a9: {  	s10 =	rddreg [dreg:$0xa];
	[sflag:s3] =	ssyncadd.s32 $0xFFFFD800  }
0x3aa: {  	[hbm4b:s10+s0] =	stream.linear.scatter [tilespmem:s29], [sflag:$0xA], $0x2800, $0x38;
	[tilespmem:$0x1DE80] =	vst v63  }
0x3ab: {  	_ =	swait.ge [sflag:s3], $0x2800  }
0x3ac: {  	[sflag:s3] =	ssyncset.done $0x0  }
0x3ad: {  	s18 =	rddreg [dreg:$0x14];
	[sflag:s3] =	ssyncadd.s32 $0xFFFFD800  }
0x3ae: {  	[tilespmem:s29], [sflag:$0xA] =	stream.linear.gather [spmem:s18], $0x2800, $0x38;
	[tilespmem:$0x1DE80] =	vst v63  }
0x3af: {  	_ =	swait.ge [sflag:s3], $0x2800  }
0x3b0: {  	[sflag:s3] =	ssyncset.done $0x0  }
0x3b1: {  	s21 =	rddreg [dreg:$0xb];
	[sflag:s3] =	ssyncadd.s32 $0xFFFFD800  }
0x3b2: {  	[hbm4b:s21+s0] =	stream.linear.scatter [tilespmem:s29], [sflag:$0xA], $0x2800, $0x38;
	[tilespmem:$0x1DE80] =	vst v63  }
0x3b3: {  	_ =	swait.ge [sflag:s3], $0x2800  }
0x3b4: {  	[sflag:s3] =	ssyncset.done $0x0  }
0x3b5: {  	s22 =	rddreg [dreg:$0x15];
	[sflag:s3] =	ssyncadd.s32 $0xFFFFD800  }
0x3b6: {  	[tilespmem:s29], [sflag:$0xA] =	stream.linear.gather [spmem:s22], $0x2800, $0x38;
	[tilespmem:$0x1DE80] =	vst v63  }
0x3b7: {  	_ =	swait.ge [sflag:s3], $0x2800  }
0x3b8: {  	[sflag:s3] =	ssyncset.done $0x0  }
0x3b9: {  	s23 =	rddreg [dreg:$0xc];
	[sflag:s3] =	ssyncadd.s32 $0xFFFFD800  }
0x3ba: {  	[hbm4b:s23+s0] =	stream.linear.scatter [tilespmem:s29], [sflag:$0xA], $0x2800, $0x38;
	[tilespmem:$0x1DE80] =	vst v63  }
0x3bb: {  	_ =	swait.ge [sflag:s3], $0x2800  }
0x3bc: {  	[sflag:s3] =	ssyncset.done $0x0  }
0x3bd: {  	s26 =	rddreg [dreg:$0x16];
	[sflag:s3] =	ssyncadd.s32 $0xFFFFD800  }
0x3be: {  	[tilespmem:s29], [sflag:$0xA] =	stream.linear.gather [spmem:s26], $0x2800, $0x38;
	[tilespmem:$0x1DE80] =	vst v63  }
0x3bf: {  	_ =	swait.ge [sflag:s3], $0x2800  }
0x3c0: {  	[sflag:s3] =	ssyncset.done $0x0  }
0x3c1: {  	s28 =	rddreg [dreg:$0xd];
	[sflag:s3] =	ssyncadd.s32 $0xFFFFD800  }
0x3c2: {  	[hbm4b:s28+s0] =	stream.linear.scatter [tilespmem:s29], [sflag:$0xA], $0x2800, $0x38;
	[tilespmem:$0x1DE80] =	vst v63  }
0x3c3: {  	_ =	swait.ge [sflag:s3], $0x2800  }
0x3c4: {  	s5 =	rddreg [dreg:$0x19]  }
0x3c5: {  	s30 =	rddreg [dreg:$0x18];
	s5 =	sadd.s32 $0x1, s5  }
0x3c6: {  	p0 =	sne.s32 s5, s30  }
.Ltmp8:
0x3c7: {  	_ = 	snop;
	(pc) =	sbr.rel @p0 .LBB2_1-.Ltmp8, $3  }
0x3c8: {  	_ =	sdelay $0x1  }
0x3c9: {  	[sflag:s3] =	ssyncset.done $0x0  }
0x3ca: {  	[sflag:s3] =	ssyncadd.s32 $0xFFFFD800  }
0x3cb: {  	_ =	sfence.sel $0x180000  }
0x3cc: {  	[bflag:$0x0] =	sbarrier.arrive $0xFFFF  }
0x3cd: {  	_ =	strace $0x9000004A  }
0x3ce: {  	s0 =	stileid.u32;
	[bflag:$0x2] =	sbarrier.arrive $0xFFFF  }
0x3cf: {  	p0 =	sne.s32 s0, $0x0;
	s0 =	rddreg [dreg:$0x5]  }
0x3d0: {  	s0 =	sadd.s32 @!p0 $0x100000, s0  }
0x3d1: {  	[sflag:s0] =	ssyncadd.tile.s32 @!p0 $0x1;
	_ =	shalt  }
.Lfunc_end2:
_tile_overlayer_lowered:
.L_overlay_start_2:
0x3d2: {  	(tag) =	ssettag $0x2  }
0x3d3: {  	s0 =	rddreg [dreg:$0x0];
	s2 =	stileid.u32  }
0x3d4: {  	s1 =	rddreg [dreg:$0x1];
	p0 =	sne.s32 s2, $0x0  }
0x3d5: {  	s3 =	rddreg [dreg:$0x2];
	[bflag:$0x3] =	sbarrier.arrive $0xFFFF;
	s2 =	simm.s32 @!p0 $0x1C0A  }
0x3d6: {  	[timem:s3], [sflag:s2] =	dma.local @!p0 [hbm:s0], s1  }
0x3d7: {  	s0 =	simm.s32 @!p0 $0xA  }
0x3d8: {  	_ =	swait.ge @!p0 [sflag:s0], s1  }
0x3d9: {  	s1 =	ssub.s32 @!p0 $0x0, s1;
	[sflag:s0] =	ssyncset.done @!p0 $0x0  }
0x3da: {  	[sflag:s0] =	ssyncadd.s32 @!p0 s1  }
0x3db: {  	[bflag:$0x3] =	sbarrier.arrive $0xFFFF  }
0x3dc: {  	_ =	shalt  }

// kernel: kernel.7.cloned.1.call-start
scs
__scs_entry_jumppad:
0x0: {  	(pc) =	sbr.rel $0x88, $3  }
0x1: {  	(tag) =	ssettag $0x0;
	lr =	simm.s32 $0x1  }
0x2: {  	[smem:$0x3F97] =	sst lr;
	_ =	strace $0xD0000000  }
0x3: {  	_ = 	snop  }
0x4: {  	_ = 	snop  }
0x5: {  	_ = 	snop  }
0x6: {  	_ = 	snop  }
0x7: {  	_ = 	snop  }
__scs_overlays_trampoline_lowered:
0x8: {  	[smem:$0x3FA6] =	sst s0  }
0x9: {  	[smem:$0x3FA7] =	sst s1  }
0xa: {  	[smem:$0x3FA8] =	sst s2  }
0xb: {  	[smem:$0x3FA9] =	sst s3  }
0xc: {  	[smem:$0x3FAA] =	sst s4  }
0xd: {  	[smem:$0x3FAB] =	sst s5  }
0xe: {  	[smem:$0x3FAC] =	sst s6  }
0xf: {  	[smem:$0x3FAD] =	sst s7  }
0x10: {  	[smem:$0x3FAE] =	sst s8  }
0x11: {  	[smem:$0x3FAF] =	sst s9;
	s0 =	simm.s32 @!p0 $0x0  }
0x12: {  	s1 =	sld [smem:$0x3F95];
	s0 =	simm.s32 @p0 $0x1  }
0x13: {  	[smem:$0x3FB0] =	sst s0;
	s0 =	simm.s32 @!p1 $0x0  }
0x14: {  	s2 =	sld [smem:$0x3F94];
	s0 =	simm.s32 @p1 $0x1  }
0x15: {  	[smem:$0x3FB1] =	sst s0;
	s0 =	simm.s32 @!p2 $0x0  }
0x16: {  	s3 =	sld [smem:$0x3FDB];
	s0 =	simm.s32 @p2 $0x1  }
0x17: {  	s4 =	simm.s32 $0x1BF5;
	[smem:$0x3FB3] =	sst s0  }
0x18: {  	s0 =	sld [smem:$0x3F96];
	_ =	swait.ge [sflag:s4], $0x0  }
0x19: {  	s7 =	sld [smem:$0x3F97]  }
0x1a: {  	s8 =	sadd.s32 $0xFFFFE003, lr  }
0x1b: {  	s9 =	sadd.s32 $0xFFFFFEF7, lr;
	s5 =	simm.s32 $0xFFFFFFFF;
	p2 =	slt.u32 s8, $0xFFFFF086  }
0x1c: {  	p1 =	slt.u32 s9, $0xF7A;
	s5 =	simm.s32 @!p2 $0x0  }
0x1d: {  	s5 =	simm.s32 @p1 $0x1;
	p0 =	seq.s32 s7, s2  }
0x1e: {  	s7 =	smul.u32 @!p0 $0xF7A, s2;
	p2 =	seq.s32 @!p0 s5, $0x0  }
0x1f: {  	s9 =	smul.u32 $0xF7A, s1;
	s8 =	simm.s32 @!p0 $0x1BF5;
	p2 =	por !p2, p0  }
0x20: {  	[sflag:s8] =	ssyncset.s32 @!p0 $0xFFFFF086;
	s6 =	sadd.s32 @!p0 s3, s7;
	s7 =	simm.s32 @!p0 $0x108  }
0x21: {  	s3 =	sadd.s32 s3, s9;
	s6 =	sadd.s32 @!p0 $0x88, s6;
	s7 =	simm.s32 @p2 $0x1082  }
0x22: {  	[simem:s7], [sflag:s8] =	dma.local @!p0 [hbm:s6], $0xF7A  }
0x23: {  	s9 =	sor.u32 $0xD0000000, s2;
	s6 =	simm.s32 $0x108;
	_ =	swait.ge @!p0 [sflag:s8], $0x0  }
0x24: {  	s3 =	sadd.s32 $0x88, s3;
	s6 =	simm.s32 @!p1 $0x1082;
	[sflag:s4] =	ssyncset.s32 $0xFFFFF086  }
0x25: {  	[simem:s6], [sflag:s4] =	dma.local [hbm:s3], $0xF7A  }
0x26: {  	[smem:$0x3F97] =	sst s1;
	(tag) =	ssettag s2;
	_ =	strace s9  }
0x27: {  	s1 =	sld [smem:$0x3FA7]  }
0x28: {  	s2 =	sld [smem:$0x3FA8]  }
0x29: {  	s4 =	sld [smem:$0x3FAA]  }
0x2a: {  	p0 =	seq.s32 s5, $0x0;
	s5 =	sld [smem:$0x3FAB]  }
0x2b: {  	s6 =	sld [smem:$0x3FAC]  }
0x2c: {  	s7 =	sld [smem:$0x3FAD]  }
0x2d: {  	s3 =	simm.s32 $0x108;
	s8 =	sld [smem:$0x3FAE]  }
0x2e: {  	s3 =	simm.s32 @!p0 $0x1082;
	s9 =	sld [smem:$0x3FAF]  }
0x2f: {  	lr =	sadd.s32 s0, s3;
	s0 =	sld [smem:$0x3FA6]  }
0x30: {  	s3 =	sld [smem:$0x3FA9]  }
0x31: {  	[smem:$0x3FB2] =	sst s10  }
0x32: {  	s10 =	sld [smem:$0x3FB0];
	_ =	sdelay $0x3  }
0x33: {  	p0 =	seq.s32 s10, $0x1;
	s10 =	sld [smem:$0x3FB2];
	_ =	sdelay $0x3  }
0x34: {  	[smem:$0x3FB2] =	sst s10  }
0x35: {  	s10 =	sld [smem:$0x3FB1];
	_ =	sdelay $0x3  }
0x36: {  	p1 =	seq.s32 s10, $0x1;
	s10 =	sld [smem:$0x3FB2];
	_ =	sdelay $0x3  }
0x37: {  	[smem:$0x3FB2] =	sst s10  }
0x38: {  	s10 =	sld [smem:$0x3FB3]  }
0x39: {  	_ = 	snop;
	(pc) =	sbr.ind lr, $3  }
0x3a: {  	_ = 	snop  }
0x3b: {  	_ = 	snop  }
0x3c: {  	p2 =	seq.s32 s10, $0x1;
	s10 =	sld [smem:$0x3FB2]  }
0x3d: {  	_ =	shalt  }
0x3e: {  	_ =	shalt  }
0x3f: {  	_ =	shalt  }
0x40: {  	_ =	shalt  }
0x41: {  	_ =	shalt  }
0x42: {  	_ =	shalt  }
0x43: {  	_ =	shalt  }
0x44: {  	_ =	shalt  }
0x45: {  	_ =	shalt  }
0x46: {  	_ =	shalt  }
0x47: {  	_ =	shalt  }
0x48: {  	_ =	shalt  }
0x49: {  	_ =	shalt  }
0x4a: {  	_ =	shalt  }
0x4b: {  	_ =	shalt  }
0x4c: {  	_ =	shalt  }
0x4d: {  	_ =	shalt  }
0x4e: {  	_ =	shalt  }
0x4f: {  	_ =	shalt  }
0x50: {  	_ =	shalt  }
0x51: {  	_ =	shalt  }
0x52: {  	_ =	shalt  }
0x53: {  	_ =	shalt  }
0x54: {  	_ =	shalt  }
0x55: {  	_ =	shalt  }
0x56: {  	_ =	shalt  }
0x57: {  	_ =	shalt  }
0x58: {  	_ =	shalt  }
0x59: {  	_ =	shalt  }
0x5a: {  	_ =	shalt  }
0x5b: {  	_ =	shalt  }
0x5c: {  	_ =	shalt  }
0x5d: {  	_ =	shalt  }
0x5e: {  	_ =	shalt  }
0x5f: {  	_ =	shalt  }
0x60: {  	_ =	shalt  }
0x61: {  	_ =	shalt  }
0x62: {  	_ =	shalt  }
0x63: {  	_ =	shalt  }
0x64: {  	_ =	shalt  }
0x65: {  	_ =	shalt  }
0x66: {  	_ =	shalt  }
0x67: {  	_ =	shalt  }
0x68: {  	_ =	shalt  }
0x69: {  	_ =	shalt  }
0x6a: {  	_ =	shalt  }
0x6b: {  	_ =	shalt  }
0x6c: {  	_ =	shalt  }
0x6d: {  	_ =	shalt  }
0x6e: {  	_ =	shalt  }
0x6f: {  	_ =	shalt  }
0x70: {  	_ =	shalt  }
0x71: {  	_ =	shalt  }
0x72: {  	_ =	shalt  }
0x73: {  	_ =	shalt  }
0x74: {  	_ =	shalt  }
0x75: {  	_ =	shalt  }
0x76: {  	_ =	shalt  }
0x77: {  	_ =	shalt  }
0x78: {  	_ =	shalt  }
0x79: {  	_ =	shalt  }
0x7a: {  	_ =	shalt  }
0x7b: {  	_ =	shalt  }
0x7c: {  	_ =	shalt  }
0x7d: {  	_ =	shalt  }
0x7e: {  	_ =	shalt  }
0x7f: {  	_ =	shalt  }
0x80: {  	_ =	shalt  }
0x81: {  	_ =	shalt  }
0x82: {  	_ =	shalt  }
0x83: {  	_ =	shalt  }
0x84: {  	_ =	shalt  }
0x85: {  	_ =	shalt  }
0x86: {  	_ =	shalt  }
0x87: {  	_ =	shalt  }
.Lfunc_end0:
.L_simem_size_0:
called_computation_lowered:
.L_overlay_start_0:
0x88: {  	s2 =	sld [smem:$0x3FD9]  }
0x89: {  	s3 =	sld [smem:$0x3FFE];
	_ =	sdelay $0x1  }
0x8a: {  	s1 =	srdreg.scid  }
0x8b: {  	s0 =	sand.u32 $0x1, s1  }
0x8c: {  	s17 =	sshll.u32 s0, $0xA;
	s2 =	sadd.s32 s3, s2  }
0x8d: {  	s2 =	sadd.s32 s2, s17  }
0x8e: {  	[smem:$0x3FBE] =	sst s2  }
0x8f: {  	_ = 	snop  }
0x90: {  	s2 =	sld [smem:$0x3FC7]  }
0x91: {  	s18 =	sld [smem:$0x3FC0]  }
0x92: {  	s4 =	sld [smem:$0x3FD0];
	(tm) =	ssettm $0x1  }
0x93: {  	s5 =	sld [smem:$0x3FFB];
	_ =	sdelay $0x3  }
0x94: {  	_ =	strace s5  }
0x95: {  	s5 =	sld [smem:$0x3FFC];
	_ =	sdelay $0x3  }
0x96: {  	_ =	strace s5  }
0x97: {  	s5 =	sld [smem:$0x3FFD];
	_ =	sdelay $0x3  }
0x98: {  	_ =	strace s5  }
0x99: {  	_ =	strace $0x8FFFFFFF  }
0x9a: {  	s19 =	sld [smem:$0x3FDB];
	_ =	sdelay $0x1  }
0x9b: {  	s6 =	simm.s32 $_scs_section_size  }
0x9c: {  	s7 =	simm.s32 $_size__tile_overlayer_lowered;
	s8 =	simm.s32 $_tile_overlayer_lowered  }
0x9d: {  	s22 =	simm.s32 $0x1BFF;
	s21 =	sshll.u32 s8, $0x1;
	s5 =	sadd.s32 s6, s19  }
0x9e: {  	s9 =	simm.s32 $0x0;
	s20 =	sshll.u32 s7, $0x1;
	s7 =	sadd.s32 s21, s5  }
0x9f: {  	[timem:s9], [sflag:s22] =	dma.local [hbm:s7], s20  }
0xa0: {  	_ =	swait.ge [sflag:s22], s20  }
0xa1: {  	s6 =	ssub.s32 $0x0, s20;
	[sflag:s22] =	ssyncset.done $0x0  }
0xa2: {  	[sflag:s22] =	ssyncadd.s32 s6;
	_ =	sdelay $0x1  }
0xa3: {  	s23 =	simm.s32 $0x1B8B  }
0xa4: {  	_ =	swait.ge [sflag:s23], $0x1  }
0xa5: {  	[sflag:s23] =	ssyncset.done $0x0  }
0xa6: {  	s25 =	simm.s32 $0x1B8E;
	s24 =	sld [smem:$0x3FFE];
	[sflag:s23] =	ssyncadd.s32 $0xFFFFFFFF  }
0xa7: {  	s26 =	simm.s32 $execute0_lowered;
	[smem:$0x3FD2] =	sst s25  }
0xa8: {  	s7 =	sshll.u32 s26, $0x1;
	_ =	strace $0x80000046;
	[dreg:$0x1] =	wrdreg $0xFFFFFFFF  }
0xa9: {  	s28 =	simm.s32 $_size_execute0_lowered;
	s5 =	sadd.s32 s5, s7;
	[dreg:$0x0] =	wrdreg $0x0  }
0xaa: {  	s7 =	sshll.u32 s28, $0x1;
	[dreg:$0x2] =	wrdreg s5  }
0xab: {  	[dreg:$0x3] =	wrdreg s7  }
0xac: {  	[dreg:$0x4] =	wrdreg $0xC0  }
0xad: {  	_ =	task [dreg:s9], $0x5FFFF  }
0xae: {  	[dreg:$0x1] =	wrdreg $0xFFFFFFFF  }
0xaf: {  	[dreg:$0x0] =	wrdreg $0x60  }
0xb0: {  	[dreg:$0x2] =	wrdreg s4  }
0xb1: {  	[dreg:$0x3] =	wrdreg s18  }
0xb2: {  	[dreg:$0x4] =	wrdreg s2  }
0xb3: {  	[dreg:$0x5] =	wrdreg s24  }
0xb4: {  	[dreg:$0x6] =	wrdreg $0x0  }
0xb5: {  	[dreg:$0x7] =	wrdreg $0x9  }
0xb6: {  	_ =	task.clear_ibuf [dreg:s9], $0x8FFFF;
	_ =	strace $0x90000046  }
0xb7: {  	s29 =	simm.s32 $0x9;
	_ =	strace $0x80000048  }
0xb8: {  	_ =	swait.ge [sflag:s29], $0x1  }
0xb9: {  	[sflag:s29] =	ssyncadd.s32 $0xFFFFFFFF  }
0xba: {  	_ =	strace $0x90000048  }
0xbb: {  	_ =	sfence  }
0xbc: {  	s30 =	sld [smem:$0x0];
	_ =	sdelay $0x2  }
0xbd: {  	s31 =	sshll.u32 s1, $0xD;
	s1 =	sshrl.u32 s1, $0x2  }
0xbe: {  	s3 =	sand.u32 $0x4000, s31;
	s1 =	sadd.s32 s1, s30  }
0xbf: {  	s0 =	sor.u32 s3, s0;
	s1 =	sshll.u32 s1, $0x11  }
0xc0: {  	s0 =	sor.u32 s1, s0  }
0xc1: {  	s0 =	sadd.s32 $0x8F2B, s0  }
0xc2: {  	[sflag:s0] =	ssyncadd.remote.s32 $0x1  }
0xc3: {  	_ =	sfence.sel $0xFFFF  }
0xc4: {  	[dreg:$0x0] =	wrdreg $0xFFFFFFFF;
	(pc) =	sbr.abs _section_cstart, $3  }
0xc5: {  	[dreg:$0x1] =	wrdreg $0xFFFFFFFF  }
0xc6: {  	_ =	task.clear_ibuf [dreg:s9], $0x2FFFF;
	_ =	strace $0x9FFFFFFF  }
0xc7: {  	(tm) =	ssettm $0x7FFFFFFF  }
tec
execute0_lowered:
.L_overlay_start_1:
0x0: {  	(tag) =	ssettag $0x1  }
0x1: {  	s5 =	rddreg [dreg:$0x0]  }
0x2: {  	s6 =	rddreg [dreg:$0x1]  }
0x3: {  	s7 =	rddreg [dreg:$0x2]  }
0x4: {  	s1 =	srdreg.scid;
	s4 =	rddreg [dreg:$0x3]  }
0x5: {  	s0 =	stileid.u32;
	s2 =	rddreg [dreg:$0x4]  }
0x6: {  	s3 =	simm.s32 $0x0;
	s13 =	simm.s32 $0x3660;
	s14 =	simm.s32 $0x5DE0  }
0x7: {  	s15 =	simm.s32 $0x50;
	s8 =	sand.u32 $0x1, s1;
	s9 =	smul.u32 $0x760, s0  }
0x8: {  	s16 =	simm.s32 $0x8560;
	s1 =	rddreg [dreg:$0x5];
	s10 =	smul.u32 $0x7600, s8  }
0x9: {  	s17 =	simm.s32 $0x0;
	[smem:$0x7FF] =	sst s3;
	s11 =	sshll.u32 s8, $0x4  }
0xa: {  	s8 =	ssub.s32 $0x2, s8;
	s11 =	sor.u32 s0, s11;
	s10 =	sadd.s32 s9, s10  }
0xb: {  	s31 =	sshrl.u32 s8, $0x1;
	s11 =	smul.u32 $0x4E2, s11;
	s10 =	sshrl.u32 s10, $0x3  }
0xc: {  	_ =	strace $0x80000047;
	s12 =	ssub.s32 s8, s31;
	s10 =	sadd.s32 s10, s4  }
0xd: {  	s4 =	sadd.s32 s9, s2;
	s5 =	sadd.s32 s5, s11;
	s6 =	sadd.s32 s6, s11  }
0xe: {  	s7 =	sadd.s32 s7, s11;
	s9 =	smax.u32 s12, $0x1;
	s11 =	simm.s32 $0x1  }
0xf: {  	v0 =	vimm.f32 $0.0e+00;
	s12 =	simm.s32 $0xEE0;
	s8 =	sadd.s32 $0xBE00, s10;
	s10 =	simm.s32 $0x760  }
.LBB2_1:
0x10: {  	s18 =	simm.s32 $0x40;
	s19 =	simm.s32 $0x0  }
.LBB2_2:
0x11: {  	p0 =	sne.s32 s18, $0x1D40;
	[tilespmem:s19+$0x760] =	vst v0;
	s19 =	smov.u32 s18;
	s18 =	sadd.s32 $0x40, s18  }
.Ltmp0:
0x12: {  	(pc) =	sbr.rel @p0 .LBB2_2-.Ltmp0, $2  }
0x13: {  	_ =	sdelay $0x2  }
0x14: {  	s19 =	sshra.s32 s19, $0x2  }
0x15: {  	[tilespmem:s19+$0x760] =	vst v0  }
0x16: {  	[spmem:s4] =	stream.linear.scatter [tilespmem:s10], [sflag:$0x1], $0x760, $0x38;
	[tilespmem:$0x85E0] =	vst v63  }
0x17: {  	_ =	swait.ge [sflag:s11], $0x760  }
0x18: {  	[sflag:s11] =	ssyncset.done $0x0  }
0x19: {  	[sflag:s11] =	ssyncadd.s32 $0xFFFFF8A0  }
0x1a: {  	s18 =	simm.s32 $0x0;
	[bflag:$0x0] =	sbarrier.arrive $0xFFFF  }
0x1b: {  	[tilespmem:s12], [sflag:$0x1] =	stream.linear.gather [hbm4b:s5+s18], $0x2710, $0x38;
	[tilespmem:$0x85E0] =	vst v63  }
0x1c: {  	_ =	swait.ge [sflag:s11], $0x2710  }
0x1d: {  	[sflag:s11] =	ssyncset.done $0x0  }
0x1e: {  	[sflag:s11] =	ssyncadd.s32 $0xFFFFD8F0  }
0x1f: {  	[tilespmem:s13], [sflag:$0x1] =	stream.linear.gather [hbm4b:s6+s18], $0x2710, $0x38;
	[tilespmem:$0x85E0] =	vst v63  }
0x20: {  	_ =	swait.ge [sflag:s11], $0x2710  }
0x21: {  	[sflag:s11] =	ssyncset.done $0x0  }
0x22: {  	[sflag:s11] =	ssyncadd.s32 $0xFFFFD8F0  }
0x23: {  	[tilespmem:s14], [sflag:$0x1] =	stream.linear.gather [hbm4b:s7+s18], $0x2710, $0x38;
	[tilespmem:$0x85E0] =	vst v63  }
0x24: {  	_ =	swait.ge [sflag:s11], $0x2710  }
0x25: {  	[sflag:s11] =	ssyncset.done $0x0  }
0x26: {  	s30 =	simm.s32 $0x0;
	[sflag:s11] =	ssyncadd.s32 $0xFFFFD8F0  }
0x27: {  	v1 =	vld [tilespmem:s30+$0x3660];
	_ =	sdelay $0x1  }
0x28: {  	v2 =	vld [tilespmem:s30+$0xEE0];
	_ =	sdelay $0x2  }
0x29: {  	v1 =	vmul.u32 $0x2710, v1;
	_ =	sdelay $0x1  }
0x2a: {  	v1 =	vadd.s32 v2, v1  }
0x2b: {  	[tilespmem:$0x8560] =	vst v1  }
0x2c: {  	v1 =	vld [tilespmem:s30+$0x3670];
	_ =	sdelay $0x1  }
0x2d: {  	v2 =	vld [tilespmem:s30+$0xEF0];
	_ =	sdelay $0x2  }
0x2e: {  	v1 =	vmul.u32 $0x2710, v1;
	_ =	sdelay $0x1  }
0x2f: {  	v1 =	vadd.s32 v2, v1  }
0x30: {  	[tilespmem:$0x8570] =	vst v1  }
0x31: {  	v1 =	vld [tilespmem:s30+$0x3680];
	_ =	sdelay $0x1  }
0x32: {  	v2 =	vld [tilespmem:s30+$0xF00];
	_ =	sdelay $0x2  }
0x33: {  	v1 =	vmul.u32 $0x2710, v1;
	_ =	sdelay $0x1  }
0x34: {  	v1 =	vadd.s32 v2, v1  }
0x35: {  	[tilespmem:$0x8580] =	vst v1  }
0x36: {  	v1 =	vld [tilespmem:s30+$0x3690];
	_ =	sdelay $0x1  }
0x37: {  	v2 =	vld [tilespmem:s30+$0xF10];
	_ =	sdelay $0x2  }
0x38: {  	v1 =	vmul.u32 $0x2710, v1;
	_ =	sdelay $0x1  }
0x39: {  	v1 =	vadd.s32 v2, v1  }
0x3a: {  	[tilespmem:$0x8590] =	vst v1  }
0x3b: {  	v1 =	vld [tilespmem:s30+$0x36A0];
	_ =	sdelay $0x1  }
0x3c: {  	v2 =	vld [tilespmem:s30+$0xF20];
	_ =	sdelay $0x2  }
0x3d: {  	v1 =	vmul.u32 $0x2710, v1;
	_ =	sdelay $0x1  }
0x3e: {  	v1 =	vadd.s32 v2, v1  }
0x3f: {  	s31 =	simm.s32 $0x5DE0;
	[tilespmem:$0x85A0] =	vst v1  }
0x40: {  	[spmem:s2] =	stream.indirect.scatter.add.f32 [tilespmem:s31], [sflag:$0x1], $0x1, s16, s15, $0xb8;
	[tilespmem:$0x85E0] =	vst v63  }
0x41: {  	_ =	swait.ge [sflag:s11], $0x50  }
0x42: {  	s21 =	simm.s32 $0x280;
	s18 =	simm.s32 $0x140;
	[sflag:s11] =	ssyncset.done $0x0  }
.LBB2_4:
0x43: {  	s20 =	sshra.s32 s18, $0x2  }
0x44: {  	[sflag:s11] =	ssyncadd.s32 $0xFFFFFFB0;
	s18 =	smov.u32 s21;
	s19 =	sadd.s32 $0x140, s21  }
0x45: {  	p0 =	sne.s32 s21, $0x9B00;
	v1 =	vld [tilespmem:s20+$0x3660];
	_ =	sdelay $0x1  }
0x46: {  	v2 =	vld [tilespmem:s20+$0xEE0];
	_ =	sdelay $0x2  }
0x47: {  	v1 =	vmul.u32 $0x2710, v1;
	_ =	sdelay $0x1  }
0x48: {  	v1 =	vadd.s32 v2, v1  }
0x49: {  	[tilespmem:$0x8560] =	vst v1  }
0x4a: {  	v1 =	vld [tilespmem:s20+$0x3670];
	_ =	sdelay $0x1  }
0x4b: {  	v2 =	vld [tilespmem:s20+$0xEF0];
	_ =	sdelay $0x2  }
0x4c: {  	v1 =	vmul.u32 $0x2710, v1;
	_ =	sdelay $0x1  }
0x4d: {  	v1 =	vadd.s32 v2, v1  }
0x4e: {  	[tilespmem:$0x8570] =	vst v1  }
0x4f: {  	v1 =	vld [tilespmem:s20+$0x3680];
	_ =	sdelay $0x1  }
0x50: {  	v2 =	vld [tilespmem:s20+$0xF00];
	_ =	sdelay $0x2  }
0x51: {  	v1 =	vmul.u32 $0x2710, v1;
	_ =	sdelay $0x1  }
0x52: {  	v1 =	vadd.s32 v2, v1  }
0x53: {  	[tilespmem:$0x8580] =	vst v1  }
0x54: {  	v1 =	vld [tilespmem:s20+$0x3690];
	_ =	sdelay $0x1  }
0x55: {  	v2 =	vld [tilespmem:s20+$0xF10];
	_ =	sdelay $0x2  }
0x56: {  	v1 =	vmul.u32 $0x2710, v1;
	_ =	sdelay $0x1  }
0x57: {  	v1 =	vadd.s32 v2, v1  }
0x58: {  	[tilespmem:$0x8590] =	vst v1  }
0x59: {  	v1 =	vld [tilespmem:s20+$0x36A0]  }
0x5a: {  	v2 =	vld [tilespmem:s20+$0xF20];
	_ =	sdelay $0x3  }
0x5b: {  	v1 =	vmul.u32 $0x2710, v1;
	_ =	sdelay $0x1  }
.Ltmp1:
0x5c: {  	v1 =	vadd.s32 v2, v1;
	(pc) =	sbr.rel @p0 .LBB2_4-.Ltmp1, $4  }
0x5d: {  	s20 =	sadd.s32 $0x5DE0, s20;
	[tilespmem:$0x85A0] =	vst v1  }
0x5e: {  	[spmem:s2] =	stream.indirect.scatter.add.f32 [tilespmem:s20], [sflag:$0x1], $0x1, s16, s15, $0xb8;
	[tilespmem:$0x85E0] =	vst v63  }
0x5f: {  	_ =	swait.ge [sflag:s11], $0x50  }
0x60: {  	s21 =	smov.u32 s19;
	[sflag:s11] =	ssyncset.done $0x0  }
0x61: {  	s18 =	sshra.s32 s18, $0x2;
	[sflag:s11] =	ssyncadd.s32 $0xFFFFFFB0  }
0x62: {  	v1 =	vld [tilespmem:s18+$0x3660];
	_ =	sdelay $0x1  }
0x63: {  	v2 =	vld [tilespmem:s18+$0xEE0];
	_ =	sdelay $0x2  }
0x64: {  	v1 =	vmul.u32 $0x2710, v1;
	_ =	sdelay $0x1  }
0x65: {  	v1 =	vadd.s32 v2, v1  }
0x66: {  	[tilespmem:$0x8560] =	vst v1  }
0x67: {  	v1 =	vld [tilespmem:s18+$0x3670];
	_ =	sdelay $0x1  }
0x68: {  	v2 =	vld [tilespmem:s18+$0xEF0];
	_ =	sdelay $0x2  }
0x69: {  	v1 =	vmul.u32 $0x2710, v1;
	_ =	sdelay $0x1  }
0x6a: {  	v1 =	vadd.s32 v2, v1  }
0x6b: {  	[tilespmem:$0x8570] =	vst v1  }
0x6c: {  	v1 =	vld [tilespmem:s18+$0x3680];
	_ =	sdelay $0x1  }
0x6d: {  	v2 =	vld [tilespmem:s18+$0xF00];
	_ =	sdelay $0x2  }
0x6e: {  	v1 =	vmul.u32 $0x2710, v1;
	_ =	sdelay $0x1  }
0x6f: {  	v1 =	vadd.s32 v2, v1  }
0x70: {  	[tilespmem:$0x8580] =	vst v1  }
0x71: {  	v1 =	vld [tilespmem:s18+$0x3690];
	_ =	sdelay $0x1  }
0x72: {  	v2 =	vld [tilespmem:s18+$0xF10];
	_ =	sdelay $0x2  }
0x73: {  	v1 =	vmul.u32 $0x2710, v1;
	_ =	sdelay $0x1  }
0x74: {  	v1 =	vadd.s32 v2, v1  }
0x75: {  	[tilespmem:$0x8590] =	vst v1  }
0x76: {  	v1 =	vld [tilespmem:s18+$0x36A0];
	_ =	sdelay $0x1  }
0x77: {  	v2 =	vld [tilespmem:s18+$0xF20];
	_ =	sdelay $0x2  }
0x78: {  	v1 =	vmul.u32 $0x2710, v1;
	_ =	sdelay $0x1  }
0x79: {  	v1 =	vadd.s32 v2, v1  }
0x7a: {  	s18 =	sadd.s32 $0x5DE0, s18;
	[tilespmem:$0x85A0] =	vst v1  }
0x7b: {  	[spmem:s2] =	stream.indirect.scatter.add.f32 [tilespmem:s18], [sflag:$0x1], $0x1, s16, s15, $0xb8;
	[tilespmem:$0x85E0] =	vst v63  }
0x7c: {  	_ =	swait.ge [sflag:s11], $0x50  }
0x7d: {  	[sflag:s11] =	ssyncset.done $0x0  }
0x7e: {  	[sflag:s11] =	ssyncadd.s32 $0xFFFFFFB0  }
0x7f: {  	[bflag:$0x0] =	sbarrier.arrive $0xFFFF  }
0x80: {  	[tilespmem:s10], [sflag:$0x1] =	stream.linear.gather [spmem:s4], $0x760, $0x38;
	[tilespmem:$0x85E0] =	vst v63  }
0x81: {  	s17 =	sadd.s32 $0x1, s17;
	_ =	swait.ge [sflag:s11], $0x760  }
0x82: {  	p0 =	sne.s32 s17, s9;
	[sflag:s11] =	ssyncset.done $0x0  }
.Ltmp2:
0x83: {  	[sflag:s11] =	ssyncadd.s32 $0xFFFFF8A0;
	(pc) =	sbr.rel @p0 .LBB2_1-.Ltmp2, $4  }
0x84: {  	[hbm4b:s8+s3] =	stream.linear.scatter [tilespmem:s10], [sflag:$0x1], $0x760, $0x38;
	[tilespmem:$0x85E0] =	vst v63  }
0x85: {  	_ =	swait.ge [sflag:s11], $0x760  }
0x86: {  	[sflag:s11] =	ssyncset.done $0x0  }
0x87: {  	[sflag:s11] =	ssyncadd.s32 $0xFFFFF8A0  }
0x88: {  	_ =	sfence.sel $0x180000  }
0x89: {  	[bflag:$0x0] =	sbarrier.arrive $0xFFFF  }
0x8a: {  	p0 =	sne.s32 s0, $0x0;
	_ =	strace $0x90000047  }
0x8b: {  	s0 =	sadd.s32 @!p0 $0x100000, s1;
	[bflag:$0x2] =	sbarrier.arrive $0xFFFF  }
0x8c: {  	[sflag:s0] =	ssyncadd.tile.s32 @!p0 $0x1;
	_ =	shalt  }
.Lfunc_end2:
_tile_overlayer_lowered:
.L_overlay_start_2:
0x8d: {  	(tag) =	ssettag $0x2  }
0x8e: {  	s0 =	rddreg [dreg:$0x0];
	s2 =	stileid.u32  }
0x8f: {  	s1 =	rddreg [dreg:$0x1];
	p0 =	sne.s32 s2, $0x0  }
0x90: {  	s3 =	rddreg [dreg:$0x2];
	[bflag:$0x3] =	sbarrier.arrive $0xFFFF;
	s2 =	simm.s32 @!p0 $0x1C01  }
0x91: {  	[timem:s3], [sflag:s2] =	dma.local @!p0 [hbm:s0], s1  }
0x92: {  	s0 =	simm.s32 @!p0 $0x1  }
0x93: {  	_ =	swait.ge @!p0 [sflag:s0], s1  }
0x94: {  	s1 =	ssub.s32 @!p0 $0x0, s1;
	[sflag:s0] =	ssyncset.done @!p0 $0x0  }
0x95: {  	[sflag:s0] =	ssyncadd.s32 @!p0 s1  }
0x96: {  	[bflag:$0x3] =	sbarrier.arrive $0xFFFF  }
0x97: {  	_ =	shalt  }

</sc_bundles>
